<compile_context>
chip_gen: v7x
topology: tpu7x:2x2x1
jax: 0.10.2.dev20260603
libtpu: 0.0.44.dev20260713+nightly
codegen_flags: <defaults>
</compile_context>

<pallas_src>
import jax
import jax.numpy as jnp
from jax import lax
from jax.experimental import pallas as pl
from jax.experimental.pallas import tpu as pltpu
from jax.experimental.pallas import tpu_sc as plsc

N = 1_000_000
D = 27
NCLS = 10
K = 3

NWORK = 32
CRC = 2000
CWORDS = CRC * D
NCHUNK = N // CRC
KMAIN = NCHUNK // NWORK
TAILW = NCHUNK - KMAIN * NWORK
GPC = CRC // 16
INT_MAX = 2**31 - 1


def _wid():
    return lax.axis_index("s") * 2 + lax.axis_index("c")


def _sc_colmax_body(f_hbm, out_hbm, buf, vbuf):
    wid = _wid()
    iota27 = lax.iota(jnp.int32, 16) * D

    def process(chunk_id, accs):
        pltpu.sync_copy(f_hbm.at[chunk_id], buf)

        def grp(g, accs):
            base = g * (16 * D)
            return tuple(
                jnp.maximum(accs[d],
                            jnp.abs(plsc.load_gather(buf, [iota27 + (base + d)])))
                for d in range(D))

        return lax.fori_loop(0, GPC, grp, accs)

    accs = tuple(jnp.zeros((16,), jnp.float32) for _ in range(D))
    accs = lax.fori_loop(0, KMAIN, lambda k, a: process(wid + NWORK * k, a),
                         accs)
    for d in range(D):
        vbuf[pl.ds(16 * d, 16)] = accs[d]

    @pl.when(wid < TAILW)
    def _():
        accs2 = tuple(vbuf[pl.ds(16 * d, 16)] for d in range(D))
        accs2 = process(KMAIN * NWORK + wid, accs2)
        for d in range(D):
            vbuf[pl.ds(16 * d, 16)] = accs2[d]

    pltpu.sync_copy(vbuf, out_hbm.at[wid])


def _finalize_body(cm_ref, inp_ref, w_ref, si_ref):
    cm = cm_ref[...]
    inp = inp_ref[...]
    lane = lax.broadcasted_iota(jnp.int32, (1, 16 * D), 1)
    grp = lane // 16
    wsp = jnp.zeros((1, 16 * D), jnp.float32)
    ssp = jnp.zeros((1, 16 * D), jnp.float32)
    for d in range(D):
        md = jnp.max(cm[:, 16 * d:16 * d + 16])
        wd = jnp.where(md == 0.0, 0.0, 1.0 / jnp.where(md == 0.0, 1.0, md))
        sd = inp[0, d] * wd
        wsp = jnp.where(grp == d, wd, wsp)
        ssp = jnp.where(grp == d, sd, ssp)
    w_ref[...] = wsp.reshape(16 * D)
    si_ref[...] = ssp.reshape(16 * D)


def _sc_dist_body(f_hbm, w_hbm, si_hbm, vals_hbm, idx_hbm,
                  buf, wbuf, sibuf, vbuf, ibuf):
    wid = _wid()
    pltpu.sync_copy(w_hbm, wbuf)
    pltpu.sync_copy(si_hbm, sibuf)
    iota27 = lax.iota(jnp.int32, 16) * D
    iota = lax.iota(jnp.int32, 16)
    wv = tuple(wbuf[pl.ds(16 * d, 16)] for d in range(D))
    sv = tuple(sibuf[pl.ds(16 * d, 16)] for d in range(D))

    def process(chunk_id, st):
        pltpu.sync_copy(f_hbm.at[chunk_id], buf)
        row0 = chunk_id * CRC

        def grp(g, st):
            m0, m1, m2, i0, i1, i2 = st
            base = g * (16 * D)
            acc = jnp.zeros((16,), jnp.float32)
            for d in range(D):
                v = plsc.load_gather(buf, [iota27 + (base + d)])
                t = v * wv[d] - sv[d]
                acc = acc + t * t
            iv = iota + (row0 + g * 16)
            c0 = acc < m0
            c1 = acc < m1
            c2 = acc < m2
            nm2 = jnp.where(c1, m1, jnp.where(c2, acc, m2))
            ni2 = jnp.where(c1, i1, jnp.where(c2, iv, i2))
            nm1 = jnp.where(c0, m0, jnp.where(c1, acc, m1))
            ni1 = jnp.where(c0, i0, jnp.where(c1, iv, i1))
            nm0 = jnp.where(c0, acc, m0)
            ni0 = jnp.where(c0, iv, i0)
            return nm0, nm1, nm2, ni0, ni1, ni2

        return lax.fori_loop(0, GPC, grp, st)

    inf = jnp.full((16,), jnp.inf, jnp.float32)
    zero = jnp.zeros((16,), jnp.int32)
    st = (inf, inf, inf, zero, zero, zero)
    st = lax.fori_loop(0, KMAIN, lambda k, s: process(wid + NWORK * k, s), st)
    m0, m1, m2, i0, i1, i2 = st
    vbuf[pl.ds(0, 16)] = m0
    vbuf[pl.ds(16, 16)] = m1
    vbuf[pl.ds(32, 16)] = m2
    ibuf[pl.ds(0, 16)] = i0
    ibuf[pl.ds(16, 16)] = i1
    ibuf[pl.ds(32, 16)] = i2

    @pl.when(wid < TAILW)
    def _():
        st2 = (vbuf[pl.ds(0, 16)], vbuf[pl.ds(16, 16)], vbuf[pl.ds(32, 16)],
               ibuf[pl.ds(0, 16)], ibuf[pl.ds(16, 16)], ibuf[pl.ds(32, 16)])
        n0, n1, n2, j0, j1, j2 = process(KMAIN * NWORK + wid, st2)
        vbuf[pl.ds(0, 16)] = n0
        vbuf[pl.ds(16, 16)] = n1
        vbuf[pl.ds(32, 16)] = n2
        ibuf[pl.ds(0, 16)] = j0
        ibuf[pl.ds(16, 16)] = j1
        ibuf[pl.ds(32, 16)] = j2

    pltpu.sync_copy(vbuf, vals_hbm.at[wid])
    pltpu.sync_copy(ibuf, idx_hbm.at[wid])


def _merge_body(vals_ref, idx_ref, kd_ref, ki_ref):
    v = vals_ref[...]
    ii = idx_ref[...]
    lanes = lax.broadcasted_iota(jnp.int32, (1, 8), 1)
    kd = jnp.zeros((1, 8), jnp.float32)
    ki = jnp.zeros((1, 8), jnp.int32)
    for r in range(K):
        g = jnp.min(v)
        gi = jnp.min(jnp.where(v == g, ii, INT_MAX))
        v = jnp.where((v == g) & (ii == gi), jnp.inf, v)
        kd = jnp.where(lanes == r, jnp.sqrt(g), kd)
        ki = jnp.where(lanes == r, gi, ki)
    kd_ref[...] = kd
    ki_ref[...] = ki


def _vote_body(ki_ref, kd_ref, labels_ref, out_ref, lrows, sem):
    for k in range(K):
        idx = ki_ref[0, k]
        pltpu.make_async_copy(
            labels_ref.at[pl.ds(idx, 1), :],
            lrows.at[pl.ds(k, 1), :],
            sem,
        ).start()
    for k in range(K):
        pltpu.make_async_copy(
            labels_ref.at[pl.ds(0, 1), :],
            lrows.at[pl.ds(k, 1), :],
            sem,
        ).wait()
    d0 = kd_ref[0, 0]
    d1 = kd_ref[0, 1]
    d2 = kd_ref[0, 2]
    w0 = 1.0 / jnp.where(d0 == 0.0, 1.0, d0)
    w1 = 1.0 / jnp.where(d1 == 0.0, 1.0, d1)
    w2 = 1.0 / jnp.where(d2 == 0.0, 1.0, d2)
    r0 = lrows[0:1, :]
    r1 = lrows[1:2, :]
    r2 = lrows[2:3, :]
    acc = r0 * w0 + r1 * w1 + r2 * w2
    mx = jnp.max(acc)
    lane = lax.broadcasted_iota(jnp.int32, (1, NCLS), 1)
    am = jnp.min(jnp.where(acc == mx, lane, INT_MAX))
    onehot = jnp.where(lane == am, 1.0, 0.0).astype(jnp.float32)
    mind = jnp.minimum(d0, jnp.minimum(d1, d2))
    out_ref[...] = jnp.where(mind == 0.0, r0, onehot)


_FINALIZE = pl.pallas_call(
    _finalize_body,
    in_specs=[
        pl.BlockSpec((NWORK, 16 * D), lambda: (0, 0)),
        pl.BlockSpec((1, NWORK), lambda: (0, 0)),
    ],
    out_specs=[
        pl.BlockSpec(memory_space=pltpu.VMEM),
        pl.BlockSpec(memory_space=pltpu.VMEM),
    ],
    out_shape=[
        jax.ShapeDtypeStruct((16 * D,), jnp.float32),
        jax.ShapeDtypeStruct((16 * D,), jnp.float32),
    ],
)

_MERGE = pl.pallas_call(
    _merge_body,
    in_specs=[
        pl.BlockSpec((NWORK, 48), lambda: (0, 0)),
        pl.BlockSpec((NWORK, 48), lambda: (0, 0)),
    ],
    out_specs=[
        pl.BlockSpec((1, 8), lambda: (0, 0)),
        pl.BlockSpec((1, 8), lambda: (0, 0)),
    ],
    out_shape=[
        jax.ShapeDtypeStruct((1, 8), jnp.float32),
        jax.ShapeDtypeStruct((1, 8), jnp.int32),
    ],
)

_VOTE = pl.pallas_call(
    _vote_body,
    in_specs=[
        pl.BlockSpec(memory_space=pltpu.SMEM),
        pl.BlockSpec(memory_space=pltpu.SMEM),
        pl.BlockSpec(memory_space=pl.ANY),
    ],
    out_specs=pl.BlockSpec((1, NCLS), lambda: (0, 0)),
    out_shape=jax.ShapeDtypeStruct((1, NCLS), jnp.float32),
    scratch_shapes=[
        pltpu.VMEM((8, NCLS), jnp.float32),
        pltpu.SemaphoreType.DMA,
    ],
)

_SC_CACHE = {}


def _sc_calls():
    if not _SC_CACHE:
        mesh = plsc.VectorSubcoreMesh(core_axis_name="c", subcore_axis_name="s")
        params = pltpu.CompilerParams(needs_layout_passes=False)
        _SC_CACHE["colmax"] = pl.kernel(
            _sc_colmax_body,
            compiler_params=params,
            out_type=jax.ShapeDtypeStruct((NWORK, 16 * D), jnp.float32),
            mesh=mesh,
            scratch_types=[
                pltpu.VMEM((CWORDS,), jnp.float32),
                pltpu.VMEM((16 * D,), jnp.float32),
            ],
        )
        _SC_CACHE["dist"] = pl.kernel(
            _sc_dist_body,
            compiler_params=params,
            out_type=[
                jax.ShapeDtypeStruct((NWORK, 48), jnp.float32),
                jax.ShapeDtypeStruct((NWORK, 48), jnp.int32),
            ],
            mesh=mesh,
            scratch_types=[
                pltpu.VMEM((CWORDS,), jnp.float32),
                pltpu.VMEM((16 * D,), jnp.float32),
                pltpu.VMEM((16 * D,), jnp.float32),
                pltpu.VMEM((48,), jnp.float32),
                pltpu.VMEM((48,), jnp.int32),
            ],
        )
    return _SC_CACHE


def kernel(input, training_data_features, training_data_labels):
    f2 = jnp.reshape(training_data_features, (NCHUNK, CWORDS))
    sc = _sc_calls()
    cm = sc["colmax"](f2)
    f2, cm = lax.optimization_barrier((f2, cm))
    inp_pad = jnp.zeros((1, NWORK), jnp.float32).at[0, :D].set(
        input.reshape(D))
    w, si = _FINALIZE(cm, inp_pad)
    vals, idxs = sc["dist"](f2, w, si)
    kd, ki = _MERGE(vals, idxs)
    res = _VOTE(ki, kd, training_data_labels)
    return (kd[0, :K], res.reshape(NCLS))

# --- scband reference (transcript-rebuilt; emitter-appended) ---
"""Pipeline reference for scband-tfgupta-classifier-47150150975961 (READ-ONLY COPY).

The authoritative reference and input builder live on the scoring server;
editing this copy changes nothing except your own understanding.
"""

import jax, jax.numpy as jnp
import numpy as np

N_TRAIN = 1000000
D_FEAT = 27  # 3 * N_PEAKS_MAX
N_CLASSES = 10
K_NEIGHBORS = 3


def _divide_no_nan(x, y):
    safe_y = jnp.where(y == 0.0, 1.0, y)
    return jnp.where(y == 0.0, jnp.zeros_like(x / safe_y), x / safe_y)


def setup_inputs(seed: int = 0) -> dict:
    key = jax.random.key(seed)
    k1, k2, k3 = jax.random.split(key, 3)
    inp = jax.random.normal(k1, (D_FEAT, 1), dtype=jnp.float32)
    feats = jax.random.normal(k2, (N_TRAIN, D_FEAT), dtype=jnp.float32)
    lbl_idx = jax.random.randint(k3, (N_TRAIN,), 0, N_CLASSES)
    labels = jax.nn.one_hot(lbl_idx, N_CLASSES, dtype=jnp.float32)
    return {
        "input": inp,
        "training_data_features": feats,
        "training_data_labels": labels,
    }


def reference(input, training_data_features, training_data_labels):
    # scale_tensor = max(|features|) over training set, shape (3*n_peaks_max, 1)
    scale = jnp.max(jnp.abs(training_data_features), axis=0)[:, None]
    # scaled training data (divide_no_nan)
    feats_scaled = _divide_no_nan(training_data_features, scale[:, 0][None, :])
    # call_knn body
    scaled_input = _divide_no_nan(input, scale)  # (27, 1)
    difference_vectors = feats_scaled - scaled_input[:, 0][None, :]  # (N, 27)
    distances = jnp.linalg.norm(difference_vectors, axis=1)  # (N,)
    neg_k_smallest, k_idx = jax.lax.top_k(-distances, K_NEIGHBORS)
    k_smallest_distances = neg_k_smallest * jnp.float32(-1.0)
    label_tensor = jnp.take(training_data_labels, k_idx, axis=0)  # (k, n_classes)
    # weighted-vote branch (guard division; original branch only runs when min>0)
    safe_d = jnp.where(k_smallest_distances == 0.0, 1.0, k_smallest_distances)
    weighted_label_tensor = label_tensor / safe_d[:, None]
    temp_a = jnp.sum(weighted_label_tensor, axis=0)
    result_index = jnp.argmax(temp_a)
    vote_result = jax.nn.one_hot(result_index, training_data_labels.shape[1], dtype=jnp.float32)
    # exact-match branch
    exact_result = training_data_labels[k_idx[0]]
    result_tensor = jnp.where(jnp.min(k_smallest_distances) == 0.0, exact_result, vote_result)
    return (k_smallest_distances, result_tensor)

if __name__ == "__main__":
    import jax
    _d = setup_inputs()
    print(jax.jit(kernel)(*tuple(_d.values())))

</pallas_src>

<mosaic_0001>
#map = affine_map<(d0, d1) -> (0, 0)>
#map1 = affine_map<(d0, d1) -> (0)>
module attributes {stable_mosaic.version = 14 : i64} {
  func.func @_sc_dist_body(%arg0: i32, %arg1: i32, %arg2: memref<500x54000xf32, #tpu.memory_space<hbm>>, %arg3: memref<432xf32, #tpu.memory_space<hbm>>, %arg4: memref<432xf32, #tpu.memory_space<hbm>>, %arg5: memref<32x48xf32, #tpu.memory_space<hbm>>, %arg6: memref<32x48xi32, #tpu.memory_space<hbm>>, %arg7: memref<54000xf32, #tpu.memory_space<vmem>>, %arg8: memref<432xf32, #tpu.memory_space<vmem>>, %arg9: memref<432xf32, #tpu.memory_space<vmem>>, %arg10: memref<48xf32, #tpu.memory_space<vmem>>, %arg11: memref<48xi32, #tpu.memory_space<vmem>>) attributes {dimension_semantics = [#tpu.dimension_semantics<core_parallel>, #tpu.dimension_semantics<subcore_parallel>], iteration_bounds = array<i64: 2, 16>, scalar_prefetch = 0 : i64, scratch_operands = 5 : i64, tpu.core_type = #tpu.core_type<sc_vector_subcore>, window_params = [{transform_indices = #map}, {transform_indices = #map1}, {transform_indices = #map1}, {transform_indices = #map}, {transform_indices = #map}]} {
    %mul3A = arith.constant 2 : i32
    %mul3A_0 = arith.muli %arg1, %mul3A : i32
    %add3A = arith.addi %mul3A_0, %arg0 : i32
    "tpu.region"() ({
      %run_scoped3A = tpu.sem_alloc : memref<!tpu.dma_semaphore, #tpu.memory_space<semaphore_mem>>
      tpu.enqueue_dma source(%arg3 : memref<432xf32, #tpu.memory_space<hbm>>) target(%arg8 : memref<432xf32, #tpu.memory_space<vmem>>) target_semaphore(%run_scoped3A : memref<!tpu.dma_semaphore, #tpu.memory_space<semaphore_mem>>)
      tpu.wait_dma2 semaphore(%run_scoped3A : memref<!tpu.dma_semaphore, #tpu.memory_space<semaphore_mem>>) src(%arg3 : memref<432xf32, #tpu.memory_space<hbm>>) dst(%arg8 : memref<432xf32, #tpu.memory_space<vmem>>)
      tpu.yield
    }) : () -> ()
    "tpu.region"() ({
      %run_scoped3A = tpu.sem_alloc : memref<!tpu.dma_semaphore, #tpu.memory_space<semaphore_mem>>
      tpu.enqueue_dma source(%arg4 : memref<432xf32, #tpu.memory_space<hbm>>) target(%arg9 : memref<432xf32, #tpu.memory_space<vmem>>) target_semaphore(%run_scoped3A : memref<!tpu.dma_semaphore, #tpu.memory_space<semaphore_mem>>)
      tpu.wait_dma2 semaphore(%run_scoped3A : memref<!tpu.dma_semaphore, #tpu.memory_space<semaphore_mem>>) src(%arg4 : memref<432xf32, #tpu.memory_space<hbm>>) dst(%arg9 : memref<432xf32, #tpu.memory_space<vmem>>)
      tpu.yield
    }) : () -> ()
    %iota3A = tpu.iota {dimensions = array<i32: 0>} : vector<16xi32>
    %mul3A_1 = arith.constant 27 : i32
    %mul3A_2 = vector.broadcast %mul3A_1 : i32 to vector<16xi32>
    %mul3A_3 = arith.muli %iota3A, %mul3A_2 : vector<16xi32>
    %iota3A_4 = tpu.iota {dimensions = array<i32: 0>} : vector<16xi32>
    %get3A = arith.constant 0 : index
    %get3A_5 = tpu.vector_load %arg8[%get3A] {strides = array<i32>} : memref<432xf32, #tpu.memory_space<vmem>>, vector<16xf32>,
    %get3A_6 = arith.constant 16 : index
    %get3A_7 = tpu.vector_load %arg8[%get3A_6] {strides = array<i32>} : memref<432xf32, #tpu.memory_space<vmem>>, vector<16xf32>,
    %get3A_8 = arith.constant 32 : index
    %get3A_9 = tpu.vector_load %arg8[%get3A_8] {strides = array<i32>} : memref<432xf32, #tpu.memory_space<vmem>>, vector<16xf32>,
    %get3A_10 = arith.constant 48 : index
    %get3A_11 = tpu.vector_load %arg8[%get3A_10] {strides = array<i32>} : memref<432xf32, #tpu.memory_space<vmem>>, vector<16xf32>,
    %get3A_12 = arith.constant 64 : index
    %get3A_13 = tpu.vector_load %arg8[%get3A_12] {strides = array<i32>} : memref<432xf32, #tpu.memory_space<vmem>>, vector<16xf32>,
    %get3A_14 = arith.constant 80 : index
    %get3A_15 = tpu.vector_load %arg8[%get3A_14] {strides = array<i32>} : memref<432xf32, #tpu.memory_space<vmem>>, vector<16xf32>,
    %get3A_16 = arith.constant 96 : index
    %get3A_17 = tpu.vector_load %arg8[%get3A_16] {strides = array<i32>} : memref<432xf32, #tpu.memory_space<vmem>>, vector<16xf32>,
    %get3A_18 = arith.constant 112 : index
    %get3A_19 = tpu.vector_load %arg8[%get3A_18] {strides = array<i32>} : memref<432xf32, #tpu.memory_space<vmem>>, vector<16xf32>,
    %get3A_20 = arith.constant 128 : index
    %get3A_21 = tpu.vector_load %arg8[%get3A_20] {strides = array<i32>} : memref<432xf32, #tpu.memory_space<vmem>>, vector<16xf32>,
    %get3A_22 = arith.constant 144 : index
    %get3A_23 = tpu.vector_load %arg8[%get3A_22] {strides = array<i32>} : memref<432xf32, #tpu.memory_space<vmem>>, vector<16xf32>,
    %get3A_24 = arith.constant 160 : index
    %get3A_25 = tpu.vector_load %arg8[%get3A_24] {strides = array<i32>} : memref<432xf32, #tpu.memory_space<vmem>>, vector<16xf32>,
    %get3A_26 = arith.constant 176 : index
    %get3A_27 = tpu.vector_load %arg8[%get3A_26] {strides = array<i32>} : memref<432xf32, #tpu.memory_space<vmem>>, vector<16xf32>,
    %get3A_28 = arith.constant 192 : index
    %get3A_29 = tpu.vector_load %arg8[%get3A_28] {strides = array<i32>} : memref<432xf32, #tpu.memory_space<vmem>>, vector<16xf32>,
    %get3A_30 = arith.constant 208 : index
    %get3A_31 = tpu.vector_load %arg8[%get3A_30] {strides = array<i32>} : memref<432xf32, #tpu.memory_space<vmem>>, vector<16xf32>,
    %get3A_32 = arith.constant 224 : index
    %get3A_33 = tpu.vector_load %arg8[%get3A_32] {strides = array<i32>} : memref<432xf32, #tpu.memory_space<vmem>>, vector<16xf32>,
    %get3A_34 = arith.constant 240 : index
    %get3A_35 = tpu.vector_load %arg8[%get3A_34] {strides = array<i32>} : memref<432xf32, #tpu.memory_space<vmem>>, vector<16xf32>,
    %get3A_36 = arith.constant 256 : index
    %get3A_37 = tpu.vector_load %arg8[%get3A_36] {strides = array<i32>} : memref<432xf32, #tpu.memory_space<vmem>>, vector<16xf32>,
    %get3A_38 = arith.constant 272 : index
    %get3A_39 = tpu.vector_load %arg8[%get3A_38] {strides = array<i32>} : memref<432xf32, #tpu.memory_space<vmem>>, vector<16xf32>,
    %get3A_40 = arith.constant 288 : index
    %get3A_41 = tpu.vector_load %arg8[%get3A_40] {strides = array<i32>} : memref<432xf32, #tpu.memory_space<vmem>>, vector<16xf32>,
    %get3A_42 = arith.constant 304 : index
    %get3A_43 = tpu.vector_load %arg8[%get3A_42] {strides = array<i32>} : memref<432xf32, #tpu.memory_space<vmem>>, vector<16xf32>,
    %get3A_44 = arith.constant 320 : index
    %get3A_45 = tpu.vector_load %arg8[%get3A_44] {strides = array<i32>} : memref<432xf32, #tpu.memory_space<vmem>>, vector<16xf32>,
    %get3A_46 = arith.constant 336 : index
    %get3A_47 = tpu.vector_load %arg8[%get3A_46] {strides = array<i32>} : memref<432xf32, #tpu.memory_space<vmem>>, vector<16xf32>,
    %get3A_48 = arith.constant 352 : index
    %get3A_49 = tpu.vector_load %arg8[%get3A_48] {strides = array<i32>} : memref<432xf32, #tpu.memory_space<vmem>>, vector<16xf32>,
    %get3A_50 = arith.constant 368 : index
    %get3A_51 = tpu.vector_load %arg8[%get3A_50] {strides = array<i32>} : memref<432xf32, #tpu.memory_space<vmem>>, vector<16xf32>,
    %get3A_52 = arith.constant 384 : index
    %get3A_53 = tpu.vector_load %arg8[%get3A_52] {strides = array<i32>} : memref<432xf32, #tpu.memory_space<vmem>>, vector<16xf32>,
    %get3A_54 = arith.constant 400 : index
    %get3A_55 = tpu.vector_load %arg8[%get3A_54] {strides = array<i32>} : memref<432xf32, #tpu.memory_space<vmem>>, vector<16xf32>,
    %get3A_56 = arith.constant 416 : index
    %get3A_57 = tpu.vector_load %arg8[%get3A_56] {strides = array<i32>} : memref<432xf32, #tpu.memory_space<vmem>>, vector<16xf32>,
    %get3A_58 = arith.constant 0 : index
    %get3A_59 = tpu.vector_load %arg9[%get3A_58] {strides = array<i32>} : memref<432xf32, #tpu.memory_space<vmem>>, vector<16xf32>,
    %get3A_60 = arith.constant 16 : index
    %get3A_61 = tpu.vector_load %arg9[%get3A_60] {strides = array<i32>} : memref<432xf32, #tpu.memory_space<vmem>>, vector<16xf32>,
    %get3A_62 = arith.constant 32 : index
    %get3A_63 = tpu.vector_load %arg9[%get3A_62] {strides = array<i32>} : memref<432xf32, #tpu.memory_space<vmem>>, vector<16xf32>,
    %get3A_64 = arith.constant 48 : index
    %get3A_65 = tpu.vector_load %arg9[%get3A_64] {strides = array<i32>} : memref<432xf32, #tpu.memory_space<vmem>>, vector<16xf32>,
    %get3A_66 = arith.constant 64 : index
    %get3A_67 = tpu.vector_load %arg9[%get3A_66] {strides = array<i32>} : memref<432xf32, #tpu.memory_space<vmem>>, vector<16xf32>,
    %get3A_68 = arith.constant 80 : index
    %get3A_69 = tpu.vector_load %arg9[%get3A_68] {strides = array<i32>} : memref<432xf32, #tpu.memory_space<vmem>>, vector<16xf32>,
    %get3A_70 = arith.constant 96 : index
    %get3A_71 = tpu.vector_load %arg9[%get3A_70] {strides = array<i32>} : memref<432xf32, #tpu.memory_space<vmem>>, vector<16xf32>,
    %get3A_72 = arith.constant 112 : index
    %get3A_73 = tpu.vector_load %arg9[%get3A_72] {strides = array<i32>} : memref<432xf32, #tpu.memory_space<vmem>>, vector<16xf32>,
    %get3A_74 = arith.constant 128 : index
    %get3A_75 = tpu.vector_load %arg9[%get3A_74] {strides = array<i32>} : memref<432xf32, #tpu.memory_space<vmem>>, vector<16xf32>,
    %get3A_76 = arith.constant 144 : index
    %get3A_77 = tpu.vector_load %arg9[%get3A_76] {strides = array<i32>} : memref<432xf32, #tpu.memory_space<vmem>>, vector<16xf32>,
    %get3A_78 = arith.constant 160 : index
    %get3A_79 = tpu.vector_load %arg9[%get3A_78] {strides = array<i32>} : memref<432xf32, #tpu.memory_space<vmem>>, vector<16xf32>,
    %get3A_80 = arith.constant 176 : index
    %get3A_81 = tpu.vector_load %arg9[%get3A_80] {strides = array<i32>} : memref<432xf32, #tpu.memory_space<vmem>>, vector<16xf32>,
    %get3A_82 = arith.constant 192 : index
    %get3A_83 = tpu.vector_load %arg9[%get3A_82] {strides = array<i32>} : memref<432xf32, #tpu.memory_space<vmem>>, vector<16xf32>,
    %get3A_84 = arith.constant 208 : index
    %get3A_85 = tpu.vector_load %arg9[%get3A_84] {strides = array<i32>} : memref<432xf32, #tpu.memory_space<vmem>>, vector<16xf32>,
    %get3A_86 = arith.constant 224 : index
    %get3A_87 = tpu.vector_load %arg9[%get3A_86] {strides = array<i32>} : memref<432xf32, #tpu.memory_space<vmem>>, vector<16xf32>,
    %get3A_88 = arith.constant 240 : index
    %get3A_89 = tpu.vector_load %arg9[%get3A_88] {strides = array<i32>} : memref<432xf32, #tpu.memory_space<vmem>>, vector<16xf32>,
    %get3A_90 = arith.constant 256 : index
    %get3A_91 = tpu.vector_load %arg9[%get3A_90] {strides = array<i32>} : memref<432xf32, #tpu.memory_space<vmem>>, vector<16xf32>,
    %get3A_92 = arith.constant 272 : index
    %get3A_93 = tpu.vector_load %arg9[%get3A_92] {strides = array<i32>} : memref<432xf32, #tpu.memory_space<vmem>>, vector<16xf32>,
    %get3A_94 = arith.constant 288 : index
    %get3A_95 = tpu.vector_load %arg9[%get3A_94] {strides = array<i32>} : memref<432xf32, #tpu.memory_space<vmem>>, vector<16xf32>,
    %get3A_96 = arith.constant 304 : index
    %get3A_97 = tpu.vector_load %arg9[%get3A_96] {strides = array<i32>} : memref<432xf32, #tpu.memory_space<vmem>>, vector<16xf32>,
    %get3A_98 = arith.constant 320 : index
    %get3A_99 = tpu.vector_load %arg9[%get3A_98] {strides = array<i32>} : memref<432xf32, #tpu.memory_space<vmem>>, vector<16xf32>,
    %get3A_100 = arith.constant 336 : index
    %get3A_101 = tpu.vector_load %arg9[%get3A_100] {strides = array<i32>} : memref<432xf32, #tpu.memory_space<vmem>>, vector<16xf32>,
    %get3A_102 = arith.constant 352 : index
    %get3A_103 = tpu.vector_load %arg9[%get3A_102] {strides = array<i32>} : memref<432xf32, #tpu.memory_space<vmem>>, vector<16xf32>,
    %get3A_104 = arith.constant 368 : index
    %get3A_105 = tpu.vector_load %arg9[%get3A_104] {strides = array<i32>} : memref<432xf32, #tpu.memory_space<vmem>>, vector<16xf32>,
    %get3A_106 = arith.constant 384 : index
    %get3A_107 = tpu.vector_load %arg9[%get3A_106] {strides = array<i32>} : memref<432xf32, #tpu.memory_space<vmem>>, vector<16xf32>,
    %get3A_108 = arith.constant 400 : index
    %get3A_109 = tpu.vector_load %arg9[%get3A_108] {strides = array<i32>} : memref<432xf32, #tpu.memory_space<vmem>>, vector<16xf32>,
    %get3A_110 = arith.constant 416 : index
    %get3A_111 = tpu.vector_load %arg9[%get3A_110] {strides = array<i32>} : memref<432xf32, #tpu.memory_space<vmem>>, vector<16xf32>,
    %broadcast_in_dim3A = arith.constant 0x7F800000 : f32
    %broadcast_in_dim3A_112 = vector.broadcast %broadcast_in_dim3A : f32 to vector<16xf32>
    %broadcast_in_dim3A_113 = arith.constant 0 : i32
    %broadcast_in_dim3A_114 = vector.broadcast %broadcast_in_dim3A_113 : i32 to vector<16xi32>
    %scan3A = arith.constant 0 : i32
    %scan3A_115 = arith.constant 15 : i32
    %scan3A_116 = arith.addi %scan3A, %scan3A_115 : i32
    %scan3A_117 = arith.constant 1 : i32
    %scan3A_118:6 = scf.for %scan3A_133 = %scan3A to %scan3A_116 step %scan3A_117 iter_args(%scan3A_134 = %broadcast_in_dim3A_112, %scan3A_135 = %broadcast_in_dim3A_112, %scan3A_136 = %broadcast_in_dim3A_112, %scan3A_137 = %broadcast_in_dim3A_114, %scan3A_138 = %broadcast_in_dim3A_114, %scan3A_139 = %broadcast_in_dim3A_114) -> (vector<16xf32>, vector<16xf32>, vector<16xf32>, vector<16xi32>, vector<16xi32>, vector<16xi32>)  : i32 {
      %mul3A_140 = arith.constant 32 : i32
      %mul3A_141 = arith.muli %mul3A_140, %scan3A_133 : i32
      %add3A_142 = arith.addi %add3A, %mul3A_141 : i32
      "tpu.region"() ({
        %run_scoped3A = tpu.sem_alloc : memref<!tpu.dma_semaphore, #tpu.memory_space<semaphore_mem>>
        %dma_start3A = arith.constant 0 : i32
        %dma_start3A_151 = tpu.memref_slice %arg2[%add3A_142, %dma_start3A] : memref<500x54000xf32, #tpu.memory_space<hbm>> -> memref<1x54000xf32, #tpu.memory_space<hbm>>
        %dma_start3A_152 = tpu.memref_squeeze %dma_start3A_151 : memref<1x54000xf32, #tpu.memory_space<hbm>> -> memref<54000xf32, #tpu.memory_space<hbm>>
        %dma_start3A_153 = arith.constant 0 : i32
        %dma_start3A_154 = tpu.memref_slice %arg2[%add3A_142, %dma_start3A_153] : memref<500x54000xf32, #tpu.memory_space<hbm>> -> memref<1x54000xf32, #tpu.memory_space<hbm>>
        %dma_start3A_155 = tpu.memref_squeeze %dma_start3A_154 : memref<1x54000xf32, #tpu.memory_space<hbm>> -> memref<54000xf32, #tpu.memory_space<hbm>>
        tpu.enqueue_dma source(%dma_start3A_155 : memref<54000xf32, #tpu.memory_space<hbm>>) target(%arg7 : memref<54000xf32, #tpu.memory_space<vmem>>) target_semaphore(%run_scoped3A : memref<!tpu.dma_semaphore, #tpu.memory_space<semaphore_mem>>)
        %dma_wait3A = arith.constant 0 : i32
        %dma_wait3A_156 = tpu.memref_slice %arg2[%add3A_142, %dma_wait3A] : memref<500x54000xf32, #tpu.memory_space<hbm>> -> memref<1x54000xf32, #tpu.memory_space<hbm>>
        %dma_wait3A_157 = tpu.memref_squeeze %dma_wait3A_156 : memref<1x54000xf32, #tpu.memory_space<hbm>> -> memref<54000xf32, #tpu.memory_space<hbm>>
        %dma_wait3A_158 = arith.constant 0 : i32
        %dma_wait3A_159 = tpu.memref_slice %arg2[%add3A_142, %dma_wait3A_158] : memref<500x54000xf32, #tpu.memory_space<hbm>> -> memref<1x54000xf32, #tpu.memory_space<hbm>>
        %dma_wait3A_160 = tpu.memref_squeeze %dma_wait3A_159 : memref<1x54000xf32, #tpu.memory_space<hbm>> -> memref<54000xf32, #tpu.memory_space<hbm>>
        tpu.wait_dma2 semaphore(%run_scoped3A : memref<!tpu.dma_semaphore, #tpu.memory_space<semaphore_mem>>) src(%dma_wait3A_160 : memref<54000xf32, #tpu.memory_space<hbm>>) dst(%arg7 : memref<54000xf32, #tpu.memory_space<vmem>>)
        tpu.yield
      }) : () -> ()
      %mul3A_143 = arith.constant 2000 : i32
      %mul3A_144 = arith.muli %add3A_142, %mul3A_143 : i32
      %scan3A_145 = arith.constant 0 : i32
      %scan3A_146 = arith.constant 125 : i32
      %scan3A_147 = arith.addi %scan3A_145, %scan3A_146 : i32
      %scan3A_148 = arith.constant 1 : i32
      %scan3A_149:6 = scf.for %scan3A_151 = %scan3A_145 to %scan3A_147 step %scan3A_148 iter_args(%scan3A_152 = %scan3A_134, %scan3A_153 = %scan3A_135, %scan3A_154 = %scan3A_136, %scan3A_155 = %scan3A_137, %scan3A_156 = %scan3A_138, %scan3A_157 = %scan3A_139) -> (vector<16xf32>, vector<16xf32>, vector<16xf32>, vector<16xi32>, vector<16xi32>, vector<16xi32>)  : i32 {
        %mul3A_158 = arith.constant 432 : i32
        %mul3A_159 = arith.muli %scan3A_151, %mul3A_158 : i32
        %broadcast_in_dim3A_160 = arith.constant 0.000000e+00 : f32
        %broadcast_in_dim3A_161 = vector.broadcast %broadcast_in_dim3A_160 : f32 to vector<16xf32>
        %add3A_162 = arith.constant 0 : i32
        %add3A_163 = arith.addi %mul3A_159, %add3A_162 : i32
        %add3A_164 = vector.broadcast %add3A_163 : i32 to vector<16xi32>
        %add3A_165 = arith.addi %mul3A_3, %add3A_164 : vector<16xi32>
        %gather3A = tpu.vector_load_idx %arg7[%add3A_165] : memref<54000xf32, #tpu.memory_space<vmem>>[vector<16xi32>], vector<16xf32>,
        %mul3A_166 = arith.mulf %gather3A, %get3A_5 : vector<16xf32>
        %sub3A = arith.subf %mul3A_166, %get3A_59 : vector<16xf32>
        %mul3A_167 = arith.mulf %sub3A, %sub3A : vector<16xf32>
        %add3A_168 = arith.addf %broadcast_in_dim3A_161, %mul3A_167 : vector<16xf32>
        %add3A_169 = arith.constant 1 : i32
        %add3A_170 = arith.addi %mul3A_159, %add3A_169 : i32
        %add3A_171 = vector.broadcast %add3A_170 : i32 to vector<16xi32>
        %add3A_172 = arith.addi %mul3A_3, %add3A_171 : vector<16xi32>
        %gather3A_173 = tpu.vector_load_idx %arg7[%add3A_172] : memref<54000xf32, #tpu.memory_space<vmem>>[vector<16xi32>], vector<16xf32>,
        %mul3A_174 = arith.mulf %gather3A_173, %get3A_7 : vector<16xf32>
        %sub3A_175 = arith.subf %mul3A_174, %get3A_61 : vector<16xf32>
        %mul3A_176 = arith.mulf %sub3A_175, %sub3A_175 : vector<16xf32>
        %add3A_177 = arith.addf %add3A_168, %mul3A_176 : vector<16xf32>
        %add3A_178 = arith.constant 2 : i32
        %add3A_179 = arith.addi %mul3A_159, %add3A_178 : i32
        %add3A_180 = vector.broadcast %add3A_179 : i32 to vector<16xi32>
        %add3A_181 = arith.addi %mul3A_3, %add3A_180 : vector<16xi32>
        %gather3A_182 = tpu.vector_load_idx %arg7[%add3A_181] : memref<54000xf32, #tpu.memory_space<vmem>>[vector<16xi32>], vector<16xf32>,
        %mul3A_183 = arith.mulf %gather3A_182, %get3A_9 : vector<16xf32>
        %sub3A_184 = arith.subf %mul3A_183, %get3A_63 : vector<16xf32>
        %mul3A_185 = arith.mulf %sub3A_184, %sub3A_184 : vector<16xf32>
        %add3A_186 = arith.addf %add3A_177, %mul3A_185 : vector<16xf32>
        %add3A_187 = arith.constant 3 : i32
        %add3A_188 = arith.addi %mul3A_159, %add3A_187 : i32
        %add3A_189 = vector.broadcast %add3A_188 : i32 to vector<16xi32>
        %add3A_190 = arith.addi %mul3A_3, %add3A_189 : vector<16xi32>
        %gather3A_191 = tpu.vector_load_idx %arg7[%add3A_190] : memref<54000xf32, #tpu.memory_space<vmem>>[vector<16xi32>], vector<16xf32>,
        %mul3A_192 = arith.mulf %gather3A_191, %get3A_11 : vector<16xf32>
        %sub3A_193 = arith.subf %mul3A_192, %get3A_65 : vector<16xf32>
        %mul3A_194 = arith.mulf %sub3A_193, %sub3A_193 : vector<16xf32>
        %add3A_195 = arith.addf %add3A_186, %mul3A_194 : vector<16xf32>
        %add3A_196 = arith.constant 4 : i32
        %add3A_197 = arith.addi %mul3A_159, %add3A_196 : i32
        %add3A_198 = vector.broadcast %add3A_197 : i32 to vector<16xi32>
        %add3A_199 = arith.addi %mul3A_3, %add3A_198 : vector<16xi32>
        %gather3A_200 = tpu.vector_load_idx %arg7[%add3A_199] : memref<54000xf32, #tpu.memory_space<vmem>>[vector<16xi32>], vector<16xf32>,
        %mul3A_201 = arith.mulf %gather3A_200, %get3A_13 : vector<16xf32>
        %sub3A_202 = arith.subf %mul3A_201, %get3A_67 : vector<16xf32>
        %mul3A_203 = arith.mulf %sub3A_202, %sub3A_202 : vector<16xf32>
        %add3A_204 = arith.addf %add3A_195, %mul3A_203 : vector<16xf32>
        %add3A_205 = arith.constant 5 : i32
        %add3A_206 = arith.addi %mul3A_159, %add3A_205 : i32
        %add3A_207 = vector.broadcast %add3A_206 : i32 to vector<16xi32>
        %add3A_208 = arith.addi %mul3A_3, %add3A_207 : vector<16xi32>
        %gather3A_209 = tpu.vector_load_idx %arg7[%add3A_208] : memref<54000xf32, #tpu.memory_space<vmem>>[vector<16xi32>], vector<16xf32>,
        %mul3A_210 = arith.mulf %gather3A_209, %get3A_15 : vector<16xf32>
        %sub3A_211 = arith.subf %mul3A_210, %get3A_69 : vector<16xf32>
        %mul3A_212 = arith.mulf %sub3A_211, %sub3A_211 : vector<16xf32>
        %add3A_213 = arith.addf %add3A_204, %mul3A_212 : vector<16xf32>
        %add3A_214 = arith.constant 6 : i32
        %add3A_215 = arith.addi %mul3A_159, %add3A_214 : i32
        %add3A_216 = vector.broadcast %add3A_215 : i32 to vector<16xi32>
        %add3A_217 = arith.addi %mul3A_3, %add3A_216 : vector<16xi32>
        %gather3A_218 = tpu.vector_load_idx %arg7[%add3A_217] : memref<54000xf32, #tpu.memory_space<vmem>>[vector<16xi32>], vector<16xf32>,
        %mul3A_219 = arith.mulf %gather3A_218, %get3A_17 : vector<16xf32>
        %sub3A_220 = arith.subf %mul3A_219, %get3A_71 : vector<16xf32>
        %mul3A_221 = arith.mulf %sub3A_220, %sub3A_220 : vector<16xf32>
        %add3A_222 = arith.addf %add3A_213, %mul3A_221 : vector<16xf32>
        %add3A_223 = arith.constant 7 : i32
        %add3A_224 = arith.addi %mul3A_159, %add3A_223 : i32
        %add3A_225 = vector.broadcast %add3A_224 : i32 to vector<16xi32>
        %add3A_226 = arith.addi %mul3A_3, %add3A_225 : vector<16xi32>
        %gather3A_227 = tpu.vector_load_idx %arg7[%add3A_226] : memref<54000xf32, #tpu.memory_space<vmem>>[vector<16xi32>], vector<16xf32>,
        %mul3A_228 = arith.mulf %gather3A_227, %get3A_19 : vector<16xf32>
        %sub3A_229 = arith.subf %mul3A_228, %get3A_73 : vector<16xf32>
        %mul3A_230 = arith.mulf %sub3A_229, %sub3A_229 : vector<16xf32>
        %add3A_231 = arith.addf %add3A_222, %mul3A_230 : vector<16xf32>
        %add3A_232 = arith.constant 8 : i32
        %add3A_233 = arith.addi %mul3A_159, %add3A_232 : i32
        %add3A_234 = vector.broadcast %add3A_233 : i32 to vector<16xi32>
        %add3A_235 = arith.addi %mul3A_3, %add3A_234 : vector<16xi32>
        %gather3A_236 = tpu.vector_load_idx %arg7[%add3A_235] : memref<54000xf32, #tpu.memory_space<vmem>>[vector<16xi32>], vector<16xf32>,
        %mul3A_237 = arith.mulf %gather3A_236, %get3A_21 : vector<16xf32>
        %sub3A_238 = arith.subf %mul3A_237, %get3A_75 : vector<16xf32>
        %mul3A_239 = arith.mulf %sub3A_238, %sub3A_238 : vector<16xf32>
        %add3A_240 = arith.addf %add3A_231, %mul3A_239 : vector<16xf32>
        %add3A_241 = arith.constant 9 : i32
        %add3A_242 = arith.addi %mul3A_159, %add3A_241 : i32
        %add3A_243 = vector.broadcast %add3A_242 : i32 to vector<16xi32>
        %add3A_244 = arith.addi %mul3A_3, %add3A_243 : vector<16xi32>
        %gather3A_245 = tpu.vector_load_idx %arg7[%add3A_244] : memref<54000xf32, #tpu.memory_space<vmem>>[vector<16xi32>], vector<16xf32>,
        %mul3A_246 = arith.mulf %gather3A_245, %get3A_23 : vector<16xf32>
        %sub3A_247 = arith.subf %mul3A_246, %get3A_77 : vector<16xf32>
        %mul3A_248 = arith.mulf %sub3A_247, %sub3A_247 : vector<16xf32>
        %add3A_249 = arith.addf %add3A_240, %mul3A_248 : vector<16xf32>
        %add3A_250 = arith.constant 10 : i32
        %add3A_251 = arith.addi %mul3A_159, %add3A_250 : i32
        %add3A_252 = vector.broadcast %add3A_251 : i32 to vector<16xi32>
        %add3A_253 = arith.addi %mul3A_3, %add3A_252 : vector<16xi32>
        %gather3A_254 = tpu.vector_load_idx %arg7[%add3A_253] : memref<54000xf32, #tpu.memory_space<vmem>>[vector<16xi32>], vector<16xf32>,
        %mul3A_255 = arith.mulf %gather3A_254, %get3A_25 : vector<16xf32>
        %sub3A_256 = arith.subf %mul3A_255, %get3A_79 : vector<16xf32>
        %mul3A_257 = arith.mulf %sub3A_256, %sub3A_256 : vector<16xf32>
        %add3A_258 = arith.addf %add3A_249, %mul3A_257 : vector<16xf32>
        %add3A_259 = arith.constant 11 : i32
        %add3A_260 = arith.addi %mul3A_159, %add3A_259 : i32
        %add3A_261 = vector.broadcast %add3A_260 : i32 to vector<16xi32>
        %add3A_262 = arith.addi %mul3A_3, %add3A_261 : vector<16xi32>
        %gather3A_263 = tpu.vector_load_idx %arg7[%add3A_262] : memref<54000xf32, #tpu.memory_space<vmem>>[vector<16xi32>], vector<16xf32>,
        %mul3A_264 = arith.mulf %gather3A_263, %get3A_27 : vector<16xf32>
        %sub3A_265 = arith.subf %mul3A_264, %get3A_81 : vector<16xf32>
        %mul3A_266 = arith.mulf %sub3A_265, %sub3A_265 : vector<16xf32>
        %add3A_267 = arith.addf %add3A_258, %mul3A_266 : vector<16xf32>
        %add3A_268 = arith.constant 12 : i32
        %add3A_269 = arith.addi %mul3A_159, %add3A_268 : i32
        %add3A_270 = vector.broadcast %add3A_269 : i32 to vector<16xi32>
        %add3A_271 = arith.addi %mul3A_3, %add3A_270 : vector<16xi32>
        %gather3A_272 = tpu.vector_load_idx %arg7[%add3A_271] : memref<54000xf32, #tpu.memory_space<vmem>>[vector<16xi32>], vector<16xf32>,
        %mul3A_273 = arith.mulf %gather3A_272, %get3A_29 : vector<16xf32>
        %sub3A_274 = arith.subf %mul3A_273, %get3A_83 : vector<16xf32>
        %mul3A_275 = arith.mulf %sub3A_274, %sub3A_274 : vector<16xf32>
        %add3A_276 = arith.addf %add3A_267, %mul3A_275 : vector<16xf32>
        %add3A_277 = arith.constant 13 : i32
        %add3A_278 = arith.addi %mul3A_159, %add3A_277 : i32
        %add3A_279 = vector.broadcast %add3A_278 : i32 to vector<16xi32>
        %add3A_280 = arith.addi %mul3A_3, %add3A_279 : vector<16xi32>
        %gather3A_281 = tpu.vector_load_idx %arg7[%add3A_280] : memref<54000xf32, #tpu.memory_space<vmem>>[vector<16xi32>], vector<16xf32>,
        %mul3A_282 = arith.mulf %gather3A_281, %get3A_31 : vector<16xf32>
        %sub3A_283 = arith.subf %mul3A_282, %get3A_85 : vector<16xf32>
        %mul3A_284 = arith.mulf %sub3A_283, %sub3A_283 : vector<16xf32>
        %add3A_285 = arith.addf %add3A_276, %mul3A_284 : vector<16xf32>
        %add3A_286 = arith.constant 14 : i32
        %add3A_287 = arith.addi %mul3A_159, %add3A_286 : i32
        %add3A_288 = vector.broadcast %add3A_287 : i32 to vector<16xi32>
        %add3A_289 = arith.addi %mul3A_3, %add3A_288 : vector<16xi32>
        %gather3A_290 = tpu.vector_load_idx %arg7[%add3A_289] : memref<54000xf32, #tpu.memory_space<vmem>>[vector<16xi32>], vector<16xf32>,
        %mul3A_291 = arith.mulf %gather3A_290, %get3A_33 : vector<16xf32>
        %sub3A_292 = arith.subf %mul3A_291, %get3A_87 : vector<16xf32>
        %mul3A_293 = arith.mulf %sub3A_292, %sub3A_292 : vector<16xf32>
        %add3A_294 = arith.addf %add3A_285, %mul3A_293 : vector<16xf32>
        %add3A_295 = arith.constant 15 : i32
        %add3A_296 = arith.addi %mul3A_159, %add3A_295 : i32
        %add3A_297 = vector.broadcast %add3A_296 : i32 to vector<16xi32>
        %add3A_298 = arith.addi %mul3A_3, %add3A_297 : vector<16xi32>
        %gather3A_299 = tpu.vector_load_idx %arg7[%add3A_298] : memref<54000xf32, #tpu.memory_space<vmem>>[vector<16xi32>], vector<16xf32>,
        %mul3A_300 = arith.mulf %gather3A_299, %get3A_35 : vector<16xf32>
        %sub3A_301 = arith.subf %mul3A_300, %get3A_89 : vector<16xf32>
        %mul3A_302 = arith.mulf %sub3A_301, %sub3A_301 : vector<16xf32>
        %add3A_303 = arith.addf %add3A_294, %mul3A_302 : vector<16xf32>
        %add3A_304 = arith.constant 16 : i32
        %add3A_305 = arith.addi %mul3A_159, %add3A_304 : i32
        %add3A_306 = vector.broadcast %add3A_305 : i32 to vector<16xi32>
        %add3A_307 = arith.addi %mul3A_3, %add3A_306 : vector<16xi32>
        %gather3A_308 = tpu.vector_load_idx %arg7[%add3A_307] : memref<54000xf32, #tpu.memory_space<vmem>>[vector<16xi32>], vector<16xf32>,
        %mul3A_309 = arith.mulf %gather3A_308, %get3A_37 : vector<16xf32>
        %sub3A_310 = arith.subf %mul3A_309, %get3A_91 : vector<16xf32>
        %mul3A_311 = arith.mulf %sub3A_310, %sub3A_310 : vector<16xf32>
        %add3A_312 = arith.addf %add3A_303, %mul3A_311 : vector<16xf32>
        %add3A_313 = arith.constant 17 : i32
        %add3A_314 = arith.addi %mul3A_159, %add3A_313 : i32
        %add3A_315 = vector.broadcast %add3A_314 : i32 to vector<16xi32>
        %add3A_316 = arith.addi %mul3A_3, %add3A_315 : vector<16xi32>
        %gather3A_317 = tpu.vector_load_idx %arg7[%add3A_316] : memref<54000xf32, #tpu.memory_space<vmem>>[vector<16xi32>], vector<16xf32>,
        %mul3A_318 = arith.mulf %gather3A_317, %get3A_39 : vector<16xf32>
        %sub3A_319 = arith.subf %mul3A_318, %get3A_93 : vector<16xf32>
        %mul3A_320 = arith.mulf %sub3A_319, %sub3A_319 : vector<16xf32>
        %add3A_321 = arith.addf %add3A_312, %mul3A_320 : vector<16xf32>
        %add3A_322 = arith.constant 18 : i32
        %add3A_323 = arith.addi %mul3A_159, %add3A_322 : i32
        %add3A_324 = vector.broadcast %add3A_323 : i32 to vector<16xi32>
        %add3A_325 = arith.addi %mul3A_3, %add3A_324 : vector<16xi32>
        %gather3A_326 = tpu.vector_load_idx %arg7[%add3A_325] : memref<54000xf32, #tpu.memory_space<vmem>>[vector<16xi32>], vector<16xf32>,
        %mul3A_327 = arith.mulf %gather3A_326, %get3A_41 : vector<16xf32>
        %sub3A_328 = arith.subf %mul3A_327, %get3A_95 : vector<16xf32>
        %mul3A_329 = arith.mulf %sub3A_328, %sub3A_328 : vector<16xf32>
        %add3A_330 = arith.addf %add3A_321, %mul3A_329 : vector<16xf32>
        %add3A_331 = arith.constant 19 : i32
        %add3A_332 = arith.addi %mul3A_159, %add3A_331 : i32
        %add3A_333 = vector.broadcast %add3A_332 : i32 to vector<16xi32>
        %add3A_334 = arith.addi %mul3A_3, %add3A_333 : vector<16xi32>
        %gather3A_335 = tpu.vector_load_idx %arg7[%add3A_334] : memref<54000xf32, #tpu.memory_space<vmem>>[vector<16xi32>], vector<16xf32>,
        %mul3A_336 = arith.mulf %gather3A_335, %get3A_43 : vector<16xf32>
        %sub3A_337 = arith.subf %mul3A_336, %get3A_97 : vector<16xf32>
        %mul3A_338 = arith.mulf %sub3A_337, %sub3A_337 : vector<16xf32>
        %add3A_339 = arith.addf %add3A_330, %mul3A_338 : vector<16xf32>
        %add3A_340 = arith.constant 20 : i32
        %add3A_341 = arith.addi %mul3A_159, %add3A_340 : i32
        %add3A_342 = vector.broadcast %add3A_341 : i32 to vector<16xi32>
        %add3A_343 = arith.addi %mul3A_3, %add3A_342 : vector<16xi32>
        %gather3A_344 = tpu.vector_load_idx %arg7[%add3A_343] : memref<54000xf32, #tpu.memory_space<vmem>>[vector<16xi32>], vector<16xf32>,
        %mul3A_345 = arith.mulf %gather3A_344, %get3A_45 : vector<16xf32>
        %sub3A_346 = arith.subf %mul3A_345, %get3A_99 : vector<16xf32>
        %mul3A_347 = arith.mulf %sub3A_346, %sub3A_346 : vector<16xf32>
        %add3A_348 = arith.addf %add3A_339, %mul3A_347 : vector<16xf32>
        %add3A_349 = arith.constant 21 : i32
        %add3A_350 = arith.addi %mul3A_159, %add3A_349 : i32
        %add3A_351 = vector.broadcast %add3A_350 : i32 to vector<16xi32>
        %add3A_352 = arith.addi %mul3A_3, %add3A_351 : vector<16xi32>
        %gather3A_353 = tpu.vector_load_idx %arg7[%add3A_352] : memref<54000xf32, #tpu.memory_space<vmem>>[vector<16xi32>], vector<16xf32>,
        %mul3A_354 = arith.mulf %gather3A_353, %get3A_47 : vector<16xf32>
        %sub3A_355 = arith.subf %mul3A_354, %get3A_101 : vector<16xf32>
        %mul3A_356 = arith.mulf %sub3A_355, %sub3A_355 : vector<16xf32>
        %add3A_357 = arith.addf %add3A_348, %mul3A_356 : vector<16xf32>
        %add3A_358 = arith.constant 22 : i32
        %add3A_359 = arith.addi %mul3A_159, %add3A_358 : i32
        %add3A_360 = vector.broadcast %add3A_359 : i32 to vector<16xi32>
        %add3A_361 = arith.addi %mul3A_3, %add3A_360 : vector<16xi32>
        %gather3A_362 = tpu.vector_load_idx %arg7[%add3A_361] : memref<54000xf32, #tpu.memory_space<vmem>>[vector<16xi32>], vector<16xf32>,
        %mul3A_363 = arith.mulf %gather3A_362, %get3A_49 : vector<16xf32>
        %sub3A_364 = arith.subf %mul3A_363, %get3A_103 : vector<16xf32>
        %mul3A_365 = arith.mulf %sub3A_364, %sub3A_364 : vector<16xf32>
        %add3A_366 = arith.addf %add3A_357, %mul3A_365 : vector<16xf32>
        %add3A_367 = arith.constant 23 : i32
        %add3A_368 = arith.addi %mul3A_159, %add3A_367 : i32
        %add3A_369 = vector.broadcast %add3A_368 : i32 to vector<16xi32>
        %add3A_370 = arith.addi %mul3A_3, %add3A_369 : vector<16xi32>
        %gather3A_371 = tpu.vector_load_idx %arg7[%add3A_370] : memref<54000xf32, #tpu.memory_space<vmem>>[vector<16xi32>], vector<16xf32>,
        %mul3A_372 = arith.mulf %gather3A_371, %get3A_51 : vector<16xf32>
        %sub3A_373 = arith.subf %mul3A_372, %get3A_105 : vector<16xf32>
        %mul3A_374 = arith.mulf %sub3A_373, %sub3A_373 : vector<16xf32>
        %add3A_375 = arith.addf %add3A_366, %mul3A_374 : vector<16xf32>
        %add3A_376 = arith.constant 24 : i32
        %add3A_377 = arith.addi %mul3A_159, %add3A_376 : i32
        %add3A_378 = vector.broadcast %add3A_377 : i32 to vector<16xi32>
        %add3A_379 = arith.addi %mul3A_3, %add3A_378 : vector<16xi32>
        %gather3A_380 = tpu.vector_load_idx %arg7[%add3A_379] : memref<54000xf32, #tpu.memory_space<vmem>>[vector<16xi32>], vector<16xf32>,
        %mul3A_381 = arith.mulf %gather3A_380, %get3A_53 : vector<16xf32>
        %sub3A_382 = arith.subf %mul3A_381, %get3A_107 : vector<16xf32>
        %mul3A_383 = arith.mulf %sub3A_382, %sub3A_382 : vector<16xf32>
        %add3A_384 = arith.addf %add3A_375, %mul3A_383 : vector<16xf32>
        %add3A_385 = arith.constant 25 : i32
        %add3A_386 = arith.addi %mul3A_159, %add3A_385 : i32
        %add3A_387 = vector.broadcast %add3A_386 : i32 to vector<16xi32>
        %add3A_388 = arith.addi %mul3A_3, %add3A_387 : vector<16xi32>
        %gather3A_389 = tpu.vector_load_idx %arg7[%add3A_388] : memref<54000xf32, #tpu.memory_space<vmem>>[vector<16xi32>], vector<16xf32>,
        %mul3A_390 = arith.mulf %gather3A_389, %get3A_55 : vector<16xf32>
        %sub3A_391 = arith.subf %mul3A_390, %get3A_109 : vector<16xf32>
        %mul3A_392 = arith.mulf %sub3A_391, %sub3A_391 : vector<16xf32>
        %add3A_393 = arith.addf %add3A_384, %mul3A_392 : vector<16xf32>
        %add3A_394 = arith.constant 26 : i32
        %add3A_395 = arith.addi %mul3A_159, %add3A_394 : i32
        %add3A_396 = vector.broadcast %add3A_395 : i32 to vector<16xi32>
        %add3A_397 = arith.addi %mul3A_3, %add3A_396 : vector<16xi32>
        %gather3A_398 = tpu.vector_load_idx %arg7[%add3A_397] : memref<54000xf32, #tpu.memory_space<vmem>>[vector<16xi32>], vector<16xf32>,
        %mul3A_399 = arith.mulf %gather3A_398, %get3A_57 : vector<16xf32>
        %sub3A_400 = arith.subf %mul3A_399, %get3A_111 : vector<16xf32>
        %mul3A_401 = arith.mulf %sub3A_400, %sub3A_400 : vector<16xf32>
        %add3A_402 = arith.addf %add3A_393, %mul3A_401 : vector<16xf32>
        %mul3A_403 = arith.constant 16 : i32
        %mul3A_404 = arith.muli %scan3A_151, %mul3A_403 : i32
        %add3A_405 = arith.addi %mul3A_144, %mul3A_404 : i32
        %add3A_406 = vector.broadcast %add3A_405 : i32 to vector<16xi32>
        %add3A_407 = arith.addi %iota3A_4, %add3A_406 : vector<16xi32>
        %lt3A_408 = arith.cmpf olt, %add3A_402, %scan3A_152 : vector<16xf32>
        %lt3A_409 = arith.cmpf olt, %add3A_402, %scan3A_153 : vector<16xf32>
        %lt3A_410 = arith.cmpf olt, %add3A_402, %scan3A_154 : vector<16xf32>
        %select_n3A = arith.select %lt3A_410, %add3A_402, %scan3A_154 : vector<16xi1>, vector<16xf32>
        %select_n3A_411 = arith.select %lt3A_409, %scan3A_153, %select_n3A : vector<16xi1>, vector<16xf32>
        %select_n3A_412 = arith.select %lt3A_410, %add3A_407, %scan3A_157 : vector<16xi1>, vector<16xi32>
        %select_n3A_413 = arith.select %lt3A_409, %scan3A_156, %select_n3A_412 : vector<16xi1>, vector<16xi32>
        %select_n3A_414 = arith.select %lt3A_409, %add3A_402, %scan3A_153 : vector<16xi1>, vector<16xf32>
        %select_n3A_415 = arith.select %lt3A_408, %scan3A_152, %select_n3A_414 : vector<16xi1>, vector<16xf32>
        %select_n3A_416 = arith.select %lt3A_409, %add3A_407, %scan3A_156 : vector<16xi1>, vector<16xi32>
        %select_n3A_417 = arith.select %lt3A_408, %scan3A_155, %select_n3A_416 : vector<16xi1>, vector<16xi32>
        %select_n3A_418 = arith.select %lt3A_408, %add3A_402, %scan3A_152 : vector<16xi1>, vector<16xf32>
        %select_n3A_419 = arith.select %lt3A_408, %add3A_407, %scan3A_155 : vector<16xi1>, vector<16xi32>
        scf.yield %select_n3A_418, %select_n3A_415, %select_n3A_411, %select_n3A_419, %select_n3A_417, %select_n3A_413 : vector<16xf32>, vector<16xf32>, vector<16xf32>, vector<16xi32>, vector<16xi32>, vector<16xi32>
      }
      %scan3A_150 = arith.constant 125 : i32
      scf.yield %scan3A_149#0, %scan3A_149#1, %scan3A_149#2, %scan3A_149#3, %scan3A_149#4, %scan3A_149#5 : vector<16xf32>, vector<16xf32>, vector<16xf32>, vector<16xi32>, vector<16xi32>, vector<16xi32>
    }
    %scan3A_119 = arith.constant 15 : i32
    %swap3A = arith.constant 0 : index
    %swap3A_120 = tpu.vector_load %arg10[%swap3A] {strides = array<i32>} : memref<48xf32, #tpu.memory_space<vmem>>, vector<16xf32>,
    tpu.vector_store %arg10[%swap3A], %scan3A_118#0 {strides = array<i32>} : memref<48xf32, #tpu.memory_space<vmem>>, vector<16xf32>,
    %swap3A_121 = arith.constant 16 : index
    %swap3A_122 = tpu.vector_load %arg10[%swap3A_121] {strides = array<i32>} : memref<48xf32, #tpu.memory_space<vmem>>, vector<16xf32>,
    tpu.vector_store %arg10[%swap3A_121], %scan3A_118#1 {strides = array<i32>} : memref<48xf32, #tpu.memory_space<vmem>>, vector<16xf32>,
    %swap3A_123 = arith.constant 32 : index
    %swap3A_124 = tpu.vector_load %arg10[%swap3A_123] {strides = array<i32>} : memref<48xf32, #tpu.memory_space<vmem>>, vector<16xf32>,
    tpu.vector_store %arg10[%swap3A_123], %scan3A_118#2 {strides = array<i32>} : memref<48xf32, #tpu.memory_space<vmem>>, vector<16xf32>,
    %swap3A_125 = arith.constant 0 : index
    %swap3A_126 = tpu.vector_load %arg11[%swap3A_125] {strides = array<i32>} : memref<48xi32, #tpu.memory_space<vmem>>, vector<16xi32>,
    tpu.vector_store %arg11[%swap3A_125], %scan3A_118#3 {strides = array<i32>} : memref<48xi32, #tpu.memory_space<vmem>>, vector<16xi32>,
    %swap3A_127 = arith.constant 16 : index
    %swap3A_128 = tpu.vector_load %arg11[%swap3A_127] {strides = array<i32>} : memref<48xi32, #tpu.memory_space<vmem>>, vector<16xi32>,
    tpu.vector_store %arg11[%swap3A_127], %scan3A_118#4 {strides = array<i32>} : memref<48xi32, #tpu.memory_space<vmem>>, vector<16xi32>,
    %swap3A_129 = arith.constant 32 : index
    %swap3A_130 = tpu.vector_load %arg11[%swap3A_129] {strides = array<i32>} : memref<48xi32, #tpu.memory_space<vmem>>, vector<16xi32>,
    tpu.vector_store %arg11[%swap3A_129], %scan3A_118#5 {strides = array<i32>} : memref<48xi32, #tpu.memory_space<vmem>>, vector<16xi32>,
    %lt3A = arith.constant 20 : i32
    %lt3A_131 = arith.cmpi slt, %add3A, %lt3A : i32
    %convert_element_type3A = arith.extui %lt3A_131 : i1 to i32
    %cond3A = arith.constant 0 : i32
    %cond3A_132 = arith.cmpi ne, %convert_element_type3A, %cond3A : i32
    scf.if %cond3A_132 {
      %get3A_133 = arith.constant 0 : index
      %get3A_134 = tpu.vector_load %arg10[%get3A_133] {strides = array<i32>} : memref<48xf32, #tpu.memory_space<vmem>>, vector<16xf32>,
      %get3A_135 = arith.constant 16 : index
      %get3A_136 = tpu.vector_load %arg10[%get3A_135] {strides = array<i32>} : memref<48xf32, #tpu.memory_space<vmem>>, vector<16xf32>,
      %get3A_137 = arith.constant 32 : index
      %get3A_138 = tpu.vector_load %arg10[%get3A_137] {strides = array<i32>} : memref<48xf32, #tpu.memory_space<vmem>>, vector<16xf32>,
      %get3A_139 = arith.constant 0 : index
      %get3A_140 = tpu.vector_load %arg11[%get3A_139] {strides = array<i32>} : memref<48xi32, #tpu.memory_space<vmem>>, vector<16xi32>,
      %get3A_141 = arith.constant 16 : index
      %get3A_142 = tpu.vector_load %arg11[%get3A_141] {strides = array<i32>} : memref<48xi32, #tpu.memory_space<vmem>>, vector<16xi32>,
      %get3A_143 = arith.constant 32 : index
      %get3A_144 = tpu.vector_load %arg11[%get3A_143] {strides = array<i32>} : memref<48xi32, #tpu.memory_space<vmem>>, vector<16xi32>,
      %add3A_145 = arith.constant 480 : i32
      %add3A_146 = arith.addi %add3A_145, %add3A : i32
      "tpu.region"() ({
        %run_scoped3A = tpu.sem_alloc : memref<!tpu.dma_semaphore, #tpu.memory_space<semaphore_mem>>
        %dma_start3A = arith.constant 0 : i32
        %dma_start3A_167 = tpu.memref_slice %arg2[%add3A_146, %dma_start3A] : memref<500x54000xf32, #tpu.memory_space<hbm>> -> memref<1x54000xf32, #tpu.memory_space<hbm>>
        %dma_start3A_168 = tpu.memref_squeeze %dma_start3A_167 : memref<1x54000xf32, #tpu.memory_space<hbm>> -> memref<54000xf32, #tpu.memory_space<hbm>>
        %dma_start3A_169 = arith.constant 0 : i32
        %dma_start3A_170 = tpu.memref_slice %arg2[%add3A_146, %dma_start3A_169] : memref<500x54000xf32, #tpu.memory_space<hbm>> -> memref<1x54000xf32, #tpu.memory_space<hbm>>
        %dma_start3A_171 = tpu.memref_squeeze %dma_start3A_170 : memref<1x54000xf32, #tpu.memory_space<hbm>> -> memref<54000xf32, #tpu.memory_space<hbm>>
        tpu.enqueue_dma source(%dma_start3A_171 : memref<54000xf32, #tpu.memory_space<hbm>>) target(%arg7 : memref<54000xf32, #tpu.memory_space<vmem>>) target_semaphore(%run_scoped3A : memref<!tpu.dma_semaphore, #tpu.memory_space<semaphore_mem>>)
        %dma_wait3A = arith.constant 0 : i32
        %dma_wait3A_172 = tpu.memref_slice %arg2[%add3A_146, %dma_wait3A] : memref<500x54000xf32, #tpu.memory_space<hbm>> -> memref<1x54000xf32, #tpu.memory_space<hbm>>
        %dma_wait3A_173 = tpu.memref_squeeze %dma_wait3A_172 : memref<1x54000xf32, #tpu.memory_space<hbm>> -> memref<54000xf32, #tpu.memory_space<hbm>>
        %dma_wait3A_174 = arith.constant 0 : i32
        %dma_wait3A_175 = tpu.memref_slice %arg2[%add3A_146, %dma_wait3A_174] : memref<500x54000xf32, #tpu.memory_space<hbm>> -> memref<1x54000xf32, #tpu.memory_space<hbm>>
        %dma_wait3A_176 = tpu.memref_squeeze %dma_wait3A_175 : memref<1x54000xf32, #tpu.memory_space<hbm>> -> memref<54000xf32, #tpu.memory_space<hbm>>
        tpu.wait_dma2 semaphore(%run_scoped3A : memref<!tpu.dma_semaphore, #tpu.memory_space<semaphore_mem>>) src(%dma_wait3A_176 : memref<54000xf32, #tpu.memory_space<hbm>>) dst(%arg7 : memref<54000xf32, #tpu.memory_space<vmem>>)
        tpu.yield
      }) : () -> ()
      %mul3A_147 = arith.constant 2000 : i32
      %mul3A_148 = arith.muli %add3A_146, %mul3A_147 : i32
      %scan3A_149 = arith.constant 0 : i32
      %scan3A_150 = arith.constant 125 : i32
      %scan3A_151 = arith.addi %scan3A_149, %scan3A_150 : i32
      %scan3A_152 = arith.constant 1 : i32
      %scan3A_153:6 = scf.for %scan3A_167 = %scan3A_149 to %scan3A_151 step %scan3A_152 iter_args(%scan3A_168 = %get3A_134, %scan3A_169 = %get3A_136, %scan3A_170 = %get3A_138, %scan3A_171 = %get3A_140, %scan3A_172 = %get3A_142, %scan3A_173 = %get3A_144) -> (vector<16xf32>, vector<16xf32>, vector<16xf32>, vector<16xi32>, vector<16xi32>, vector<16xi32>)  : i32 {
        %mul3A_174 = arith.constant 432 : i32
        %mul3A_175 = arith.muli %scan3A_167, %mul3A_174 : i32
        %broadcast_in_dim3A_176 = arith.constant 0.000000e+00 : f32
        %broadcast_in_dim3A_177 = vector.broadcast %broadcast_in_dim3A_176 : f32 to vector<16xf32>
        %add3A_178 = arith.constant 0 : i32
        %add3A_179 = arith.addi %mul3A_175, %add3A_178 : i32
        %add3A_180 = vector.broadcast %add3A_179 : i32 to vector<16xi32>
        %add3A_181 = arith.addi %mul3A_3, %add3A_180 : vector<16xi32>
        %gather3A = tpu.vector_load_idx %arg7[%add3A_181] : memref<54000xf32, #tpu.memory_space<vmem>>[vector<16xi32>], vector<16xf32>,
        %mul3A_182 = arith.mulf %gather3A, %get3A_5 : vector<16xf32>
        %sub3A = arith.subf %mul3A_182, %get3A_59 : vector<16xf32>
        %mul3A_183 = arith.mulf %sub3A, %sub3A : vector<16xf32>
        %add3A_184 = arith.addf %broadcast_in_dim3A_177, %mul3A_183 : vector<16xf32>
        %add3A_185 = arith.constant 1 : i32
        %add3A_186 = arith.addi %mul3A_175, %add3A_185 : i32
        %add3A_187 = vector.broadcast %add3A_186 : i32 to vector<16xi32>
        %add3A_188 = arith.addi %mul3A_3, %add3A_187 : vector<16xi32>
        %gather3A_189 = tpu.vector_load_idx %arg7[%add3A_188] : memref<54000xf32, #tpu.memory_space<vmem>>[vector<16xi32>], vector<16xf32>,
        %mul3A_190 = arith.mulf %gather3A_189, %get3A_7 : vector<16xf32>
        %sub3A_191 = arith.subf %mul3A_190, %get3A_61 : vector<16xf32>
        %mul3A_192 = arith.mulf %sub3A_191, %sub3A_191 : vector<16xf32>
        %add3A_193 = arith.addf %add3A_184, %mul3A_192 : vector<16xf32>
        %add3A_194 = arith.constant 2 : i32
        %add3A_195 = arith.addi %mul3A_175, %add3A_194 : i32
        %add3A_196 = vector.broadcast %add3A_195 : i32 to vector<16xi32>
        %add3A_197 = arith.addi %mul3A_3, %add3A_196 : vector<16xi32>
        %gather3A_198 = tpu.vector_load_idx %arg7[%add3A_197] : memref<54000xf32, #tpu.memory_space<vmem>>[vector<16xi32>], vector<16xf32>,
        %mul3A_199 = arith.mulf %gather3A_198, %get3A_9 : vector<16xf32>
        %sub3A_200 = arith.subf %mul3A_199, %get3A_63 : vector<16xf32>
        %mul3A_201 = arith.mulf %sub3A_200, %sub3A_200 : vector<16xf32>
        %add3A_202 = arith.addf %add3A_193, %mul3A_201 : vector<16xf32>
        %add3A_203 = arith.constant 3 : i32
        %add3A_204 = arith.addi %mul3A_175, %add3A_203 : i32
        %add3A_205 = vector.broadcast %add3A_204 : i32 to vector<16xi32>
        %add3A_206 = arith.addi %mul3A_3, %add3A_205 : vector<16xi32>
        %gather3A_207 = tpu.vector_load_idx %arg7[%add3A_206] : memref<54000xf32, #tpu.memory_space<vmem>>[vector<16xi32>], vector<16xf32>,
        %mul3A_208 = arith.mulf %gather3A_207, %get3A_11 : vector<16xf32>
        %sub3A_209 = arith.subf %mul3A_208, %get3A_65 : vector<16xf32>
        %mul3A_210 = arith.mulf %sub3A_209, %sub3A_209 : vector<16xf32>
        %add3A_211 = arith.addf %add3A_202, %mul3A_210 : vector<16xf32>
        %add3A_212 = arith.constant 4 : i32
        %add3A_213 = arith.addi %mul3A_175, %add3A_212 : i32
        %add3A_214 = vector.broadcast %add3A_213 : i32 to vector<16xi32>
        %add3A_215 = arith.addi %mul3A_3, %add3A_214 : vector<16xi32>
        %gather3A_216 = tpu.vector_load_idx %arg7[%add3A_215] : memref<54000xf32, #tpu.memory_space<vmem>>[vector<16xi32>], vector<16xf32>,
        %mul3A_217 = arith.mulf %gather3A_216, %get3A_13 : vector<16xf32>
        %sub3A_218 = arith.subf %mul3A_217, %get3A_67 : vector<16xf32>
        %mul3A_219 = arith.mulf %sub3A_218, %sub3A_218 : vector<16xf32>
        %add3A_220 = arith.addf %add3A_211, %mul3A_219 : vector<16xf32>
        %add3A_221 = arith.constant 5 : i32
        %add3A_222 = arith.addi %mul3A_175, %add3A_221 : i32
        %add3A_223 = vector.broadcast %add3A_222 : i32 to vector<16xi32>
        %add3A_224 = arith.addi %mul3A_3, %add3A_223 : vector<16xi32>
        %gather3A_225 = tpu.vector_load_idx %arg7[%add3A_224] : memref<54000xf32, #tpu.memory_space<vmem>>[vector<16xi32>], vector<16xf32>,
        %mul3A_226 = arith.mulf %gather3A_225, %get3A_15 : vector<16xf32>
        %sub3A_227 = arith.subf %mul3A_226, %get3A_69 : vector<16xf32>
        %mul3A_228 = arith.mulf %sub3A_227, %sub3A_227 : vector<16xf32>
        %add3A_229 = arith.addf %add3A_220, %mul3A_228 : vector<16xf32>
        %add3A_230 = arith.constant 6 : i32
        %add3A_231 = arith.addi %mul3A_175, %add3A_230 : i32
        %add3A_232 = vector.broadcast %add3A_231 : i32 to vector<16xi32>
        %add3A_233 = arith.addi %mul3A_3, %add3A_232 : vector<16xi32>
        %gather3A_234 = tpu.vector_load_idx %arg7[%add3A_233] : memref<54000xf32, #tpu.memory_space<vmem>>[vector<16xi32>], vector<16xf32>,
        %mul3A_235 = arith.mulf %gather3A_234, %get3A_17 : vector<16xf32>
        %sub3A_236 = arith.subf %mul3A_235, %get3A_71 : vector<16xf32>
        %mul3A_237 = arith.mulf %sub3A_236, %sub3A_236 : vector<16xf32>
        %add3A_238 = arith.addf %add3A_229, %mul3A_237 : vector<16xf32>
        %add3A_239 = arith.constant 7 : i32
        %add3A_240 = arith.addi %mul3A_175, %add3A_239 : i32
        %add3A_241 = vector.broadcast %add3A_240 : i32 to vector<16xi32>
        %add3A_242 = arith.addi %mul3A_3, %add3A_241 : vector<16xi32>
        %gather3A_243 = tpu.vector_load_idx %arg7[%add3A_242] : memref<54000xf32, #tpu.memory_space<vmem>>[vector<16xi32>], vector<16xf32>,
        %mul3A_244 = arith.mulf %gather3A_243, %get3A_19 : vector<16xf32>
        %sub3A_245 = arith.subf %mul3A_244, %get3A_73 : vector<16xf32>
        %mul3A_246 = arith.mulf %sub3A_245, %sub3A_245 : vector<16xf32>
        %add3A_247 = arith.addf %add3A_238, %mul3A_246 : vector<16xf32>
        %add3A_248 = arith.constant 8 : i32
        %add3A_249 = arith.addi %mul3A_175, %add3A_248 : i32
        %add3A_250 = vector.broadcast %add3A_249 : i32 to vector<16xi32>
        %add3A_251 = arith.addi %mul3A_3, %add3A_250 : vector<16xi32>
        %gather3A_252 = tpu.vector_load_idx %arg7[%add3A_251] : memref<54000xf32, #tpu.memory_space<vmem>>[vector<16xi32>], vector<16xf32>,
        %mul3A_253 = arith.mulf %gather3A_252, %get3A_21 : vector<16xf32>
        %sub3A_254 = arith.subf %mul3A_253, %get3A_75 : vector<16xf32>
        %mul3A_255 = arith.mulf %sub3A_254, %sub3A_254 : vector<16xf32>
        %add3A_256 = arith.addf %add3A_247, %mul3A_255 : vector<16xf32>
        %add3A_257 = arith.constant 9 : i32
        %add3A_258 = arith.addi %mul3A_175, %add3A_257 : i32
        %add3A_259 = vector.broadcast %add3A_258 : i32 to vector<16xi32>
        %add3A_260 = arith.addi %mul3A_3, %add3A_259 : vector<16xi32>
        %gather3A_261 = tpu.vector_load_idx %arg7[%add3A_260] : memref<54000xf32, #tpu.memory_space<vmem>>[vector<16xi32>], vector<16xf32>,
        %mul3A_262 = arith.mulf %gather3A_261, %get3A_23 : vector<16xf32>
        %sub3A_263 = arith.subf %mul3A_262, %get3A_77 : vector<16xf32>
        %mul3A_264 = arith.mulf %sub3A_263, %sub3A_263 : vector<16xf32>
        %add3A_265 = arith.addf %add3A_256, %mul3A_264 : vector<16xf32>
        %add3A_266 = arith.constant 10 : i32
        %add3A_267 = arith.addi %mul3A_175, %add3A_266 : i32
        %add3A_268 = vector.broadcast %add3A_267 : i32 to vector<16xi32>
        %add3A_269 = arith.addi %mul3A_3, %add3A_268 : vector<16xi32>
        %gather3A_270 = tpu.vector_load_idx %arg7[%add3A_269] : memref<54000xf32, #tpu.memory_space<vmem>>[vector<16xi32>], vector<16xf32>,
        %mul3A_271 = arith.mulf %gather3A_270, %get3A_25 : vector<16xf32>
        %sub3A_272 = arith.subf %mul3A_271, %get3A_79 : vector<16xf32>
        %mul3A_273 = arith.mulf %sub3A_272, %sub3A_272 : vector<16xf32>
        %add3A_274 = arith.addf %add3A_265, %mul3A_273 : vector<16xf32>
        %add3A_275 = arith.constant 11 : i32
        %add3A_276 = arith.addi %mul3A_175, %add3A_275 : i32
        %add3A_277 = vector.broadcast %add3A_276 : i32 to vector<16xi32>
        %add3A_278 = arith.addi %mul3A_3, %add3A_277 : vector<16xi32>
        %gather3A_279 = tpu.vector_load_idx %arg7[%add3A_278] : memref<54000xf32, #tpu.memory_space<vmem>>[vector<16xi32>], vector<16xf32>,
        %mul3A_280 = arith.mulf %gather3A_279, %get3A_27 : vector<16xf32>
        %sub3A_281 = arith.subf %mul3A_280, %get3A_81 : vector<16xf32>
        %mul3A_282 = arith.mulf %sub3A_281, %sub3A_281 : vector<16xf32>
        %add3A_283 = arith.addf %add3A_274, %mul3A_282 : vector<16xf32>
        %add3A_284 = arith.constant 12 : i32
        %add3A_285 = arith.addi %mul3A_175, %add3A_284 : i32
        %add3A_286 = vector.broadcast %add3A_285 : i32 to vector<16xi32>
        %add3A_287 = arith.addi %mul3A_3, %add3A_286 : vector<16xi32>
        %gather3A_288 = tpu.vector_load_idx %arg7[%add3A_287] : memref<54000xf32, #tpu.memory_space<vmem>>[vector<16xi32>], vector<16xf32>,
        %mul3A_289 = arith.mulf %gather3A_288, %get3A_29 : vector<16xf32>
        %sub3A_290 = arith.subf %mul3A_289, %get3A_83 : vector<16xf32>
        %mul3A_291 = arith.mulf %sub3A_290, %sub3A_290 : vector<16xf32>
        %add3A_292 = arith.addf %add3A_283, %mul3A_291 : vector<16xf32>
        %add3A_293 = arith.constant 13 : i32
        %add3A_294 = arith.addi %mul3A_175, %add3A_293 : i32
        %add3A_295 = vector.broadcast %add3A_294 : i32 to vector<16xi32>
        %add3A_296 = arith.addi %mul3A_3, %add3A_295 : vector<16xi32>
        %gather3A_297 = tpu.vector_load_idx %arg7[%add3A_296] : memref<54000xf32, #tpu.memory_space<vmem>>[vector<16xi32>], vector<16xf32>,
        %mul3A_298 = arith.mulf %gather3A_297, %get3A_31 : vector<16xf32>
        %sub3A_299 = arith.subf %mul3A_298, %get3A_85 : vector<16xf32>
        %mul3A_300 = arith.mulf %sub3A_299, %sub3A_299 : vector<16xf32>
        %add3A_301 = arith.addf %add3A_292, %mul3A_300 : vector<16xf32>
        %add3A_302 = arith.constant 14 : i32
        %add3A_303 = arith.addi %mul3A_175, %add3A_302 : i32
        %add3A_304 = vector.broadcast %add3A_303 : i32 to vector<16xi32>
        %add3A_305 = arith.addi %mul3A_3, %add3A_304 : vector<16xi32>
        %gather3A_306 = tpu.vector_load_idx %arg7[%add3A_305] : memref<54000xf32, #tpu.memory_space<vmem>>[vector<16xi32>], vector<16xf32>,
        %mul3A_307 = arith.mulf %gather3A_306, %get3A_33 : vector<16xf32>
        %sub3A_308 = arith.subf %mul3A_307, %get3A_87 : vector<16xf32>
        %mul3A_309 = arith.mulf %sub3A_308, %sub3A_308 : vector<16xf32>
        %add3A_310 = arith.addf %add3A_301, %mul3A_309 : vector<16xf32>
        %add3A_311 = arith.constant 15 : i32
        %add3A_312 = arith.addi %mul3A_175, %add3A_311 : i32
        %add3A_313 = vector.broadcast %add3A_312 : i32 to vector<16xi32>
        %add3A_314 = arith.addi %mul3A_3, %add3A_313 : vector<16xi32>
        %gather3A_315 = tpu.vector_load_idx %arg7[%add3A_314] : memref<54000xf32, #tpu.memory_space<vmem>>[vector<16xi32>], vector<16xf32>,
        %mul3A_316 = arith.mulf %gather3A_315, %get3A_35 : vector<16xf32>
        %sub3A_317 = arith.subf %mul3A_316, %get3A_89 : vector<16xf32>
        %mul3A_318 = arith.mulf %sub3A_317, %sub3A_317 : vector<16xf32>
        %add3A_319 = arith.addf %add3A_310, %mul3A_318 : vector<16xf32>
        %add3A_320 = arith.constant 16 : i32
        %add3A_321 = arith.addi %mul3A_175, %add3A_320 : i32
        %add3A_322 = vector.broadcast %add3A_321 : i32 to vector<16xi32>
        %add3A_323 = arith.addi %mul3A_3, %add3A_322 : vector<16xi32>
        %gather3A_324 = tpu.vector_load_idx %arg7[%add3A_323] : memref<54000xf32, #tpu.memory_space<vmem>>[vector<16xi32>], vector<16xf32>,
        %mul3A_325 = arith.mulf %gather3A_324, %get3A_37 : vector<16xf32>
        %sub3A_326 = arith.subf %mul3A_325, %get3A_91 : vector<16xf32>
        %mul3A_327 = arith.mulf %sub3A_326, %sub3A_326 : vector<16xf32>
        %add3A_328 = arith.addf %add3A_319, %mul3A_327 : vector<16xf32>
        %add3A_329 = arith.constant 17 : i32
        %add3A_330 = arith.addi %mul3A_175, %add3A_329 : i32
        %add3A_331 = vector.broadcast %add3A_330 : i32 to vector<16xi32>
        %add3A_332 = arith.addi %mul3A_3, %add3A_331 : vector<16xi32>
        %gather3A_333 = tpu.vector_load_idx %arg7[%add3A_332] : memref<54000xf32, #tpu.memory_space<vmem>>[vector<16xi32>], vector<16xf32>,
        %mul3A_334 = arith.mulf %gather3A_333, %get3A_39 : vector<16xf32>
        %sub3A_335 = arith.subf %mul3A_334, %get3A_93 : vector<16xf32>
        %mul3A_336 = arith.mulf %sub3A_335, %sub3A_335 : vector<16xf32>
        %add3A_337 = arith.addf %add3A_328, %mul3A_336 : vector<16xf32>
        %add3A_338 = arith.constant 18 : i32
        %add3A_339 = arith.addi %mul3A_175, %add3A_338 : i32
        %add3A_340 = vector.broadcast %add3A_339 : i32 to vector<16xi32>
        %add3A_341 = arith.addi %mul3A_3, %add3A_340 : vector<16xi32>
        %gather3A_342 = tpu.vector_load_idx %arg7[%add3A_341] : memref<54000xf32, #tpu.memory_space<vmem>>[vector<16xi32>], vector<16xf32>,
        %mul3A_343 = arith.mulf %gather3A_342, %get3A_41 : vector<16xf32>
        %sub3A_344 = arith.subf %mul3A_343, %get3A_95 : vector<16xf32>
        %mul3A_345 = arith.mulf %sub3A_344, %sub3A_344 : vector<16xf32>
        %add3A_346 = arith.addf %add3A_337, %mul3A_345 : vector<16xf32>
        %add3A_347 = arith.constant 19 : i32
        %add3A_348 = arith.addi %mul3A_175, %add3A_347 : i32
        %add3A_349 = vector.broadcast %add3A_348 : i32 to vector<16xi32>
        %add3A_350 = arith.addi %mul3A_3, %add3A_349 : vector<16xi32>
        %gather3A_351 = tpu.vector_load_idx %arg7[%add3A_350] : memref<54000xf32, #tpu.memory_space<vmem>>[vector<16xi32>], vector<16xf32>,
        %mul3A_352 = arith.mulf %gather3A_351, %get3A_43 : vector<16xf32>
        %sub3A_353 = arith.subf %mul3A_352, %get3A_97 : vector<16xf32>
        %mul3A_354 = arith.mulf %sub3A_353, %sub3A_353 : vector<16xf32>
        %add3A_355 = arith.addf %add3A_346, %mul3A_354 : vector<16xf32>
        %add3A_356 = arith.constant 20 : i32
        %add3A_357 = arith.addi %mul3A_175, %add3A_356 : i32
        %add3A_358 = vector.broadcast %add3A_357 : i32 to vector<16xi32>
        %add3A_359 = arith.addi %mul3A_3, %add3A_358 : vector<16xi32>
        %gather3A_360 = tpu.vector_load_idx %arg7[%add3A_359] : memref<54000xf32, #tpu.memory_space<vmem>>[vector<16xi32>], vector<16xf32>,
        %mul3A_361 = arith.mulf %gather3A_360, %get3A_45 : vector<16xf32>
        %sub3A_362 = arith.subf %mul3A_361, %get3A_99 : vector<16xf32>
        %mul3A_363 = arith.mulf %sub3A_362, %sub3A_362 : vector<16xf32>
        %add3A_364 = arith.addf %add3A_355, %mul3A_363 : vector<16xf32>
        %add3A_365 = arith.constant 21 : i32
        %add3A_366 = arith.addi %mul3A_175, %add3A_365 : i32
        %add3A_367 = vector.broadcast %add3A_366 : i32 to vector<16xi32>
        %add3A_368 = arith.addi %mul3A_3, %add3A_367 : vector<16xi32>
        %gather3A_369 = tpu.vector_load_idx %arg7[%add3A_368] : memref<54000xf32, #tpu.memory_space<vmem>>[vector<16xi32>], vector<16xf32>,
        %mul3A_370 = arith.mulf %gather3A_369, %get3A_47 : vector<16xf32>
        %sub3A_371 = arith.subf %mul3A_370, %get3A_101 : vector<16xf32>
        %mul3A_372 = arith.mulf %sub3A_371, %sub3A_371 : vector<16xf32>
        %add3A_373 = arith.addf %add3A_364, %mul3A_372 : vector<16xf32>
        %add3A_374 = arith.constant 22 : i32
        %add3A_375 = arith.addi %mul3A_175, %add3A_374 : i32
        %add3A_376 = vector.broadcast %add3A_375 : i32 to vector<16xi32>
        %add3A_377 = arith.addi %mul3A_3, %add3A_376 : vector<16xi32>
        %gather3A_378 = tpu.vector_load_idx %arg7[%add3A_377] : memref<54000xf32, #tpu.memory_space<vmem>>[vector<16xi32>], vector<16xf32>,
        %mul3A_379 = arith.mulf %gather3A_378, %get3A_49 : vector<16xf32>
        %sub3A_380 = arith.subf %mul3A_379, %get3A_103 : vector<16xf32>
        %mul3A_381 = arith.mulf %sub3A_380, %sub3A_380 : vector<16xf32>
        %add3A_382 = arith.addf %add3A_373, %mul3A_381 : vector<16xf32>
        %add3A_383 = arith.constant 23 : i32
        %add3A_384 = arith.addi %mul3A_175, %add3A_383 : i32
        %add3A_385 = vector.broadcast %add3A_384 : i32 to vector<16xi32>
        %add3A_386 = arith.addi %mul3A_3, %add3A_385 : vector<16xi32>
        %gather3A_387 = tpu.vector_load_idx %arg7[%add3A_386] : memref<54000xf32, #tpu.memory_space<vmem>>[vector<16xi32>], vector<16xf32>,
        %mul3A_388 = arith.mulf %gather3A_387, %get3A_51 : vector<16xf32>
        %sub3A_389 = arith.subf %mul3A_388, %get3A_105 : vector<16xf32>
        %mul3A_390 = arith.mulf %sub3A_389, %sub3A_389 : vector<16xf32>
        %add3A_391 = arith.addf %add3A_382, %mul3A_390 : vector<16xf32>
        %add3A_392 = arith.constant 24 : i32
        %add3A_393 = arith.addi %mul3A_175, %add3A_392 : i32
        %add3A_394 = vector.broadcast %add3A_393 : i32 to vector<16xi32>
        %add3A_395 = arith.addi %mul3A_3, %add3A_394 : vector<16xi32>
        %gather3A_396 = tpu.vector_load_idx %arg7[%add3A_395] : memref<54000xf32, #tpu.memory_space<vmem>>[vector<16xi32>], vector<16xf32>,
        %mul3A_397 = arith.mulf %gather3A_396, %get3A_53 : vector<16xf32>
        %sub3A_398 = arith.subf %mul3A_397, %get3A_107 : vector<16xf32>
        %mul3A_399 = arith.mulf %sub3A_398, %sub3A_398 : vector<16xf32>
        %add3A_400 = arith.addf %add3A_391, %mul3A_399 : vector<16xf32>
        %add3A_401 = arith.constant 25 : i32
        %add3A_402 = arith.addi %mul3A_175, %add3A_401 : i32
        %add3A_403 = vector.broadcast %add3A_402 : i32 to vector<16xi32>
        %add3A_404 = arith.addi %mul3A_3, %add3A_403 : vector<16xi32>
        %gather3A_405 = tpu.vector_load_idx %arg7[%add3A_404] : memref<54000xf32, #tpu.memory_space<vmem>>[vector<16xi32>], vector<16xf32>,
        %mul3A_406 = arith.mulf %gather3A_405, %get3A_55 : vector<16xf32>
        %sub3A_407 = arith.subf %mul3A_406, %get3A_109 : vector<16xf32>
        %mul3A_408 = arith.mulf %sub3A_407, %sub3A_407 : vector<16xf32>
        %add3A_409 = arith.addf %add3A_400, %mul3A_408 : vector<16xf32>
        %add3A_410 = arith.constant 26 : i32
        %add3A_411 = arith.addi %mul3A_175, %add3A_410 : i32
        %add3A_412 = vector.broadcast %add3A_411 : i32 to vector<16xi32>
        %add3A_413 = arith.addi %mul3A_3, %add3A_412 : vector<16xi32>
        %gather3A_414 = tpu.vector_load_idx %arg7[%add3A_413] : memref<54000xf32, #tpu.memory_space<vmem>>[vector<16xi32>], vector<16xf32>,
        %mul3A_415 = arith.mulf %gather3A_414, %get3A_57 : vector<16xf32>
        %sub3A_416 = arith.subf %mul3A_415, %get3A_111 : vector<16xf32>
        %mul3A_417 = arith.mulf %sub3A_416, %sub3A_416 : vector<16xf32>
        %add3A_418 = arith.addf %add3A_409, %mul3A_417 : vector<16xf32>
        %mul3A_419 = arith.constant 16 : i32
        %mul3A_420 = arith.muli %scan3A_167, %mul3A_419 : i32
        %add3A_421 = arith.addi %mul3A_148, %mul3A_420 : i32
        %add3A_422 = vector.broadcast %add3A_421 : i32 to vector<16xi32>
        %add3A_423 = arith.addi %iota3A_4, %add3A_422 : vector<16xi32>
        %lt3A_424 = arith.cmpf olt, %add3A_418, %scan3A_168 : vector<16xf32>
        %lt3A_425 = arith.cmpf olt, %add3A_418, %scan3A_169 : vector<16xf32>
        %lt3A_426 = arith.cmpf olt, %add3A_418, %scan3A_170 : vector<16xf32>
        %select_n3A = arith.select %lt3A_426, %add3A_418, %scan3A_170 : vector<16xi1>, vector<16xf32>
        %select_n3A_427 = arith.select %lt3A_425, %scan3A_169, %select_n3A : vector<16xi1>, vector<16xf32>
        %select_n3A_428 = arith.select %lt3A_426, %add3A_423, %scan3A_173 : vector<16xi1>, vector<16xi32>
        %select_n3A_429 = arith.select %lt3A_425, %scan3A_172, %select_n3A_428 : vector<16xi1>, vector<16xi32>
        %select_n3A_430 = arith.select %lt3A_425, %add3A_418, %scan3A_169 : vector<16xi1>, vector<16xf32>
        %select_n3A_431 = arith.select %lt3A_424, %scan3A_168, %select_n3A_430 : vector<16xi1>, vector<16xf32>
        %select_n3A_432 = arith.select %lt3A_425, %add3A_423, %scan3A_172 : vector<16xi1>, vector<16xi32>
        %select_n3A_433 = arith.select %lt3A_424, %scan3A_171, %select_n3A_432 : vector<16xi1>, vector<16xi32>
        %select_n3A_434 = arith.select %lt3A_424, %add3A_418, %scan3A_168 : vector<16xi1>, vector<16xf32>
        %select_n3A_435 = arith.select %lt3A_424, %add3A_423, %scan3A_171 : vector<16xi1>, vector<16xi32>
        scf.yield %select_n3A_434, %select_n3A_431, %select_n3A_427, %select_n3A_435, %select_n3A_433, %select_n3A_429 : vector<16xf32>, vector<16xf32>, vector<16xf32>, vector<16xi32>, vector<16xi32>, vector<16xi32>
      }
      %scan3A_154 = arith.constant 125 : i32
      %swap3A_155 = arith.constant 0 : index
      %swap3A_156 = tpu.vector_load %arg10[%swap3A_155] {strides = array<i32>} : memref<48xf32, #tpu.memory_space<vmem>>, vector<16xf32>,
      tpu.vector_store %arg10[%swap3A_155], %scan3A_153#0 {strides = array<i32>} : memref<48xf32, #tpu.memory_space<vmem>>, vector<16xf32>,
      %swap3A_157 = arith.constant 16 : index
      %swap3A_158 = tpu.vector_load %arg10[%swap3A_157] {strides = array<i32>} : memref<48xf32, #tpu.memory_space<vmem>>, vector<16xf32>,
      tpu.vector_store %arg10[%swap3A_157], %scan3A_153#1 {strides = array<i32>} : memref<48xf32, #tpu.memory_space<vmem>>, vector<16xf32>,
      %swap3A_159 = arith.constant 32 : index
      %swap3A_160 = tpu.vector_load %arg10[%swap3A_159] {strides = array<i32>} : memref<48xf32, #tpu.memory_space<vmem>>, vector<16xf32>,
      tpu.vector_store %arg10[%swap3A_159], %scan3A_153#2 {strides = array<i32>} : memref<48xf32, #tpu.memory_space<vmem>>, vector<16xf32>,
      %swap3A_161 = arith.constant 0 : index
      %swap3A_162 = tpu.vector_load %arg11[%swap3A_161] {strides = array<i32>} : memref<48xi32, #tpu.memory_space<vmem>>, vector<16xi32>,
      tpu.vector_store %arg11[%swap3A_161], %scan3A_153#3 {strides = array<i32>} : memref<48xi32, #tpu.memory_space<vmem>>, vector<16xi32>,
      %swap3A_163 = arith.constant 16 : index
      %swap3A_164 = tpu.vector_load %arg11[%swap3A_163] {strides = array<i32>} : memref<48xi32, #tpu.memory_space<vmem>>, vector<16xi32>,
      tpu.vector_store %arg11[%swap3A_163], %scan3A_153#4 {strides = array<i32>} : memref<48xi32, #tpu.memory_space<vmem>>, vector<16xi32>,
      %swap3A_165 = arith.constant 32 : index
      %swap3A_166 = tpu.vector_load %arg11[%swap3A_165] {strides = array<i32>} : memref<48xi32, #tpu.memory_space<vmem>>, vector<16xi32>,
      tpu.vector_store %arg11[%swap3A_165], %scan3A_153#5 {strides = array<i32>} : memref<48xi32, #tpu.memory_space<vmem>>, vector<16xi32>,
    } else {
    }
    "tpu.region"() ({
      %run_scoped3A = tpu.sem_alloc : memref<!tpu.dma_semaphore, #tpu.memory_space<semaphore_mem>>
      %dma_start3A = arith.constant 0 : i32
      %dma_start3A_133 = tpu.memref_slice %arg5[%add3A, %dma_start3A] : memref<32x48xf32, #tpu.memory_space<hbm>> -> memref<1x48xf32, #tpu.memory_space<hbm>>
      %dma_start3A_134 = tpu.memref_squeeze %dma_start3A_133 : memref<1x48xf32, #tpu.memory_space<hbm>> -> memref<48xf32, #tpu.memory_space<hbm>>
      %dma_start3A_135 = arith.constant 0 : i32
      %dma_start3A_136 = tpu.memref_slice %arg5[%add3A, %dma_start3A_135] : memref<32x48xf32, #tpu.memory_space<hbm>> -> memref<1x48xf32, #tpu.memory_space<hbm>>
      %dma_start3A_137 = tpu.memref_squeeze %dma_start3A_136 : memref<1x48xf32, #tpu.memory_space<hbm>> -> memref<48xf32, #tpu.memory_space<hbm>>
      tpu.enqueue_dma source(%arg10 : memref<48xf32, #tpu.memory_space<vmem>>) target(%dma_start3A_137 : memref<48xf32, #tpu.memory_space<hbm>>) target_semaphore(%run_scoped3A : memref<!tpu.dma_semaphore, #tpu.memory_space<semaphore_mem>>)
      %dma_wait3A = arith.constant 0 : i32
      %dma_wait3A_138 = tpu.memref_slice %arg5[%add3A, %dma_wait3A] : memref<32x48xf32, #tpu.memory_space<hbm>> -> memref<1x48xf32, #tpu.memory_space<hbm>>
      %dma_wait3A_139 = tpu.memref_squeeze %dma_wait3A_138 : memref<1x48xf32, #tpu.memory_space<hbm>> -> memref<48xf32, #tpu.memory_space<hbm>>
      %dma_wait3A_140 = arith.constant 0 : i32
      %dma_wait3A_141 = tpu.memref_slice %arg5[%add3A, %dma_wait3A_140] : memref<32x48xf32, #tpu.memory_space<hbm>> -> memref<1x48xf32, #tpu.memory_space<hbm>>
      %dma_wait3A_142 = tpu.memref_squeeze %dma_wait3A_141 : memref<1x48xf32, #tpu.memory_space<hbm>> -> memref<48xf32, #tpu.memory_space<hbm>>
      tpu.wait_dma2 semaphore(%run_scoped3A : memref<!tpu.dma_semaphore, #tpu.memory_space<semaphore_mem>>) src(%arg10 : memref<48xf32, #tpu.memory_space<vmem>>) dst(%dma_wait3A_142 : memref<48xf32, #tpu.memory_space<hbm>>)
      tpu.yield
    }) : () -> ()
    "tpu.region"() ({
      %run_scoped3A = tpu.sem_alloc : memref<!tpu.dma_semaphore, #tpu.memory_space<semaphore_mem>>
      %dma_start3A = arith.constant 0 : i32
      %dma_start3A_133 = tpu.memref_slice %arg6[%add3A, %dma_start3A] : memref<32x48xi32, #tpu.memory_space<hbm>> -> memref<1x48xi32, #tpu.memory_space<hbm>>
      %dma_start3A_134 = tpu.memref_squeeze %dma_start3A_133 : memref<1x48xi32, #tpu.memory_space<hbm>> -> memref<48xi32, #tpu.memory_space<hbm>>
      %dma_start3A_135 = arith.constant 0 : i32
      %dma_start3A_136 = tpu.memref_slice %arg6[%add3A, %dma_start3A_135] : memref<32x48xi32, #tpu.memory_space<hbm>> -> memref<1x48xi32, #tpu.memory_space<hbm>>
      %dma_start3A_137 = tpu.memref_squeeze %dma_start3A_136 : memref<1x48xi32, #tpu.memory_space<hbm>> -> memref<48xi32, #tpu.memory_space<hbm>>
      tpu.enqueue_dma source(%arg11 : memref<48xi32, #tpu.memory_space<vmem>>) target(%dma_start3A_137 : memref<48xi32, #tpu.memory_space<hbm>>) target_semaphore(%run_scoped3A : memref<!tpu.dma_semaphore, #tpu.memory_space<semaphore_mem>>)
      %dma_wait3A = arith.constant 0 : i32
      %dma_wait3A_138 = tpu.memref_slice %arg6[%add3A, %dma_wait3A] : memref<32x48xi32, #tpu.memory_space<hbm>> -> memref<1x48xi32, #tpu.memory_space<hbm>>
      %dma_wait3A_139 = tpu.memref_squeeze %dma_wait3A_138 : memref<1x48xi32, #tpu.memory_space<hbm>> -> memref<48xi32, #tpu.memory_space<hbm>>
      %dma_wait3A_140 = arith.constant 0 : i32
      %dma_wait3A_141 = tpu.memref_slice %arg6[%add3A, %dma_wait3A_140] : memref<32x48xi32, #tpu.memory_space<hbm>> -> memref<1x48xi32, #tpu.memory_space<hbm>>
      %dma_wait3A_142 = tpu.memref_squeeze %dma_wait3A_141 : memref<1x48xi32, #tpu.memory_space<hbm>> -> memref<48xi32, #tpu.memory_space<hbm>>
      tpu.wait_dma2 semaphore(%run_scoped3A : memref<!tpu.dma_semaphore, #tpu.memory_space<semaphore_mem>>) src(%arg11 : memref<48xi32, #tpu.memory_space<vmem>>) dst(%dma_wait3A_142 : memref<48xi32, #tpu.memory_space<hbm>>)
      tpu.yield
    }) : () -> ()
    return
  }
}

#map = affine_map<(d0, d1) -> (0, 0)>
module attributes {stable_mosaic.version = 14 : i64} {
  func.func @_sc_colmax_body(%arg0: i32, %arg1: i32, %arg2: memref<500x54000xf32, #tpu.memory_space<hbm>>, %arg3: memref<32x432xf32, #tpu.memory_space<hbm>>, %arg4: memref<54000xf32, #tpu.memory_space<vmem>>, %arg5: memref<432xf32, #tpu.memory_space<vmem>>) attributes {dimension_semantics = [#tpu.dimension_semantics<core_parallel>, #tpu.dimension_semantics<subcore_parallel>], iteration_bounds = array<i64: 2, 16>, scalar_prefetch = 0 : i64, scratch_operands = 2 : i64, tpu.core_type = #tpu.core_type<sc_vector_subcore>, window_params = [{transform_indices = #map}, {transform_indices = #map}]} {
    %mul3A = arith.constant 2 : i32
    %mul3A_0 = arith.muli %arg1, %mul3A : i32
    %add3A = arith.addi %mul3A_0, %arg0 : i32
    %iota3A = tpu.iota {dimensions = array<i32: 0>} : vector<16xi32>
    %mul3A_1 = arith.constant 27 : i32
    %mul3A_2 = vector.broadcast %mul3A_1 : i32 to vector<16xi32>
    %mul3A_3 = arith.muli %iota3A, %mul3A_2 : vector<16xi32>
    %broadcast_in_dim3A = arith.constant 0.000000e+00 : f32
    %broadcast_in_dim3A_4 = vector.broadcast %broadcast_in_dim3A : f32 to vector<16xf32>
    %broadcast_in_dim3A_5 = arith.constant 0.000000e+00 : f32
    %broadcast_in_dim3A_6 = vector.broadcast %broadcast_in_dim3A_5 : f32 to vector<16xf32>
    %broadcast_in_dim3A_7 = arith.constant 0.000000e+00 : f32
    %broadcast_in_dim3A_8 = vector.broadcast %broadcast_in_dim3A_7 : f32 to vector<16xf32>
    %broadcast_in_dim3A_9 = arith.constant 0.000000e+00 : f32
    %broadcast_in_dim3A_10 = vector.broadcast %broadcast_in_dim3A_9 : f32 to vector<16xf32>
    %broadcast_in_dim3A_11 = arith.constant 0.000000e+00 : f32
    %broadcast_in_dim3A_12 = vector.broadcast %broadcast_in_dim3A_11 : f32 to vector<16xf32>
    %broadcast_in_dim3A_13 = arith.constant 0.000000e+00 : f32
    %broadcast_in_dim3A_14 = vector.broadcast %broadcast_in_dim3A_13 : f32 to vector<16xf32>
    %broadcast_in_dim3A_15 = arith.constant 0.000000e+00 : f32
    %broadcast_in_dim3A_16 = vector.broadcast %broadcast_in_dim3A_15 : f32 to vector<16xf32>
    %broadcast_in_dim3A_17 = arith.constant 0.000000e+00 : f32
    %broadcast_in_dim3A_18 = vector.broadcast %broadcast_in_dim3A_17 : f32 to vector<16xf32>
    %broadcast_in_dim3A_19 = arith.constant 0.000000e+00 : f32
    %broadcast_in_dim3A_20 = vector.broadcast %broadcast_in_dim3A_19 : f32 to vector<16xf32>
    %broadcast_in_dim3A_21 = arith.constant 0.000000e+00 : f32
    %broadcast_in_dim3A_22 = vector.broadcast %broadcast_in_dim3A_21 : f32 to vector<16xf32>
    %broadcast_in_dim3A_23 = arith.constant 0.000000e+00 : f32
    %broadcast_in_dim3A_24 = vector.broadcast %broadcast_in_dim3A_23 : f32 to vector<16xf32>
    %broadcast_in_dim3A_25 = arith.constant 0.000000e+00 : f32
    %broadcast_in_dim3A_26 = vector.broadcast %broadcast_in_dim3A_25 : f32 to vector<16xf32>
    %broadcast_in_dim3A_27 = arith.constant 0.000000e+00 : f32
    %broadcast_in_dim3A_28 = vector.broadcast %broadcast_in_dim3A_27 : f32 to vector<16xf32>
    %broadcast_in_dim3A_29 = arith.constant 0.000000e+00 : f32
    %broadcast_in_dim3A_30 = vector.broadcast %broadcast_in_dim3A_29 : f32 to vector<16xf32>
    %broadcast_in_dim3A_31 = arith.constant 0.000000e+00 : f32
    %broadcast_in_dim3A_32 = vector.broadcast %broadcast_in_dim3A_31 : f32 to vector<16xf32>
    %broadcast_in_dim3A_33 = arith.constant 0.000000e+00 : f32
    %broadcast_in_dim3A_34 = vector.broadcast %broadcast_in_dim3A_33 : f32 to vector<16xf32>
    %broadcast_in_dim3A_35 = arith.constant 0.000000e+00 : f32
    %broadcast_in_dim3A_36 = vector.broadcast %broadcast_in_dim3A_35 : f32 to vector<16xf32>
    %broadcast_in_dim3A_37 = arith.constant 0.000000e+00 : f32
    %broadcast_in_dim3A_38 = vector.broadcast %broadcast_in_dim3A_37 : f32 to vector<16xf32>
    %broadcast_in_dim3A_39 = arith.constant 0.000000e+00 : f32
    %broadcast_in_dim3A_40 = vector.broadcast %broadcast_in_dim3A_39 : f32 to vector<16xf32>
    %broadcast_in_dim3A_41 = arith.constant 0.000000e+00 : f32
    %broadcast_in_dim3A_42 = vector.broadcast %broadcast_in_dim3A_41 : f32 to vector<16xf32>
    %broadcast_in_dim3A_43 = arith.constant 0.000000e+00 : f32
    %broadcast_in_dim3A_44 = vector.broadcast %broadcast_in_dim3A_43 : f32 to vector<16xf32>
    %broadcast_in_dim3A_45 = arith.constant 0.000000e+00 : f32
    %broadcast_in_dim3A_46 = vector.broadcast %broadcast_in_dim3A_45 : f32 to vector<16xf32>
    %broadcast_in_dim3A_47 = arith.constant 0.000000e+00 : f32
    %broadcast_in_dim3A_48 = vector.broadcast %broadcast_in_dim3A_47 : f32 to vector<16xf32>
    %broadcast_in_dim3A_49 = arith.constant 0.000000e+00 : f32
    %broadcast_in_dim3A_50 = vector.broadcast %broadcast_in_dim3A_49 : f32 to vector<16xf32>
    %broadcast_in_dim3A_51 = arith.constant 0.000000e+00 : f32
    %broadcast_in_dim3A_52 = vector.broadcast %broadcast_in_dim3A_51 : f32 to vector<16xf32>
    %broadcast_in_dim3A_53 = arith.constant 0.000000e+00 : f32
    %broadcast_in_dim3A_54 = vector.broadcast %broadcast_in_dim3A_53 : f32 to vector<16xf32>
    %broadcast_in_dim3A_55 = arith.constant 0.000000e+00 : f32
    %broadcast_in_dim3A_56 = vector.broadcast %broadcast_in_dim3A_55 : f32 to vector<16xf32>
    %scan3A = arith.constant 0 : i32
    %scan3A_57 = arith.constant 15 : i32
    %scan3A_58 = arith.addi %scan3A, %scan3A_57 : i32
    %scan3A_59 = arith.constant 1 : i32
    %scan3A_60:27 = scf.for %scan3A_117 = %scan3A to %scan3A_58 step %scan3A_59 iter_args(%scan3A_118 = %broadcast_in_dim3A_4, %scan3A_119 = %broadcast_in_dim3A_6, %scan3A_120 = %broadcast_in_dim3A_8, %scan3A_121 = %broadcast_in_dim3A_10, %scan3A_122 = %broadcast_in_dim3A_12, %scan3A_123 = %broadcast_in_dim3A_14, %scan3A_124 = %broadcast_in_dim3A_16, %scan3A_125 = %broadcast_in_dim3A_18, %scan3A_126 = %broadcast_in_dim3A_20, %scan3A_127 = %broadcast_in_dim3A_22, %scan3A_128 = %broadcast_in_dim3A_24, %scan3A_129 = %broadcast_in_dim3A_26, %scan3A_130 = %broadcast_in_dim3A_28, %scan3A_131 = %broadcast_in_dim3A_30, %scan3A_132 = %broadcast_in_dim3A_32, %scan3A_133 = %broadcast_in_dim3A_34, %scan3A_134 = %broadcast_in_dim3A_36, %scan3A_135 = %broadcast_in_dim3A_38, %scan3A_136 = %broadcast_in_dim3A_40, %scan3A_137 = %broadcast_in_dim3A_42, %scan3A_138 = %broadcast_in_dim3A_44, %scan3A_139 = %broadcast_in_dim3A_46, %scan3A_140 = %broadcast_in_dim3A_48, %scan3A_141 = %broadcast_in_dim3A_50, %scan3A_142 = %broadcast_in_dim3A_52, %scan3A_143 = %broadcast_in_dim3A_54, %scan3A_144 = %broadcast_in_dim3A_56) -> (vector<16xf32>, vector<16xf32>, vector<16xf32>, vector<16xf32>, vector<16xf32>, vector<16xf32>, vector<16xf32>, vector<16xf32>, vector<16xf32>, vector<16xf32>, vector<16xf32>, vector<16xf32>, vector<16xf32>, vector<16xf32>, vector<16xf32>, vector<16xf32>, vector<16xf32>, vector<16xf32>, vector<16xf32>, vector<16xf32>, vector<16xf32>, vector<16xf32>, vector<16xf32>, vector<16xf32>, vector<16xf32>, vector<16xf32>, vector<16xf32>)  : i32 {
      %mul3A_145 = arith.constant 32 : i32
      %mul3A_146 = arith.muli %mul3A_145, %scan3A_117 : i32
      %add3A_147 = arith.addi %add3A, %mul3A_146 : i32
      "tpu.region"() ({
        %run_scoped3A = tpu.sem_alloc : memref<!tpu.dma_semaphore, #tpu.memory_space<semaphore_mem>>
        %dma_start3A = arith.constant 0 : i32
        %dma_start3A_154 = tpu.memref_slice %arg2[%add3A_147, %dma_start3A] : memref<500x54000xf32, #tpu.memory_space<hbm>> -> memref<1x54000xf32, #tpu.memory_space<hbm>>
        %dma_start3A_155 = tpu.memref_squeeze %dma_start3A_154 : memref<1x54000xf32, #tpu.memory_space<hbm>> -> memref<54000xf32, #tpu.memory_space<hbm>>
        %dma_start3A_156 = arith.constant 0 : i32
        %dma_start3A_157 = tpu.memref_slice %arg2[%add3A_147, %dma_start3A_156] : memref<500x54000xf32, #tpu.memory_space<hbm>> -> memref<1x54000xf32, #tpu.memory_space<hbm>>
        %dma_start3A_158 = tpu.memref_squeeze %dma_start3A_157 : memref<1x54000xf32, #tpu.memory_space<hbm>> -> memref<54000xf32, #tpu.memory_space<hbm>>
        tpu.enqueue_dma source(%dma_start3A_158 : memref<54000xf32, #tpu.memory_space<hbm>>) target(%arg4 : memref<54000xf32, #tpu.memory_space<vmem>>) target_semaphore(%run_scoped3A : memref<!tpu.dma_semaphore, #tpu.memory_space<semaphore_mem>>)
        %dma_wait3A = arith.constant 0 : i32
        %dma_wait3A_159 = tpu.memref_slice %arg2[%add3A_147, %dma_wait3A] : memref<500x54000xf32, #tpu.memory_space<hbm>> -> memref<1x54000xf32, #tpu.memory_space<hbm>>
        %dma_wait3A_160 = tpu.memref_squeeze %dma_wait3A_159 : memref<1x54000xf32, #tpu.memory_space<hbm>> -> memref<54000xf32, #tpu.memory_space<hbm>>
        %dma_wait3A_161 = arith.constant 0 : i32
        %dma_wait3A_162 = tpu.memref_slice %arg2[%add3A_147, %dma_wait3A_161] : memref<500x54000xf32, #tpu.memory_space<hbm>> -> memref<1x54000xf32, #tpu.memory_space<hbm>>
        %dma_wait3A_163 = tpu.memref_squeeze %dma_wait3A_162 : memref<1x54000xf32, #tpu.memory_space<hbm>> -> memref<54000xf32, #tpu.memory_space<hbm>>
        tpu.wait_dma2 semaphore(%run_scoped3A : memref<!tpu.dma_semaphore, #tpu.memory_space<semaphore_mem>>) src(%dma_wait3A_163 : memref<54000xf32, #tpu.memory_space<hbm>>) dst(%arg4 : memref<54000xf32, #tpu.memory_space<vmem>>)
        tpu.yield
      }) : () -> ()
      %scan3A_148 = arith.constant 0 : i32
      %scan3A_149 = arith.constant 125 : i32
      %scan3A_150 = arith.addi %scan3A_148, %scan3A_149 : i32
      %scan3A_151 = arith.constant 1 : i32
      %scan3A_152:27 = scf.for %scan3A_154 = %scan3A_148 to %scan3A_150 step %scan3A_151 iter_args(%scan3A_155 = %scan3A_118, %scan3A_156 = %scan3A_119, %scan3A_157 = %scan3A_120, %scan3A_158 = %scan3A_121, %scan3A_159 = %scan3A_122, %scan3A_160 = %scan3A_123, %scan3A_161 = %scan3A_124, %scan3A_162 = %scan3A_125, %scan3A_163 = %scan3A_126, %scan3A_164 = %scan3A_127, %scan3A_165 = %scan3A_128, %scan3A_166 = %scan3A_129, %scan3A_167 = %scan3A_130, %scan3A_168 = %scan3A_131, %scan3A_169 = %scan3A_132, %scan3A_170 = %scan3A_133, %scan3A_171 = %scan3A_134, %scan3A_172 = %scan3A_135, %scan3A_173 = %scan3A_136, %scan3A_174 = %scan3A_137, %scan3A_175 = %scan3A_138, %scan3A_176 = %scan3A_139, %scan3A_177 = %scan3A_140, %scan3A_178 = %scan3A_141, %scan3A_179 = %scan3A_142, %scan3A_180 = %scan3A_143, %scan3A_181 = %scan3A_144) -> (vector<16xf32>, vector<16xf32>, vector<16xf32>, vector<16xf32>, vector<16xf32>, vector<16xf32>, vector<16xf32>, vector<16xf32>, vector<16xf32>, vector<16xf32>, vector<16xf32>, vector<16xf32>, vector<16xf32>, vector<16xf32>, vector<16xf32>, vector<16xf32>, vector<16xf32>, vector<16xf32>, vector<16xf32>, vector<16xf32>, vector<16xf32>, vector<16xf32>, vector<16xf32>, vector<16xf32>, vector<16xf32>, vector<16xf32>, vector<16xf32>)  : i32 {
        %mul3A_182 = arith.constant 432 : i32
        %mul3A_183 = arith.muli %scan3A_154, %mul3A_182 : i32
        %add3A_184 = arith.constant 0 : i32
        %add3A_185 = arith.addi %mul3A_183, %add3A_184 : i32
        %add3A_186 = vector.broadcast %add3A_185 : i32 to vector<16xi32>
        %add3A_187 = arith.addi %mul3A_3, %add3A_186 : vector<16xi32>
        %gather3A = tpu.vector_load_idx %arg4[%add3A_187] : memref<54000xf32, #tpu.memory_space<vmem>>[vector<16xi32>], vector<16xf32>,
        %abs3A = math.absf %gather3A : vector<16xf32>
        %max3A = arith.maximumf %scan3A_155, %abs3A : vector<16xf32>
        %add3A_188 = arith.constant 1 : i32
        %add3A_189 = arith.addi %mul3A_183, %add3A_188 : i32
        %add3A_190 = vector.broadcast %add3A_189 : i32 to vector<16xi32>
        %add3A_191 = arith.addi %mul3A_3, %add3A_190 : vector<16xi32>
        %gather3A_192 = tpu.vector_load_idx %arg4[%add3A_191] : memref<54000xf32, #tpu.memory_space<vmem>>[vector<16xi32>], vector<16xf32>,
        %abs3A_193 = math.absf %gather3A_192 : vector<16xf32>
        %max3A_194 = arith.maximumf %scan3A_156, %abs3A_193 : vector<16xf32>
        %add3A_195 = arith.constant 2 : i32
        %add3A_196 = arith.addi %mul3A_183, %add3A_195 : i32
        %add3A_197 = vector.broadcast %add3A_196 : i32 to vector<16xi32>
        %add3A_198 = arith.addi %mul3A_3, %add3A_197 : vector<16xi32>
        %gather3A_199 = tpu.vector_load_idx %arg4[%add3A_198] : memref<54000xf32, #tpu.memory_space<vmem>>[vector<16xi32>], vector<16xf32>,
        %abs3A_200 = math.absf %gather3A_199 : vector<16xf32>
        %max3A_201 = arith.maximumf %scan3A_157, %abs3A_200 : vector<16xf32>
        %add3A_202 = arith.constant 3 : i32
        %add3A_203 = arith.addi %mul3A_183, %add3A_202 : i32
        %add3A_204 = vector.broadcast %add3A_203 : i32 to vector<16xi32>
        %add3A_205 = arith.addi %mul3A_3, %add3A_204 : vector<16xi32>
        %gather3A_206 = tpu.vector_load_idx %arg4[%add3A_205] : memref<54000xf32, #tpu.memory_space<vmem>>[vector<16xi32>], vector<16xf32>,
        %abs3A_207 = math.absf %gather3A_206 : vector<16xf32>
        %max3A_208 = arith.maximumf %scan3A_158, %abs3A_207 : vector<16xf32>
        %add3A_209 = arith.constant 4 : i32
        %add3A_210 = arith.addi %mul3A_183, %add3A_209 : i32
        %add3A_211 = vector.broadcast %add3A_210 : i32 to vector<16xi32>
        %add3A_212 = arith.addi %mul3A_3, %add3A_211 : vector<16xi32>
        %gather3A_213 = tpu.vector_load_idx %arg4[%add3A_212] : memref<54000xf32, #tpu.memory_space<vmem>>[vector<16xi32>], vector<16xf32>,
        %abs3A_214 = math.absf %gather3A_213 : vector<16xf32>
        %max3A_215 = arith.maximumf %scan3A_159, %abs3A_214 : vector<16xf32>
        %add3A_216 = arith.constant 5 : i32
        %add3A_217 = arith.addi %mul3A_183, %add3A_216 : i32
        %add3A_218 = vector.broadcast %add3A_217 : i32 to vector<16xi32>
        %add3A_219 = arith.addi %mul3A_3, %add3A_218 : vector<16xi32>
        %gather3A_220 = tpu.vector_load_idx %arg4[%add3A_219] : memref<54000xf32, #tpu.memory_space<vmem>>[vector<16xi32>], vector<16xf32>,
        %abs3A_221 = math.absf %gather3A_220 : vector<16xf32>
        %max3A_222 = arith.maximumf %scan3A_160, %abs3A_221 : vector<16xf32>
        %add3A_223 = arith.constant 6 : i32
        %add3A_224 = arith.addi %mul3A_183, %add3A_223 : i32
        %add3A_225 = vector.broadcast %add3A_224 : i32 to vector<16xi32>
        %add3A_226 = arith.addi %mul3A_3, %add3A_225 : vector<16xi32>
        %gather3A_227 = tpu.vector_load_idx %arg4[%add3A_226] : memref<54000xf32, #tpu.memory_space<vmem>>[vector<16xi32>], vector<16xf32>,
        %abs3A_228 = math.absf %gather3A_227 : vector<16xf32>
        %max3A_229 = arith.maximumf %scan3A_161, %abs3A_228 : vector<16xf32>
        %add3A_230 = arith.constant 7 : i32
        %add3A_231 = arith.addi %mul3A_183, %add3A_230 : i32
        %add3A_232 = vector.broadcast %add3A_231 : i32 to vector<16xi32>
        %add3A_233 = arith.addi %mul3A_3, %add3A_232 : vector<16xi32>
        %gather3A_234 = tpu.vector_load_idx %arg4[%add3A_233] : memref<54000xf32, #tpu.memory_space<vmem>>[vector<16xi32>], vector<16xf32>,
        %abs3A_235 = math.absf %gather3A_234 : vector<16xf32>
        %max3A_236 = arith.maximumf %scan3A_162, %abs3A_235 : vector<16xf32>
        %add3A_237 = arith.constant 8 : i32
        %add3A_238 = arith.addi %mul3A_183, %add3A_237 : i32
        %add3A_239 = vector.broadcast %add3A_238 : i32 to vector<16xi32>
        %add3A_240 = arith.addi %mul3A_3, %add3A_239 : vector<16xi32>
        %gather3A_241 = tpu.vector_load_idx %arg4[%add3A_240] : memref<54000xf32, #tpu.memory_space<vmem>>[vector<16xi32>], vector<16xf32>,
        %abs3A_242 = math.absf %gather3A_241 : vector<16xf32>
        %max3A_243 = arith.maximumf %scan3A_163, %abs3A_242 : vector<16xf32>
        %add3A_244 = arith.constant 9 : i32
        %add3A_245 = arith.addi %mul3A_183, %add3A_244 : i32
        %add3A_246 = vector.broadcast %add3A_245 : i32 to vector<16xi32>
        %add3A_247 = arith.addi %mul3A_3, %add3A_246 : vector<16xi32>
        %gather3A_248 = tpu.vector_load_idx %arg4[%add3A_247] : memref<54000xf32, #tpu.memory_space<vmem>>[vector<16xi32>], vector<16xf32>,
        %abs3A_249 = math.absf %gather3A_248 : vector<16xf32>
        %max3A_250 = arith.maximumf %scan3A_164, %abs3A_249 : vector<16xf32>
        %add3A_251 = arith.constant 10 : i32
        %add3A_252 = arith.addi %mul3A_183, %add3A_251 : i32
        %add3A_253 = vector.broadcast %add3A_252 : i32 to vector<16xi32>
        %add3A_254 = arith.addi %mul3A_3, %add3A_253 : vector<16xi32>
        %gather3A_255 = tpu.vector_load_idx %arg4[%add3A_254] : memref<54000xf32, #tpu.memory_space<vmem>>[vector<16xi32>], vector<16xf32>,
        %abs3A_256 = math.absf %gather3A_255 : vector<16xf32>
        %max3A_257 = arith.maximumf %scan3A_165, %abs3A_256 : vector<16xf32>
        %add3A_258 = arith.constant 11 : i32
        %add3A_259 = arith.addi %mul3A_183, %add3A_258 : i32
        %add3A_260 = vector.broadcast %add3A_259 : i32 to vector<16xi32>
        %add3A_261 = arith.addi %mul3A_3, %add3A_260 : vector<16xi32>
        %gather3A_262 = tpu.vector_load_idx %arg4[%add3A_261] : memref<54000xf32, #tpu.memory_space<vmem>>[vector<16xi32>], vector<16xf32>,
        %abs3A_263 = math.absf %gather3A_262 : vector<16xf32>
        %max3A_264 = arith.maximumf %scan3A_166, %abs3A_263 : vector<16xf32>
        %add3A_265 = arith.constant 12 : i32
        %add3A_266 = arith.addi %mul3A_183, %add3A_265 : i32
        %add3A_267 = vector.broadcast %add3A_266 : i32 to vector<16xi32>
        %add3A_268 = arith.addi %mul3A_3, %add3A_267 : vector<16xi32>
        %gather3A_269 = tpu.vector_load_idx %arg4[%add3A_268] : memref<54000xf32, #tpu.memory_space<vmem>>[vector<16xi32>], vector<16xf32>,
        %abs3A_270 = math.absf %gather3A_269 : vector<16xf32>
        %max3A_271 = arith.maximumf %scan3A_167, %abs3A_270 : vector<16xf32>
        %add3A_272 = arith.constant 13 : i32
        %add3A_273 = arith.addi %mul3A_183, %add3A_272 : i32
        %add3A_274 = vector.broadcast %add3A_273 : i32 to vector<16xi32>
        %add3A_275 = arith.addi %mul3A_3, %add3A_274 : vector<16xi32>
        %gather3A_276 = tpu.vector_load_idx %arg4[%add3A_275] : memref<54000xf32, #tpu.memory_space<vmem>>[vector<16xi32>], vector<16xf32>,
        %abs3A_277 = math.absf %gather3A_276 : vector<16xf32>
        %max3A_278 = arith.maximumf %scan3A_168, %abs3A_277 : vector<16xf32>
        %add3A_279 = arith.constant 14 : i32
        %add3A_280 = arith.addi %mul3A_183, %add3A_279 : i32
        %add3A_281 = vector.broadcast %add3A_280 : i32 to vector<16xi32>
        %add3A_282 = arith.addi %mul3A_3, %add3A_281 : vector<16xi32>
        %gather3A_283 = tpu.vector_load_idx %arg4[%add3A_282] : memref<54000xf32, #tpu.memory_space<vmem>>[vector<16xi32>], vector<16xf32>,
        %abs3A_284 = math.absf %gather3A_283 : vector<16xf32>
        %max3A_285 = arith.maximumf %scan3A_169, %abs3A_284 : vector<16xf32>
        %add3A_286 = arith.constant 15 : i32
        %add3A_287 = arith.addi %mul3A_183, %add3A_286 : i32
        %add3A_288 = vector.broadcast %add3A_287 : i32 to vector<16xi32>
        %add3A_289 = arith.addi %mul3A_3, %add3A_288 : vector<16xi32>
        %gather3A_290 = tpu.vector_load_idx %arg4[%add3A_289] : memref<54000xf32, #tpu.memory_space<vmem>>[vector<16xi32>], vector<16xf32>,
        %abs3A_291 = math.absf %gather3A_290 : vector<16xf32>
        %max3A_292 = arith.maximumf %scan3A_170, %abs3A_291 : vector<16xf32>
        %add3A_293 = arith.constant 16 : i32
        %add3A_294 = arith.addi %mul3A_183, %add3A_293 : i32
        %add3A_295 = vector.broadcast %add3A_294 : i32 to vector<16xi32>
        %add3A_296 = arith.addi %mul3A_3, %add3A_295 : vector<16xi32>
        %gather3A_297 = tpu.vector_load_idx %arg4[%add3A_296] : memref<54000xf32, #tpu.memory_space<vmem>>[vector<16xi32>], vector<16xf32>,
        %abs3A_298 = math.absf %gather3A_297 : vector<16xf32>
        %max3A_299 = arith.maximumf %scan3A_171, %abs3A_298 : vector<16xf32>
        %add3A_300 = arith.constant 17 : i32
        %add3A_301 = arith.addi %mul3A_183, %add3A_300 : i32
        %add3A_302 = vector.broadcast %add3A_301 : i32 to vector<16xi32>
        %add3A_303 = arith.addi %mul3A_3, %add3A_302 : vector<16xi32>
        %gather3A_304 = tpu.vector_load_idx %arg4[%add3A_303] : memref<54000xf32, #tpu.memory_space<vmem>>[vector<16xi32>], vector<16xf32>,
        %abs3A_305 = math.absf %gather3A_304 : vector<16xf32>
        %max3A_306 = arith.maximumf %scan3A_172, %abs3A_305 : vector<16xf32>
        %add3A_307 = arith.constant 18 : i32
        %add3A_308 = arith.addi %mul3A_183, %add3A_307 : i32
        %add3A_309 = vector.broadcast %add3A_308 : i32 to vector<16xi32>
        %add3A_310 = arith.addi %mul3A_3, %add3A_309 : vector<16xi32>
        %gather3A_311 = tpu.vector_load_idx %arg4[%add3A_310] : memref<54000xf32, #tpu.memory_space<vmem>>[vector<16xi32>], vector<16xf32>,
        %abs3A_312 = math.absf %gather3A_311 : vector<16xf32>
        %max3A_313 = arith.maximumf %scan3A_173, %abs3A_312 : vector<16xf32>
        %add3A_314 = arith.constant 19 : i32
        %add3A_315 = arith.addi %mul3A_183, %add3A_314 : i32
        %add3A_316 = vector.broadcast %add3A_315 : i32 to vector<16xi32>
        %add3A_317 = arith.addi %mul3A_3, %add3A_316 : vector<16xi32>
        %gather3A_318 = tpu.vector_load_idx %arg4[%add3A_317] : memref<54000xf32, #tpu.memory_space<vmem>>[vector<16xi32>], vector<16xf32>,
        %abs3A_319 = math.absf %gather3A_318 : vector<16xf32>
        %max3A_320 = arith.maximumf %scan3A_174, %abs3A_319 : vector<16xf32>
        %add3A_321 = arith.constant 20 : i32
        %add3A_322 = arith.addi %mul3A_183, %add3A_321 : i32
        %add3A_323 = vector.broadcast %add3A_322 : i32 to vector<16xi32>
        %add3A_324 = arith.addi %mul3A_3, %add3A_323 : vector<16xi32>
        %gather3A_325 = tpu.vector_load_idx %arg4[%add3A_324] : memref<54000xf32, #tpu.memory_space<vmem>>[vector<16xi32>], vector<16xf32>,
        %abs3A_326 = math.absf %gather3A_325 : vector<16xf32>
        %max3A_327 = arith.maximumf %scan3A_175, %abs3A_326 : vector<16xf32>
        %add3A_328 = arith.constant 21 : i32
        %add3A_329 = arith.addi %mul3A_183, %add3A_328 : i32
        %add3A_330 = vector.broadcast %add3A_329 : i32 to vector<16xi32>
        %add3A_331 = arith.addi %mul3A_3, %add3A_330 : vector<16xi32>
        %gather3A_332 = tpu.vector_load_idx %arg4[%add3A_331] : memref<54000xf32, #tpu.memory_space<vmem>>[vector<16xi32>], vector<16xf32>,
        %abs3A_333 = math.absf %gather3A_332 : vector<16xf32>
        %max3A_334 = arith.maximumf %scan3A_176, %abs3A_333 : vector<16xf32>
        %add3A_335 = arith.constant 22 : i32
        %add3A_336 = arith.addi %mul3A_183, %add3A_335 : i32
        %add3A_337 = vector.broadcast %add3A_336 : i32 to vector<16xi32>
        %add3A_338 = arith.addi %mul3A_3, %add3A_337 : vector<16xi32>
        %gather3A_339 = tpu.vector_load_idx %arg4[%add3A_338] : memref<54000xf32, #tpu.memory_space<vmem>>[vector<16xi32>], vector<16xf32>,
        %abs3A_340 = math.absf %gather3A_339 : vector<16xf32>
        %max3A_341 = arith.maximumf %scan3A_177, %abs3A_340 : vector<16xf32>
        %add3A_342 = arith.constant 23 : i32
        %add3A_343 = arith.addi %mul3A_183, %add3A_342 : i32
        %add3A_344 = vector.broadcast %add3A_343 : i32 to vector<16xi32>
        %add3A_345 = arith.addi %mul3A_3, %add3A_344 : vector<16xi32>
        %gather3A_346 = tpu.vector_load_idx %arg4[%add3A_345] : memref<54000xf32, #tpu.memory_space<vmem>>[vector<16xi32>], vector<16xf32>,
        %abs3A_347 = math.absf %gather3A_346 : vector<16xf32>
        %max3A_348 = arith.maximumf %scan3A_178, %abs3A_347 : vector<16xf32>
        %add3A_349 = arith.constant 24 : i32
        %add3A_350 = arith.addi %mul3A_183, %add3A_349 : i32
        %add3A_351 = vector.broadcast %add3A_350 : i32 to vector<16xi32>
        %add3A_352 = arith.addi %mul3A_3, %add3A_351 : vector<16xi32>
        %gather3A_353 = tpu.vector_load_idx %arg4[%add3A_352] : memref<54000xf32, #tpu.memory_space<vmem>>[vector<16xi32>], vector<16xf32>,
        %abs3A_354 = math.absf %gather3A_353 : vector<16xf32>
        %max3A_355 = arith.maximumf %scan3A_179, %abs3A_354 : vector<16xf32>
        %add3A_356 = arith.constant 25 : i32
        %add3A_357 = arith.addi %mul3A_183, %add3A_356 : i32
        %add3A_358 = vector.broadcast %add3A_357 : i32 to vector<16xi32>
        %add3A_359 = arith.addi %mul3A_3, %add3A_358 : vector<16xi32>
        %gather3A_360 = tpu.vector_load_idx %arg4[%add3A_359] : memref<54000xf32, #tpu.memory_space<vmem>>[vector<16xi32>], vector<16xf32>,
        %abs3A_361 = math.absf %gather3A_360 : vector<16xf32>
        %max3A_362 = arith.maximumf %scan3A_180, %abs3A_361 : vector<16xf32>
        %add3A_363 = arith.constant 26 : i32
        %add3A_364 = arith.addi %mul3A_183, %add3A_363 : i32
        %add3A_365 = vector.broadcast %add3A_364 : i32 to vector<16xi32>
        %add3A_366 = arith.addi %mul3A_3, %add3A_365 : vector<16xi32>
        %gather3A_367 = tpu.vector_load_idx %arg4[%add3A_366] : memref<54000xf32, #tpu.memory_space<vmem>>[vector<16xi32>], vector<16xf32>,
        %abs3A_368 = math.absf %gather3A_367 : vector<16xf32>
        %max3A_369 = arith.maximumf %scan3A_181, %abs3A_368 : vector<16xf32>
        scf.yield %max3A, %max3A_194, %max3A_201, %max3A_208, %max3A_215, %max3A_222, %max3A_229, %max3A_236, %max3A_243, %max3A_250, %max3A_257, %max3A_264, %max3A_271, %max3A_278, %max3A_285, %max3A_292, %max3A_299, %max3A_306, %max3A_313, %max3A_320, %max3A_327, %max3A_334, %max3A_341, %max3A_348, %max3A_355, %max3A_362, %max3A_369 : vector<16xf32>, vector<16xf32>, vector<16xf32>, vector<16xf32>, vector<16xf32>, vector<16xf32>, vector<16xf32>, vector<16xf32>, vector<16xf32>, vector<16xf32>, vector<16xf32>, vector<16xf32>, vector<16xf32>, vector<16xf32>, vector<16xf32>, vector<16xf32>, vector<16xf32>, vector<16xf32>, vector<16xf32>, vector<16xf32>, vector<16xf32>, vector<16xf32>, vector<16xf32>, vector<16xf32>, vector<16xf32>, vector<16xf32>, vector<16xf32>
      }
      %scan3A_153 = arith.constant 125 : i32
      scf.yield %scan3A_152#0, %scan3A_152#1, %scan3A_152#2, %scan3A_152#3, %scan3A_152#4, %scan3A_152#5, %scan3A_152#6, %scan3A_152#7, %scan3A_152#8, %scan3A_152#9, %scan3A_152#10, %scan3A_152#11, %scan3A_152#12, %scan3A_152#13, %scan3A_152#14, %scan3A_152#15, %scan3A_152#16, %scan3A_152#17, %scan3A_152#18, %scan3A_152#19, %scan3A_152#20, %scan3A_152#21, %scan3A_152#22, %scan3A_152#23, %scan3A_152#24, %scan3A_152#25, %scan3A_152#26 : vector<16xf32>, vector<16xf32>, vector<16xf32>, vector<16xf32>, vector<16xf32>, vector<16xf32>, vector<16xf32>, vector<16xf32>, vector<16xf32>, vector<16xf32>, vector<16xf32>, vector<16xf32>, vector<16xf32>, vector<16xf32>, vector<16xf32>, vector<16xf32>, vector<16xf32>, vector<16xf32>, vector<16xf32>, vector<16xf32>, vector<16xf32>, vector<16xf32>, vector<16xf32>, vector<16xf32>, vector<16xf32>, vector<16xf32>, vector<16xf32>
    }
    %scan3A_61 = arith.constant 15 : i32
    %swap3A = arith.constant 0 : index
    %swap3A_62 = tpu.vector_load %arg5[%swap3A] {strides = array<i32>} : memref<432xf32, #tpu.memory_space<vmem>>, vector<16xf32>,
    tpu.vector_store %arg5[%swap3A], %scan3A_60#0 {strides = array<i32>} : memref<432xf32, #tpu.memory_space<vmem>>, vector<16xf32>,
    %swap3A_63 = arith.constant 16 : index
    %swap3A_64 = tpu.vector_load %arg5[%swap3A_63] {strides = array<i32>} : memref<432xf32, #tpu.memory_space<vmem>>, vector<16xf32>,
    tpu.vector_store %arg5[%swap3A_63], %scan3A_60#1 {strides = array<i32>} : memref<432xf32, #tpu.memory_space<vmem>>, vector<16xf32>,
    %swap3A_65 = arith.constant 32 : index
    %swap3A_66 = tpu.vector_load %arg5[%swap3A_65] {strides = array<i32>} : memref<432xf32, #tpu.memory_space<vmem>>, vector<16xf32>,
    tpu.vector_store %arg5[%swap3A_65], %scan3A_60#2 {strides = array<i32>} : memref<432xf32, #tpu.memory_space<vmem>>, vector<16xf32>,
    %swap3A_67 = arith.constant 48 : index
    %swap3A_68 = tpu.vector_load %arg5[%swap3A_67] {strides = array<i32>} : memref<432xf32, #tpu.memory_space<vmem>>, vector<16xf32>,
    tpu.vector_store %arg5[%swap3A_67], %scan3A_60#3 {strides = array<i32>} : memref<432xf32, #tpu.memory_space<vmem>>, vector<16xf32>,
    %swap3A_69 = arith.constant 64 : index
    %swap3A_70 = tpu.vector_load %arg5[%swap3A_69] {strides = array<i32>} : memref<432xf32, #tpu.memory_space<vmem>>, vector<16xf32>,
    tpu.vector_store %arg5[%swap3A_69], %scan3A_60#4 {strides = array<i32>} : memref<432xf32, #tpu.memory_space<vmem>>, vector<16xf32>,
    %swap3A_71 = arith.constant 80 : index
    %swap3A_72 = tpu.vector_load %arg5[%swap3A_71] {strides = array<i32>} : memref<432xf32, #tpu.memory_space<vmem>>, vector<16xf32>,
    tpu.vector_store %arg5[%swap3A_71], %scan3A_60#5 {strides = array<i32>} : memref<432xf32, #tpu.memory_space<vmem>>, vector<16xf32>,
    %swap3A_73 = arith.constant 96 : index
    %swap3A_74 = tpu.vector_load %arg5[%swap3A_73] {strides = array<i32>} : memref<432xf32, #tpu.memory_space<vmem>>, vector<16xf32>,
    tpu.vector_store %arg5[%swap3A_73], %scan3A_60#6 {strides = array<i32>} : memref<432xf32, #tpu.memory_space<vmem>>, vector<16xf32>,
    %swap3A_75 = arith.constant 112 : index
    %swap3A_76 = tpu.vector_load %arg5[%swap3A_75] {strides = array<i32>} : memref<432xf32, #tpu.memory_space<vmem>>, vector<16xf32>,
    tpu.vector_store %arg5[%swap3A_75], %scan3A_60#7 {strides = array<i32>} : memref<432xf32, #tpu.memory_space<vmem>>, vector<16xf32>,
    %swap3A_77 = arith.constant 128 : index
    %swap3A_78 = tpu.vector_load %arg5[%swap3A_77] {strides = array<i32>} : memref<432xf32, #tpu.memory_space<vmem>>, vector<16xf32>,
    tpu.vector_store %arg5[%swap3A_77], %scan3A_60#8 {strides = array<i32>} : memref<432xf32, #tpu.memory_space<vmem>>, vector<16xf32>,
    %swap3A_79 = arith.constant 144 : index
    %swap3A_80 = tpu.vector_load %arg5[%swap3A_79] {strides = array<i32>} : memref<432xf32, #tpu.memory_space<vmem>>, vector<16xf32>,
    tpu.vector_store %arg5[%swap3A_79], %scan3A_60#9 {strides = array<i32>} : memref<432xf32, #tpu.memory_space<vmem>>, vector<16xf32>,
    %swap3A_81 = arith.constant 160 : index
    %swap3A_82 = tpu.vector_load %arg5[%swap3A_81] {strides = array<i32>} : memref<432xf32, #tpu.memory_space<vmem>>, vector<16xf32>,
    tpu.vector_store %arg5[%swap3A_81], %scan3A_60#10 {strides = array<i32>} : memref<432xf32, #tpu.memory_space<vmem>>, vector<16xf32>,
    %swap3A_83 = arith.constant 176 : index
    %swap3A_84 = tpu.vector_load %arg5[%swap3A_83] {strides = array<i32>} : memref<432xf32, #tpu.memory_space<vmem>>, vector<16xf32>,
    tpu.vector_store %arg5[%swap3A_83], %scan3A_60#11 {strides = array<i32>} : memref<432xf32, #tpu.memory_space<vmem>>, vector<16xf32>,
    %swap3A_85 = arith.constant 192 : index
    %swap3A_86 = tpu.vector_load %arg5[%swap3A_85] {strides = array<i32>} : memref<432xf32, #tpu.memory_space<vmem>>, vector<16xf32>,
    tpu.vector_store %arg5[%swap3A_85], %scan3A_60#12 {strides = array<i32>} : memref<432xf32, #tpu.memory_space<vmem>>, vector<16xf32>,
    %swap3A_87 = arith.constant 208 : index
    %swap3A_88 = tpu.vector_load %arg5[%swap3A_87] {strides = array<i32>} : memref<432xf32, #tpu.memory_space<vmem>>, vector<16xf32>,
    tpu.vector_store %arg5[%swap3A_87], %scan3A_60#13 {strides = array<i32>} : memref<432xf32, #tpu.memory_space<vmem>>, vector<16xf32>,
    %swap3A_89 = arith.constant 224 : index
    %swap3A_90 = tpu.vector_load %arg5[%swap3A_89] {strides = array<i32>} : memref<432xf32, #tpu.memory_space<vmem>>, vector<16xf32>,
    tpu.vector_store %arg5[%swap3A_89], %scan3A_60#14 {strides = array<i32>} : memref<432xf32, #tpu.memory_space<vmem>>, vector<16xf32>,
    %swap3A_91 = arith.constant 240 : index
    %swap3A_92 = tpu.vector_load %arg5[%swap3A_91] {strides = array<i32>} : memref<432xf32, #tpu.memory_space<vmem>>, vector<16xf32>,
    tpu.vector_store %arg5[%swap3A_91], %scan3A_60#15 {strides = array<i32>} : memref<432xf32, #tpu.memory_space<vmem>>, vector<16xf32>,
    %swap3A_93 = arith.constant 256 : index
    %swap3A_94 = tpu.vector_load %arg5[%swap3A_93] {strides = array<i32>} : memref<432xf32, #tpu.memory_space<vmem>>, vector<16xf32>,
    tpu.vector_store %arg5[%swap3A_93], %scan3A_60#16 {strides = array<i32>} : memref<432xf32, #tpu.memory_space<vmem>>, vector<16xf32>,
    %swap3A_95 = arith.constant 272 : index
    %swap3A_96 = tpu.vector_load %arg5[%swap3A_95] {strides = array<i32>} : memref<432xf32, #tpu.memory_space<vmem>>, vector<16xf32>,
    tpu.vector_store %arg5[%swap3A_95], %scan3A_60#17 {strides = array<i32>} : memref<432xf32, #tpu.memory_space<vmem>>, vector<16xf32>,
    %swap3A_97 = arith.constant 288 : index
    %swap3A_98 = tpu.vector_load %arg5[%swap3A_97] {strides = array<i32>} : memref<432xf32, #tpu.memory_space<vmem>>, vector<16xf32>,
    tpu.vector_store %arg5[%swap3A_97], %scan3A_60#18 {strides = array<i32>} : memref<432xf32, #tpu.memory_space<vmem>>, vector<16xf32>,
    %swap3A_99 = arith.constant 304 : index
    %swap3A_100 = tpu.vector_load %arg5[%swap3A_99] {strides = array<i32>} : memref<432xf32, #tpu.memory_space<vmem>>, vector<16xf32>,
    tpu.vector_store %arg5[%swap3A_99], %scan3A_60#19 {strides = array<i32>} : memref<432xf32, #tpu.memory_space<vmem>>, vector<16xf32>,
    %swap3A_101 = arith.constant 320 : index
    %swap3A_102 = tpu.vector_load %arg5[%swap3A_101] {strides = array<i32>} : memref<432xf32, #tpu.memory_space<vmem>>, vector<16xf32>,
    tpu.vector_store %arg5[%swap3A_101], %scan3A_60#20 {strides = array<i32>} : memref<432xf32, #tpu.memory_space<vmem>>, vector<16xf32>,
    %swap3A_103 = arith.constant 336 : index
    %swap3A_104 = tpu.vector_load %arg5[%swap3A_103] {strides = array<i32>} : memref<432xf32, #tpu.memory_space<vmem>>, vector<16xf32>,
    tpu.vector_store %arg5[%swap3A_103], %scan3A_60#21 {strides = array<i32>} : memref<432xf32, #tpu.memory_space<vmem>>, vector<16xf32>,
    %swap3A_105 = arith.constant 352 : index
    %swap3A_106 = tpu.vector_load %arg5[%swap3A_105] {strides = array<i32>} : memref<432xf32, #tpu.memory_space<vmem>>, vector<16xf32>,
    tpu.vector_store %arg5[%swap3A_105], %scan3A_60#22 {strides = array<i32>} : memref<432xf32, #tpu.memory_space<vmem>>, vector<16xf32>,
    %swap3A_107 = arith.constant 368 : index
    %swap3A_108 = tpu.vector_load %arg5[%swap3A_107] {strides = array<i32>} : memref<432xf32, #tpu.memory_space<vmem>>, vector<16xf32>,
    tpu.vector_store %arg5[%swap3A_107], %scan3A_60#23 {strides = array<i32>} : memref<432xf32, #tpu.memory_space<vmem>>, vector<16xf32>,
    %swap3A_109 = arith.constant 384 : index
    %swap3A_110 = tpu.vector_load %arg5[%swap3A_109] {strides = array<i32>} : memref<432xf32, #tpu.memory_space<vmem>>, vector<16xf32>,
    tpu.vector_store %arg5[%swap3A_109], %scan3A_60#24 {strides = array<i32>} : memref<432xf32, #tpu.memory_space<vmem>>, vector<16xf32>,
    %swap3A_111 = arith.constant 400 : index
    %swap3A_112 = tpu.vector_load %arg5[%swap3A_111] {strides = array<i32>} : memref<432xf32, #tpu.memory_space<vmem>>, vector<16xf32>,
    tpu.vector_store %arg5[%swap3A_111], %scan3A_60#25 {strides = array<i32>} : memref<432xf32, #tpu.memory_space<vmem>>, vector<16xf32>,
    %swap3A_113 = arith.constant 416 : index
    %swap3A_114 = tpu.vector_load %arg5[%swap3A_113] {strides = array<i32>} : memref<432xf32, #tpu.memory_space<vmem>>, vector<16xf32>,
    tpu.vector_store %arg5[%swap3A_113], %scan3A_60#26 {strides = array<i32>} : memref<432xf32, #tpu.memory_space<vmem>>, vector<16xf32>,
    %lt3A = arith.constant 20 : i32
    %lt3A_115 = arith.cmpi slt, %add3A, %lt3A : i32
    %convert_element_type3A = arith.extui %lt3A_115 : i1 to i32
    %cond3A = arith.constant 0 : i32
    %cond3A_116 = arith.cmpi ne, %convert_element_type3A, %cond3A : i32
    scf.if %cond3A_116 {
      %get3A = arith.constant 0 : index
      %get3A_117 = tpu.vector_load %arg5[%get3A] {strides = array<i32>} : memref<432xf32, #tpu.memory_space<vmem>>, vector<16xf32>,
      %get3A_118 = arith.constant 16 : index
      %get3A_119 = tpu.vector_load %arg5[%get3A_118] {strides = array<i32>} : memref<432xf32, #tpu.memory_space<vmem>>, vector<16xf32>,
      %get3A_120 = arith.constant 32 : index
      %get3A_121 = tpu.vector_load %arg5[%get3A_120] {strides = array<i32>} : memref<432xf32, #tpu.memory_space<vmem>>, vector<16xf32>,
      %get3A_122 = arith.constant 48 : index
      %get3A_123 = tpu.vector_load %arg5[%get3A_122] {strides = array<i32>} : memref<432xf32, #tpu.memory_space<vmem>>, vector<16xf32>,
      %get3A_124 = arith.constant 64 : index
      %get3A_125 = tpu.vector_load %arg5[%get3A_124] {strides = array<i32>} : memref<432xf32, #tpu.memory_space<vmem>>, vector<16xf32>,
      %get3A_126 = arith.constant 80 : index
      %get3A_127 = tpu.vector_load %arg5[%get3A_126] {strides = array<i32>} : memref<432xf32, #tpu.memory_space<vmem>>, vector<16xf32>,
      %get3A_128 = arith.constant 96 : index
      %get3A_129 = tpu.vector_load %arg5[%get3A_128] {strides = array<i32>} : memref<432xf32, #tpu.memory_space<vmem>>, vector<16xf32>,
      %get3A_130 = arith.constant 112 : index
      %get3A_131 = tpu.vector_load %arg5[%get3A_130] {strides = array<i32>} : memref<432xf32, #tpu.memory_space<vmem>>, vector<16xf32>,
      %get3A_132 = arith.constant 128 : index
      %get3A_133 = tpu.vector_load %arg5[%get3A_132] {strides = array<i32>} : memref<432xf32, #tpu.memory_space<vmem>>, vector<16xf32>,
      %get3A_134 = arith.constant 144 : index
      %get3A_135 = tpu.vector_load %arg5[%get3A_134] {strides = array<i32>} : memref<432xf32, #tpu.memory_space<vmem>>, vector<16xf32>,
      %get3A_136 = arith.constant 160 : index
      %get3A_137 = tpu.vector_load %arg5[%get3A_136] {strides = array<i32>} : memref<432xf32, #tpu.memory_space<vmem>>, vector<16xf32>,
      %get3A_138 = arith.constant 176 : index
      %get3A_139 = tpu.vector_load %arg5[%get3A_138] {strides = array<i32>} : memref<432xf32, #tpu.memory_space<vmem>>, vector<16xf32>,
      %get3A_140 = arith.constant 192 : index
      %get3A_141 = tpu.vector_load %arg5[%get3A_140] {strides = array<i32>} : memref<432xf32, #tpu.memory_space<vmem>>, vector<16xf32>,
      %get3A_142 = arith.constant 208 : index
      %get3A_143 = tpu.vector_load %arg5[%get3A_142] {strides = array<i32>} : memref<432xf32, #tpu.memory_space<vmem>>, vector<16xf32>,
      %get3A_144 = arith.constant 224 : index
      %get3A_145 = tpu.vector_load %arg5[%get3A_144] {strides = array<i32>} : memref<432xf32, #tpu.memory_space<vmem>>, vector<16xf32>,
      %get3A_146 = arith.constant 240 : index
      %get3A_147 = tpu.vector_load %arg5[%get3A_146] {strides = array<i32>} : memref<432xf32, #tpu.memory_space<vmem>>, vector<16xf32>,
      %get3A_148 = arith.constant 256 : index
      %get3A_149 = tpu.vector_load %arg5[%get3A_148] {strides = array<i32>} : memref<432xf32, #tpu.memory_space<vmem>>, vector<16xf32>,
      %get3A_150 = arith.constant 272 : index
      %get3A_151 = tpu.vector_load %arg5[%get3A_150] {strides = array<i32>} : memref<432xf32, #tpu.memory_space<vmem>>, vector<16xf32>,
      %get3A_152 = arith.constant 288 : index
      %get3A_153 = tpu.vector_load %arg5[%get3A_152] {strides = array<i32>} : memref<432xf32, #tpu.memory_space<vmem>>, vector<16xf32>,
      %get3A_154 = arith.constant 304 : index
      %get3A_155 = tpu.vector_load %arg5[%get3A_154] {strides = array<i32>} : memref<432xf32, #tpu.memory_space<vmem>>, vector<16xf32>,
      %get3A_156 = arith.constant 320 : index
      %get3A_157 = tpu.vector_load %arg5[%get3A_156] {strides = array<i32>} : memref<432xf32, #tpu.memory_space<vmem>>, vector<16xf32>,
      %get3A_158 = arith.constant 336 : index
      %get3A_159 = tpu.vector_load %arg5[%get3A_158] {strides = array<i32>} : memref<432xf32, #tpu.memory_space<vmem>>, vector<16xf32>,
      %get3A_160 = arith.constant 352 : index
      %get3A_161 = tpu.vector_load %arg5[%get3A_160] {strides = array<i32>} : memref<432xf32, #tpu.memory_space<vmem>>, vector<16xf32>,
      %get3A_162 = arith.constant 368 : index
      %get3A_163 = tpu.vector_load %arg5[%get3A_162] {strides = array<i32>} : memref<432xf32, #tpu.memory_space<vmem>>, vector<16xf32>,
      %get3A_164 = arith.constant 384 : index
      %get3A_165 = tpu.vector_load %arg5[%get3A_164] {strides = array<i32>} : memref<432xf32, #tpu.memory_space<vmem>>, vector<16xf32>,
      %get3A_166 = arith.constant 400 : index
      %get3A_167 = tpu.vector_load %arg5[%get3A_166] {strides = array<i32>} : memref<432xf32, #tpu.memory_space<vmem>>, vector<16xf32>,
      %get3A_168 = arith.constant 416 : index
      %get3A_169 = tpu.vector_load %arg5[%get3A_168] {strides = array<i32>} : memref<432xf32, #tpu.memory_space<vmem>>, vector<16xf32>,
      %add3A_170 = arith.constant 480 : i32
      %add3A_171 = arith.addi %add3A_170, %add3A : i32
      "tpu.region"() ({
        %run_scoped3A = tpu.sem_alloc : memref<!tpu.dma_semaphore, #tpu.memory_space<semaphore_mem>>
        %dma_start3A = arith.constant 0 : i32
        %dma_start3A_232 = tpu.memref_slice %arg2[%add3A_171, %dma_start3A] : memref<500x54000xf32, #tpu.memory_space<hbm>> -> memref<1x54000xf32, #tpu.memory_space<hbm>>
        %dma_start3A_233 = tpu.memref_squeeze %dma_start3A_232 : memref<1x54000xf32, #tpu.memory_space<hbm>> -> memref<54000xf32, #tpu.memory_space<hbm>>
        %dma_start3A_234 = arith.constant 0 : i32
        %dma_start3A_235 = tpu.memref_slice %arg2[%add3A_171, %dma_start3A_234] : memref<500x54000xf32, #tpu.memory_space<hbm>> -> memref<1x54000xf32, #tpu.memory_space<hbm>>
        %dma_start3A_236 = tpu.memref_squeeze %dma_start3A_235 : memref<1x54000xf32, #tpu.memory_space<hbm>> -> memref<54000xf32, #tpu.memory_space<hbm>>
        tpu.enqueue_dma source(%dma_start3A_236 : memref<54000xf32, #tpu.memory_space<hbm>>) target(%arg4 : memref<54000xf32, #tpu.memory_space<vmem>>) target_semaphore(%run_scoped3A : memref<!tpu.dma_semaphore, #tpu.memory_space<semaphore_mem>>)
        %dma_wait3A = arith.constant 0 : i32
        %dma_wait3A_237 = tpu.memref_slice %arg2[%add3A_171, %dma_wait3A] : memref<500x54000xf32, #tpu.memory_space<hbm>> -> memref<1x54000xf32, #tpu.memory_space<hbm>>
        %dma_wait3A_238 = tpu.memref_squeeze %dma_wait3A_237 : memref<1x54000xf32, #tpu.memory_space<hbm>> -> memref<54000xf32, #tpu.memory_space<hbm>>
        %dma_wait3A_239 = arith.constant 0 : i32
        %dma_wait3A_240 = tpu.memref_slice %arg2[%add3A_171, %dma_wait3A_239] : memref<500x54000xf32, #tpu.memory_space<hbm>> -> memref<1x54000xf32, #tpu.memory_space<hbm>>
        %dma_wait3A_241 = tpu.memref_squeeze %dma_wait3A_240 : memref<1x54000xf32, #tpu.memory_space<hbm>> -> memref<54000xf32, #tpu.memory_space<hbm>>
        tpu.wait_dma2 semaphore(%run_scoped3A : memref<!tpu.dma_semaphore, #tpu.memory_space<semaphore_mem>>) src(%dma_wait3A_241 : memref<54000xf32, #tpu.memory_space<hbm>>) dst(%arg4 : memref<54000xf32, #tpu.memory_space<vmem>>)
        tpu.yield
      }) : () -> ()
      %scan3A_172 = arith.constant 0 : i32
      %scan3A_173 = arith.constant 125 : i32
      %scan3A_174 = arith.addi %scan3A_172, %scan3A_173 : i32
      %scan3A_175 = arith.constant 1 : i32
      %scan3A_176:27 = scf.for %scan3A_232 = %scan3A_172 to %scan3A_174 step %scan3A_175 iter_args(%scan3A_233 = %get3A_117, %scan3A_234 = %get3A_119, %scan3A_235 = %get3A_121, %scan3A_236 = %get3A_123, %scan3A_237 = %get3A_125, %scan3A_238 = %get3A_127, %scan3A_239 = %get3A_129, %scan3A_240 = %get3A_131, %scan3A_241 = %get3A_133, %scan3A_242 = %get3A_135, %scan3A_243 = %get3A_137, %scan3A_244 = %get3A_139, %scan3A_245 = %get3A_141, %scan3A_246 = %get3A_143, %scan3A_247 = %get3A_145, %scan3A_248 = %get3A_147, %scan3A_249 = %get3A_149, %scan3A_250 = %get3A_151, %scan3A_251 = %get3A_153, %scan3A_252 = %get3A_155, %scan3A_253 = %get3A_157, %scan3A_254 = %get3A_159, %scan3A_255 = %get3A_161, %scan3A_256 = %get3A_163, %scan3A_257 = %get3A_165, %scan3A_258 = %get3A_167, %scan3A_259 = %get3A_169) -> (vector<16xf32>, vector<16xf32>, vector<16xf32>, vector<16xf32>, vector<16xf32>, vector<16xf32>, vector<16xf32>, vector<16xf32>, vector<16xf32>, vector<16xf32>, vector<16xf32>, vector<16xf32>, vector<16xf32>, vector<16xf32>, vector<16xf32>, vector<16xf32>, vector<16xf32>, vector<16xf32>, vector<16xf32>, vector<16xf32>, vector<16xf32>, vector<16xf32>, vector<16xf32>, vector<16xf32>, vector<16xf32>, vector<16xf32>, vector<16xf32>)  : i32 {
        %mul3A_260 = arith.constant 432 : i32
        %mul3A_261 = arith.muli %scan3A_232, %mul3A_260 : i32
        %add3A_262 = arith.constant 0 : i32
        %add3A_263 = arith.addi %mul3A_261, %add3A_262 : i32
        %add3A_264 = vector.broadcast %add3A_263 : i32 to vector<16xi32>
        %add3A_265 = arith.addi %mul3A_3, %add3A_264 : vector<16xi32>
        %gather3A = tpu.vector_load_idx %arg4[%add3A_265] : memref<54000xf32, #tpu.memory_space<vmem>>[vector<16xi32>], vector<16xf32>,
        %abs3A = math.absf %gather3A : vector<16xf32>
        %max3A = arith.maximumf %scan3A_233, %abs3A : vector<16xf32>
        %add3A_266 = arith.constant 1 : i32
        %add3A_267 = arith.addi %mul3A_261, %add3A_266 : i32
        %add3A_268 = vector.broadcast %add3A_267 : i32 to vector<16xi32>
        %add3A_269 = arith.addi %mul3A_3, %add3A_268 : vector<16xi32>
        %gather3A_270 = tpu.vector_load_idx %arg4[%add3A_269] : memref<54000xf32, #tpu.memory_space<vmem>>[vector<16xi32>], vector<16xf32>,
        %abs3A_271 = math.absf %gather3A_270 : vector<16xf32>
        %max3A_272 = arith.maximumf %scan3A_234, %abs3A_271 : vector<16xf32>
        %add3A_273 = arith.constant 2 : i32
        %add3A_274 = arith.addi %mul3A_261, %add3A_273 : i32
        %add3A_275 = vector.broadcast %add3A_274 : i32 to vector<16xi32>
        %add3A_276 = arith.addi %mul3A_3, %add3A_275 : vector<16xi32>
        %gather3A_277 = tpu.vector_load_idx %arg4[%add3A_276] : memref<54000xf32, #tpu.memory_space<vmem>>[vector<16xi32>], vector<16xf32>,
        %abs3A_278 = math.absf %gather3A_277 : vector<16xf32>
        %max3A_279 = arith.maximumf %scan3A_235, %abs3A_278 : vector<16xf32>
        %add3A_280 = arith.constant 3 : i32
        %add3A_281 = arith.addi %mul3A_261, %add3A_280 : i32
        %add3A_282 = vector.broadcast %add3A_281 : i32 to vector<16xi32>
        %add3A_283 = arith.addi %mul3A_3, %add3A_282 : vector<16xi32>
        %gather3A_284 = tpu.vector_load_idx %arg4[%add3A_283] : memref<54000xf32, #tpu.memory_space<vmem>>[vector<16xi32>], vector<16xf32>,
        %abs3A_285 = math.absf %gather3A_284 : vector<16xf32>
        %max3A_286 = arith.maximumf %scan3A_236, %abs3A_285 : vector<16xf32>
        %add3A_287 = arith.constant 4 : i32
        %add3A_288 = arith.addi %mul3A_261, %add3A_287 : i32
        %add3A_289 = vector.broadcast %add3A_288 : i32 to vector<16xi32>
        %add3A_290 = arith.addi %mul3A_3, %add3A_289 : vector<16xi32>
        %gather3A_291 = tpu.vector_load_idx %arg4[%add3A_290] : memref<54000xf32, #tpu.memory_space<vmem>>[vector<16xi32>], vector<16xf32>,
        %abs3A_292 = math.absf %gather3A_291 : vector<16xf32>
        %max3A_293 = arith.maximumf %scan3A_237, %abs3A_292 : vector<16xf32>
        %add3A_294 = arith.constant 5 : i32
        %add3A_295 = arith.addi %mul3A_261, %add3A_294 : i32
        %add3A_296 = vector.broadcast %add3A_295 : i32 to vector<16xi32>
        %add3A_297 = arith.addi %mul3A_3, %add3A_296 : vector<16xi32>
        %gather3A_298 = tpu.vector_load_idx %arg4[%add3A_297] : memref<54000xf32, #tpu.memory_space<vmem>>[vector<16xi32>], vector<16xf32>,
        %abs3A_299 = math.absf %gather3A_298 : vector<16xf32>
        %max3A_300 = arith.maximumf %scan3A_238, %abs3A_299 : vector<16xf32>
        %add3A_301 = arith.constant 6 : i32
        %add3A_302 = arith.addi %mul3A_261, %add3A_301 : i32
        %add3A_303 = vector.broadcast %add3A_302 : i32 to vector<16xi32>
        %add3A_304 = arith.addi %mul3A_3, %add3A_303 : vector<16xi32>
        %gather3A_305 = tpu.vector_load_idx %arg4[%add3A_304] : memref<54000xf32, #tpu.memory_space<vmem>>[vector<16xi32>], vector<16xf32>,
        %abs3A_306 = math.absf %gather3A_305 : vector<16xf32>
        %max3A_307 = arith.maximumf %scan3A_239, %abs3A_306 : vector<16xf32>
        %add3A_308 = arith.constant 7 : i32
        %add3A_309 = arith.addi %mul3A_261, %add3A_308 : i32
        %add3A_310 = vector.broadcast %add3A_309 : i32 to vector<16xi32>
        %add3A_311 = arith.addi %mul3A_3, %add3A_310 : vector<16xi32>
        %gather3A_312 = tpu.vector_load_idx %arg4[%add3A_311] : memref<54000xf32, #tpu.memory_space<vmem>>[vector<16xi32>], vector<16xf32>,
        %abs3A_313 = math.absf %gather3A_312 : vector<16xf32>
        %max3A_314 = arith.maximumf %scan3A_240, %abs3A_313 : vector<16xf32>
        %add3A_315 = arith.constant 8 : i32
        %add3A_316 = arith.addi %mul3A_261, %add3A_315 : i32
        %add3A_317 = vector.broadcast %add3A_316 : i32 to vector<16xi32>
        %add3A_318 = arith.addi %mul3A_3, %add3A_317 : vector<16xi32>
        %gather3A_319 = tpu.vector_load_idx %arg4[%add3A_318] : memref<54000xf32, #tpu.memory_space<vmem>>[vector<16xi32>], vector<16xf32>,
        %abs3A_320 = math.absf %gather3A_319 : vector<16xf32>
        %max3A_321 = arith.maximumf %scan3A_241, %abs3A_320 : vector<16xf32>
        %add3A_322 = arith.constant 9 : i32
        %add3A_323 = arith.addi %mul3A_261, %add3A_322 : i32
        %add3A_324 = vector.broadcast %add3A_323 : i32 to vector<16xi32>
        %add3A_325 = arith.addi %mul3A_3, %add3A_324 : vector<16xi32>
        %gather3A_326 = tpu.vector_load_idx %arg4[%add3A_325] : memref<54000xf32, #tpu.memory_space<vmem>>[vector<16xi32>], vector<16xf32>,
        %abs3A_327 = math.absf %gather3A_326 : vector<16xf32>
        %max3A_328 = arith.maximumf %scan3A_242, %abs3A_327 : vector<16xf32>
        %add3A_329 = arith.constant 10 : i32
        %add3A_330 = arith.addi %mul3A_261, %add3A_329 : i32
        %add3A_331 = vector.broadcast %add3A_330 : i32 to vector<16xi32>
        %add3A_332 = arith.addi %mul3A_3, %add3A_331 : vector<16xi32>
        %gather3A_333 = tpu.vector_load_idx %arg4[%add3A_332] : memref<54000xf32, #tpu.memory_space<vmem>>[vector<16xi32>], vector<16xf32>,
        %abs3A_334 = math.absf %gather3A_333 : vector<16xf32>
        %max3A_335 = arith.maximumf %scan3A_243, %abs3A_334 : vector<16xf32>
        %add3A_336 = arith.constant 11 : i32
        %add3A_337 = arith.addi %mul3A_261, %add3A_336 : i32
        %add3A_338 = vector.broadcast %add3A_337 : i32 to vector<16xi32>
        %add3A_339 = arith.addi %mul3A_3, %add3A_338 : vector<16xi32>
        %gather3A_340 = tpu.vector_load_idx %arg4[%add3A_339] : memref<54000xf32, #tpu.memory_space<vmem>>[vector<16xi32>], vector<16xf32>,
        %abs3A_341 = math.absf %gather3A_340 : vector<16xf32>
        %max3A_342 = arith.maximumf %scan3A_244, %abs3A_341 : vector<16xf32>
        %add3A_343 = arith.constant 12 : i32
        %add3A_344 = arith.addi %mul3A_261, %add3A_343 : i32
        %add3A_345 = vector.broadcast %add3A_344 : i32 to vector<16xi32>
        %add3A_346 = arith.addi %mul3A_3, %add3A_345 : vector<16xi32>
        %gather3A_347 = tpu.vector_load_idx %arg4[%add3A_346] : memref<54000xf32, #tpu.memory_space<vmem>>[vector<16xi32>], vector<16xf32>,
        %abs3A_348 = math.absf %gather3A_347 : vector<16xf32>
        %max3A_349 = arith.maximumf %scan3A_245, %abs3A_348 : vector<16xf32>
        %add3A_350 = arith.constant 13 : i32
        %add3A_351 = arith.addi %mul3A_261, %add3A_350 : i32
        %add3A_352 = vector.broadcast %add3A_351 : i32 to vector<16xi32>
        %add3A_353 = arith.addi %mul3A_3, %add3A_352 : vector<16xi32>
        %gather3A_354 = tpu.vector_load_idx %arg4[%add3A_353] : memref<54000xf32, #tpu.memory_space<vmem>>[vector<16xi32>], vector<16xf32>,
        %abs3A_355 = math.absf %gather3A_354 : vector<16xf32>
        %max3A_356 = arith.maximumf %scan3A_246, %abs3A_355 : vector<16xf32>
        %add3A_357 = arith.constant 14 : i32
        %add3A_358 = arith.addi %mul3A_261, %add3A_357 : i32
        %add3A_359 = vector.broadcast %add3A_358 : i32 to vector<16xi32>
        %add3A_360 = arith.addi %mul3A_3, %add3A_359 : vector<16xi32>
        %gather3A_361 = tpu.vector_load_idx %arg4[%add3A_360] : memref<54000xf32, #tpu.memory_space<vmem>>[vector<16xi32>], vector<16xf32>,
        %abs3A_362 = math.absf %gather3A_361 : vector<16xf32>
        %max3A_363 = arith.maximumf %scan3A_247, %abs3A_362 : vector<16xf32>
        %add3A_364 = arith.constant 15 : i32
        %add3A_365 = arith.addi %mul3A_261, %add3A_364 : i32
        %add3A_366 = vector.broadcast %add3A_365 : i32 to vector<16xi32>
        %add3A_367 = arith.addi %mul3A_3, %add3A_366 : vector<16xi32>
        %gather3A_368 = tpu.vector_load_idx %arg4[%add3A_367] : memref<54000xf32, #tpu.memory_space<vmem>>[vector<16xi32>], vector<16xf32>,
        %abs3A_369 = math.absf %gather3A_368 : vector<16xf32>
        %max3A_370 = arith.maximumf %scan3A_248, %abs3A_369 : vector<16xf32>
        %add3A_371 = arith.constant 16 : i32
        %add3A_372 = arith.addi %mul3A_261, %add3A_371 : i32
        %add3A_373 = vector.broadcast %add3A_372 : i32 to vector<16xi32>
        %add3A_374 = arith.addi %mul3A_3, %add3A_373 : vector<16xi32>
        %gather3A_375 = tpu.vector_load_idx %arg4[%add3A_374] : memref<54000xf32, #tpu.memory_space<vmem>>[vector<16xi32>], vector<16xf32>,
        %abs3A_376 = math.absf %gather3A_375 : vector<16xf32>
        %max3A_377 = arith.maximumf %scan3A_249, %abs3A_376 : vector<16xf32>
        %add3A_378 = arith.constant 17 : i32
        %add3A_379 = arith.addi %mul3A_261, %add3A_378 : i32
        %add3A_380 = vector.broadcast %add3A_379 : i32 to vector<16xi32>
        %add3A_381 = arith.addi %mul3A_3, %add3A_380 : vector<16xi32>
        %gather3A_382 = tpu.vector_load_idx %arg4[%add3A_381] : memref<54000xf32, #tpu.memory_space<vmem>>[vector<16xi32>], vector<16xf32>,
        %abs3A_383 = math.absf %gather3A_382 : vector<16xf32>
        %max3A_384 = arith.maximumf %scan3A_250, %abs3A_383 : vector<16xf32>
        %add3A_385 = arith.constant 18 : i32
        %add3A_386 = arith.addi %mul3A_261, %add3A_385 : i32
        %add3A_387 = vector.broadcast %add3A_386 : i32 to vector<16xi32>
        %add3A_388 = arith.addi %mul3A_3, %add3A_387 : vector<16xi32>
        %gather3A_389 = tpu.vector_load_idx %arg4[%add3A_388] : memref<54000xf32, #tpu.memory_space<vmem>>[vector<16xi32>], vector<16xf32>,
        %abs3A_390 = math.absf %gather3A_389 : vector<16xf32>
        %max3A_391 = arith.maximumf %scan3A_251, %abs3A_390 : vector<16xf32>
        %add3A_392 = arith.constant 19 : i32
        %add3A_393 = arith.addi %mul3A_261, %add3A_392 : i32
        %add3A_394 = vector.broadcast %add3A_393 : i32 to vector<16xi32>
        %add3A_395 = arith.addi %mul3A_3, %add3A_394 : vector<16xi32>
        %gather3A_396 = tpu.vector_load_idx %arg4[%add3A_395] : memref<54000xf32, #tpu.memory_space<vmem>>[vector<16xi32>], vector<16xf32>,
        %abs3A_397 = math.absf %gather3A_396 : vector<16xf32>
        %max3A_398 = arith.maximumf %scan3A_252, %abs3A_397 : vector<16xf32>
        %add3A_399 = arith.constant 20 : i32
        %add3A_400 = arith.addi %mul3A_261, %add3A_399 : i32
        %add3A_401 = vector.broadcast %add3A_400 : i32 to vector<16xi32>
        %add3A_402 = arith.addi %mul3A_3, %add3A_401 : vector<16xi32>
        %gather3A_403 = tpu.vector_load_idx %arg4[%add3A_402] : memref<54000xf32, #tpu.memory_space<vmem>>[vector<16xi32>], vector<16xf32>,
        %abs3A_404 = math.absf %gather3A_403 : vector<16xf32>
        %max3A_405 = arith.maximumf %scan3A_253, %abs3A_404 : vector<16xf32>
        %add3A_406 = arith.constant 21 : i32
        %add3A_407 = arith.addi %mul3A_261, %add3A_406 : i32
        %add3A_408 = vector.broadcast %add3A_407 : i32 to vector<16xi32>
        %add3A_409 = arith.addi %mul3A_3, %add3A_408 : vector<16xi32>
        %gather3A_410 = tpu.vector_load_idx %arg4[%add3A_409] : memref<54000xf32, #tpu.memory_space<vmem>>[vector<16xi32>], vector<16xf32>,
        %abs3A_411 = math.absf %gather3A_410 : vector<16xf32>
        %max3A_412 = arith.maximumf %scan3A_254, %abs3A_411 : vector<16xf32>
        %add3A_413 = arith.constant 22 : i32
        %add3A_414 = arith.addi %mul3A_261, %add3A_413 : i32
        %add3A_415 = vector.broadcast %add3A_414 : i32 to vector<16xi32>
        %add3A_416 = arith.addi %mul3A_3, %add3A_415 : vector<16xi32>
        %gather3A_417 = tpu.vector_load_idx %arg4[%add3A_416] : memref<54000xf32, #tpu.memory_space<vmem>>[vector<16xi32>], vector<16xf32>,
        %abs3A_418 = math.absf %gather3A_417 : vector<16xf32>
        %max3A_419 = arith.maximumf %scan3A_255, %abs3A_418 : vector<16xf32>
        %add3A_420 = arith.constant 23 : i32
        %add3A_421 = arith.addi %mul3A_261, %add3A_420 : i32
        %add3A_422 = vector.broadcast %add3A_421 : i32 to vector<16xi32>
        %add3A_423 = arith.addi %mul3A_3, %add3A_422 : vector<16xi32>
        %gather3A_424 = tpu.vector_load_idx %arg4[%add3A_423] : memref<54000xf32, #tpu.memory_space<vmem>>[vector<16xi32>], vector<16xf32>,
        %abs3A_425 = math.absf %gather3A_424 : vector<16xf32>
        %max3A_426 = arith.maximumf %scan3A_256, %abs3A_425 : vector<16xf32>
        %add3A_427 = arith.constant 24 : i32
        %add3A_428 = arith.addi %mul3A_261, %add3A_427 : i32
        %add3A_429 = vector.broadcast %add3A_428 : i32 to vector<16xi32>
        %add3A_430 = arith.addi %mul3A_3, %add3A_429 : vector<16xi32>
        %gather3A_431 = tpu.vector_load_idx %arg4[%add3A_430] : memref<54000xf32, #tpu.memory_space<vmem>>[vector<16xi32>], vector<16xf32>,
        %abs3A_432 = math.absf %gather3A_431 : vector<16xf32>
        %max3A_433 = arith.maximumf %scan3A_257, %abs3A_432 : vector<16xf32>
        %add3A_434 = arith.constant 25 : i32
        %add3A_435 = arith.addi %mul3A_261, %add3A_434 : i32
        %add3A_436 = vector.broadcast %add3A_435 : i32 to vector<16xi32>
        %add3A_437 = arith.addi %mul3A_3, %add3A_436 : vector<16xi32>
        %gather3A_438 = tpu.vector_load_idx %arg4[%add3A_437] : memref<54000xf32, #tpu.memory_space<vmem>>[vector<16xi32>], vector<16xf32>,
        %abs3A_439 = math.absf %gather3A_438 : vector<16xf32>
        %max3A_440 = arith.maximumf %scan3A_258, %abs3A_439 : vector<16xf32>
        %add3A_441 = arith.constant 26 : i32
        %add3A_442 = arith.addi %mul3A_261, %add3A_441 : i32
        %add3A_443 = vector.broadcast %add3A_442 : i32 to vector<16xi32>
        %add3A_444 = arith.addi %mul3A_3, %add3A_443 : vector<16xi32>
        %gather3A_445 = tpu.vector_load_idx %arg4[%add3A_444] : memref<54000xf32, #tpu.memory_space<vmem>>[vector<16xi32>], vector<16xf32>,
        %abs3A_446 = math.absf %gather3A_445 : vector<16xf32>
        %max3A_447 = arith.maximumf %scan3A_259, %abs3A_446 : vector<16xf32>
        scf.yield %max3A, %max3A_272, %max3A_279, %max3A_286, %max3A_293, %max3A_300, %max3A_307, %max3A_314, %max3A_321, %max3A_328, %max3A_335, %max3A_342, %max3A_349, %max3A_356, %max3A_363, %max3A_370, %max3A_377, %max3A_384, %max3A_391, %max3A_398, %max3A_405, %max3A_412, %max3A_419, %max3A_426, %max3A_433, %max3A_440, %max3A_447 : vector<16xf32>, vector<16xf32>, vector<16xf32>, vector<16xf32>, vector<16xf32>, vector<16xf32>, vector<16xf32>, vector<16xf32>, vector<16xf32>, vector<16xf32>, vector<16xf32>, vector<16xf32>, vector<16xf32>, vector<16xf32>, vector<16xf32>, vector<16xf32>, vector<16xf32>, vector<16xf32>, vector<16xf32>, vector<16xf32>, vector<16xf32>, vector<16xf32>, vector<16xf32>, vector<16xf32>, vector<16xf32>, vector<16xf32>, vector<16xf32>
      }
      %scan3A_177 = arith.constant 125 : i32
      %swap3A_178 = arith.constant 0 : index
      %swap3A_179 = tpu.vector_load %arg5[%swap3A_178] {strides = array<i32>} : memref<432xf32, #tpu.memory_space<vmem>>, vector<16xf32>,
      tpu.vector_store %arg5[%swap3A_178], %scan3A_176#0 {strides = array<i32>} : memref<432xf32, #tpu.memory_space<vmem>>, vector<16xf32>,
      %swap3A_180 = arith.constant 16 : index
      %swap3A_181 = tpu.vector_load %arg5[%swap3A_180] {strides = array<i32>} : memref<432xf32, #tpu.memory_space<vmem>>, vector<16xf32>,
      tpu.vector_store %arg5[%swap3A_180], %scan3A_176#1 {strides = array<i32>} : memref<432xf32, #tpu.memory_space<vmem>>, vector<16xf32>,
      %swap3A_182 = arith.constant 32 : index
      %swap3A_183 = tpu.vector_load %arg5[%swap3A_182] {strides = array<i32>} : memref<432xf32, #tpu.memory_space<vmem>>, vector<16xf32>,
      tpu.vector_store %arg5[%swap3A_182], %scan3A_176#2 {strides = array<i32>} : memref<432xf32, #tpu.memory_space<vmem>>, vector<16xf32>,
      %swap3A_184 = arith.constant 48 : index
      %swap3A_185 = tpu.vector_load %arg5[%swap3A_184] {strides = array<i32>} : memref<432xf32, #tpu.memory_space<vmem>>, vector<16xf32>,
      tpu.vector_store %arg5[%swap3A_184], %scan3A_176#3 {strides = array<i32>} : memref<432xf32, #tpu.memory_space<vmem>>, vector<16xf32>,
      %swap3A_186 = arith.constant 64 : index
      %swap3A_187 = tpu.vector_load %arg5[%swap3A_186] {strides = array<i32>} : memref<432xf32, #tpu.memory_space<vmem>>, vector<16xf32>,
      tpu.vector_store %arg5[%swap3A_186], %scan3A_176#4 {strides = array<i32>} : memref<432xf32, #tpu.memory_space<vmem>>, vector<16xf32>,
      %swap3A_188 = arith.constant 80 : index
      %swap3A_189 = tpu.vector_load %arg5[%swap3A_188] {strides = array<i32>} : memref<432xf32, #tpu.memory_space<vmem>>, vector<16xf32>,
      tpu.vector_store %arg5[%swap3A_188], %scan3A_176#5 {strides = array<i32>} : memref<432xf32, #tpu.memory_space<vmem>>, vector<16xf32>,
      %swap3A_190 = arith.constant 96 : index
      %swap3A_191 = tpu.vector_load %arg5[%swap3A_190] {strides = array<i32>} : memref<432xf32, #tpu.memory_space<vmem>>, vector<16xf32>,
      tpu.vector_store %arg5[%swap3A_190], %scan3A_176#6 {strides = array<i32>} : memref<432xf32, #tpu.memory_space<vmem>>, vector<16xf32>,
      %swap3A_192 = arith.constant 112 : index
      %swap3A_193 = tpu.vector_load %arg5[%swap3A_192] {strides = array<i32>} : memref<432xf32, #tpu.memory_space<vmem>>, vector<16xf32>,
      tpu.vector_store %arg5[%swap3A_192], %scan3A_176#7 {strides = array<i32>} : memref<432xf32, #tpu.memory_space<vmem>>, vector<16xf32>,
      %swap3A_194 = arith.constant 128 : index
      %swap3A_195 = tpu.vector_load %arg5[%swap3A_194] {strides = array<i32>} : memref<432xf32, #tpu.memory_space<vmem>>, vector<16xf32>,
      tpu.vector_store %arg5[%swap3A_194], %scan3A_176#8 {strides = array<i32>} : memref<432xf32, #tpu.memory_space<vmem>>, vector<16xf32>,
      %swap3A_196 = arith.constant 144 : index
      %swap3A_197 = tpu.vector_load %arg5[%swap3A_196] {strides = array<i32>} : memref<432xf32, #tpu.memory_space<vmem>>, vector<16xf32>,
      tpu.vector_store %arg5[%swap3A_196], %scan3A_176#9 {strides = array<i32>} : memref<432xf32, #tpu.memory_space<vmem>>, vector<16xf32>,
      %swap3A_198 = arith.constant 160 : index
      %swap3A_199 = tpu.vector_load %arg5[%swap3A_198] {strides = array<i32>} : memref<432xf32, #tpu.memory_space<vmem>>, vector<16xf32>,
      tpu.vector_store %arg5[%swap3A_198], %scan3A_176#10 {strides = array<i32>} : memref<432xf32, #tpu.memory_space<vmem>>, vector<16xf32>,
      %swap3A_200 = arith.constant 176 : index
      %swap3A_201 = tpu.vector_load %arg5[%swap3A_200] {strides = array<i32>} : memref<432xf32, #tpu.memory_space<vmem>>, vector<16xf32>,
      tpu.vector_store %arg5[%swap3A_200], %scan3A_176#11 {strides = array<i32>} : memref<432xf32, #tpu.memory_space<vmem>>, vector<16xf32>,
      %swap3A_202 = arith.constant 192 : index
      %swap3A_203 = tpu.vector_load %arg5[%swap3A_202] {strides = array<i32>} : memref<432xf32, #tpu.memory_space<vmem>>, vector<16xf32>,
      tpu.vector_store %arg5[%swap3A_202], %scan3A_176#12 {strides = array<i32>} : memref<432xf32, #tpu.memory_space<vmem>>, vector<16xf32>,
      %swap3A_204 = arith.constant 208 : index
      %swap3A_205 = tpu.vector_load %arg5[%swap3A_204] {strides = array<i32>} : memref<432xf32, #tpu.memory_space<vmem>>, vector<16xf32>,
      tpu.vector_store %arg5[%swap3A_204], %scan3A_176#13 {strides = array<i32>} : memref<432xf32, #tpu.memory_space<vmem>>, vector<16xf32>,
      %swap3A_206 = arith.constant 224 : index
      %swap3A_207 = tpu.vector_load %arg5[%swap3A_206] {strides = array<i32>} : memref<432xf32, #tpu.memory_space<vmem>>, vector<16xf32>,
      tpu.vector_store %arg5[%swap3A_206], %scan3A_176#14 {strides = array<i32>} : memref<432xf32, #tpu.memory_space<vmem>>, vector<16xf32>,
      %swap3A_208 = arith.constant 240 : index
      %swap3A_209 = tpu.vector_load %arg5[%swap3A_208] {strides = array<i32>} : memref<432xf32, #tpu.memory_space<vmem>>, vector<16xf32>,
      tpu.vector_store %arg5[%swap3A_208], %scan3A_176#15 {strides = array<i32>} : memref<432xf32, #tpu.memory_space<vmem>>, vector<16xf32>,
      %swap3A_210 = arith.constant 256 : index
      %swap3A_211 = tpu.vector_load %arg5[%swap3A_210] {strides = array<i32>} : memref<432xf32, #tpu.memory_space<vmem>>, vector<16xf32>,
      tpu.vector_store %arg5[%swap3A_210], %scan3A_176#16 {strides = array<i32>} : memref<432xf32, #tpu.memory_space<vmem>>, vector<16xf32>,
      %swap3A_212 = arith.constant 272 : index
      %swap3A_213 = tpu.vector_load %arg5[%swap3A_212] {strides = array<i32>} : memref<432xf32, #tpu.memory_space<vmem>>, vector<16xf32>,
      tpu.vector_store %arg5[%swap3A_212], %scan3A_176#17 {strides = array<i32>} : memref<432xf32, #tpu.memory_space<vmem>>, vector<16xf32>,
      %swap3A_214 = arith.constant 288 : index
      %swap3A_215 = tpu.vector_load %arg5[%swap3A_214] {strides = array<i32>} : memref<432xf32, #tpu.memory_space<vmem>>, vector<16xf32>,
      tpu.vector_store %arg5[%swap3A_214], %scan3A_176#18 {strides = array<i32>} : memref<432xf32, #tpu.memory_space<vmem>>, vector<16xf32>,
      %swap3A_216 = arith.constant 304 : index
      %swap3A_217 = tpu.vector_load %arg5[%swap3A_216] {strides = array<i32>} : memref<432xf32, #tpu.memory_space<vmem>>, vector<16xf32>,
      tpu.vector_store %arg5[%swap3A_216], %scan3A_176#19 {strides = array<i32>} : memref<432xf32, #tpu.memory_space<vmem>>, vector<16xf32>,
      %swap3A_218 = arith.constant 320 : index
      %swap3A_219 = tpu.vector_load %arg5[%swap3A_218] {strides = array<i32>} : memref<432xf32, #tpu.memory_space<vmem>>, vector<16xf32>,
      tpu.vector_store %arg5[%swap3A_218], %scan3A_176#20 {strides = array<i32>} : memref<432xf32, #tpu.memory_space<vmem>>, vector<16xf32>,
      %swap3A_220 = arith.constant 336 : index
      %swap3A_221 = tpu.vector_load %arg5[%swap3A_220] {strides = array<i32>} : memref<432xf32, #tpu.memory_space<vmem>>, vector<16xf32>,
      tpu.vector_store %arg5[%swap3A_220], %scan3A_176#21 {strides = array<i32>} : memref<432xf32, #tpu.memory_space<vmem>>, vector<16xf32>,
      %swap3A_222 = arith.constant 352 : index
      %swap3A_223 = tpu.vector_load %arg5[%swap3A_222] {strides = array<i32>} : memref<432xf32, #tpu.memory_space<vmem>>, vector<16xf32>,
      tpu.vector_store %arg5[%swap3A_222], %scan3A_176#22 {strides = array<i32>} : memref<432xf32, #tpu.memory_space<vmem>>, vector<16xf32>,
      %swap3A_224 = arith.constant 368 : index
      %swap3A_225 = tpu.vector_load %arg5[%swap3A_224] {strides = array<i32>} : memref<432xf32, #tpu.memory_space<vmem>>, vector<16xf32>,
      tpu.vector_store %arg5[%swap3A_224], %scan3A_176#23 {strides = array<i32>} : memref<432xf32, #tpu.memory_space<vmem>>, vector<16xf32>,
      %swap3A_226 = arith.constant 384 : index
      %swap3A_227 = tpu.vector_load %arg5[%swap3A_226] {strides = array<i32>} : memref<432xf32, #tpu.memory_space<vmem>>, vector<16xf32>,
      tpu.vector_store %arg5[%swap3A_226], %scan3A_176#24 {strides = array<i32>} : memref<432xf32, #tpu.memory_space<vmem>>, vector<16xf32>,
      %swap3A_228 = arith.constant 400 : index
      %swap3A_229 = tpu.vector_load %arg5[%swap3A_228] {strides = array<i32>} : memref<432xf32, #tpu.memory_space<vmem>>, vector<16xf32>,
      tpu.vector_store %arg5[%swap3A_228], %scan3A_176#25 {strides = array<i32>} : memref<432xf32, #tpu.memory_space<vmem>>, vector<16xf32>,
      %swap3A_230 = arith.constant 416 : index
      %swap3A_231 = tpu.vector_load %arg5[%swap3A_230] {strides = array<i32>} : memref<432xf32, #tpu.memory_space<vmem>>, vector<16xf32>,
      tpu.vector_store %arg5[%swap3A_230], %scan3A_176#26 {strides = array<i32>} : memref<432xf32, #tpu.memory_space<vmem>>, vector<16xf32>,
    } else {
    }
    "tpu.region"() ({
      %run_scoped3A = tpu.sem_alloc : memref<!tpu.dma_semaphore, #tpu.memory_space<semaphore_mem>>
      %dma_start3A = arith.constant 0 : i32
      %dma_start3A_117 = tpu.memref_slice %arg3[%add3A, %dma_start3A] : memref<32x432xf32, #tpu.memory_space<hbm>> -> memref<1x432xf32, #tpu.memory_space<hbm>>
      %dma_start3A_118 = tpu.memref_squeeze %dma_start3A_117 : memref<1x432xf32, #tpu.memory_space<hbm>> -> memref<432xf32, #tpu.memory_space<hbm>>
      %dma_start3A_119 = arith.constant 0 : i32
      %dma_start3A_120 = tpu.memref_slice %arg3[%add3A, %dma_start3A_119] : memref<32x432xf32, #tpu.memory_space<hbm>> -> memref<1x432xf32, #tpu.memory_space<hbm>>
      %dma_start3A_121 = tpu.memref_squeeze %dma_start3A_120 : memref<1x432xf32, #tpu.memory_space<hbm>> -> memref<432xf32, #tpu.memory_space<hbm>>
      tpu.enqueue_dma source(%arg5 : memref<432xf32, #tpu.memory_space<vmem>>) target(%dma_start3A_121 : memref<432xf32, #tpu.memory_space<hbm>>) target_semaphore(%run_scoped3A : memref<!tpu.dma_semaphore, #tpu.memory_space<semaphore_mem>>)
      %dma_wait3A = arith.constant 0 : i32
      %dma_wait3A_122 = tpu.memref_slice %arg3[%add3A, %dma_wait3A] : memref<32x432xf32, #tpu.memory_space<hbm>> -> memref<1x432xf32, #tpu.memory_space<hbm>>
      %dma_wait3A_123 = tpu.memref_squeeze %dma_wait3A_122 : memref<1x432xf32, #tpu.memory_space<hbm>> -> memref<432xf32, #tpu.memory_space<hbm>>
      %dma_wait3A_124 = arith.constant 0 : i32
      %dma_wait3A_125 = tpu.memref_slice %arg3[%add3A, %dma_wait3A_124] : memref<32x432xf32, #tpu.memory_space<hbm>> -> memref<1x432xf32, #tpu.memory_space<hbm>>
      %dma_wait3A_126 = tpu.memref_squeeze %dma_wait3A_125 : memref<1x432xf32, #tpu.memory_space<hbm>> -> memref<432xf32, #tpu.memory_space<hbm>>
      tpu.wait_dma2 semaphore(%run_scoped3A : memref<!tpu.dma_semaphore, #tpu.memory_space<semaphore_mem>>) src(%arg5 : memref<432xf32, #tpu.memory_space<vmem>>) dst(%dma_wait3A_126 : memref<432xf32, #tpu.memory_space<hbm>>)
      tpu.yield
    }) : () -> ()
    return
  }
}

module attributes {stable_mosaic.version = 14 : i64} {
  func.func @_finalize_body(%arg0: memref<32x432xf32, #tpu.memory_space<vmem>>, %arg1: memref<1x32xf32, #tpu.memory_space<vmem>>, %arg2: memref<432xf32, #tpu.memory_space<vmem>>, %arg3: memref<432xf32, #tpu.memory_space<vmem>>) attributes {dimension_semantics = [], scalar_prefetch = 0 : i64, scratch_operands = 0 : i64, tpu.core_type = #tpu.core_type<tc>} {
    %get3A = arith.constant 0 : index
    %get3A_0 = arith.constant 0 : index
    %get3A_1 = vector.load %arg0[%get3A, %get3A_0] : memref<32x432xf32, #tpu.memory_space<vmem>>, vector<32x432xf32>
    %get3A_2 = arith.constant 0 : index
    %get3A_3 = arith.constant 0 : index
    %get3A_4 = vector.load %arg1[%get3A_2, %get3A_3] : memref<1x32xf32, #tpu.memory_space<vmem>>, vector<1x32xf32>
    %iota3A = tpu.iota {dimensions = array<i32: 1>} : vector<1x432xi32>
    %jit3A = arith.constant 16 : i32
    %div3A = vector.broadcast %jit3A : i32 to vector<1x432xi32>
    %div3A_5 = arith.divsi %iota3A, %div3A : vector<1x432xi32>
    %sign3A = arith.constant 0 : i32
    %sign3A_6 = vector.broadcast %sign3A : i32 to vector<1x432xi32>
    %sign3A_7 = arith.cmpi sgt, %iota3A, %sign3A_6 : vector<1x432xi32>
    %sign3A_8 = arith.extui %sign3A_7 : vector<1x432xi1> to vector<1x432xi32>
    %sign3A_9 = arith.constant 0 : i32
    %sign3A_10 = vector.broadcast %sign3A_9 : i32 to vector<1x432xi32>
    %sign3A_11 = arith.cmpi slt, %iota3A, %sign3A_10 : vector<1x432xi32>
    %sign3A_12 = arith.extui %sign3A_11 : vector<1x432xi1> to vector<1x432xi32>
    %sign3A_13 = arith.subi %sign3A_8, %sign3A_12 : vector<1x432xi32>
    %sign3A_14 = arith.constant 0 : i32
    %sign3A_15 = arith.cmpi sgt, %jit3A, %sign3A_14 : i32
    %sign3A_16 = arith.extui %sign3A_15 : i1 to i32
    %sign3A_17 = arith.constant 0 : i32
    %sign3A_18 = arith.cmpi slt, %jit3A, %sign3A_17 : i32
    %sign3A_19 = arith.extui %sign3A_18 : i1 to i32
    %sign3A_20 = arith.subi %sign3A_16, %sign3A_19 : i32
    %ne3A = vector.broadcast %sign3A_20 : i32 to vector<1x432xi32>
    %ne3A_21 = arith.cmpi ne, %sign3A_13, %ne3A : vector<1x432xi32>
    %rem3A = vector.broadcast %jit3A : i32 to vector<1x432xi32>
    %rem3A_22 = arith.remsi %iota3A, %rem3A : vector<1x432xi32>
    %ne3A_23 = arith.constant 0 : i32
    %ne3A_24 = vector.broadcast %ne3A_23 : i32 to vector<1x432xi32>
    %ne3A_25 = arith.cmpi ne, %rem3A_22, %ne3A_24 : vector<1x432xi32>
    %and3A = arith.andi %ne3A_21, %ne3A_25 : vector<1x432xi1>
    %sub3A = arith.constant 1 : i32
    %sub3A_26 = vector.broadcast %sub3A : i32 to vector<1x432xi32>
    %sub3A_27 = arith.subi %div3A_5, %sub3A_26 : vector<1x432xi32>
    %select_n3A = arith.select %and3A, %sub3A_27, %div3A_5 : vector<1x432xi1>, vector<1x432xi32>
    %broadcast_in_dim3A = arith.constant 0.000000e+00 : f32
    %broadcast_in_dim3A_28 = vector.broadcast %broadcast_in_dim3A : f32 to vector<1x432xf32>
    %broadcast_in_dim3A_29 = arith.constant 0.000000e+00 : f32
    %broadcast_in_dim3A_30 = vector.broadcast %broadcast_in_dim3A_29 : f32 to vector<1x432xf32>
    %slice3A = vector.extract_strided_slice %get3A_1 {offsets = [0, 0], sizes = [32, 16], strides = [1, 1]} : vector<32x432xf32> to vector<32x16xf32>
    %reduce_max3A = vector.shape_cast %slice3A : vector<32x16xf32> to vector<1x32x16xf32>
    %reduce_max3A_31 = arith.constant dense<0xFF800000> : vector<1xf32>
    %reduce_max3A_32 = vector.multi_reduction <maximumf>, %reduce_max3A, %reduce_max3A_31 [1, 2] : vector<1x32x16xf32> to vector<1xf32>
    %reduce_max3A_33 = vector.shape_cast %reduce_max3A_32 : vector<1xf32> to vector<1x1x1xf32>
    %reduce_max3A_34 = vector.extract %reduce_max3A_33[0, 0, 0] : f32 from vector<1x1x1xf32>
    %eq3A = arith.constant 0.000000e+00 : f32
    %eq3A_35 = arith.cmpf oeq, %reduce_max3A_34, %eq3A : f32
    %eq3A_36 = arith.constant 0.000000e+00 : f32
    %eq3A_37 = arith.cmpf oeq, %reduce_max3A_34, %eq3A_36 : f32
    %jit3A_38 = arith.constant 1.000000e+00 : f32
    %select_n3A_39 = arith.select %eq3A_37, %jit3A_38, %reduce_max3A_34 : f32
    %div3A_40 = arith.constant 1.000000e+00 : f32
    %div3A_41 = arith.divf %div3A_40, %select_n3A_39 : f32
    %jit3A_42 = arith.constant 0.000000e+00 : f32
    %select_n3A_43 = arith.select %eq3A_35, %jit3A_42, %div3A_41 : f32
    %slice3A_44 = vector.extract_strided_slice %get3A_4 {offsets = [0, 0], sizes = [1, 1], strides = [1, 1]} : vector<1x32xf32> to vector<1x1xf32>
    %squeeze3A = vector.extract %slice3A_44[0, 0] : f32 from vector<1x1xf32>
    %mul3A = arith.mulf %squeeze3A, %select_n3A_43 : f32
    %eq3A_45 = arith.constant 0 : i32
    %eq3A_46 = vector.broadcast %eq3A_45 : i32 to vector<1x432xi32>
    %eq3A_47 = arith.cmpi eq, %select_n3A, %eq3A_46 : vector<1x432xi32>
    %broadcast_in_dim3A_48 = vector.broadcast %select_n3A_43 : f32 to vector<1x432xf32>
    %select_n3A_49 = arith.select %eq3A_47, %broadcast_in_dim3A_48, %broadcast_in_dim3A_28 : vector<1x432xi1>, vector<1x432xf32>
    %eq3A_50 = arith.constant 0 : i32
    %eq3A_51 = vector.broadcast %eq3A_50 : i32 to vector<1x432xi32>
    %eq3A_52 = arith.cmpi eq, %select_n3A, %eq3A_51 : vector<1x432xi32>
    %broadcast_in_dim3A_53 = vector.broadcast %mul3A : f32 to vector<1x432xf32>
    %select_n3A_54 = arith.select %eq3A_52, %broadcast_in_dim3A_53, %broadcast_in_dim3A_30 : vector<1x432xi1>, vector<1x432xf32>
    %slice3A_55 = vector.extract_strided_slice %get3A_1 {offsets = [0, 16], sizes = [32, 16], strides = [1, 1]} : vector<32x432xf32> to vector<32x16xf32>
    %reduce_max3A_56 = vector.shape_cast %slice3A_55 : vector<32x16xf32> to vector<1x32x16xf32>
    %reduce_max3A_57 = arith.constant dense<0xFF800000> : vector<1xf32>
    %reduce_max3A_58 = vector.multi_reduction <maximumf>, %reduce_max3A_56, %reduce_max3A_57 [1, 2] : vector<1x32x16xf32> to vector<1xf32>
    %reduce_max3A_59 = vector.shape_cast %reduce_max3A_58 : vector<1xf32> to vector<1x1x1xf32>
    %reduce_max3A_60 = vector.extract %reduce_max3A_59[0, 0, 0] : f32 from vector<1x1x1xf32>
    %eq3A_61 = arith.constant 0.000000e+00 : f32
    %eq3A_62 = arith.cmpf oeq, %reduce_max3A_60, %eq3A_61 : f32
    %eq3A_63 = arith.constant 0.000000e+00 : f32
    %eq3A_64 = arith.cmpf oeq, %reduce_max3A_60, %eq3A_63 : f32
    %jit3A_65 = arith.constant 1.000000e+00 : f32
    %select_n3A_66 = arith.select %eq3A_64, %jit3A_65, %reduce_max3A_60 : f32
    %div3A_67 = arith.constant 1.000000e+00 : f32
    %div3A_68 = arith.divf %div3A_67, %select_n3A_66 : f32
    %jit3A_69 = arith.constant 0.000000e+00 : f32
    %select_n3A_70 = arith.select %eq3A_62, %jit3A_69, %div3A_68 : f32
    %slice3A_71 = vector.extract_strided_slice %get3A_4 {offsets = [0, 1], sizes = [1, 1], strides = [1, 1]} : vector<1x32xf32> to vector<1x1xf32>
    %squeeze3A_72 = vector.extract %slice3A_71[0, 0] : f32 from vector<1x1xf32>
    %mul3A_73 = arith.mulf %squeeze3A_72, %select_n3A_70 : f32
    %eq3A_74 = arith.constant 1 : i32
    %eq3A_75 = vector.broadcast %eq3A_74 : i32 to vector<1x432xi32>
    %eq3A_76 = arith.cmpi eq, %select_n3A, %eq3A_75 : vector<1x432xi32>
    %broadcast_in_dim3A_77 = vector.broadcast %select_n3A_70 : f32 to vector<1x432xf32>
    %select_n3A_78 = arith.select %eq3A_76, %broadcast_in_dim3A_77, %select_n3A_49 : vector<1x432xi1>, vector<1x432xf32>
    %eq3A_79 = arith.constant 1 : i32
    %eq3A_80 = vector.broadcast %eq3A_79 : i32 to vector<1x432xi32>
    %eq3A_81 = arith.cmpi eq, %select_n3A, %eq3A_80 : vector<1x432xi32>
    %broadcast_in_dim3A_82 = vector.broadcast %mul3A_73 : f32 to vector<1x432xf32>
    %select_n3A_83 = arith.select %eq3A_81, %broadcast_in_dim3A_82, %select_n3A_54 : vector<1x432xi1>, vector<1x432xf32>
    %slice3A_84 = vector.extract_strided_slice %get3A_1 {offsets = [0, 32], sizes = [32, 16], strides = [1, 1]} : vector<32x432xf32> to vector<32x16xf32>
    %reduce_max3A_85 = vector.shape_cast %slice3A_84 : vector<32x16xf32> to vector<1x32x16xf32>
    %reduce_max3A_86 = arith.constant dense<0xFF800000> : vector<1xf32>
    %reduce_max3A_87 = vector.multi_reduction <maximumf>, %reduce_max3A_85, %reduce_max3A_86 [1, 2] : vector<1x32x16xf32> to vector<1xf32>
    %reduce_max3A_88 = vector.shape_cast %reduce_max3A_87 : vector<1xf32> to vector<1x1x1xf32>
    %reduce_max3A_89 = vector.extract %reduce_max3A_88[0, 0, 0] : f32 from vector<1x1x1xf32>
    %eq3A_90 = arith.constant 0.000000e+00 : f32
    %eq3A_91 = arith.cmpf oeq, %reduce_max3A_89, %eq3A_90 : f32
    %eq3A_92 = arith.constant 0.000000e+00 : f32
    %eq3A_93 = arith.cmpf oeq, %reduce_max3A_89, %eq3A_92 : f32
    %jit3A_94 = arith.constant 1.000000e+00 : f32
    %select_n3A_95 = arith.select %eq3A_93, %jit3A_94, %reduce_max3A_89 : f32
    %div3A_96 = arith.constant 1.000000e+00 : f32
    %div3A_97 = arith.divf %div3A_96, %select_n3A_95 : f32
    %jit3A_98 = arith.constant 0.000000e+00 : f32
    %select_n3A_99 = arith.select %eq3A_91, %jit3A_98, %div3A_97 : f32
    %slice3A_100 = vector.extract_strided_slice %get3A_4 {offsets = [0, 2], sizes = [1, 1], strides = [1, 1]} : vector<1x32xf32> to vector<1x1xf32>
    %squeeze3A_101 = vector.extract %slice3A_100[0, 0] : f32 from vector<1x1xf32>
    %mul3A_102 = arith.mulf %squeeze3A_101, %select_n3A_99 : f32
    %eq3A_103 = arith.constant 2 : i32
    %eq3A_104 = vector.broadcast %eq3A_103 : i32 to vector<1x432xi32>
    %eq3A_105 = arith.cmpi eq, %select_n3A, %eq3A_104 : vector<1x432xi32>
    %broadcast_in_dim3A_106 = vector.broadcast %select_n3A_99 : f32 to vector<1x432xf32>
    %select_n3A_107 = arith.select %eq3A_105, %broadcast_in_dim3A_106, %select_n3A_78 : vector<1x432xi1>, vector<1x432xf32>
    %eq3A_108 = arith.constant 2 : i32
    %eq3A_109 = vector.broadcast %eq3A_108 : i32 to vector<1x432xi32>
    %eq3A_110 = arith.cmpi eq, %select_n3A, %eq3A_109 : vector<1x432xi32>
    %broadcast_in_dim3A_111 = vector.broadcast %mul3A_102 : f32 to vector<1x432xf32>
    %select_n3A_112 = arith.select %eq3A_110, %broadcast_in_dim3A_111, %select_n3A_83 : vector<1x432xi1>, vector<1x432xf32>
    %slice3A_113 = vector.extract_strided_slice %get3A_1 {offsets = [0, 48], sizes = [32, 16], strides = [1, 1]} : vector<32x432xf32> to vector<32x16xf32>
    %reduce_max3A_114 = vector.shape_cast %slice3A_113 : vector<32x16xf32> to vector<1x32x16xf32>
    %reduce_max3A_115 = arith.constant dense<0xFF800000> : vector<1xf32>
    %reduce_max3A_116 = vector.multi_reduction <maximumf>, %reduce_max3A_114, %reduce_max3A_115 [1, 2] : vector<1x32x16xf32> to vector<1xf32>
    %reduce_max3A_117 = vector.shape_cast %reduce_max3A_116 : vector<1xf32> to vector<1x1x1xf32>
    %reduce_max3A_118 = vector.extract %reduce_max3A_117[0, 0, 0] : f32 from vector<1x1x1xf32>
    %eq3A_119 = arith.constant 0.000000e+00 : f32
    %eq3A_120 = arith.cmpf oeq, %reduce_max3A_118, %eq3A_119 : f32
    %eq3A_121 = arith.constant 0.000000e+00 : f32
    %eq3A_122 = arith.cmpf oeq, %reduce_max3A_118, %eq3A_121 : f32
    %jit3A_123 = arith.constant 1.000000e+00 : f32
    %select_n3A_124 = arith.select %eq3A_122, %jit3A_123, %reduce_max3A_118 : f32
    %div3A_125 = arith.constant 1.000000e+00 : f32
    %div3A_126 = arith.divf %div3A_125, %select_n3A_124 : f32
    %jit3A_127 = arith.constant 0.000000e+00 : f32
    %select_n3A_128 = arith.select %eq3A_120, %jit3A_127, %div3A_126 : f32
    %slice3A_129 = vector.extract_strided_slice %get3A_4 {offsets = [0, 3], sizes = [1, 1], strides = [1, 1]} : vector<1x32xf32> to vector<1x1xf32>
    %squeeze3A_130 = vector.extract %slice3A_129[0, 0] : f32 from vector<1x1xf32>
    %mul3A_131 = arith.mulf %squeeze3A_130, %select_n3A_128 : f32
    %eq3A_132 = arith.constant 3 : i32
    %eq3A_133 = vector.broadcast %eq3A_132 : i32 to vector<1x432xi32>
    %eq3A_134 = arith.cmpi eq, %select_n3A, %eq3A_133 : vector<1x432xi32>
    %broadcast_in_dim3A_135 = vector.broadcast %select_n3A_128 : f32 to vector<1x432xf32>
    %select_n3A_136 = arith.select %eq3A_134, %broadcast_in_dim3A_135, %select_n3A_107 : vector<1x432xi1>, vector<1x432xf32>
    %eq3A_137 = arith.constant 3 : i32
    %eq3A_138 = vector.broadcast %eq3A_137 : i32 to vector<1x432xi32>
    %eq3A_139 = arith.cmpi eq, %select_n3A, %eq3A_138 : vector<1x432xi32>
    %broadcast_in_dim3A_140 = vector.broadcast %mul3A_131 : f32 to vector<1x432xf32>
    %select_n3A_141 = arith.select %eq3A_139, %broadcast_in_dim3A_140, %select_n3A_112 : vector<1x432xi1>, vector<1x432xf32>
    %slice3A_142 = vector.extract_strided_slice %get3A_1 {offsets = [0, 64], sizes = [32, 16], strides = [1, 1]} : vector<32x432xf32> to vector<32x16xf32>
    %reduce_max3A_143 = vector.shape_cast %slice3A_142 : vector<32x16xf32> to vector<1x32x16xf32>
    %reduce_max3A_144 = arith.constant dense<0xFF800000> : vector<1xf32>
    %reduce_max3A_145 = vector.multi_reduction <maximumf>, %reduce_max3A_143, %reduce_max3A_144 [1, 2] : vector<1x32x16xf32> to vector<1xf32>
    %reduce_max3A_146 = vector.shape_cast %reduce_max3A_145 : vector<1xf32> to vector<1x1x1xf32>
    %reduce_max3A_147 = vector.extract %reduce_max3A_146[0, 0, 0] : f32 from vector<1x1x1xf32>
    %eq3A_148 = arith.constant 0.000000e+00 : f32
    %eq3A_149 = arith.cmpf oeq, %reduce_max3A_147, %eq3A_148 : f32
    %eq3A_150 = arith.constant 0.000000e+00 : f32
    %eq3A_151 = arith.cmpf oeq, %reduce_max3A_147, %eq3A_150 : f32
    %jit3A_152 = arith.constant 1.000000e+00 : f32
    %select_n3A_153 = arith.select %eq3A_151, %jit3A_152, %reduce_max3A_147 : f32
    %div3A_154 = arith.constant 1.000000e+00 : f32
    %div3A_155 = arith.divf %div3A_154, %select_n3A_153 : f32
    %jit3A_156 = arith.constant 0.000000e+00 : f32
    %select_n3A_157 = arith.select %eq3A_149, %jit3A_156, %div3A_155 : f32
    %slice3A_158 = vector.extract_strided_slice %get3A_4 {offsets = [0, 4], sizes = [1, 1], strides = [1, 1]} : vector<1x32xf32> to vector<1x1xf32>
    %squeeze3A_159 = vector.extract %slice3A_158[0, 0] : f32 from vector<1x1xf32>
    %mul3A_160 = arith.mulf %squeeze3A_159, %select_n3A_157 : f32
    %eq3A_161 = arith.constant 4 : i32
    %eq3A_162 = vector.broadcast %eq3A_161 : i32 to vector<1x432xi32>
    %eq3A_163 = arith.cmpi eq, %select_n3A, %eq3A_162 : vector<1x432xi32>
    %broadcast_in_dim3A_164 = vector.broadcast %select_n3A_157 : f32 to vector<1x432xf32>
    %select_n3A_165 = arith.select %eq3A_163, %broadcast_in_dim3A_164, %select_n3A_136 : vector<1x432xi1>, vector<1x432xf32>
    %eq3A_166 = arith.constant 4 : i32
    %eq3A_167 = vector.broadcast %eq3A_166 : i32 to vector<1x432xi32>
    %eq3A_168 = arith.cmpi eq, %select_n3A, %eq3A_167 : vector<1x432xi32>
    %broadcast_in_dim3A_169 = vector.broadcast %mul3A_160 : f32 to vector<1x432xf32>
    %select_n3A_170 = arith.select %eq3A_168, %broadcast_in_dim3A_169, %select_n3A_141 : vector<1x432xi1>, vector<1x432xf32>
    %slice3A_171 = vector.extract_strided_slice %get3A_1 {offsets = [0, 80], sizes = [32, 16], strides = [1, 1]} : vector<32x432xf32> to vector<32x16xf32>
    %reduce_max3A_172 = vector.shape_cast %slice3A_171 : vector<32x16xf32> to vector<1x32x16xf32>
    %reduce_max3A_173 = arith.constant dense<0xFF800000> : vector<1xf32>
    %reduce_max3A_174 = vector.multi_reduction <maximumf>, %reduce_max3A_172, %reduce_max3A_173 [1, 2] : vector<1x32x16xf32> to vector<1xf32>
    %reduce_max3A_175 = vector.shape_cast %reduce_max3A_174 : vector<1xf32> to vector<1x1x1xf32>
    %reduce_max3A_176 = vector.extract %reduce_max3A_175[0, 0, 0] : f32 from vector<1x1x1xf32>
    %eq3A_177 = arith.constant 0.000000e+00 : f32
    %eq3A_178 = arith.cmpf oeq, %reduce_max3A_176, %eq3A_177 : f32
    %eq3A_179 = arith.constant 0.000000e+00 : f32
    %eq3A_180 = arith.cmpf oeq, %reduce_max3A_176, %eq3A_179 : f32
    %jit3A_181 = arith.constant 1.000000e+00 : f32
    %select_n3A_182 = arith.select %eq3A_180, %jit3A_181, %reduce_max3A_176 : f32
    %div3A_183 = arith.constant 1.000000e+00 : f32
    %div3A_184 = arith.divf %div3A_183, %select_n3A_182 : f32
    %jit3A_185 = arith.constant 0.000000e+00 : f32
    %select_n3A_186 = arith.select %eq3A_178, %jit3A_185, %div3A_184 : f32
    %slice3A_187 = vector.extract_strided_slice %get3A_4 {offsets = [0, 5], sizes = [1, 1], strides = [1, 1]} : vector<1x32xf32> to vector<1x1xf32>
    %squeeze3A_188 = vector.extract %slice3A_187[0, 0] : f32 from vector<1x1xf32>
    %mul3A_189 = arith.mulf %squeeze3A_188, %select_n3A_186 : f32
    %eq3A_190 = arith.constant 5 : i32
    %eq3A_191 = vector.broadcast %eq3A_190 : i32 to vector<1x432xi32>
    %eq3A_192 = arith.cmpi eq, %select_n3A, %eq3A_191 : vector<1x432xi32>
    %broadcast_in_dim3A_193 = vector.broadcast %select_n3A_186 : f32 to vector<1x432xf32>
    %select_n3A_194 = arith.select %eq3A_192, %broadcast_in_dim3A_193, %select_n3A_165 : vector<1x432xi1>, vector<1x432xf32>
    %eq3A_195 = arith.constant 5 : i32
    %eq3A_196 = vector.broadcast %eq3A_195 : i32 to vector<1x432xi32>
    %eq3A_197 = arith.cmpi eq, %select_n3A, %eq3A_196 : vector<1x432xi32>
    %broadcast_in_dim3A_198 = vector.broadcast %mul3A_189 : f32 to vector<1x432xf32>
    %select_n3A_199 = arith.select %eq3A_197, %broadcast_in_dim3A_198, %select_n3A_170 : vector<1x432xi1>, vector<1x432xf32>
    %slice3A_200 = vector.extract_strided_slice %get3A_1 {offsets = [0, 96], sizes = [32, 16], strides = [1, 1]} : vector<32x432xf32> to vector<32x16xf32>
    %reduce_max3A_201 = vector.shape_cast %slice3A_200 : vector<32x16xf32> to vector<1x32x16xf32>
    %reduce_max3A_202 = arith.constant dense<0xFF800000> : vector<1xf32>
    %reduce_max3A_203 = vector.multi_reduction <maximumf>, %reduce_max3A_201, %reduce_max3A_202 [1, 2] : vector<1x32x16xf32> to vector<1xf32>
    %reduce_max3A_204 = vector.shape_cast %reduce_max3A_203 : vector<1xf32> to vector<1x1x1xf32>
    %reduce_max3A_205 = vector.extract %reduce_max3A_204[0, 0, 0] : f32 from vector<1x1x1xf32>
    %eq3A_206 = arith.constant 0.000000e+00 : f32
    %eq3A_207 = arith.cmpf oeq, %reduce_max3A_205, %eq3A_206 : f32
    %eq3A_208 = arith.constant 0.000000e+00 : f32
    %eq3A_209 = arith.cmpf oeq, %reduce_max3A_205, %eq3A_208 : f32
    %jit3A_210 = arith.constant 1.000000e+00 : f32
    %select_n3A_211 = arith.select %eq3A_209, %jit3A_210, %reduce_max3A_205 : f32
    %div3A_212 = arith.constant 1.000000e+00 : f32
    %div3A_213 = arith.divf %div3A_212, %select_n3A_211 : f32
    %jit3A_214 = arith.constant 0.000000e+00 : f32
    %select_n3A_215 = arith.select %eq3A_207, %jit3A_214, %div3A_213 : f32
    %slice3A_216 = vector.extract_strided_slice %get3A_4 {offsets = [0, 6], sizes = [1, 1], strides = [1, 1]} : vector<1x32xf32> to vector<1x1xf32>
    %squeeze3A_217 = vector.extract %slice3A_216[0, 0] : f32 from vector<1x1xf32>
    %mul3A_218 = arith.mulf %squeeze3A_217, %select_n3A_215 : f32
    %eq3A_219 = arith.constant 6 : i32
    %eq3A_220 = vector.broadcast %eq3A_219 : i32 to vector<1x432xi32>
    %eq3A_221 = arith.cmpi eq, %select_n3A, %eq3A_220 : vector<1x432xi32>
    %broadcast_in_dim3A_222 = vector.broadcast %select_n3A_215 : f32 to vector<1x432xf32>
    %select_n3A_223 = arith.select %eq3A_221, %broadcast_in_dim3A_222, %select_n3A_194 : vector<1x432xi1>, vector<1x432xf32>
    %eq3A_224 = arith.constant 6 : i32
    %eq3A_225 = vector.broadcast %eq3A_224 : i32 to vector<1x432xi32>
    %eq3A_226 = arith.cmpi eq, %select_n3A, %eq3A_225 : vector<1x432xi32>
    %broadcast_in_dim3A_227 = vector.broadcast %mul3A_218 : f32 to vector<1x432xf32>
    %select_n3A_228 = arith.select %eq3A_226, %broadcast_in_dim3A_227, %select_n3A_199 : vector<1x432xi1>, vector<1x432xf32>
    %slice3A_229 = vector.extract_strided_slice %get3A_1 {offsets = [0, 112], sizes = [32, 16], strides = [1, 1]} : vector<32x432xf32> to vector<32x16xf32>
    %reduce_max3A_230 = vector.shape_cast %slice3A_229 : vector<32x16xf32> to vector<1x32x16xf32>
    %reduce_max3A_231 = arith.constant dense<0xFF800000> : vector<1xf32>
    %reduce_max3A_232 = vector.multi_reduction <maximumf>, %reduce_max3A_230, %reduce_max3A_231 [1, 2] : vector<1x32x16xf32> to vector<1xf32>
    %reduce_max3A_233 = vector.shape_cast %reduce_max3A_232 : vector<1xf32> to vector<1x1x1xf32>
    %reduce_max3A_234 = vector.extract %reduce_max3A_233[0, 0, 0] : f32 from vector<1x1x1xf32>
    %eq3A_235 = arith.constant 0.000000e+00 : f32
    %eq3A_236 = arith.cmpf oeq, %reduce_max3A_234, %eq3A_235 : f32
    %eq3A_237 = arith.constant 0.000000e+00 : f32
    %eq3A_238 = arith.cmpf oeq, %reduce_max3A_234, %eq3A_237 : f32
    %jit3A_239 = arith.constant 1.000000e+00 : f32
    %select_n3A_240 = arith.select %eq3A_238, %jit3A_239, %reduce_max3A_234 : f32
    %div3A_241 = arith.constant 1.000000e+00 : f32
    %div3A_242 = arith.divf %div3A_241, %select_n3A_240 : f32
    %jit3A_243 = arith.constant 0.000000e+00 : f32
    %select_n3A_244 = arith.select %eq3A_236, %jit3A_243, %div3A_242 : f32
    %slice3A_245 = vector.extract_strided_slice %get3A_4 {offsets = [0, 7], sizes = [1, 1], strides = [1, 1]} : vector<1x32xf32> to vector<1x1xf32>
    %squeeze3A_246 = vector.extract %slice3A_245[0, 0] : f32 from vector<1x1xf32>
    %mul3A_247 = arith.mulf %squeeze3A_246, %select_n3A_244 : f32
    %eq3A_248 = arith.constant 7 : i32
    %eq3A_249 = vector.broadcast %eq3A_248 : i32 to vector<1x432xi32>
    %eq3A_250 = arith.cmpi eq, %select_n3A, %eq3A_249 : vector<1x432xi32>
    %broadcast_in_dim3A_251 = vector.broadcast %select_n3A_244 : f32 to vector<1x432xf32>
    %select_n3A_252 = arith.select %eq3A_250, %broadcast_in_dim3A_251, %select_n3A_223 : vector<1x432xi1>, vector<1x432xf32>
    %eq3A_253 = arith.constant 7 : i32
    %eq3A_254 = vector.broadcast %eq3A_253 : i32 to vector<1x432xi32>
    %eq3A_255 = arith.cmpi eq, %select_n3A, %eq3A_254 : vector<1x432xi32>
    %broadcast_in_dim3A_256 = vector.broadcast %mul3A_247 : f32 to vector<1x432xf32>
    %select_n3A_257 = arith.select %eq3A_255, %broadcast_in_dim3A_256, %select_n3A_228 : vector<1x432xi1>, vector<1x432xf32>
    %slice3A_258 = vector.extract_strided_slice %get3A_1 {offsets = [0, 128], sizes = [32, 16], strides = [1, 1]} : vector<32x432xf32> to vector<32x16xf32>
    %reduce_max3A_259 = vector.shape_cast %slice3A_258 : vector<32x16xf32> to vector<1x32x16xf32>
    %reduce_max3A_260 = arith.constant dense<0xFF800000> : vector<1xf32>
    %reduce_max3A_261 = vector.multi_reduction <maximumf>, %reduce_max3A_259, %reduce_max3A_260 [1, 2] : vector<1x32x16xf32> to vector<1xf32>
    %reduce_max3A_262 = vector.shape_cast %reduce_max3A_261 : vector<1xf32> to vector<1x1x1xf32>
    %reduce_max3A_263 = vector.extract %reduce_max3A_262[0, 0, 0] : f32 from vector<1x1x1xf32>
    %eq3A_264 = arith.constant 0.000000e+00 : f32
    %eq3A_265 = arith.cmpf oeq, %reduce_max3A_263, %eq3A_264 : f32
    %eq3A_266 = arith.constant 0.000000e+00 : f32
    %eq3A_267 = arith.cmpf oeq, %reduce_max3A_263, %eq3A_266 : f32
    %jit3A_268 = arith.constant 1.000000e+00 : f32
    %select_n3A_269 = arith.select %eq3A_267, %jit3A_268, %reduce_max3A_263 : f32
    %div3A_270 = arith.constant 1.000000e+00 : f32
    %div3A_271 = arith.divf %div3A_270, %select_n3A_269 : f32
    %jit3A_272 = arith.constant 0.000000e+00 : f32
    %select_n3A_273 = arith.select %eq3A_265, %jit3A_272, %div3A_271 : f32
    %slice3A_274 = vector.extract_strided_slice %get3A_4 {offsets = [0, 8], sizes = [1, 1], strides = [1, 1]} : vector<1x32xf32> to vector<1x1xf32>
    %squeeze3A_275 = vector.extract %slice3A_274[0, 0] : f32 from vector<1x1xf32>
    %mul3A_276 = arith.mulf %squeeze3A_275, %select_n3A_273 : f32
    %eq3A_277 = arith.constant 8 : i32
    %eq3A_278 = vector.broadcast %eq3A_277 : i32 to vector<1x432xi32>
    %eq3A_279 = arith.cmpi eq, %select_n3A, %eq3A_278 : vector<1x432xi32>
    %broadcast_in_dim3A_280 = vector.broadcast %select_n3A_273 : f32 to vector<1x432xf32>
    %select_n3A_281 = arith.select %eq3A_279, %broadcast_in_dim3A_280, %select_n3A_252 : vector<1x432xi1>, vector<1x432xf32>
    %eq3A_282 = arith.constant 8 : i32
    %eq3A_283 = vector.broadcast %eq3A_282 : i32 to vector<1x432xi32>
    %eq3A_284 = arith.cmpi eq, %select_n3A, %eq3A_283 : vector<1x432xi32>
    %broadcast_in_dim3A_285 = vector.broadcast %mul3A_276 : f32 to vector<1x432xf32>
    %select_n3A_286 = arith.select %eq3A_284, %broadcast_in_dim3A_285, %select_n3A_257 : vector<1x432xi1>, vector<1x432xf32>
    %slice3A_287 = vector.extract_strided_slice %get3A_1 {offsets = [0, 144], sizes = [32, 16], strides = [1, 1]} : vector<32x432xf32> to vector<32x16xf32>
    %reduce_max3A_288 = vector.shape_cast %slice3A_287 : vector<32x16xf32> to vector<1x32x16xf32>
    %reduce_max3A_289 = arith.constant dense<0xFF800000> : vector<1xf32>
    %reduce_max3A_290 = vector.multi_reduction <maximumf>, %reduce_max3A_288, %reduce_max3A_289 [1, 2] : vector<1x32x16xf32> to vector<1xf32>
    %reduce_max3A_291 = vector.shape_cast %reduce_max3A_290 : vector<1xf32> to vector<1x1x1xf32>
    %reduce_max3A_292 = vector.extract %reduce_max3A_291[0, 0, 0] : f32 from vector<1x1x1xf32>
    %eq3A_293 = arith.constant 0.000000e+00 : f32
    %eq3A_294 = arith.cmpf oeq, %reduce_max3A_292, %eq3A_293 : f32
    %eq3A_295 = arith.constant 0.000000e+00 : f32
    %eq3A_296 = arith.cmpf oeq, %reduce_max3A_292, %eq3A_295 : f32
    %jit3A_297 = arith.constant 1.000000e+00 : f32
    %select_n3A_298 = arith.select %eq3A_296, %jit3A_297, %reduce_max3A_292 : f32
    %div3A_299 = arith.constant 1.000000e+00 : f32
    %div3A_300 = arith.divf %div3A_299, %select_n3A_298 : f32
    %jit3A_301 = arith.constant 0.000000e+00 : f32
    %select_n3A_302 = arith.select %eq3A_294, %jit3A_301, %div3A_300 : f32
    %slice3A_303 = vector.extract_strided_slice %get3A_4 {offsets = [0, 9], sizes = [1, 1], strides = [1, 1]} : vector<1x32xf32> to vector<1x1xf32>
    %squeeze3A_304 = vector.extract %slice3A_303[0, 0] : f32 from vector<1x1xf32>
    %mul3A_305 = arith.mulf %squeeze3A_304, %select_n3A_302 : f32
    %eq3A_306 = arith.constant 9 : i32
    %eq3A_307 = vector.broadcast %eq3A_306 : i32 to vector<1x432xi32>
    %eq3A_308 = arith.cmpi eq, %select_n3A, %eq3A_307 : vector<1x432xi32>
    %broadcast_in_dim3A_309 = vector.broadcast %select_n3A_302 : f32 to vector<1x432xf32>
    %select_n3A_310 = arith.select %eq3A_308, %broadcast_in_dim3A_309, %select_n3A_281 : vector<1x432xi1>, vector<1x432xf32>
    %eq3A_311 = arith.constant 9 : i32
    %eq3A_312 = vector.broadcast %eq3A_311 : i32 to vector<1x432xi32>
    %eq3A_313 = arith.cmpi eq, %select_n3A, %eq3A_312 : vector<1x432xi32>
    %broadcast_in_dim3A_314 = vector.broadcast %mul3A_305 : f32 to vector<1x432xf32>
    %select_n3A_315 = arith.select %eq3A_313, %broadcast_in_dim3A_314, %select_n3A_286 : vector<1x432xi1>, vector<1x432xf32>
    %slice3A_316 = vector.extract_strided_slice %get3A_1 {offsets = [0, 160], sizes = [32, 16], strides = [1, 1]} : vector<32x432xf32> to vector<32x16xf32>
    %reduce_max3A_317 = vector.shape_cast %slice3A_316 : vector<32x16xf32> to vector<1x32x16xf32>
    %reduce_max3A_318 = arith.constant dense<0xFF800000> : vector<1xf32>
    %reduce_max3A_319 = vector.multi_reduction <maximumf>, %reduce_max3A_317, %reduce_max3A_318 [1, 2] : vector<1x32x16xf32> to vector<1xf32>
    %reduce_max3A_320 = vector.shape_cast %reduce_max3A_319 : vector<1xf32> to vector<1x1x1xf32>
    %reduce_max3A_321 = vector.extract %reduce_max3A_320[0, 0, 0] : f32 from vector<1x1x1xf32>
    %eq3A_322 = arith.constant 0.000000e+00 : f32
    %eq3A_323 = arith.cmpf oeq, %reduce_max3A_321, %eq3A_322 : f32
    %eq3A_324 = arith.constant 0.000000e+00 : f32
    %eq3A_325 = arith.cmpf oeq, %reduce_max3A_321, %eq3A_324 : f32
    %jit3A_326 = arith.constant 1.000000e+00 : f32
    %select_n3A_327 = arith.select %eq3A_325, %jit3A_326, %reduce_max3A_321 : f32
    %div3A_328 = arith.constant 1.000000e+00 : f32
    %div3A_329 = arith.divf %div3A_328, %select_n3A_327 : f32
    %jit3A_330 = arith.constant 0.000000e+00 : f32
    %select_n3A_331 = arith.select %eq3A_323, %jit3A_330, %div3A_329 : f32
    %slice3A_332 = vector.extract_strided_slice %get3A_4 {offsets = [0, 10], sizes = [1, 1], strides = [1, 1]} : vector<1x32xf32> to vector<1x1xf32>
    %squeeze3A_333 = vector.extract %slice3A_332[0, 0] : f32 from vector<1x1xf32>
    %mul3A_334 = arith.mulf %squeeze3A_333, %select_n3A_331 : f32
    %eq3A_335 = arith.constant 10 : i32
    %eq3A_336 = vector.broadcast %eq3A_335 : i32 to vector<1x432xi32>
    %eq3A_337 = arith.cmpi eq, %select_n3A, %eq3A_336 : vector<1x432xi32>
    %broadcast_in_dim3A_338 = vector.broadcast %select_n3A_331 : f32 to vector<1x432xf32>
    %select_n3A_339 = arith.select %eq3A_337, %broadcast_in_dim3A_338, %select_n3A_310 : vector<1x432xi1>, vector<1x432xf32>
    %eq3A_340 = arith.constant 10 : i32
    %eq3A_341 = vector.broadcast %eq3A_340 : i32 to vector<1x432xi32>
    %eq3A_342 = arith.cmpi eq, %select_n3A, %eq3A_341 : vector<1x432xi32>
    %broadcast_in_dim3A_343 = vector.broadcast %mul3A_334 : f32 to vector<1x432xf32>
    %select_n3A_344 = arith.select %eq3A_342, %broadcast_in_dim3A_343, %select_n3A_315 : vector<1x432xi1>, vector<1x432xf32>
    %slice3A_345 = vector.extract_strided_slice %get3A_1 {offsets = [0, 176], sizes = [32, 16], strides = [1, 1]} : vector<32x432xf32> to vector<32x16xf32>
    %reduce_max3A_346 = vector.shape_cast %slice3A_345 : vector<32x16xf32> to vector<1x32x16xf32>
    %reduce_max3A_347 = arith.constant dense<0xFF800000> : vector<1xf32>
    %reduce_max3A_348 = vector.multi_reduction <maximumf>, %reduce_max3A_346, %reduce_max3A_347 [1, 2] : vector<1x32x16xf32> to vector<1xf32>
    %reduce_max3A_349 = vector.shape_cast %reduce_max3A_348 : vector<1xf32> to vector<1x1x1xf32>
    %reduce_max3A_350 = vector.extract %reduce_max3A_349[0, 0, 0] : f32 from vector<1x1x1xf32>
    %eq3A_351 = arith.constant 0.000000e+00 : f32
    %eq3A_352 = arith.cmpf oeq, %reduce_max3A_350, %eq3A_351 : f32
    %eq3A_353 = arith.constant 0.000000e+00 : f32
    %eq3A_354 = arith.cmpf oeq, %reduce_max3A_350, %eq3A_353 : f32
    %jit3A_355 = arith.constant 1.000000e+00 : f32
    %select_n3A_356 = arith.select %eq3A_354, %jit3A_355, %reduce_max3A_350 : f32
    %div3A_357 = arith.constant 1.000000e+00 : f32
    %div3A_358 = arith.divf %div3A_357, %select_n3A_356 : f32
    %jit3A_359 = arith.constant 0.000000e+00 : f32
    %select_n3A_360 = arith.select %eq3A_352, %jit3A_359, %div3A_358 : f32
    %slice3A_361 = vector.extract_strided_slice %get3A_4 {offsets = [0, 11], sizes = [1, 1], strides = [1, 1]} : vector<1x32xf32> to vector<1x1xf32>
    %squeeze3A_362 = vector.extract %slice3A_361[0, 0] : f32 from vector<1x1xf32>
    %mul3A_363 = arith.mulf %squeeze3A_362, %select_n3A_360 : f32
    %eq3A_364 = arith.constant 11 : i32
    %eq3A_365 = vector.broadcast %eq3A_364 : i32 to vector<1x432xi32>
    %eq3A_366 = arith.cmpi eq, %select_n3A, %eq3A_365 : vector<1x432xi32>
    %broadcast_in_dim3A_367 = vector.broadcast %select_n3A_360 : f32 to vector<1x432xf32>
    %select_n3A_368 = arith.select %eq3A_366, %broadcast_in_dim3A_367, %select_n3A_339 : vector<1x432xi1>, vector<1x432xf32>
    %eq3A_369 = arith.constant 11 : i32
    %eq3A_370 = vector.broadcast %eq3A_369 : i32 to vector<1x432xi32>
    %eq3A_371 = arith.cmpi eq, %select_n3A, %eq3A_370 : vector<1x432xi32>
    %broadcast_in_dim3A_372 = vector.broadcast %mul3A_363 : f32 to vector<1x432xf32>
    %select_n3A_373 = arith.select %eq3A_371, %broadcast_in_dim3A_372, %select_n3A_344 : vector<1x432xi1>, vector<1x432xf32>
    %slice3A_374 = vector.extract_strided_slice %get3A_1 {offsets = [0, 192], sizes = [32, 16], strides = [1, 1]} : vector<32x432xf32> to vector<32x16xf32>
    %reduce_max3A_375 = vector.shape_cast %slice3A_374 : vector<32x16xf32> to vector<1x32x16xf32>
    %reduce_max3A_376 = arith.constant dense<0xFF800000> : vector<1xf32>
    %reduce_max3A_377 = vector.multi_reduction <maximumf>, %reduce_max3A_375, %reduce_max3A_376 [1, 2] : vector<1x32x16xf32> to vector<1xf32>
    %reduce_max3A_378 = vector.shape_cast %reduce_max3A_377 : vector<1xf32> to vector<1x1x1xf32>
    %reduce_max3A_379 = vector.extract %reduce_max3A_378[0, 0, 0] : f32 from vector<1x1x1xf32>
    %eq3A_380 = arith.constant 0.000000e+00 : f32
    %eq3A_381 = arith.cmpf oeq, %reduce_max3A_379, %eq3A_380 : f32
    %eq3A_382 = arith.constant 0.000000e+00 : f32
    %eq3A_383 = arith.cmpf oeq, %reduce_max3A_379, %eq3A_382 : f32
    %jit3A_384 = arith.constant 1.000000e+00 : f32
    %select_n3A_385 = arith.select %eq3A_383, %jit3A_384, %reduce_max3A_379 : f32
    %div3A_386 = arith.constant 1.000000e+00 : f32
    %div3A_387 = arith.divf %div3A_386, %select_n3A_385 : f32
    %jit3A_388 = arith.constant 0.000000e+00 : f32
    %select_n3A_389 = arith.select %eq3A_381, %jit3A_388, %div3A_387 : f32
    %slice3A_390 = vector.extract_strided_slice %get3A_4 {offsets = [0, 12], sizes = [1, 1], strides = [1, 1]} : vector<1x32xf32> to vector<1x1xf32>
    %squeeze3A_391 = vector.extract %slice3A_390[0, 0] : f32 from vector<1x1xf32>
    %mul3A_392 = arith.mulf %squeeze3A_391, %select_n3A_389 : f32
    %eq3A_393 = arith.constant 12 : i32
    %eq3A_394 = vector.broadcast %eq3A_393 : i32 to vector<1x432xi32>
    %eq3A_395 = arith.cmpi eq, %select_n3A, %eq3A_394 : vector<1x432xi32>
    %broadcast_in_dim3A_396 = vector.broadcast %select_n3A_389 : f32 to vector<1x432xf32>
    %select_n3A_397 = arith.select %eq3A_395, %broadcast_in_dim3A_396, %select_n3A_368 : vector<1x432xi1>, vector<1x432xf32>
    %eq3A_398 = arith.constant 12 : i32
    %eq3A_399 = vector.broadcast %eq3A_398 : i32 to vector<1x432xi32>
    %eq3A_400 = arith.cmpi eq, %select_n3A, %eq3A_399 : vector<1x432xi32>
    %broadcast_in_dim3A_401 = vector.broadcast %mul3A_392 : f32 to vector<1x432xf32>
    %select_n3A_402 = arith.select %eq3A_400, %broadcast_in_dim3A_401, %select_n3A_373 : vector<1x432xi1>, vector<1x432xf32>
    %slice3A_403 = vector.extract_strided_slice %get3A_1 {offsets = [0, 208], sizes = [32, 16], strides = [1, 1]} : vector<32x432xf32> to vector<32x16xf32>
    %reduce_max3A_404 = vector.shape_cast %slice3A_403 : vector<32x16xf32> to vector<1x32x16xf32>
    %reduce_max3A_405 = arith.constant dense<0xFF800000> : vector<1xf32>
    %reduce_max3A_406 = vector.multi_reduction <maximumf>, %reduce_max3A_404, %reduce_max3A_405 [1, 2] : vector<1x32x16xf32> to vector<1xf32>
    %reduce_max3A_407 = vector.shape_cast %reduce_max3A_406 : vector<1xf32> to vector<1x1x1xf32>
    %reduce_max3A_408 = vector.extract %reduce_max3A_407[0, 0, 0] : f32 from vector<1x1x1xf32>
    %eq3A_409 = arith.constant 0.000000e+00 : f32
    %eq3A_410 = arith.cmpf oeq, %reduce_max3A_408, %eq3A_409 : f32
    %eq3A_411 = arith.constant 0.000000e+00 : f32
    %eq3A_412 = arith.cmpf oeq, %reduce_max3A_408, %eq3A_411 : f32
    %jit3A_413 = arith.constant 1.000000e+00 : f32
    %select_n3A_414 = arith.select %eq3A_412, %jit3A_413, %reduce_max3A_408 : f32
    %div3A_415 = arith.constant 1.000000e+00 : f32
    %div3A_416 = arith.divf %div3A_415, %select_n3A_414 : f32
    %jit3A_417 = arith.constant 0.000000e+00 : f32
    %select_n3A_418 = arith.select %eq3A_410, %jit3A_417, %div3A_416 : f32
    %slice3A_419 = vector.extract_strided_slice %get3A_4 {offsets = [0, 13], sizes = [1, 1], strides = [1, 1]} : vector<1x32xf32> to vector<1x1xf32>
    %squeeze3A_420 = vector.extract %slice3A_419[0, 0] : f32 from vector<1x1xf32>
    %mul3A_421 = arith.mulf %squeeze3A_420, %select_n3A_418 : f32
    %eq3A_422 = arith.constant 13 : i32
    %eq3A_423 = vector.broadcast %eq3A_422 : i32 to vector<1x432xi32>
    %eq3A_424 = arith.cmpi eq, %select_n3A, %eq3A_423 : vector<1x432xi32>
    %broadcast_in_dim3A_425 = vector.broadcast %select_n3A_418 : f32 to vector<1x432xf32>
    %select_n3A_426 = arith.select %eq3A_424, %broadcast_in_dim3A_425, %select_n3A_397 : vector<1x432xi1>, vector<1x432xf32>
    %eq3A_427 = arith.constant 13 : i32
    %eq3A_428 = vector.broadcast %eq3A_427 : i32 to vector<1x432xi32>
    %eq3A_429 = arith.cmpi eq, %select_n3A, %eq3A_428 : vector<1x432xi32>
    %broadcast_in_dim3A_430 = vector.broadcast %mul3A_421 : f32 to vector<1x432xf32>
    %select_n3A_431 = arith.select %eq3A_429, %broadcast_in_dim3A_430, %select_n3A_402 : vector<1x432xi1>, vector<1x432xf32>
    %slice3A_432 = vector.extract_strided_slice %get3A_1 {offsets = [0, 224], sizes = [32, 16], strides = [1, 1]} : vector<32x432xf32> to vector<32x16xf32>
    %reduce_max3A_433 = vector.shape_cast %slice3A_432 : vector<32x16xf32> to vector<1x32x16xf32>
    %reduce_max3A_434 = arith.constant dense<0xFF800000> : vector<1xf32>
    %reduce_max3A_435 = vector.multi_reduction <maximumf>, %reduce_max3A_433, %reduce_max3A_434 [1, 2] : vector<1x32x16xf32> to vector<1xf32>
    %reduce_max3A_436 = vector.shape_cast %reduce_max3A_435 : vector<1xf32> to vector<1x1x1xf32>
    %reduce_max3A_437 = vector.extract %reduce_max3A_436[0, 0, 0] : f32 from vector<1x1x1xf32>
    %eq3A_438 = arith.constant 0.000000e+00 : f32
    %eq3A_439 = arith.cmpf oeq, %reduce_max3A_437, %eq3A_438 : f32
    %eq3A_440 = arith.constant 0.000000e+00 : f32
    %eq3A_441 = arith.cmpf oeq, %reduce_max3A_437, %eq3A_440 : f32
    %jit3A_442 = arith.constant 1.000000e+00 : f32
    %select_n3A_443 = arith.select %eq3A_441, %jit3A_442, %reduce_max3A_437 : f32
    %div3A_444 = arith.constant 1.000000e+00 : f32
    %div3A_445 = arith.divf %div3A_444, %select_n3A_443 : f32
    %jit3A_446 = arith.constant 0.000000e+00 : f32
    %select_n3A_447 = arith.select %eq3A_439, %jit3A_446, %div3A_445 : f32
    %slice3A_448 = vector.extract_strided_slice %get3A_4 {offsets = [0, 14], sizes = [1, 1], strides = [1, 1]} : vector<1x32xf32> to vector<1x1xf32>
    %squeeze3A_449 = vector.extract %slice3A_448[0, 0] : f32 from vector<1x1xf32>
    %mul3A_450 = arith.mulf %squeeze3A_449, %select_n3A_447 : f32
    %eq3A_451 = arith.constant 14 : i32
    %eq3A_452 = vector.broadcast %eq3A_451 : i32 to vector<1x432xi32>
    %eq3A_453 = arith.cmpi eq, %select_n3A, %eq3A_452 : vector<1x432xi32>
    %broadcast_in_dim3A_454 = vector.broadcast %select_n3A_447 : f32 to vector<1x432xf32>
    %select_n3A_455 = arith.select %eq3A_453, %broadcast_in_dim3A_454, %select_n3A_426 : vector<1x432xi1>, vector<1x432xf32>
    %eq3A_456 = arith.constant 14 : i32
    %eq3A_457 = vector.broadcast %eq3A_456 : i32 to vector<1x432xi32>
    %eq3A_458 = arith.cmpi eq, %select_n3A, %eq3A_457 : vector<1x432xi32>
    %broadcast_in_dim3A_459 = vector.broadcast %mul3A_450 : f32 to vector<1x432xf32>
    %select_n3A_460 = arith.select %eq3A_458, %broadcast_in_dim3A_459, %select_n3A_431 : vector<1x432xi1>, vector<1x432xf32>
    %slice3A_461 = vector.extract_strided_slice %get3A_1 {offsets = [0, 240], sizes = [32, 16], strides = [1, 1]} : vector<32x432xf32> to vector<32x16xf32>
    %reduce_max3A_462 = vector.shape_cast %slice3A_461 : vector<32x16xf32> to vector<1x32x16xf32>
    %reduce_max3A_463 = arith.constant dense<0xFF800000> : vector<1xf32>
    %reduce_max3A_464 = vector.multi_reduction <maximumf>, %reduce_max3A_462, %reduce_max3A_463 [1, 2] : vector<1x32x16xf32> to vector<1xf32>
    %reduce_max3A_465 = vector.shape_cast %reduce_max3A_464 : vector<1xf32> to vector<1x1x1xf32>
    %reduce_max3A_466 = vector.extract %reduce_max3A_465[0, 0, 0] : f32 from vector<1x1x1xf32>
    %eq3A_467 = arith.constant 0.000000e+00 : f32
    %eq3A_468 = arith.cmpf oeq, %reduce_max3A_466, %eq3A_467 : f32
    %eq3A_469 = arith.constant 0.000000e+00 : f32
    %eq3A_470 = arith.cmpf oeq, %reduce_max3A_466, %eq3A_469 : f32
    %jit3A_471 = arith.constant 1.000000e+00 : f32
    %select_n3A_472 = arith.select %eq3A_470, %jit3A_471, %reduce_max3A_466 : f32
    %div3A_473 = arith.constant 1.000000e+00 : f32
    %div3A_474 = arith.divf %div3A_473, %select_n3A_472 : f32
    %jit3A_475 = arith.constant 0.000000e+00 : f32
    %select_n3A_476 = arith.select %eq3A_468, %jit3A_475, %div3A_474 : f32
    %slice3A_477 = vector.extract_strided_slice %get3A_4 {offsets = [0, 15], sizes = [1, 1], strides = [1, 1]} : vector<1x32xf32> to vector<1x1xf32>
    %squeeze3A_478 = vector.extract %slice3A_477[0, 0] : f32 from vector<1x1xf32>
    %mul3A_479 = arith.mulf %squeeze3A_478, %select_n3A_476 : f32
    %eq3A_480 = arith.constant 15 : i32
    %eq3A_481 = vector.broadcast %eq3A_480 : i32 to vector<1x432xi32>
    %eq3A_482 = arith.cmpi eq, %select_n3A, %eq3A_481 : vector<1x432xi32>
    %broadcast_in_dim3A_483 = vector.broadcast %select_n3A_476 : f32 to vector<1x432xf32>
    %select_n3A_484 = arith.select %eq3A_482, %broadcast_in_dim3A_483, %select_n3A_455 : vector<1x432xi1>, vector<1x432xf32>
    %eq3A_485 = arith.constant 15 : i32
    %eq3A_486 = vector.broadcast %eq3A_485 : i32 to vector<1x432xi32>
    %eq3A_487 = arith.cmpi eq, %select_n3A, %eq3A_486 : vector<1x432xi32>
    %broadcast_in_dim3A_488 = vector.broadcast %mul3A_479 : f32 to vector<1x432xf32>
    %select_n3A_489 = arith.select %eq3A_487, %broadcast_in_dim3A_488, %select_n3A_460 : vector<1x432xi1>, vector<1x432xf32>
    %slice3A_490 = vector.extract_strided_slice %get3A_1 {offsets = [0, 256], sizes = [32, 16], strides = [1, 1]} : vector<32x432xf32> to vector<32x16xf32>
    %reduce_max3A_491 = vector.shape_cast %slice3A_490 : vector<32x16xf32> to vector<1x32x16xf32>
    %reduce_max3A_492 = arith.constant dense<0xFF800000> : vector<1xf32>
    %reduce_max3A_493 = vector.multi_reduction <maximumf>, %reduce_max3A_491, %reduce_max3A_492 [1, 2] : vector<1x32x16xf32> to vector<1xf32>
    %reduce_max3A_494 = vector.shape_cast %reduce_max3A_493 : vector<1xf32> to vector<1x1x1xf32>
    %reduce_max3A_495 = vector.extract %reduce_max3A_494[0, 0, 0] : f32 from vector<1x1x1xf32>
    %eq3A_496 = arith.constant 0.000000e+00 : f32
    %eq3A_497 = arith.cmpf oeq, %reduce_max3A_495, %eq3A_496 : f32
    %eq3A_498 = arith.constant 0.000000e+00 : f32
    %eq3A_499 = arith.cmpf oeq, %reduce_max3A_495, %eq3A_498 : f32
    %jit3A_500 = arith.constant 1.000000e+00 : f32
    %select_n3A_501 = arith.select %eq3A_499, %jit3A_500, %reduce_max3A_495 : f32
    %div3A_502 = arith.constant 1.000000e+00 : f32
    %div3A_503 = arith.divf %div3A_502, %select_n3A_501 : f32
    %jit3A_504 = arith.constant 0.000000e+00 : f32
    %select_n3A_505 = arith.select %eq3A_497, %jit3A_504, %div3A_503 : f32
    %slice3A_506 = vector.extract_strided_slice %get3A_4 {offsets = [0, 16], sizes = [1, 1], strides = [1, 1]} : vector<1x32xf32> to vector<1x1xf32>
    %squeeze3A_507 = vector.extract %slice3A_506[0, 0] : f32 from vector<1x1xf32>
    %mul3A_508 = arith.mulf %squeeze3A_507, %select_n3A_505 : f32
    %eq3A_509 = arith.constant 16 : i32
    %eq3A_510 = vector.broadcast %eq3A_509 : i32 to vector<1x432xi32>
    %eq3A_511 = arith.cmpi eq, %select_n3A, %eq3A_510 : vector<1x432xi32>
    %broadcast_in_dim3A_512 = vector.broadcast %select_n3A_505 : f32 to vector<1x432xf32>
    %select_n3A_513 = arith.select %eq3A_511, %broadcast_in_dim3A_512, %select_n3A_484 : vector<1x432xi1>, vector<1x432xf32>
    %eq3A_514 = arith.constant 16 : i32
    %eq3A_515 = vector.broadcast %eq3A_514 : i32 to vector<1x432xi32>
    %eq3A_516 = arith.cmpi eq, %select_n3A, %eq3A_515 : vector<1x432xi32>
    %broadcast_in_dim3A_517 = vector.broadcast %mul3A_508 : f32 to vector<1x432xf32>
    %select_n3A_518 = arith.select %eq3A_516, %broadcast_in_dim3A_517, %select_n3A_489 : vector<1x432xi1>, vector<1x432xf32>
    %slice3A_519 = vector.extract_strided_slice %get3A_1 {offsets = [0, 272], sizes = [32, 16], strides = [1, 1]} : vector<32x432xf32> to vector<32x16xf32>
    %reduce_max3A_520 = vector.shape_cast %slice3A_519 : vector<32x16xf32> to vector<1x32x16xf32>
    %reduce_max3A_521 = arith.constant dense<0xFF800000> : vector<1xf32>
    %reduce_max3A_522 = vector.multi_reduction <maximumf>, %reduce_max3A_520, %reduce_max3A_521 [1, 2] : vector<1x32x16xf32> to vector<1xf32>
    %reduce_max3A_523 = vector.shape_cast %reduce_max3A_522 : vector<1xf32> to vector<1x1x1xf32>
    %reduce_max3A_524 = vector.extract %reduce_max3A_523[0, 0, 0] : f32 from vector<1x1x1xf32>
    %eq3A_525 = arith.constant 0.000000e+00 : f32
    %eq3A_526 = arith.cmpf oeq, %reduce_max3A_524, %eq3A_525 : f32
    %eq3A_527 = arith.constant 0.000000e+00 : f32
    %eq3A_528 = arith.cmpf oeq, %reduce_max3A_524, %eq3A_527 : f32
    %jit3A_529 = arith.constant 1.000000e+00 : f32
    %select_n3A_530 = arith.select %eq3A_528, %jit3A_529, %reduce_max3A_524 : f32
    %div3A_531 = arith.constant 1.000000e+00 : f32
    %div3A_532 = arith.divf %div3A_531, %select_n3A_530 : f32
    %jit3A_533 = arith.constant 0.000000e+00 : f32
    %select_n3A_534 = arith.select %eq3A_526, %jit3A_533, %div3A_532 : f32
    %slice3A_535 = vector.extract_strided_slice %get3A_4 {offsets = [0, 17], sizes = [1, 1], strides = [1, 1]} : vector<1x32xf32> to vector<1x1xf32>
    %squeeze3A_536 = vector.extract %slice3A_535[0, 0] : f32 from vector<1x1xf32>
    %mul3A_537 = arith.mulf %squeeze3A_536, %select_n3A_534 : f32
    %eq3A_538 = arith.constant 17 : i32
    %eq3A_539 = vector.broadcast %eq3A_538 : i32 to vector<1x432xi32>
    %eq3A_540 = arith.cmpi eq, %select_n3A, %eq3A_539 : vector<1x432xi32>
    %broadcast_in_dim3A_541 = vector.broadcast %select_n3A_534 : f32 to vector<1x432xf32>
    %select_n3A_542 = arith.select %eq3A_540, %broadcast_in_dim3A_541, %select_n3A_513 : vector<1x432xi1>, vector<1x432xf32>
    %eq3A_543 = arith.constant 17 : i32
    %eq3A_544 = vector.broadcast %eq3A_543 : i32 to vector<1x432xi32>
    %eq3A_545 = arith.cmpi eq, %select_n3A, %eq3A_544 : vector<1x432xi32>
    %broadcast_in_dim3A_546 = vector.broadcast %mul3A_537 : f32 to vector<1x432xf32>
    %select_n3A_547 = arith.select %eq3A_545, %broadcast_in_dim3A_546, %select_n3A_518 : vector<1x432xi1>, vector<1x432xf32>
    %slice3A_548 = vector.extract_strided_slice %get3A_1 {offsets = [0, 288], sizes = [32, 16], strides = [1, 1]} : vector<32x432xf32> to vector<32x16xf32>
    %reduce_max3A_549 = vector.shape_cast %slice3A_548 : vector<32x16xf32> to vector<1x32x16xf32>
    %reduce_max3A_550 = arith.constant dense<0xFF800000> : vector<1xf32>
    %reduce_max3A_551 = vector.multi_reduction <maximumf>, %reduce_max3A_549, %reduce_max3A_550 [1, 2] : vector<1x32x16xf32> to vector<1xf32>
    %reduce_max3A_552 = vector.shape_cast %reduce_max3A_551 : vector<1xf32> to vector<1x1x1xf32>
    %reduce_max3A_553 = vector.extract %reduce_max3A_552[0, 0, 0] : f32 from vector<1x1x1xf32>
    %eq3A_554 = arith.constant 0.000000e+00 : f32
    %eq3A_555 = arith.cmpf oeq, %reduce_max3A_553, %eq3A_554 : f32
    %eq3A_556 = arith.constant 0.000000e+00 : f32
    %eq3A_557 = arith.cmpf oeq, %reduce_max3A_553, %eq3A_556 : f32
    %jit3A_558 = arith.constant 1.000000e+00 : f32
    %select_n3A_559 = arith.select %eq3A_557, %jit3A_558, %reduce_max3A_553 : f32
    %div3A_560 = arith.constant 1.000000e+00 : f32
    %div3A_561 = arith.divf %div3A_560, %select_n3A_559 : f32
    %jit3A_562 = arith.constant 0.000000e+00 : f32
    %select_n3A_563 = arith.select %eq3A_555, %jit3A_562, %div3A_561 : f32
    %slice3A_564 = vector.extract_strided_slice %get3A_4 {offsets = [0, 18], sizes = [1, 1], strides = [1, 1]} : vector<1x32xf32> to vector<1x1xf32>
    %squeeze3A_565 = vector.extract %slice3A_564[0, 0] : f32 from vector<1x1xf32>
    %mul3A_566 = arith.mulf %squeeze3A_565, %select_n3A_563 : f32
    %eq3A_567 = arith.constant 18 : i32
    %eq3A_568 = vector.broadcast %eq3A_567 : i32 to vector<1x432xi32>
    %eq3A_569 = arith.cmpi eq, %select_n3A, %eq3A_568 : vector<1x432xi32>
    %broadcast_in_dim3A_570 = vector.broadcast %select_n3A_563 : f32 to vector<1x432xf32>
    %select_n3A_571 = arith.select %eq3A_569, %broadcast_in_dim3A_570, %select_n3A_542 : vector<1x432xi1>, vector<1x432xf32>
    %eq3A_572 = arith.constant 18 : i32
    %eq3A_573 = vector.broadcast %eq3A_572 : i32 to vector<1x432xi32>
    %eq3A_574 = arith.cmpi eq, %select_n3A, %eq3A_573 : vector<1x432xi32>
    %broadcast_in_dim3A_575 = vector.broadcast %mul3A_566 : f32 to vector<1x432xf32>
    %select_n3A_576 = arith.select %eq3A_574, %broadcast_in_dim3A_575, %select_n3A_547 : vector<1x432xi1>, vector<1x432xf32>
    %slice3A_577 = vector.extract_strided_slice %get3A_1 {offsets = [0, 304], sizes = [32, 16], strides = [1, 1]} : vector<32x432xf32> to vector<32x16xf32>
    %reduce_max3A_578 = vector.shape_cast %slice3A_577 : vector<32x16xf32> to vector<1x32x16xf32>
    %reduce_max3A_579 = arith.constant dense<0xFF800000> : vector<1xf32>
    %reduce_max3A_580 = vector.multi_reduction <maximumf>, %reduce_max3A_578, %reduce_max3A_579 [1, 2] : vector<1x32x16xf32> to vector<1xf32>
    %reduce_max3A_581 = vector.shape_cast %reduce_max3A_580 : vector<1xf32> to vector<1x1x1xf32>
    %reduce_max3A_582 = vector.extract %reduce_max3A_581[0, 0, 0] : f32 from vector<1x1x1xf32>
    %eq3A_583 = arith.constant 0.000000e+00 : f32
    %eq3A_584 = arith.cmpf oeq, %reduce_max3A_582, %eq3A_583 : f32
    %eq3A_585 = arith.constant 0.000000e+00 : f32
    %eq3A_586 = arith.cmpf oeq, %reduce_max3A_582, %eq3A_585 : f32
    %jit3A_587 = arith.constant 1.000000e+00 : f32
    %select_n3A_588 = arith.select %eq3A_586, %jit3A_587, %reduce_max3A_582 : f32
    %div3A_589 = arith.constant 1.000000e+00 : f32
    %div3A_590 = arith.divf %div3A_589, %select_n3A_588 : f32
    %jit3A_591 = arith.constant 0.000000e+00 : f32
    %select_n3A_592 = arith.select %eq3A_584, %jit3A_591, %div3A_590 : f32
    %slice3A_593 = vector.extract_strided_slice %get3A_4 {offsets = [0, 19], sizes = [1, 1], strides = [1, 1]} : vector<1x32xf32> to vector<1x1xf32>
    %squeeze3A_594 = vector.extract %slice3A_593[0, 0] : f32 from vector<1x1xf32>
    %mul3A_595 = arith.mulf %squeeze3A_594, %select_n3A_592 : f32
    %eq3A_596 = arith.constant 19 : i32
    %eq3A_597 = vector.broadcast %eq3A_596 : i32 to vector<1x432xi32>
    %eq3A_598 = arith.cmpi eq, %select_n3A, %eq3A_597 : vector<1x432xi32>
    %broadcast_in_dim3A_599 = vector.broadcast %select_n3A_592 : f32 to vector<1x432xf32>
    %select_n3A_600 = arith.select %eq3A_598, %broadcast_in_dim3A_599, %select_n3A_571 : vector<1x432xi1>, vector<1x432xf32>
    %eq3A_601 = arith.constant 19 : i32
    %eq3A_602 = vector.broadcast %eq3A_601 : i32 to vector<1x432xi32>
    %eq3A_603 = arith.cmpi eq, %select_n3A, %eq3A_602 : vector<1x432xi32>
    %broadcast_in_dim3A_604 = vector.broadcast %mul3A_595 : f32 to vector<1x432xf32>
    %select_n3A_605 = arith.select %eq3A_603, %broadcast_in_dim3A_604, %select_n3A_576 : vector<1x432xi1>, vector<1x432xf32>
    %slice3A_606 = vector.extract_strided_slice %get3A_1 {offsets = [0, 320], sizes = [32, 16], strides = [1, 1]} : vector<32x432xf32> to vector<32x16xf32>
    %reduce_max3A_607 = vector.shape_cast %slice3A_606 : vector<32x16xf32> to vector<1x32x16xf32>
    %reduce_max3A_608 = arith.constant dense<0xFF800000> : vector<1xf32>
    %reduce_max3A_609 = vector.multi_reduction <maximumf>, %reduce_max3A_607, %reduce_max3A_608 [1, 2] : vector<1x32x16xf32> to vector<1xf32>
    %reduce_max3A_610 = vector.shape_cast %reduce_max3A_609 : vector<1xf32> to vector<1x1x1xf32>
    %reduce_max3A_611 = vector.extract %reduce_max3A_610[0, 0, 0] : f32 from vector<1x1x1xf32>
    %eq3A_612 = arith.constant 0.000000e+00 : f32
    %eq3A_613 = arith.cmpf oeq, %reduce_max3A_611, %eq3A_612 : f32
    %eq3A_614 = arith.constant 0.000000e+00 : f32
    %eq3A_615 = arith.cmpf oeq, %reduce_max3A_611, %eq3A_614 : f32
    %jit3A_616 = arith.constant 1.000000e+00 : f32
    %select_n3A_617 = arith.select %eq3A_615, %jit3A_616, %reduce_max3A_611 : f32
    %div3A_618 = arith.constant 1.000000e+00 : f32
    %div3A_619 = arith.divf %div3A_618, %select_n3A_617 : f32
    %jit3A_620 = arith.constant 0.000000e+00 : f32
    %select_n3A_621 = arith.select %eq3A_613, %jit3A_620, %div3A_619 : f32
    %slice3A_622 = vector.extract_strided_slice %get3A_4 {offsets = [0, 20], sizes = [1, 1], strides = [1, 1]} : vector<1x32xf32> to vector<1x1xf32>
    %squeeze3A_623 = vector.extract %slice3A_622[0, 0] : f32 from vector<1x1xf32>
    %mul3A_624 = arith.mulf %squeeze3A_623, %select_n3A_621 : f32
    %eq3A_625 = arith.constant 20 : i32
    %eq3A_626 = vector.broadcast %eq3A_625 : i32 to vector<1x432xi32>
    %eq3A_627 = arith.cmpi eq, %select_n3A, %eq3A_626 : vector<1x432xi32>
    %broadcast_in_dim3A_628 = vector.broadcast %select_n3A_621 : f32 to vector<1x432xf32>
    %select_n3A_629 = arith.select %eq3A_627, %broadcast_in_dim3A_628, %select_n3A_600 : vector<1x432xi1>, vector<1x432xf32>
    %eq3A_630 = arith.constant 20 : i32
    %eq3A_631 = vector.broadcast %eq3A_630 : i32 to vector<1x432xi32>
    %eq3A_632 = arith.cmpi eq, %select_n3A, %eq3A_631 : vector<1x432xi32>
    %broadcast_in_dim3A_633 = vector.broadcast %mul3A_624 : f32 to vector<1x432xf32>
    %select_n3A_634 = arith.select %eq3A_632, %broadcast_in_dim3A_633, %select_n3A_605 : vector<1x432xi1>, vector<1x432xf32>
    %slice3A_635 = vector.extract_strided_slice %get3A_1 {offsets = [0, 336], sizes = [32, 16], strides = [1, 1]} : vector<32x432xf32> to vector<32x16xf32>
    %reduce_max3A_636 = vector.shape_cast %slice3A_635 : vector<32x16xf32> to vector<1x32x16xf32>
    %reduce_max3A_637 = arith.constant dense<0xFF800000> : vector<1xf32>
    %reduce_max3A_638 = vector.multi_reduction <maximumf>, %reduce_max3A_636, %reduce_max3A_637 [1, 2] : vector<1x32x16xf32> to vector<1xf32>
    %reduce_max3A_639 = vector.shape_cast %reduce_max3A_638 : vector<1xf32> to vector<1x1x1xf32>
    %reduce_max3A_640 = vector.extract %reduce_max3A_639[0, 0, 0] : f32 from vector<1x1x1xf32>
    %eq3A_641 = arith.constant 0.000000e+00 : f32
    %eq3A_642 = arith.cmpf oeq, %reduce_max3A_640, %eq3A_641 : f32
    %eq3A_643 = arith.constant 0.000000e+00 : f32
    %eq3A_644 = arith.cmpf oeq, %reduce_max3A_640, %eq3A_643 : f32
    %jit3A_645 = arith.constant 1.000000e+00 : f32
    %select_n3A_646 = arith.select %eq3A_644, %jit3A_645, %reduce_max3A_640 : f32
    %div3A_647 = arith.constant 1.000000e+00 : f32
    %div3A_648 = arith.divf %div3A_647, %select_n3A_646 : f32
    %jit3A_649 = arith.constant 0.000000e+00 : f32
    %select_n3A_650 = arith.select %eq3A_642, %jit3A_649, %div3A_648 : f32
    %slice3A_651 = vector.extract_strided_slice %get3A_4 {offsets = [0, 21], sizes = [1, 1], strides = [1, 1]} : vector<1x32xf32> to vector<1x1xf32>
    %squeeze3A_652 = vector.extract %slice3A_651[0, 0] : f32 from vector<1x1xf32>
    %mul3A_653 = arith.mulf %squeeze3A_652, %select_n3A_650 : f32
    %eq3A_654 = arith.constant 21 : i32
    %eq3A_655 = vector.broadcast %eq3A_654 : i32 to vector<1x432xi32>
    %eq3A_656 = arith.cmpi eq, %select_n3A, %eq3A_655 : vector<1x432xi32>
    %broadcast_in_dim3A_657 = vector.broadcast %select_n3A_650 : f32 to vector<1x432xf32>
    %select_n3A_658 = arith.select %eq3A_656, %broadcast_in_dim3A_657, %select_n3A_629 : vector<1x432xi1>, vector<1x432xf32>
    %eq3A_659 = arith.constant 21 : i32
    %eq3A_660 = vector.broadcast %eq3A_659 : i32 to vector<1x432xi32>
    %eq3A_661 = arith.cmpi eq, %select_n3A, %eq3A_660 : vector<1x432xi32>
    %broadcast_in_dim3A_662 = vector.broadcast %mul3A_653 : f32 to vector<1x432xf32>
    %select_n3A_663 = arith.select %eq3A_661, %broadcast_in_dim3A_662, %select_n3A_634 : vector<1x432xi1>, vector<1x432xf32>
    %slice3A_664 = vector.extract_strided_slice %get3A_1 {offsets = [0, 352], sizes = [32, 16], strides = [1, 1]} : vector<32x432xf32> to vector<32x16xf32>
    %reduce_max3A_665 = vector.shape_cast %slice3A_664 : vector<32x16xf32> to vector<1x32x16xf32>
    %reduce_max3A_666 = arith.constant dense<0xFF800000> : vector<1xf32>
    %reduce_max3A_667 = vector.multi_reduction <maximumf>, %reduce_max3A_665, %reduce_max3A_666 [1, 2] : vector<1x32x16xf32> to vector<1xf32>
    %reduce_max3A_668 = vector.shape_cast %reduce_max3A_667 : vector<1xf32> to vector<1x1x1xf32>
    %reduce_max3A_669 = vector.extract %reduce_max3A_668[0, 0, 0] : f32 from vector<1x1x1xf32>
    %eq3A_670 = arith.constant 0.000000e+00 : f32
    %eq3A_671 = arith.cmpf oeq, %reduce_max3A_669, %eq3A_670 : f32
    %eq3A_672 = arith.constant 0.000000e+00 : f32
    %eq3A_673 = arith.cmpf oeq, %reduce_max3A_669, %eq3A_672 : f32
    %jit3A_674 = arith.constant 1.000000e+00 : f32
    %select_n3A_675 = arith.select %eq3A_673, %jit3A_674, %reduce_max3A_669 : f32
    %div3A_676 = arith.constant 1.000000e+00 : f32
    %div3A_677 = arith.divf %div3A_676, %select_n3A_675 : f32
    %jit3A_678 = arith.constant 0.000000e+00 : f32
    %select_n3A_679 = arith.select %eq3A_671, %jit3A_678, %div3A_677 : f32
    %slice3A_680 = vector.extract_strided_slice %get3A_4 {offsets = [0, 22], sizes = [1, 1], strides = [1, 1]} : vector<1x32xf32> to vector<1x1xf32>
    %squeeze3A_681 = vector.extract %slice3A_680[0, 0] : f32 from vector<1x1xf32>
    %mul3A_682 = arith.mulf %squeeze3A_681, %select_n3A_679 : f32
    %eq3A_683 = arith.constant 22 : i32
    %eq3A_684 = vector.broadcast %eq3A_683 : i32 to vector<1x432xi32>
    %eq3A_685 = arith.cmpi eq, %select_n3A, %eq3A_684 : vector<1x432xi32>
    %broadcast_in_dim3A_686 = vector.broadcast %select_n3A_679 : f32 to vector<1x432xf32>
    %select_n3A_687 = arith.select %eq3A_685, %broadcast_in_dim3A_686, %select_n3A_658 : vector<1x432xi1>, vector<1x432xf32>
    %eq3A_688 = arith.constant 22 : i32
    %eq3A_689 = vector.broadcast %eq3A_688 : i32 to vector<1x432xi32>
    %eq3A_690 = arith.cmpi eq, %select_n3A, %eq3A_689 : vector<1x432xi32>
    %broadcast_in_dim3A_691 = vector.broadcast %mul3A_682 : f32 to vector<1x432xf32>
    %select_n3A_692 = arith.select %eq3A_690, %broadcast_in_dim3A_691, %select_n3A_663 : vector<1x432xi1>, vector<1x432xf32>
    %slice3A_693 = vector.extract_strided_slice %get3A_1 {offsets = [0, 368], sizes = [32, 16], strides = [1, 1]} : vector<32x432xf32> to vector<32x16xf32>
    %reduce_max3A_694 = vector.shape_cast %slice3A_693 : vector<32x16xf32> to vector<1x32x16xf32>
    %reduce_max3A_695 = arith.constant dense<0xFF800000> : vector<1xf32>
    %reduce_max3A_696 = vector.multi_reduction <maximumf>, %reduce_max3A_694, %reduce_max3A_695 [1, 2] : vector<1x32x16xf32> to vector<1xf32>
    %reduce_max3A_697 = vector.shape_cast %reduce_max3A_696 : vector<1xf32> to vector<1x1x1xf32>
    %reduce_max3A_698 = vector.extract %reduce_max3A_697[0, 0, 0] : f32 from vector<1x1x1xf32>
    %eq3A_699 = arith.constant 0.000000e+00 : f32
    %eq3A_700 = arith.cmpf oeq, %reduce_max3A_698, %eq3A_699 : f32
    %eq3A_701 = arith.constant 0.000000e+00 : f32
    %eq3A_702 = arith.cmpf oeq, %reduce_max3A_698, %eq3A_701 : f32
    %jit3A_703 = arith.constant 1.000000e+00 : f32
    %select_n3A_704 = arith.select %eq3A_702, %jit3A_703, %reduce_max3A_698 : f32
    %div3A_705 = arith.constant 1.000000e+00 : f32
    %div3A_706 = arith.divf %div3A_705, %select_n3A_704 : f32
    %jit3A_707 = arith.constant 0.000000e+00 : f32
    %select_n3A_708 = arith.select %eq3A_700, %jit3A_707, %div3A_706 : f32
    %slice3A_709 = vector.extract_strided_slice %get3A_4 {offsets = [0, 23], sizes = [1, 1], strides = [1, 1]} : vector<1x32xf32> to vector<1x1xf32>
    %squeeze3A_710 = vector.extract %slice3A_709[0, 0] : f32 from vector<1x1xf32>
    %mul3A_711 = arith.mulf %squeeze3A_710, %select_n3A_708 : f32
    %eq3A_712 = arith.constant 23 : i32
    %eq3A_713 = vector.broadcast %eq3A_712 : i32 to vector<1x432xi32>
    %eq3A_714 = arith.cmpi eq, %select_n3A, %eq3A_713 : vector<1x432xi32>
    %broadcast_in_dim3A_715 = vector.broadcast %select_n3A_708 : f32 to vector<1x432xf32>
    %select_n3A_716 = arith.select %eq3A_714, %broadcast_in_dim3A_715, %select_n3A_687 : vector<1x432xi1>, vector<1x432xf32>
    %eq3A_717 = arith.constant 23 : i32
    %eq3A_718 = vector.broadcast %eq3A_717 : i32 to vector<1x432xi32>
    %eq3A_719 = arith.cmpi eq, %select_n3A, %eq3A_718 : vector<1x432xi32>
    %broadcast_in_dim3A_720 = vector.broadcast %mul3A_711 : f32 to vector<1x432xf32>
    %select_n3A_721 = arith.select %eq3A_719, %broadcast_in_dim3A_720, %select_n3A_692 : vector<1x432xi1>, vector<1x432xf32>
    %slice3A_722 = vector.extract_strided_slice %get3A_1 {offsets = [0, 384], sizes = [32, 16], strides = [1, 1]} : vector<32x432xf32> to vector<32x16xf32>
    %reduce_max3A_723 = vector.shape_cast %slice3A_722 : vector<32x16xf32> to vector<1x32x16xf32>
    %reduce_max3A_724 = arith.constant dense<0xFF800000> : vector<1xf32>
    %reduce_max3A_725 = vector.multi_reduction <maximumf>, %reduce_max3A_723, %reduce_max3A_724 [1, 2] : vector<1x32x16xf32> to vector<1xf32>
    %reduce_max3A_726 = vector.shape_cast %reduce_max3A_725 : vector<1xf32> to vector<1x1x1xf32>
    %reduce_max3A_727 = vector.extract %reduce_max3A_726[0, 0, 0] : f32 from vector<1x1x1xf32>
    %eq3A_728 = arith.constant 0.000000e+00 : f32
    %eq3A_729 = arith.cmpf oeq, %reduce_max3A_727, %eq3A_728 : f32
    %eq3A_730 = arith.constant 0.000000e+00 : f32
    %eq3A_731 = arith.cmpf oeq, %reduce_max3A_727, %eq3A_730 : f32
    %jit3A_732 = arith.constant 1.000000e+00 : f32
    %select_n3A_733 = arith.select %eq3A_731, %jit3A_732, %reduce_max3A_727 : f32
    %div3A_734 = arith.constant 1.000000e+00 : f32
    %div3A_735 = arith.divf %div3A_734, %select_n3A_733 : f32
    %jit3A_736 = arith.constant 0.000000e+00 : f32
    %select_n3A_737 = arith.select %eq3A_729, %jit3A_736, %div3A_735 : f32
    %slice3A_738 = vector.extract_strided_slice %get3A_4 {offsets = [0, 24], sizes = [1, 1], strides = [1, 1]} : vector<1x32xf32> to vector<1x1xf32>
    %squeeze3A_739 = vector.extract %slice3A_738[0, 0] : f32 from vector<1x1xf32>
    %mul3A_740 = arith.mulf %squeeze3A_739, %select_n3A_737 : f32
    %eq3A_741 = arith.constant 24 : i32
    %eq3A_742 = vector.broadcast %eq3A_741 : i32 to vector<1x432xi32>
    %eq3A_743 = arith.cmpi eq, %select_n3A, %eq3A_742 : vector<1x432xi32>
    %broadcast_in_dim3A_744 = vector.broadcast %select_n3A_737 : f32 to vector<1x432xf32>
    %select_n3A_745 = arith.select %eq3A_743, %broadcast_in_dim3A_744, %select_n3A_716 : vector<1x432xi1>, vector<1x432xf32>
    %eq3A_746 = arith.constant 24 : i32
    %eq3A_747 = vector.broadcast %eq3A_746 : i32 to vector<1x432xi32>
    %eq3A_748 = arith.cmpi eq, %select_n3A, %eq3A_747 : vector<1x432xi32>
    %broadcast_in_dim3A_749 = vector.broadcast %mul3A_740 : f32 to vector<1x432xf32>
    %select_n3A_750 = arith.select %eq3A_748, %broadcast_in_dim3A_749, %select_n3A_721 : vector<1x432xi1>, vector<1x432xf32>
    %slice3A_751 = vector.extract_strided_slice %get3A_1 {offsets = [0, 400], sizes = [32, 16], strides = [1, 1]} : vector<32x432xf32> to vector<32x16xf32>
    %reduce_max3A_752 = vector.shape_cast %slice3A_751 : vector<32x16xf32> to vector<1x32x16xf32>
    %reduce_max3A_753 = arith.constant dense<0xFF800000> : vector<1xf32>
    %reduce_max3A_754 = vector.multi_reduction <maximumf>, %reduce_max3A_752, %reduce_max3A_753 [1, 2] : vector<1x32x16xf32> to vector<1xf32>
    %reduce_max3A_755 = vector.shape_cast %reduce_max3A_754 : vector<1xf32> to vector<1x1x1xf32>
    %reduce_max3A_756 = vector.extract %reduce_max3A_755[0, 0, 0] : f32 from vector<1x1x1xf32>
    %eq3A_757 = arith.constant 0.000000e+00 : f32
    %eq3A_758 = arith.cmpf oeq, %reduce_max3A_756, %eq3A_757 : f32
    %eq3A_759 = arith.constant 0.000000e+00 : f32
    %eq3A_760 = arith.cmpf oeq, %reduce_max3A_756, %eq3A_759 : f32
    %jit3A_761 = arith.constant 1.000000e+00 : f32
    %select_n3A_762 = arith.select %eq3A_760, %jit3A_761, %reduce_max3A_756 : f32
    %div3A_763 = arith.constant 1.000000e+00 : f32
    %div3A_764 = arith.divf %div3A_763, %select_n3A_762 : f32
    %jit3A_765 = arith.constant 0.000000e+00 : f32
    %select_n3A_766 = arith.select %eq3A_758, %jit3A_765, %div3A_764 : f32
    %slice3A_767 = vector.extract_strided_slice %get3A_4 {offsets = [0, 25], sizes = [1, 1], strides = [1, 1]} : vector<1x32xf32> to vector<1x1xf32>
    %squeeze3A_768 = vector.extract %slice3A_767[0, 0] : f32 from vector<1x1xf32>
    %mul3A_769 = arith.mulf %squeeze3A_768, %select_n3A_766 : f32
    %eq3A_770 = arith.constant 25 : i32
    %eq3A_771 = vector.broadcast %eq3A_770 : i32 to vector<1x432xi32>
    %eq3A_772 = arith.cmpi eq, %select_n3A, %eq3A_771 : vector<1x432xi32>
    %broadcast_in_dim3A_773 = vector.broadcast %select_n3A_766 : f32 to vector<1x432xf32>
    %select_n3A_774 = arith.select %eq3A_772, %broadcast_in_dim3A_773, %select_n3A_745 : vector<1x432xi1>, vector<1x432xf32>
    %eq3A_775 = arith.constant 25 : i32
    %eq3A_776 = vector.broadcast %eq3A_775 : i32 to vector<1x432xi32>
    %eq3A_777 = arith.cmpi eq, %select_n3A, %eq3A_776 : vector<1x432xi32>
    %broadcast_in_dim3A_778 = vector.broadcast %mul3A_769 : f32 to vector<1x432xf32>
    %select_n3A_779 = arith.select %eq3A_777, %broadcast_in_dim3A_778, %select_n3A_750 : vector<1x432xi1>, vector<1x432xf32>
    %slice3A_780 = vector.extract_strided_slice %get3A_1 {offsets = [0, 416], sizes = [32, 16], strides = [1, 1]} : vector<32x432xf32> to vector<32x16xf32>
    %reduce_max3A_781 = vector.shape_cast %slice3A_780 : vector<32x16xf32> to vector<1x32x16xf32>
    %reduce_max3A_782 = arith.constant dense<0xFF800000> : vector<1xf32>
    %reduce_max3A_783 = vector.multi_reduction <maximumf>, %reduce_max3A_781, %reduce_max3A_782 [1, 2] : vector<1x32x16xf32> to vector<1xf32>
    %reduce_max3A_784 = vector.shape_cast %reduce_max3A_783 : vector<1xf32> to vector<1x1x1xf32>
    %reduce_max3A_785 = vector.extract %reduce_max3A_784[0, 0, 0] : f32 from vector<1x1x1xf32>
    %eq3A_786 = arith.constant 0.000000e+00 : f32
    %eq3A_787 = arith.cmpf oeq, %reduce_max3A_785, %eq3A_786 : f32
    %eq3A_788 = arith.constant 0.000000e+00 : f32
    %eq3A_789 = arith.cmpf oeq, %reduce_max3A_785, %eq3A_788 : f32
    %jit3A_790 = arith.constant 1.000000e+00 : f32
    %select_n3A_791 = arith.select %eq3A_789, %jit3A_790, %reduce_max3A_785 : f32
    %div3A_792 = arith.constant 1.000000e+00 : f32
    %div3A_793 = arith.divf %div3A_792, %select_n3A_791 : f32
    %jit3A_794 = arith.constant 0.000000e+00 : f32
    %select_n3A_795 = arith.select %eq3A_787, %jit3A_794, %div3A_793 : f32
    %slice3A_796 = vector.extract_strided_slice %get3A_4 {offsets = [0, 26], sizes = [1, 1], strides = [1, 1]} : vector<1x32xf32> to vector<1x1xf32>
    %squeeze3A_797 = vector.extract %slice3A_796[0, 0] : f32 from vector<1x1xf32>
    %mul3A_798 = arith.mulf %squeeze3A_797, %select_n3A_795 : f32
    %eq3A_799 = arith.constant 26 : i32
    %eq3A_800 = vector.broadcast %eq3A_799 : i32 to vector<1x432xi32>
    %eq3A_801 = arith.cmpi eq, %select_n3A, %eq3A_800 : vector<1x432xi32>
    %broadcast_in_dim3A_802 = vector.broadcast %select_n3A_795 : f32 to vector<1x432xf32>
    %select_n3A_803 = arith.select %eq3A_801, %broadcast_in_dim3A_802, %select_n3A_774 : vector<1x432xi1>, vector<1x432xf32>
    %eq3A_804 = arith.constant 26 : i32
    %eq3A_805 = vector.broadcast %eq3A_804 : i32 to vector<1x432xi32>
    %eq3A_806 = arith.cmpi eq, %select_n3A, %eq3A_805 : vector<1x432xi32>
    %broadcast_in_dim3A_807 = vector.broadcast %mul3A_798 : f32 to vector<1x432xf32>
    %select_n3A_808 = arith.select %eq3A_806, %broadcast_in_dim3A_807, %select_n3A_779 : vector<1x432xi1>, vector<1x432xf32>
    %reshape3A = vector.shape_cast %select_n3A_803 : vector<1x432xf32> to vector<432xf32>
    %swap3A = arith.constant 0 : index
    %swap3A_809 = vector.load %arg2[%swap3A] : memref<432xf32, #tpu.memory_space<vmem>>, vector<432xf32>
    tpu.vector_store %arg2[%swap3A], %reshape3A {strides = array<i32>} : memref<432xf32, #tpu.memory_space<vmem>>, vector<432xf32>,
    %reshape3A_810 = vector.shape_cast %select_n3A_808 : vector<1x432xf32> to vector<432xf32>
    %swap3A_811 = arith.constant 0 : index
    %swap3A_812 = vector.load %arg3[%swap3A_811] : memref<432xf32, #tpu.memory_space<vmem>>, vector<432xf32>
    tpu.vector_store %arg3[%swap3A_811], %reshape3A_810 {strides = array<i32>} : memref<432xf32, #tpu.memory_space<vmem>>, vector<432xf32>,
    return
  }
}

module attributes {stable_mosaic.version = 14 : i64} {
  func.func @_merge_body(%arg0: memref<32x48xf32, #tpu.memory_space<vmem>>, %arg1: memref<32x48xi32, #tpu.memory_space<vmem>>, %arg2: memref<1x8xf32, #tpu.memory_space<vmem>>, %arg3: memref<1x8xi32, #tpu.memory_space<vmem>>) attributes {dimension_semantics = [], scalar_prefetch = 0 : i64, scratch_operands = 0 : i64, tpu.core_type = #tpu.core_type<tc>} {
    %get3A = arith.constant 0 : index
    %get3A_0 = arith.constant 0 : index
    %get3A_1 = vector.load %arg0[%get3A, %get3A_0] : memref<32x48xf32, #tpu.memory_space<vmem>>, vector<32x48xf32>
    %get3A_2 = arith.constant 0 : index
    %get3A_3 = arith.constant 0 : index
    %get3A_4 = vector.load %arg1[%get3A_2, %get3A_3] : memref<32x48xi32, #tpu.memory_space<vmem>>, vector<32x48xi32>
    %iota3A = tpu.iota {dimensions = array<i32: 1>} : vector<1x8xi32>
    %broadcast_in_dim3A = arith.constant 0.000000e+00 : f32
    %broadcast_in_dim3A_5 = vector.broadcast %broadcast_in_dim3A : f32 to vector<1x8xf32>
    %broadcast_in_dim3A_6 = arith.constant 0 : i32
    %broadcast_in_dim3A_7 = vector.broadcast %broadcast_in_dim3A_6 : i32 to vector<1x8xi32>
    %reduce_min3A = vector.shape_cast %get3A_1 : vector<32x48xf32> to vector<1x32x48xf32>
    %reduce_min3A_8 = arith.constant dense<0x7F800000> : vector<1xf32>
    %reduce_min3A_9 = vector.multi_reduction <minimumf>, %reduce_min3A, %reduce_min3A_8 [1, 2] : vector<1x32x48xf32> to vector<1xf32>
    %reduce_min3A_10 = vector.shape_cast %reduce_min3A_9 : vector<1xf32> to vector<1x1x1xf32>
    %reduce_min3A_11 = vector.extract %reduce_min3A_10[0, 0, 0] : f32 from vector<1x1x1xf32>
    %eq3A = vector.broadcast %reduce_min3A_11 : f32 to vector<32x48xf32>
    %eq3A_12 = arith.cmpf oeq, %get3A_1, %eq3A : vector<32x48xf32>
    %jit3A = arith.constant 2147483647 : i32
    %broadcast_in_dim3A_13 = vector.broadcast %jit3A : i32 to vector<32x48xi32>
    %select_n3A = arith.select %eq3A_12, %get3A_4, %broadcast_in_dim3A_13 : vector<32x48xi1>, vector<32x48xi32>
    %reduce_min3A_14 = vector.shape_cast %select_n3A : vector<32x48xi32> to vector<1x32x48xi32>
    %reduce_min3A_15 = arith.constant dense<2147483647> : vector<1xi32>
    %reduce_min3A_16 = vector.multi_reduction <minsi>, %reduce_min3A_14, %reduce_min3A_15 [1, 2] : vector<1x32x48xi32> to vector<1xi32>
    %reduce_min3A_17 = vector.shape_cast %reduce_min3A_16 : vector<1xi32> to vector<1x1x1xi32>
    %reduce_min3A_18 = vector.extract %reduce_min3A_17[0, 0, 0] : i32 from vector<1x1x1xi32>
    %eq3A_19 = vector.broadcast %reduce_min3A_11 : f32 to vector<32x48xf32>
    %eq3A_20 = arith.cmpf oeq, %get3A_1, %eq3A_19 : vector<32x48xf32>
    %eq3A_21 = vector.broadcast %reduce_min3A_18 : i32 to vector<32x48xi32>
    %eq3A_22 = arith.cmpi eq, %get3A_4, %eq3A_21 : vector<32x48xi32>
    %and3A = arith.andi %eq3A_20, %eq3A_22 : vector<32x48xi1>
    %jit3A_23 = arith.constant 0x7F800000 : f32
    %broadcast_in_dim3A_24 = vector.broadcast %jit3A_23 : f32 to vector<32x48xf32>
    %select_n3A_25 = arith.select %and3A, %broadcast_in_dim3A_24, %get3A_1 : vector<32x48xi1>, vector<32x48xf32>
    %eq3A_26 = arith.constant 0 : i32
    %eq3A_27 = vector.broadcast %eq3A_26 : i32 to vector<1x8xi32>
    %eq3A_28 = arith.cmpi eq, %iota3A, %eq3A_27 : vector<1x8xi32>
    %sqrt3A = math.sqrt %reduce_min3A_11 : f32
    %broadcast_in_dim3A_29 = vector.broadcast %sqrt3A : f32 to vector<1x8xf32>
    %select_n3A_30 = arith.select %eq3A_28, %broadcast_in_dim3A_29, %broadcast_in_dim3A_5 : vector<1x8xi1>, vector<1x8xf32>
    %eq3A_31 = arith.constant 0 : i32
    %eq3A_32 = vector.broadcast %eq3A_31 : i32 to vector<1x8xi32>
    %eq3A_33 = arith.cmpi eq, %iota3A, %eq3A_32 : vector<1x8xi32>
    %broadcast_in_dim3A_34 = vector.broadcast %reduce_min3A_18 : i32 to vector<1x8xi32>
    %select_n3A_35 = arith.select %eq3A_33, %broadcast_in_dim3A_34, %broadcast_in_dim3A_7 : vector<1x8xi1>, vector<1x8xi32>
    %reduce_min3A_36 = vector.shape_cast %select_n3A_25 : vector<32x48xf32> to vector<1x32x48xf32>
    %reduce_min3A_37 = arith.constant dense<0x7F800000> : vector<1xf32>
    %reduce_min3A_38 = vector.multi_reduction <minimumf>, %reduce_min3A_36, %reduce_min3A_37 [1, 2] : vector<1x32x48xf32> to vector<1xf32>
    %reduce_min3A_39 = vector.shape_cast %reduce_min3A_38 : vector<1xf32> to vector<1x1x1xf32>
    %reduce_min3A_40 = vector.extract %reduce_min3A_39[0, 0, 0] : f32 from vector<1x1x1xf32>
    %eq3A_41 = vector.broadcast %reduce_min3A_40 : f32 to vector<32x48xf32>
    %eq3A_42 = arith.cmpf oeq, %select_n3A_25, %eq3A_41 : vector<32x48xf32>
    %jit3A_43 = arith.constant 2147483647 : i32
    %broadcast_in_dim3A_44 = vector.broadcast %jit3A_43 : i32 to vector<32x48xi32>
    %select_n3A_45 = arith.select %eq3A_42, %get3A_4, %broadcast_in_dim3A_44 : vector<32x48xi1>, vector<32x48xi32>
    %reduce_min3A_46 = vector.shape_cast %select_n3A_45 : vector<32x48xi32> to vector<1x32x48xi32>
    %reduce_min3A_47 = arith.constant dense<2147483647> : vector<1xi32>
    %reduce_min3A_48 = vector.multi_reduction <minsi>, %reduce_min3A_46, %reduce_min3A_47 [1, 2] : vector<1x32x48xi32> to vector<1xi32>
    %reduce_min3A_49 = vector.shape_cast %reduce_min3A_48 : vector<1xi32> to vector<1x1x1xi32>
    %reduce_min3A_50 = vector.extract %reduce_min3A_49[0, 0, 0] : i32 from vector<1x1x1xi32>
    %eq3A_51 = vector.broadcast %reduce_min3A_40 : f32 to vector<32x48xf32>
    %eq3A_52 = arith.cmpf oeq, %select_n3A_25, %eq3A_51 : vector<32x48xf32>
    %eq3A_53 = vector.broadcast %reduce_min3A_50 : i32 to vector<32x48xi32>
    %eq3A_54 = arith.cmpi eq, %get3A_4, %eq3A_53 : vector<32x48xi32>
    %and3A_55 = arith.andi %eq3A_52, %eq3A_54 : vector<32x48xi1>
    %jit3A_56 = arith.constant 0x7F800000 : f32
    %broadcast_in_dim3A_57 = vector.broadcast %jit3A_56 : f32 to vector<32x48xf32>
    %select_n3A_58 = arith.select %and3A_55, %broadcast_in_dim3A_57, %select_n3A_25 : vector<32x48xi1>, vector<32x48xf32>
    %eq3A_59 = arith.constant 1 : i32
    %eq3A_60 = vector.broadcast %eq3A_59 : i32 to vector<1x8xi32>
    %eq3A_61 = arith.cmpi eq, %iota3A, %eq3A_60 : vector<1x8xi32>
    %sqrt3A_62 = math.sqrt %reduce_min3A_40 : f32
    %broadcast_in_dim3A_63 = vector.broadcast %sqrt3A_62 : f32 to vector<1x8xf32>
    %select_n3A_64 = arith.select %eq3A_61, %broadcast_in_dim3A_63, %select_n3A_30 : vector<1x8xi1>, vector<1x8xf32>
    %eq3A_65 = arith.constant 1 : i32
    %eq3A_66 = vector.broadcast %eq3A_65 : i32 to vector<1x8xi32>
    %eq3A_67 = arith.cmpi eq, %iota3A, %eq3A_66 : vector<1x8xi32>
    %broadcast_in_dim3A_68 = vector.broadcast %reduce_min3A_50 : i32 to vector<1x8xi32>
    %select_n3A_69 = arith.select %eq3A_67, %broadcast_in_dim3A_68, %select_n3A_35 : vector<1x8xi1>, vector<1x8xi32>
    %reduce_min3A_70 = vector.shape_cast %select_n3A_58 : vector<32x48xf32> to vector<1x32x48xf32>
    %reduce_min3A_71 = arith.constant dense<0x7F800000> : vector<1xf32>
    %reduce_min3A_72 = vector.multi_reduction <minimumf>, %reduce_min3A_70, %reduce_min3A_71 [1, 2] : vector<1x32x48xf32> to vector<1xf32>
    %reduce_min3A_73 = vector.shape_cast %reduce_min3A_72 : vector<1xf32> to vector<1x1x1xf32>
    %reduce_min3A_74 = vector.extract %reduce_min3A_73[0, 0, 0] : f32 from vector<1x1x1xf32>
    %eq3A_75 = vector.broadcast %reduce_min3A_74 : f32 to vector<32x48xf32>
    %eq3A_76 = arith.cmpf oeq, %select_n3A_58, %eq3A_75 : vector<32x48xf32>
    %jit3A_77 = arith.constant 2147483647 : i32
    %broadcast_in_dim3A_78 = vector.broadcast %jit3A_77 : i32 to vector<32x48xi32>
    %select_n3A_79 = arith.select %eq3A_76, %get3A_4, %broadcast_in_dim3A_78 : vector<32x48xi1>, vector<32x48xi32>
    %reduce_min3A_80 = vector.shape_cast %select_n3A_79 : vector<32x48xi32> to vector<1x32x48xi32>
    %reduce_min3A_81 = arith.constant dense<2147483647> : vector<1xi32>
    %reduce_min3A_82 = vector.multi_reduction <minsi>, %reduce_min3A_80, %reduce_min3A_81 [1, 2] : vector<1x32x48xi32> to vector<1xi32>
    %reduce_min3A_83 = vector.shape_cast %reduce_min3A_82 : vector<1xi32> to vector<1x1x1xi32>
    %reduce_min3A_84 = vector.extract %reduce_min3A_83[0, 0, 0] : i32 from vector<1x1x1xi32>
    %eq3A_85 = arith.constant 2 : i32
    %eq3A_86 = vector.broadcast %eq3A_85 : i32 to vector<1x8xi32>
    %eq3A_87 = arith.cmpi eq, %iota3A, %eq3A_86 : vector<1x8xi32>
    %sqrt3A_88 = math.sqrt %reduce_min3A_74 : f32
    %broadcast_in_dim3A_89 = vector.broadcast %sqrt3A_88 : f32 to vector<1x8xf32>
    %select_n3A_90 = arith.select %eq3A_87, %broadcast_in_dim3A_89, %select_n3A_64 : vector<1x8xi1>, vector<1x8xf32>
    %eq3A_91 = arith.constant 2 : i32
    %eq3A_92 = vector.broadcast %eq3A_91 : i32 to vector<1x8xi32>
    %eq3A_93 = arith.cmpi eq, %iota3A, %eq3A_92 : vector<1x8xi32>
    %broadcast_in_dim3A_94 = vector.broadcast %reduce_min3A_84 : i32 to vector<1x8xi32>
    %select_n3A_95 = arith.select %eq3A_93, %broadcast_in_dim3A_94, %select_n3A_69 : vector<1x8xi1>, vector<1x8xi32>
    %swap3A = arith.constant 0 : index
    %swap3A_96 = arith.constant 0 : index
    %swap3A_97 = vector.load %arg2[%swap3A, %swap3A_96] : memref<1x8xf32, #tpu.memory_space<vmem>>, vector<1x8xf32>
    tpu.vector_store %arg2[%swap3A, %swap3A_96], %select_n3A_90 {strides = array<i32>} : memref<1x8xf32, #tpu.memory_space<vmem>>, vector<1x8xf32>,
    %swap3A_98 = arith.constant 0 : index
    %swap3A_99 = arith.constant 0 : index
    %swap3A_100 = vector.load %arg3[%swap3A_98, %swap3A_99] : memref<1x8xi32, #tpu.memory_space<vmem>>, vector<1x8xi32>
    tpu.vector_store %arg3[%swap3A_98, %swap3A_99], %select_n3A_95 {strides = array<i32>} : memref<1x8xi32, #tpu.memory_space<vmem>>, vector<1x8xi32>,
    return
  }
}

module attributes {stable_mosaic.version = 14 : i64} {
  func.func @_vote_body(%arg0: memref<1x8xi32, #tpu.memory_space<smem>>, %arg1: memref<1x8xf32, #tpu.memory_space<smem>>, %arg2: memref<1000000x10xf32, #tpu.memory_space<any>>, %arg3: memref<1x10xf32, #tpu.memory_space<vmem>>, %arg4: memref<8x10xf32, #tpu.memory_space<vmem>>, %arg5: memref<!tpu.dma_semaphore, #tpu.memory_space<semaphore_mem>>) attributes {dimension_semantics = [], scalar_prefetch = 0 : i64, scratch_operands = 2 : i64, tpu.core_type = #tpu.core_type<tc>} {
    %get3A = arith.constant 0 : index
    %get3A_0 = arith.constant 0 : index
    %get3A_1 = memref.load %arg0[%get3A, %get3A_0] : memref<1x8xi32, #tpu.memory_space<smem>>
    %dma_start3A = arith.constant 0 : i32
    %dma_start3A_2 = arith.constant 0 : i32
    %dma_start3A_3 = tpu.memref_slice %arg4[%dma_start3A, %dma_start3A_2] : memref<8x10xf32, #tpu.memory_space<vmem>> -> memref<1x10xf32, #tpu.memory_space<vmem>>
    %dma_start3A_4 = arith.constant 0 : i32
    %dma_start3A_5 = tpu.memref_slice %arg2[%get3A_1, %dma_start3A_4] : memref<1000000x10xf32, #tpu.memory_space<any>> -> memref<1x10xf32, #tpu.memory_space<any>>
    tpu.enqueue_dma source(%dma_start3A_5 : memref<1x10xf32, #tpu.memory_space<any>>) target(%dma_start3A_3 : memref<1x10xf32, #tpu.memory_space<vmem>>) target_semaphore(%arg5 : memref<!tpu.dma_semaphore, #tpu.memory_space<semaphore_mem>>)
    %get3A_6 = arith.constant 0 : index
    %get3A_7 = arith.constant 1 : index
    %get3A_8 = memref.load %arg0[%get3A_6, %get3A_7] : memref<1x8xi32, #tpu.memory_space<smem>>
    %dma_start3A_9 = arith.constant 1 : i32
    %dma_start3A_10 = arith.constant 0 : i32
    %dma_start3A_11 = tpu.memref_slice %arg4[%dma_start3A_9, %dma_start3A_10] : memref<8x10xf32, #tpu.memory_space<vmem>> -> memref<1x10xf32, #tpu.memory_space<vmem>>
    %dma_start3A_12 = arith.constant 0 : i32
    %dma_start3A_13 = tpu.memref_slice %arg2[%get3A_8, %dma_start3A_12] : memref<1000000x10xf32, #tpu.memory_space<any>> -> memref<1x10xf32, #tpu.memory_space<any>>
    tpu.enqueue_dma source(%dma_start3A_13 : memref<1x10xf32, #tpu.memory_space<any>>) target(%dma_start3A_11 : memref<1x10xf32, #tpu.memory_space<vmem>>) target_semaphore(%arg5 : memref<!tpu.dma_semaphore, #tpu.memory_space<semaphore_mem>>)
    %get3A_14 = arith.constant 0 : index
    %get3A_15 = arith.constant 2 : index
    %get3A_16 = memref.load %arg0[%get3A_14, %get3A_15] : memref<1x8xi32, #tpu.memory_space<smem>>
    %dma_start3A_17 = arith.constant 2 : i32
    %dma_start3A_18 = arith.constant 0 : i32
    %dma_start3A_19 = tpu.memref_slice %arg4[%dma_start3A_17, %dma_start3A_18] : memref<8x10xf32, #tpu.memory_space<vmem>> -> memref<1x10xf32, #tpu.memory_space<vmem>>
    %dma_start3A_20 = arith.constant 0 : i32
    %dma_start3A_21 = tpu.memref_slice %arg2[%get3A_16, %dma_start3A_20] : memref<1000000x10xf32, #tpu.memory_space<any>> -> memref<1x10xf32, #tpu.memory_space<any>>
    tpu.enqueue_dma source(%dma_start3A_21 : memref<1x10xf32, #tpu.memory_space<any>>) target(%dma_start3A_19 : memref<1x10xf32, #tpu.memory_space<vmem>>) target_semaphore(%arg5 : memref<!tpu.dma_semaphore, #tpu.memory_space<semaphore_mem>>)
    %dma_wait3A = arith.constant 0 : i32
    %dma_wait3A_22 = arith.constant 0 : i32
    %dma_wait3A_23 = tpu.memref_slice %arg4[%dma_wait3A, %dma_wait3A_22] : memref<8x10xf32, #tpu.memory_space<vmem>> -> memref<1x10xf32, #tpu.memory_space<vmem>>
    %dma_wait3A_24 = arith.constant 0 : i32
    %dma_wait3A_25 = arith.constant 0 : i32
    %dma_wait3A_26 = tpu.memref_slice %arg2[%dma_wait3A_24, %dma_wait3A_25] : memref<1000000x10xf32, #tpu.memory_space<any>> -> memref<1x10xf32, #tpu.memory_space<any>>
    tpu.wait_dma2 semaphore(%arg5 : memref<!tpu.dma_semaphore, #tpu.memory_space<semaphore_mem>>) src(%dma_wait3A_26 : memref<1x10xf32, #tpu.memory_space<any>>) dst(%dma_wait3A_23 : memref<1x10xf32, #tpu.memory_space<vmem>>)
    %dma_wait3A_27 = arith.constant 1 : i32
    %dma_wait3A_28 = arith.constant 0 : i32
    %dma_wait3A_29 = tpu.memref_slice %arg4[%dma_wait3A_27, %dma_wait3A_28] : memref<8x10xf32, #tpu.memory_space<vmem>> -> memref<1x10xf32, #tpu.memory_space<vmem>>
    %dma_wait3A_30 = arith.constant 0 : i32
    %dma_wait3A_31 = arith.constant 0 : i32
    %dma_wait3A_32 = tpu.memref_slice %arg2[%dma_wait3A_30, %dma_wait3A_31] : memref<1000000x10xf32, #tpu.memory_space<any>> -> memref<1x10xf32, #tpu.memory_space<any>>
    tpu.wait_dma2 semaphore(%arg5 : memref<!tpu.dma_semaphore, #tpu.memory_space<semaphore_mem>>) src(%dma_wait3A_32 : memref<1x10xf32, #tpu.memory_space<any>>) dst(%dma_wait3A_29 : memref<1x10xf32, #tpu.memory_space<vmem>>)
    %dma_wait3A_33 = arith.constant 2 : i32
    %dma_wait3A_34 = arith.constant 0 : i32
    %dma_wait3A_35 = tpu.memref_slice %arg4[%dma_wait3A_33, %dma_wait3A_34] : memref<8x10xf32, #tpu.memory_space<vmem>> -> memref<1x10xf32, #tpu.memory_space<vmem>>
    %dma_wait3A_36 = arith.constant 0 : i32
    %dma_wait3A_37 = arith.constant 0 : i32
    %dma_wait3A_38 = tpu.memref_slice %arg2[%dma_wait3A_36, %dma_wait3A_37] : memref<1000000x10xf32, #tpu.memory_space<any>> -> memref<1x10xf32, #tpu.memory_space<any>>
    tpu.wait_dma2 semaphore(%arg5 : memref<!tpu.dma_semaphore, #tpu.memory_space<semaphore_mem>>) src(%dma_wait3A_38 : memref<1x10xf32, #tpu.memory_space<any>>) dst(%dma_wait3A_35 : memref<1x10xf32, #tpu.memory_space<vmem>>)
    %get3A_39 = arith.constant 0 : index
    %get3A_40 = arith.constant 0 : index
    %get3A_41 = memref.load %arg1[%get3A_39, %get3A_40] : memref<1x8xf32, #tpu.memory_space<smem>>
    %get3A_42 = arith.constant 0 : index
    %get3A_43 = arith.constant 1 : index
    %get3A_44 = memref.load %arg1[%get3A_42, %get3A_43] : memref<1x8xf32, #tpu.memory_space<smem>>
    %get3A_45 = arith.constant 0 : index
    %get3A_46 = arith.constant 2 : index
    %get3A_47 = memref.load %arg1[%get3A_45, %get3A_46] : memref<1x8xf32, #tpu.memory_space<smem>>
    %eq3A = arith.constant 0.000000e+00 : f32
    %eq3A_48 = arith.cmpf oeq, %get3A_41, %eq3A : f32
    %jit3A = arith.constant 1.000000e+00 : f32
    %select_n3A = arith.select %eq3A_48, %jit3A, %get3A_41 : f32
    %div3A = arith.constant 1.000000e+00 : f32
    %div3A_49 = arith.divf %div3A, %select_n3A : f32
    %eq3A_50 = arith.constant 0.000000e+00 : f32
    %eq3A_51 = arith.cmpf oeq, %get3A_44, %eq3A_50 : f32
    %jit3A_52 = arith.constant 1.000000e+00 : f32
    %select_n3A_53 = arith.select %eq3A_51, %jit3A_52, %get3A_44 : f32
    %div3A_54 = arith.constant 1.000000e+00 : f32
    %div3A_55 = arith.divf %div3A_54, %select_n3A_53 : f32
    %eq3A_56 = arith.constant 0.000000e+00 : f32
    %eq3A_57 = arith.cmpf oeq, %get3A_47, %eq3A_56 : f32
    %jit3A_58 = arith.constant 1.000000e+00 : f32
    %select_n3A_59 = arith.select %eq3A_57, %jit3A_58, %get3A_47 : f32
    %div3A_60 = arith.constant 1.000000e+00 : f32
    %div3A_61 = arith.divf %div3A_60, %select_n3A_59 : f32
    %get3A_62 = arith.constant 0 : index
    %get3A_63 = arith.constant 0 : index
    %get3A_64 = vector.load %arg4[%get3A_62, %get3A_63] : memref<8x10xf32, #tpu.memory_space<vmem>>, vector<1x10xf32>
    %get3A_65 = arith.constant 1 : index
    %get3A_66 = arith.constant 0 : index
    %get3A_67 = vector.load %arg4[%get3A_65, %get3A_66] : memref<8x10xf32, #tpu.memory_space<vmem>>, vector<1x10xf32>
    %get3A_68 = arith.constant 2 : index
    %get3A_69 = arith.constant 0 : index
    %get3A_70 = vector.load %arg4[%get3A_68, %get3A_69] : memref<8x10xf32, #tpu.memory_space<vmem>>, vector<1x10xf32>
    %mul3A = vector.broadcast %div3A_49 : f32 to vector<1x10xf32>
    %mul3A_71 = arith.mulf %get3A_64, %mul3A : vector<1x10xf32>
    %mul3A_72 = vector.broadcast %div3A_55 : f32 to vector<1x10xf32>
    %mul3A_73 = arith.mulf %get3A_67, %mul3A_72 : vector<1x10xf32>
    %add3A = arith.addf %mul3A_71, %mul3A_73 : vector<1x10xf32>
    %mul3A_74 = vector.broadcast %div3A_61 : f32 to vector<1x10xf32>
    %mul3A_75 = arith.mulf %get3A_70, %mul3A_74 : vector<1x10xf32>
    %add3A_76 = arith.addf %add3A, %mul3A_75 : vector<1x10xf32>
    %reduce_max3A = vector.shape_cast %add3A_76 : vector<1x10xf32> to vector<1x1x10xf32>
    %reduce_max3A_77 = arith.constant dense<0xFF800000> : vector<1xf32>
    %reduce_max3A_78 = vector.multi_reduction <maximumf>, %reduce_max3A, %reduce_max3A_77 [1, 2] : vector<1x1x10xf32> to vector<1xf32>
    %reduce_max3A_79 = vector.shape_cast %reduce_max3A_78 : vector<1xf32> to vector<1x1x1xf32>
    %reduce_max3A_80 = vector.extract %reduce_max3A_79[0, 0, 0] : f32 from vector<1x1x1xf32>
    %iota3A = tpu.iota {dimensions = array<i32: 1>} : vector<1x10xi32>
    %eq3A_81 = vector.broadcast %reduce_max3A_80 : f32 to vector<1x10xf32>
    %eq3A_82 = arith.cmpf oeq, %add3A_76, %eq3A_81 : vector<1x10xf32>
    %jit3A_83 = arith.constant 2147483647 : i32
    %broadcast_in_dim3A = vector.broadcast %jit3A_83 : i32 to vector<1x10xi32>
    %select_n3A_84 = arith.select %eq3A_82, %iota3A, %broadcast_in_dim3A : vector<1x10xi1>, vector<1x10xi32>
    %reduce_min3A = vector.shape_cast %select_n3A_84 : vector<1x10xi32> to vector<1x1x10xi32>
    %reduce_min3A_85 = arith.constant dense<2147483647> : vector<1xi32>
    %reduce_min3A_86 = vector.multi_reduction <minsi>, %reduce_min3A, %reduce_min3A_85 [1, 2] : vector<1x1x10xi32> to vector<1xi32>
    %reduce_min3A_87 = vector.shape_cast %reduce_min3A_86 : vector<1xi32> to vector<1x1x1xi32>
    %reduce_min3A_88 = vector.extract %reduce_min3A_87[0, 0, 0] : i32 from vector<1x1x1xi32>
    %eq3A_89 = vector.broadcast %reduce_min3A_88 : i32 to vector<1x10xi32>
    %eq3A_90 = arith.cmpi eq, %iota3A, %eq3A_89 : vector<1x10xi32>
    %jit3A_91 = arith.constant 1.000000e+00 : f32
    %jit3A_92 = arith.constant 0.000000e+00 : f32
    %broadcast_in_dim3A_93 = vector.broadcast %jit3A_91 : f32 to vector<1x10xf32>
    %broadcast_in_dim3A_94 = vector.broadcast %jit3A_92 : f32 to vector<1x10xf32>
    %select_n3A_95 = arith.select %eq3A_90, %broadcast_in_dim3A_93, %broadcast_in_dim3A_94 : vector<1x10xi1>, vector<1x10xf32>
    %min3A = arith.minimumf %get3A_44, %get3A_47 : f32
    %min3A_96 = arith.minimumf %get3A_41, %min3A : f32
    %eq3A_97 = arith.constant 0.000000e+00 : f32
    %eq3A_98 = arith.cmpf oeq, %min3A_96, %eq3A_97 : f32
    %select_n3A_99 = arith.select %eq3A_98, %get3A_64, %select_n3A_95 : vector<1x10xf32>
    %swap3A = arith.constant 0 : index
    %swap3A_100 = arith.constant 0 : index
    %swap3A_101 = vector.load %arg3[%swap3A, %swap3A_100] : memref<1x10xf32, #tpu.memory_space<vmem>>, vector<1x10xf32>
    tpu.vector_store %arg3[%swap3A, %swap3A_100], %select_n3A_99 {strides = array<i32>} : memref<1x10xf32, #tpu.memory_space<vmem>>, vector<1x10xf32>,
    return
  }
}

</mosaic_0001>

<sc_bundles>
// kernel: kernel.10.cloned.1.call-start
scs
__scs_entry_jumppad:
0x0: {  	(pc) =	sbr.rel $0x88, $3  }
0x1: {  	(tag) =	ssettag $0x0;
	lr =	simm.s32 $0x1  }
0x2: {  	[smem:$0x3F9E] =	sst lr;
	_ =	strace $0xD0000000  }
0x3: {  	_ = 	snop  }
0x4: {  	_ = 	snop  }
0x5: {  	_ = 	snop  }
0x6: {  	_ = 	snop  }
0x7: {  	_ = 	snop  }
__scs_overlays_trampoline_lowered:
0x8: {  	[smem:$0x3FAD] =	sst s0  }
0x9: {  	[smem:$0x3FAE] =	sst s1  }
0xa: {  	[smem:$0x3FAF] =	sst s2  }
0xb: {  	[smem:$0x3FB0] =	sst s3  }
0xc: {  	[smem:$0x3FB1] =	sst s4  }
0xd: {  	[smem:$0x3FB2] =	sst s5  }
0xe: {  	[smem:$0x3FB3] =	sst s6  }
0xf: {  	[smem:$0x3FB4] =	sst s7  }
0x10: {  	[smem:$0x3FB5] =	sst s8  }
0x11: {  	[smem:$0x3FB6] =	sst s9;
	s0 =	simm.s32 @!p0 $0x0  }
0x12: {  	s1 =	sld [smem:$0x3F9C];
	s0 =	simm.s32 @p0 $0x1  }
0x13: {  	[smem:$0x3FB7] =	sst s0;
	s0 =	simm.s32 @!p1 $0x0  }
0x14: {  	s2 =	sld [smem:$0x3F9B];
	s0 =	simm.s32 @p1 $0x1  }
0x15: {  	[smem:$0x3FB8] =	sst s0;
	s0 =	simm.s32 @!p2 $0x0  }
0x16: {  	s3 =	sld [smem:$0x3FDB];
	s0 =	simm.s32 @p2 $0x1  }
0x17: {  	s4 =	simm.s32 $0x1BF5;
	[smem:$0x3FBA] =	sst s0  }
0x18: {  	s0 =	sld [smem:$0x3F9D];
	_ =	swait.ge [sflag:s4], $0x0  }
0x19: {  	s7 =	sld [smem:$0x3F9E]  }
0x1a: {  	s8 =	sadd.s32 $0xFFFFE003, lr  }
0x1b: {  	s9 =	sadd.s32 $0xFFFFFEF7, lr;
	s5 =	simm.s32 $0xFFFFFFFF;
	p2 =	slt.u32 s8, $0xFFFFF086  }
0x1c: {  	p1 =	slt.u32 s9, $0xF7A;
	s5 =	simm.s32 @!p2 $0x0  }
0x1d: {  	s5 =	simm.s32 @p1 $0x1;
	p0 =	seq.s32 s7, s2  }
0x1e: {  	s7 =	smul.u32 @!p0 $0xF7A, s2;
	p2 =	seq.s32 @!p0 s5, $0x0  }
0x1f: {  	s9 =	smul.u32 $0xF7A, s1;
	s8 =	simm.s32 @!p0 $0x1BF5;
	p2 =	por !p2, p0  }
0x20: {  	[sflag:s8] =	ssyncset.s32 @!p0 $0xFFFFF086;
	s6 =	sadd.s32 @!p0 s3, s7;
	s7 =	simm.s32 @!p0 $0x108  }
0x21: {  	s3 =	sadd.s32 s3, s9;
	s6 =	sadd.s32 @!p0 $0x88, s6;
	s7 =	simm.s32 @p2 $0x1082  }
0x22: {  	[simem:s7], [sflag:s8] =	dma.local @!p0 [hbm:s6], $0xF7A  }
0x23: {  	s9 =	sor.u32 $0xD0000000, s2;
	s6 =	simm.s32 $0x108;
	_ =	swait.ge @!p0 [sflag:s8], $0x0  }
0x24: {  	s3 =	sadd.s32 $0x88, s3;
	s6 =	simm.s32 @!p1 $0x1082;
	[sflag:s4] =	ssyncset.s32 $0xFFFFF086  }
0x25: {  	[simem:s6], [sflag:s4] =	dma.local [hbm:s3], $0xF7A  }
0x26: {  	[smem:$0x3F9E] =	sst s1;
	(tag) =	ssettag s2;
	_ =	strace s9  }
0x27: {  	s1 =	sld [smem:$0x3FAE]  }
0x28: {  	s2 =	sld [smem:$0x3FAF]  }
0x29: {  	s4 =	sld [smem:$0x3FB1]  }
0x2a: {  	p0 =	seq.s32 s5, $0x0;
	s5 =	sld [smem:$0x3FB2]  }
0x2b: {  	s6 =	sld [smem:$0x3FB3]  }
0x2c: {  	s7 =	sld [smem:$0x3FB4]  }
0x2d: {  	s3 =	simm.s32 $0x108;
	s8 =	sld [smem:$0x3FB5]  }
0x2e: {  	s3 =	simm.s32 @!p0 $0x1082;
	s9 =	sld [smem:$0x3FB6]  }
0x2f: {  	lr =	sadd.s32 s0, s3;
	s0 =	sld [smem:$0x3FAD]  }
0x30: {  	s3 =	sld [smem:$0x3FB0]  }
0x31: {  	[smem:$0x3FB9] =	sst s10  }
0x32: {  	s10 =	sld [smem:$0x3FB7];
	_ =	sdelay $0x3  }
0x33: {  	p0 =	seq.s32 s10, $0x1;
	s10 =	sld [smem:$0x3FB9];
	_ =	sdelay $0x3  }
0x34: {  	[smem:$0x3FB9] =	sst s10  }
0x35: {  	s10 =	sld [smem:$0x3FB8];
	_ =	sdelay $0x3  }
0x36: {  	p1 =	seq.s32 s10, $0x1;
	s10 =	sld [smem:$0x3FB9];
	_ =	sdelay $0x3  }
0x37: {  	[smem:$0x3FB9] =	sst s10  }
0x38: {  	s10 =	sld [smem:$0x3FBA]  }
0x39: {  	_ = 	snop;
	(pc) =	sbr.ind lr, $3  }
0x3a: {  	_ = 	snop  }
0x3b: {  	_ = 	snop  }
0x3c: {  	p2 =	seq.s32 s10, $0x1;
	s10 =	sld [smem:$0x3FB9]  }
0x3d: {  	_ =	shalt  }
0x3e: {  	_ =	shalt  }
0x3f: {  	_ =	shalt  }
0x40: {  	_ =	shalt  }
0x41: {  	_ =	shalt  }
0x42: {  	_ =	shalt  }
0x43: {  	_ =	shalt  }
0x44: {  	_ =	shalt  }
0x45: {  	_ =	shalt  }
0x46: {  	_ =	shalt  }
0x47: {  	_ =	shalt  }
0x48: {  	_ =	shalt  }
0x49: {  	_ =	shalt  }
0x4a: {  	_ =	shalt  }
0x4b: {  	_ =	shalt  }
0x4c: {  	_ =	shalt  }
0x4d: {  	_ =	shalt  }
0x4e: {  	_ =	shalt  }
0x4f: {  	_ =	shalt  }
0x50: {  	_ =	shalt  }
0x51: {  	_ =	shalt  }
0x52: {  	_ =	shalt  }
0x53: {  	_ =	shalt  }
0x54: {  	_ =	shalt  }
0x55: {  	_ =	shalt  }
0x56: {  	_ =	shalt  }
0x57: {  	_ =	shalt  }
0x58: {  	_ =	shalt  }
0x59: {  	_ =	shalt  }
0x5a: {  	_ =	shalt  }
0x5b: {  	_ =	shalt  }
0x5c: {  	_ =	shalt  }
0x5d: {  	_ =	shalt  }
0x5e: {  	_ =	shalt  }
0x5f: {  	_ =	shalt  }
0x60: {  	_ =	shalt  }
0x61: {  	_ =	shalt  }
0x62: {  	_ =	shalt  }
0x63: {  	_ =	shalt  }
0x64: {  	_ =	shalt  }
0x65: {  	_ =	shalt  }
0x66: {  	_ =	shalt  }
0x67: {  	_ =	shalt  }
0x68: {  	_ =	shalt  }
0x69: {  	_ =	shalt  }
0x6a: {  	_ =	shalt  }
0x6b: {  	_ =	shalt  }
0x6c: {  	_ =	shalt  }
0x6d: {  	_ =	shalt  }
0x6e: {  	_ =	shalt  }
0x6f: {  	_ =	shalt  }
0x70: {  	_ =	shalt  }
0x71: {  	_ =	shalt  }
0x72: {  	_ =	shalt  }
0x73: {  	_ =	shalt  }
0x74: {  	_ =	shalt  }
0x75: {  	_ =	shalt  }
0x76: {  	_ =	shalt  }
0x77: {  	_ =	shalt  }
0x78: {  	_ =	shalt  }
0x79: {  	_ =	shalt  }
0x7a: {  	_ =	shalt  }
0x7b: {  	_ =	shalt  }
0x7c: {  	_ =	shalt  }
0x7d: {  	_ =	shalt  }
0x7e: {  	_ =	shalt  }
0x7f: {  	_ =	shalt  }
0x80: {  	_ =	shalt  }
0x81: {  	_ =	shalt  }
0x82: {  	_ =	shalt  }
0x83: {  	_ =	shalt  }
0x84: {  	_ =	shalt  }
0x85: {  	_ =	shalt  }
0x86: {  	_ =	shalt  }
0x87: {  	_ =	shalt  }
.Lfunc_end0:
.L_simem_size_0:
called_computation.1_lowered:
.L_overlay_start_0:
0x88: {  	s2 =	sld [smem:$0x3FD9]  }
0x89: {  	s3 =	sld [smem:$0x3FFE];
	_ =	sdelay $0x1  }
0x8a: {  	s1 =	srdreg.scid  }
0x8b: {  	s0 =	sand.u32 $0x1, s1  }
0x8c: {  	s16 =	sshll.u32 s0, $0xA;
	s2 =	sadd.s32 s3, s2  }
0x8d: {  	s2 =	sadd.s32 s2, s16  }
0x8e: {  	[smem:$0x3FC5] =	sst s2  }
0x8f: {  	_ = 	snop  }
0x90: {  	(tm) =	ssettm $0x1  }
0x91: {  	s17 =	sld [smem:$0x3FFB];
	_ =	sdelay $0x3  }
0x92: {  	_ =	strace s17  }
0x93: {  	s2 =	sld [smem:$0x3FFC];
	_ =	sdelay $0x3  }
0x94: {  	_ =	strace s2  }
0x95: {  	s2 =	sld [smem:$0x3FFD];
	_ =	sdelay $0x3  }
0x96: {  	_ =	strace s2  }
0x97: {  	_ =	strace $0x8FFFFFFF  }
0x98: {  	s18 =	sld [smem:$0x3FDB];
	_ =	sdelay $0x1  }
0x99: {  	s19 =	simm.s32 $_scs_section_size  }
0x9a: {  	s4 =	simm.s32 $_size__tile_overlayer_lowered;
	s5 =	simm.s32 $_tile_overlayer_lowered  }
0x9b: {  	s22 =	simm.s32 $0x1BFF;
	s21 =	sshll.u32 s5, $0x1;
	s2 =	sadd.s32 s19, s18  }
0x9c: {  	s6 =	simm.s32 $0x0;
	s20 =	sshll.u32 s4, $0x1;
	s4 =	sadd.s32 s21, s2  }
0x9d: {  	[timem:s6], [sflag:s22] =	dma.local [hbm:s4], s20  }
0x9e: {  	_ =	swait.ge [sflag:s22], s20  }
0x9f: {  	s3 =	ssub.s32 $0x0, s20;
	[sflag:s22] =	ssyncset.done $0x0  }
0xa0: {  	[sflag:s22] =	ssyncadd.s32 s3;
	_ =	sdelay $0x1  }
0xa1: {  	s23 =	simm.s32 $0x1B8B  }
0xa2: {  	_ =	swait.ge [sflag:s23], $0x1  }
0xa3: {  	[sflag:s23] =	ssyncset.done $0x0  }
0xa4: {  	s25 =	simm.s32 $0x1B8E;
	s24 =	sld [smem:$0x3FFE];
	[sflag:s23] =	ssyncadd.s32 $0xFFFFFFFF  }
0xa5: {  	s26 =	simm.s32 $execute0_lowered;
	[smem:$0x3FD2] =	sst s25  }
0xa6: {  	s4 =	sshll.u32 s26, $0x1;
	_ =	strace $0x80000049;
	[dreg:$0x1] =	wrdreg $0xFFFFFFFF  }
0xa7: {  	s28 =	simm.s32 $_size_execute0_lowered;
	s2 =	sadd.s32 s2, s4;
	[dreg:$0x0] =	wrdreg $0x0  }
0xa8: {  	s4 =	sshll.u32 s28, $0x1;
	[dreg:$0x2] =	wrdreg s2  }
0xa9: {  	[dreg:$0x3] =	wrdreg s4  }
0xaa: {  	[dreg:$0x4] =	wrdreg $0xC0  }
0xab: {  	_ =	task [dreg:s6], $0x5FFFF  }
0xac: {  	[dreg:$0x1] =	wrdreg $0xFFFFFFFF  }
0xad: {  	[dreg:$0x0] =	wrdreg $0x60  }
0xae: {  	[dreg:$0x2] =	wrdreg s24  }
0xaf: {  	[dreg:$0x3] =	wrdreg $0x9  }
0xb0: {  	_ =	task.clear_ibuf [dreg:s6], $0x4FFFF;
	_ =	strace $0x90000049  }
0xb1: {  	s29 =	simm.s32 $0x9;
	_ =	strace $0x8000004B  }
0xb2: {  	_ =	swait.ge [sflag:s29], $0x1  }
0xb3: {  	[sflag:s29] =	ssyncadd.s32 $0xFFFFFFFF  }
0xb4: {  	_ =	strace $0x9000004B  }
0xb5: {  	_ =	sfence  }
0xb6: {  	s30 =	sld [smem:$0x0];
	_ =	sdelay $0x2  }
0xb7: {  	s31 =	sshll.u32 s1, $0xD;
	s1 =	sshrl.u32 s1, $0x2  }
0xb8: {  	s3 =	sand.u32 $0x4000, s31;
	s1 =	sadd.s32 s1, s30  }
0xb9: {  	s0 =	sor.u32 s3, s0;
	s1 =	sshll.u32 s1, $0x11  }
0xba: {  	s0 =	sor.u32 s1, s0  }
0xbb: {  	s0 =	sadd.s32 $0x8F2B, s0  }
0xbc: {  	[sflag:s0] =	ssyncadd.remote.s32 $0x1  }
0xbd: {  	_ =	sfence.sel $0xFFFF  }
0xbe: {  	[dreg:$0x0] =	wrdreg $0xFFFFFFFF;
	(pc) =	sbr.abs _section_cstart, $3  }
0xbf: {  	[dreg:$0x1] =	wrdreg $0xFFFFFFFF  }
0xc0: {  	_ =	task.clear_ibuf [dreg:s6], $0x2FFFF;
	_ =	strace $0x9FFFFFFF  }
0xc1: {  	(tm) =	ssettm $0x7FFFFFFF  }
tec
execute0_lowered:
.L_overlay_start_1:
0x0: {  	(tag) =	ssettag $0x1  }
0x1: {  	s8 =	rddreg [dreg:$0x0]  }
0x2: {  	s0 =	rddreg [dreg:$0x1];
	s1 =	simm.s32 $0x0;
	s5 =	srdreg.scid  }
0x3: {  	s2 =	stileid.u32;
	s17 =	simm.s32 $0x80;
	s18 =	simm.s32 $0x400  }
0x4: {  	s19 =	simm.s32 $0xD700;
	s20 =	simm.s32 $0xD780;
	s21 =	simm.s32 $0x0  }
0x5: {  	[smem:$0x7FF] =	sst s1;
	s3 =	sadd.s32 $0xF43C00, s8;
	s4 =	sadd.s32 $0x1800, s8  }
0x6: {  	s9 =	sand.u32 $0x1, s5;
	s6 =	sshll.u32 s2, $0x1;
	s7 =	sshrl.u32 s2, $0x2  }
0x7: {  	s5 =	sadd.s32 $0x1A00, s8;
	s30 =	smul.u32 $0xFA0, s2;
	p0 =	sgt.u32 s2, $0x9  }
0x8: {  	_ =	strace $0x8000004A;
	s6 =	sor.u32 s9, s6;
	s7 =	sor.u32 $0x3C, s7  }
0x9: {  	s13 =	ssub.s32 $0x2, s9;
	s15 =	smul.u32 $0x7D0, s9;
	s10 =	sshll.u32 s6, $0x4  }
0xa: {  	s11 =	sshll.u32 s6, $0x7;
	s12 =	smul.u32 $0x69800, s7;
	s14 =	sshrl.u32 s13, $0x1  }
.Ltmp0:
0xb: {  	s7 =	sand.u32 $0x380, s11;
	s16 =	sadd.s32 s10, s8;
	(pc) =	sbr.rel .LBB2_1-.Ltmp0, $4  }
0xc: {  	s13 =	ssub.s32 s13, s14;
	s10 =	sadd.s32 s15, s30;
	s14 =	simm.s32 $0xD300  }
0xd: {  	s15 =	simm.s32 $0x1;
	s12 =	sor.u32 s7, s12;
	s9 =	sadd.s32 $0x1C00, s16  }
0xe: {  	v25 =	vlaneseq.u32;
	s11 =	sadd.s32 $0x1E00, s16;
	s16 =	simm.s32 $0xD500;
	s31 =	sshrl.u32 s12, $0x3  }
0xf: {  	v1 =	vmul.u32 $0x1B, v25;
	s12 =	smax.u32 s13, $0x1;
	s13 =	sadd.s32 $0xEA600, s10;
	s8 =	sadd.s32 s3, s31  }
.LBB2_9:
0x10: {  	[hbm4b:s9+s1] =	stream.linear.scatter [tilespmem:s19], [sflag:$0x1], $0x80, $0x38;
	[tilespmem:$0xD800] =	vst v63  }
0x11: {  	s21 =	sadd.s32 $0x1, s21;
	_ =	swait.ge [sflag:s15], $0x80  }
0x12: {  	p1 =	sne.s32 s21, s12;
	[sflag:s15] =	ssyncset.done $0x0  }
.Ltmp1:
0x13: {  	[sflag:s15] =	ssyncadd.s32 $0xFFFFFF80;
	(pc) =	sbr.rel @!p1 .LBB2_10-.Ltmp1, $4  }
0x14: {  	[hbm4b:s11+s1] =	stream.linear.scatter [tilespmem:s20], [sflag:$0x1], $0x80, $0x38;
	[tilespmem:$0xD800] =	vst v63  }
0x15: {  	_ =	swait.ge [sflag:s15], $0x80  }
0x16: {  	[sflag:s15] =	ssyncset.done $0x0  }
0x17: {  	[sflag:s15] =	ssyncadd.s32 $0xFFFFFF80  }
.LBB2_1:
0x18: {  	[tilespmem:s14], [sflag:$0x1] =	stream.linear.gather [hbm4b:s4+s1], $0x200, $0x38;
	[tilespmem:$0xD800] =	vst v63  }
0x19: {  	_ =	swait.ge [sflag:s15], $0x200  }
0x1a: {  	[sflag:s15] =	ssyncset.done $0x0  }
0x1b: {  	[sflag:s15] =	ssyncadd.s32 $0xFFFFFE00  }
0x1c: {  	[tilespmem:s16], [sflag:$0x1] =	stream.linear.gather [hbm4b:s5+s1], $0x200, $0x38;
	[tilespmem:$0xD800] =	vst v63  }
0x1d: {  	_ =	swait.ge [sflag:s15], $0x200  }
0x1e: {  	[sflag:s15] =	ssyncset.done $0x0  }
0x1f: {  	[sflag:s15] =	ssyncadd.s32 $0xFFFFFE00  }
0x20: {  	v50 =	vld [tilespmem:$0xD300]  }
0x21: {  	v10 =	vld [tilespmem:$0xD310]  }
0x22: {  	v12 =	vld [tilespmem:$0xD320]  }
0x23: {  	v11 =	vld [tilespmem:$0xD330]  }
0x24: {  	v43 =	vld [tilespmem:$0xD340]  }
0x25: {  	v46 =	vld [tilespmem:$0xD350]  }
0x26: {  	v51 =	vld [tilespmem:$0xD360]  }
0x27: {  	v55 =	vld [tilespmem:$0xD370]  }
0x28: {  	v41 =	vld [tilespmem:$0xD380]  }
0x29: {  	v21 =	vld [tilespmem:$0xD390]  }
0x2a: {  	v13 =	vld [tilespmem:$0xD3A0]  }
0x2b: {  	v62 =	vld [tilespmem:$0xD3B0]  }
0x2c: {  	v18 =	vld [tilespmem:$0xD3C0]  }
0x2d: {  	v15 =	vld [tilespmem:$0xD3D0]  }
0x2e: {  	v16 =	vld [tilespmem:$0xD3E0]  }
0x2f: {  	v17 =	vld [tilespmem:$0xD3F0]  }
0x30: {  	v47 =	vld [tilespmem:$0xD400]  }
0x31: {  	v49 =	vld [tilespmem:$0xD410]  }
0x32: {  	v57 =	vld [tilespmem:$0xD420]  }
0x33: {  	v4 =	vld [tilespmem:$0xD430]  }
0x34: {  	v3 =	vld [tilespmem:$0xD440]  }
0x35: {  	v0 =	vld [tilespmem:$0xD640]  }
0x36: {  	v33 =	vld [tilespmem:$0xD450]  }
0x37: {  	v32 =	vld [tilespmem:$0xD460]  }
0x38: {  	v29 =	vld [tilespmem:$0xD470]  }
0x39: {  	v23 =	vld [tilespmem:$0xD520]  }
0x3a: {  	v37 =	vld [tilespmem:$0xD510];
	[tilespmem:$0x1FE40] =	vst v0  }
0x3b: {  	v38 =	vld [tilespmem:$0xD500];
	[tilespmem:$0x1FE80] =	vst v11  }
0x3c: {  	v28 =	vld [tilespmem:$0xD480];
	[tilespmem:$0x1FE90] =	vst v10  }
0x3d: {  	v52 =	vld [tilespmem:$0xD560];
	[tilespmem:$0x1FEA0] =	vst v12  }
0x3e: {  	v42 =	vld [tilespmem:$0xD550];
	[tilespmem:$0x1FEB0] =	vst v23  }
0x3f: {  	v54 =	vld [tilespmem:$0xD540];
	[tilespmem:$0x1FEC0] =	vst v37  }
0x40: {  	v26 =	vld [tilespmem:$0xD490];
	[tilespmem:$0x1FED0] =	vst v38  }
0x41: {  	v24 =	vld [tilespmem:$0xD4A0];
	[tilespmem:$0x1FEE0] =	vst v3  }
0x42: {  	v39 =	vld [tilespmem:$0xD530];
	[tilespmem:$0x1FEF0] =	vst v52  }
0x43: {  	v40 =	vld [tilespmem:$0xD570];
	[tilespmem:$0x1FF00] =	vst v42  }
0x44: {  	v22 =	vld [tilespmem:$0xD580];
	[tilespmem:$0x1FF10] =	vst v54  }
0x45: {  	v56 =	vld [tilespmem:$0xD610];
	[tilespmem:$0x1FF20] =	vst v43  }
0x46: {  	v0 =	vld [tilespmem:$0xD650];
	[tilespmem:$0x1FF30] =	vst v4  }
0x47: {  	v7 =	vld [tilespmem:$0xD620];
	[tilespmem:$0x1FF40] =	vst v39  }
0x48: {  	v8 =	vld [tilespmem:$0xD630];
	[tilespmem:$0x1FF50] =	vst v57  }
0x49: {  	v44 =	vld [tilespmem:$0xD590];
	[tilespmem:$0x1FF60] =	vst v49  }
0x4a: {  	v35 =	vld [tilespmem:$0xD5A0];
	[tilespmem:$0x1FF70] =	vst v56  }
0x4b: {  	[tilespmem:$0x1FE50] =	vst v0;
	v0 =	vld [tilespmem:$0xD660]  }
0x4c: {  	v53 =	vld [tilespmem:$0xD5B0];
	[tilespmem:$0x1FF80] =	vst v7  }
0x4d: {  	v2 =	vld [tilespmem:$0xD5C0];
	[tilespmem:$0x1FF90] =	vst v8  }
0x4e: {  	v48 =	vld [tilespmem:$0xD5D0];
	[tilespmem:$0x1FFA0] =	vst v13  }
0x4f: {  	v20 =	vld [tilespmem:$0xD5E0];
	[tilespmem:$0x1FFB0] =	vst v46  }
0x50: {  	[tilespmem:$0x1FE60] =	vst v0;
	v0 =	vld [tilespmem:$0xD670]  }
0x51: {  	v19 =	vld [tilespmem:$0xD5F0];
	[tilespmem:$0x1FFC0] =	vst v51  }
0x52: {  	v63 =	vld [tilespmem:$0xD600];
	[tilespmem:$0x1FFD0] =	vst v55  }
0x53: {  	v34 =	vld [tilespmem:$0xD680];
	[tilespmem:$0x1FFE0] =	vst v40  }
0x54: {  	v59 =	vimm.f32 $+Inf;
	v14 =	vimm.s32 $0x0;
	v6 =	vimm.s32 $0x0;
	v30 =	vld [tilespmem:$0xD690];
	[tilespmem:$0x1FFF0] =	vst v20  }
0x55: {  	s22 =	smov.u32 s10;
	v5 =	vimm.s32 $0x0;
	v61 =	vimm.f32 $+Inf;
	v60 =	vimm.f32 $+Inf;
	s23 =	simm.s32 $0x0;
	v31 =	vld [tilespmem:$0xD6A0];
	[tilespmem:$0x1FE70] =	vst v0  }
.LBB2_2:
0x56: {  	s24 =	sshll.u32 s23, $0x5  }
0x57: {  	s24 =	sor.u32 s6, s24  }
0x58: {  	s24 =	sshrl.u32 s24, $0x3  }
0x59: {  	s24 =	smul.u32 $0x69800, s24;
	_ =	sdelay $0x1  }
0x5a: {  	s24 =	sor.u32 s7, s24  }
0x5b: {  	s25 =	simm.s32 $0x0;
	s24 =	sshrl.u32 s24, $0x3  }
0x5c: {  	s26 =	simm.s32 $0x1;
	v0 =	vadd.s32 s25, v1;
	s24 =	sadd.s32 s3, s24  }
0x5d: {  	v27 =	vmov v51;
	v51 =	vmov v2;
	v2 =	vadd.s32 s26, v1;
	[tilespmem:s1], [sflag:$0x1] =	stream.strided.gather [hbm4b:s24+s17], $0xD300, s18, s17, $0x38;
	[tilespmem:$0xD800] =	vst v63  }
0x5e: {  	s30 =	simm.s32 $0x2;
	_ =	swait.ge [sflag:s15], $0xD300  }
0x5f: {  	s31 =	simm.s32 $0x3;
	v36 =	vmov v3;
	v3 =	vadd.s32 s30, v1;
	[sflag:s15] =	ssyncset.done $0x0  }
0x60: {  	v58 =	vmov v44;
	v44 =	vmov v4;
	v4 =	vadd.s32 s31, v1;
	[sflag:s15] =	ssyncadd.s32 $0xFFFF2D00  }
0x61: {  	s26 =	simm.s32 $0x4;
	v0 =	vld.idx.msk [tilespmem:v0+s1+$0x0], $0xffff  }
0x62: {  	v45 =	vmov v7;
	v7 =	vadd.s32 s26, v1;
	v2 =	vld.idx.msk [tilespmem:v2+s1+$0x0], $0xffff  }
0x63: {  	s29 =	simm.s32 $0x5  }
0x64: {  	v8 =	vadd.s32 s29, v1;
	v3 =	vld.idx.msk [tilespmem:v3+s1+$0x0], $0xffff  }
0x65: {  	s30 =	simm.s32 $0x6;
	v4 =	vld.idx.msk [tilespmem:v4+s1+$0x0], $0xffff  }
0x66: {  	v9 =	vadd.s32 s30, v1  }
0x67: {  	s31 =	simm.s32 $0x7;
	v7 =	vld.idx.msk [tilespmem:v7+s1+$0x0], $0xffff;
	v0 =	vmul.f32 v0, v50;
	v2 =	vmul.f32 v2, v10  }
0x68: {  	v10 =	vadd.s32 s31, v1  }
0x69: {  	s26 =	simm.s32 $0x8;
	v8 =	vld.idx.msk [tilespmem:v8+s1+$0x0], $0xffff;
	v3 =	vmul.f32 v3, v12;
	v0 =	vsub.f32 v0, v38;
	v2 =	vsub.f32 v2, v37  }
0x6a: {  	v4 =	vmul.f32 v4, v11;
	v11 =	vadd.s32 s26, v1  }
0x6b: {  	s29 =	simm.s32 $0x9;
	v9 =	vld.idx.msk [tilespmem:v9+s1+$0x0], $0xffff;
	v3 =	vsub.f32 v3, v23;
	v0 =	vmul.f32 v0, v0;
	v2 =	vmul.f32 v2, v2  }
0x6c: {  	v12 =	vadd.s32 s29, v1;
	v7 =	vmul.f32 v7, v43  }
0x6d: {  	s30 =	simm.s32 $0xA;
	v4 =	vsub.f32 v4, v39;
	v0 =	vadd.f32 v2, v0;
	v2 =	vmul.f32 v3, v3  }
0x6e: {  	v8 =	vmul.f32 v8, v46;
	v10 =	vld.idx.msk [tilespmem:v10+s1+$0x0], $0xffff;
	v3 =	vadd.s32 s30, v1  }
0x6f: {  	s31 =	simm.s32 $0xB;
	v7 =	vsub.f32 v7, v54;
	v0 =	vadd.f32 v2, v0;
	v2 =	vmul.f32 v4, v4;
	v4 =	vld.idx.msk [tilespmem:v11+s1+$0x0], $0xffff  }
0x70: {  	v9 =	vmul.f32 v9, v27;
	v11 =	vadd.s32 s31, v1  }
0x71: {  	s25 =	simm.s32 $0xC;
	v8 =	vsub.f32 v8, v42;
	v7 =	vmul.f32 v7, v7;
	v0 =	vadd.f32 v2, v0;
	v2 =	vld.idx.msk [tilespmem:v12+s1+$0x0], $0xffff  }
0x72: {  	v9 =	vsub.f32 v9, v52;
	v12 =	vadd.s32 s25, v1  }
0x73: {  	s26 =	simm.s32 $0xD;
	v8 =	vmul.f32 v8, v8;
	v10 =	vmul.f32 v10, v55;
	v3 =	vld.idx.msk [tilespmem:v3+s1+$0x0], $0xffff;
	v0 =	vadd.f32 v7, v0  }
0x74: {  	v7 =	vadd.s32 s26, v1;
	v4 =	vmul.f32 v4, v41  }
0x75: {  	s29 =	simm.s32 $0xE;
	v11 =	vld.idx.msk [tilespmem:v11+s1+$0x0], $0xffff;
	v0 =	vadd.f32 v8, v0;
	v8 =	vmul.f32 v9, v9;
	v9 =	vsub.f32 v10, v40  }
0x76: {  	v10 =	vadd.s32 s29, v1;
	v2 =	vmul.f32 v2, v21  }
0x77: {  	s30 =	simm.s32 $0xF;
	v12 =	vld.idx.msk [tilespmem:v12+s1+$0x0], $0xffff;
	v4 =	vsub.f32 v4, v22;
	v0 =	vadd.f32 v8, v0;
	v8 =	vmul.f32 v9, v9  }
0x78: {  	v9 =	vadd.s32 s30, v1;
	v3 =	vmul.f32 v3, v13  }
0x79: {  	s31 =	simm.s32 $0x10;
	v7 =	vld.idx.msk [tilespmem:v7+s1+$0x0], $0xffff;
	v4 =	vmul.f32 v4, v4;
	v2 =	vsub.f32 v2, v58;
	v0 =	vadd.f32 v8, v0  }
0x7a: {  	v8 =	vadd.s32 s31, v1;
	v11 =	vmul.f32 v11, v62  }
0x7b: {  	s26 =	simm.s32 $0x11;
	v3 =	vsub.f32 v3, v35;
	v10 =	vld.idx.msk [tilespmem:v10+s1+$0x0], $0xffff;
	v2 =	vmul.f32 v2, v2;
	v0 =	vadd.f32 v4, v0  }
0x7c: {  	v13 =	vadd.s32 s26, v1;
	v12 =	vmul.f32 v12, v18  }
0x7d: {  	v9 =	vld.idx.msk [tilespmem:v9+s1+$0x0], $0xffff;
	v0 =	vadd.f32 v2, v0;
	v2 =	vmul.f32 v3, v3;
	v3 =	vsub.f32 v11, v53  }
0x7e: {  	v7 =	vmul.f32 v7, v15  }
0x7f: {  	s25 =	simm.s32 $0x1A;
	s29 =	simm.s32 $0x12;
	v8 =	vld.idx.msk [tilespmem:v8+s1+$0x0], $0xffff;
	v0 =	vadd.f32 v2, v0;
	v2 =	vmul.f32 v3, v3;
	v3 =	vsub.f32 v12, v51  }
0x80: {  	v37 =	vmovc v46;
	v52 =	vmovc v58;
	v4 =	vadd.s32 s25, v1;
	v11 =	vadd.s32 s29, v1;
	v10 =	vmul.f32 v10, v16  }
0x81: {  	s31 =	simm.s32 $0x13;
	v13 =	vld.idx.msk [tilespmem:v13+s1+$0x0], $0xffff;
	s29 =	simm.s32 $0x14;
	v0 =	vadd.f32 v2, v0;
	v2 =	vmul.f32 v3, v3;
	v3 =	vsub.f32 v7, v48  }
0x82: {  	v38 =	vmovc v16;
	v40 =	vmovc v15;
	v15 =	vadd.s32 s31, v1;
	v16 =	vadd.s32 s29, v1;
	v9 =	vmul.f32 v9, v17  }
0x83: {  	v42 =	vmovc v35;
	s30 =	simm.s32 $0x19;
	s26 =	simm.s32 $0x18;
	v0 =	vadd.f32 v2, v0;
	v2 =	vmul.f32 v3, v3;
	v3 =	vsub.f32 v10, v20  }
0x84: {  	v54 =	vmovc v53;
	v46 =	vmovc v18;
	v18 =	vadd.s32 s30, v1;
	v7 =	vadd.s32 s26, v1;
	v8 =	vmul.f32 v8, v47  }
0x85: {  	s25 =	simm.s32 $0x16;
	s31 =	simm.s32 $0x15;
	v20 =	vld.idx.msk [tilespmem:v11+s1+$0x0], $0xffff;
	v9 =	vsub.f32 v9, v19;
	v2 =	vadd.f32 v2, v0;
	v3 =	vmul.f32 v3, v3  }
0x86: {  	v58 =	vmovc v21;
	v35 =	vmovc v19;
	v53 =	vld.idx.msk [tilespmem:v4+s1+$0x0], $0xffff;
	v4 =	vmul.f32 v13, v49;
	v10 =	vadd.s32 s31, v1;
	v19 =	vadd.s32 s25, v1  }
0x87: {  	s30 =	simm.s32 $0x17;
	v21 =	vld.idx.msk [tilespmem:v15+s1+$0x0], $0xffff;
	s31 =	simm.s32 $0x1B5;
	v9 =	vmul.f32 v9, v9;
	v8 =	vsub.f32 v8, v63;
	v2 =	vadd.f32 v3, v2  }
0x88: {  	v43 =	vmovc v27;
	v27 =	vmovc v17;
	v39 =	vmov v41;
	v41 =	vadd.s32 s30, v1;
	v17 =	vld.idx.msk [tilespmem:v16+s1+$0x0], $0xffff;
	v15 =	vadd.s32 s31, v1  }
0x89: {  	s30 =	simm.s32 $0x1B7;
	v11 =	vsub.f32 v4, v56;
	v7 =	vld.idx.msk [tilespmem:v7+s1+$0x0], $0xffff;
	v8 =	vmul.f32 v8, v8;
	v2 =	vadd.f32 v9, v2  }
0x8a: {  	v16 =	vadd.s32 s30, v1;
	v3 =	vld.idx.msk [tilespmem:v18+s1+$0x0], $0xffff;
	v12 =	vmul.f32 v20, v57  }
0x8b: {  	v11 =	vmul.f32 v11, v11;
	v10 =	vld.idx.msk [tilespmem:v10+s1+$0x0], $0xffff;
	v2 =	vadd.f32 v8, v2  }
0x8c: {  	v9 =	vld.idx.msk [tilespmem:v19+s1+$0x0], $0xffff;
	v13 =	vsub.f32 v12, v45  }
0x8d: {  	s25 =	simm.s32 $0x1BB;
	v12 =	vadd.f32 v11, v2;
	v11 =	vmul.f32 v17, v36;
	v17 =	vld.idx.msk [tilespmem:v15+s1+$0x0], $0xffff  }
0x8e: {  	v23 =	vmovc v62;
	v62 =	vor.u32 s22, v25;
	s29 =	simm.s32 $0x1BD;
	s26 =	simm.s32 $0x1BC;
	v4 =	vadd.s32 s25, v1;
	v15 =	vmul.f32 v13, v13;
	v13 =	vld [tilespmem:$0x1FF90]  }
0x8f: {  	v49 =	vmovc v22;
	v22 =	vmovc v63;
	s31 =	simm.s32 $0x1B2;
	v0 =	vadd.s32 s26, v1;
	v63 =	vadd.s32 s29, v1;
	s26 =	simm.s32 $0x1B3;
	s29 =	simm.s32 $0x1B0;
	v44 =	vmul.f32 v21, v44;
	v16 =	vld.idx.msk [tilespmem:v16+s1+$0x0], $0xffff  }
0x90: {  	v56 =	vmovc v27;
	v18 =	vadd.s32 s26, v1;
	v21 =	vadd.s32 s31, v1;
	v20 =	vadd.s32 s29, v1;
	v8 =	vld.idx.msk [tilespmem:v41+s1+$0x0], $0xffff  }
0x91: {  	s30 =	simm.s32 $0x1B1;
	v57 =	vmovc v42;
	v2 =	vmul.f32 v53, v24;
	v53 =	vmovc v51;
	v51 =	vmov v48;
	v48 =	vmov v54;
	v54 =	vld [tilespmem:$0x1FFA0]  }
0x92: {  	s28 =	simm.s32 $0x1BA;
	v42 =	vmovc v35;
	v19 =	vadd.s32 s30, v1;
	v45 =	vmovc v43;
	v36 =	vmov v39;
	v39 =	vmov v58;
	v58 =	vld [tilespmem:$0x1FFE0]  }
0x93: {  	s24 =	smov.u32 s22;
	s25 =	simm.s32 $0x1CA;
	s26 =	simm.s32 $0x37A;
	v43 =	vmovc v22;
	v41 =	vmovc v55;
	v55 =	vmov v23;
	v13 =	vsub.f32 v44, v13;
	v44 =	vmov v52;
	v52 =	vld [tilespmem:$0x1FFF0]  }
.LBB2_3:
0x94: {  	v12 =	vadd.f32 v15, v12;
	v15 =	vld [tilespmem:$0x1FE40];
	_ =	sdelay $0x4  }
0x95: {  	v13 =	vmul.f32 v13, v13;
	v11 =	vsub.f32 v11, v15;
	_ =	sdelay $0x1  }
0x96: {  	v12 =	vadd.f32 v13, v12;
	v13 =	vld [tilespmem:$0x1FE50];
	v11 =	vmul.f32 v11, v11;
	_ =	sdelay $0x1  }
0x97: {  	v11 =	vadd.f32 v11, v12;
	v12 =	vld [tilespmem:$0x1FE60]  }
0x98: {  	v10 =	vmul.f32 v10, v33;
	_ =	sdelay $0x1  }
0x99: {  	v9 =	vmul.f32 v9, v32;
	v10 =	vsub.f32 v10, v13;
	_ =	sdelay $0x1  }
0x9a: {  	v10 =	vmul.f32 v10, v10;
	v9 =	vsub.f32 v9, v12  }
0x9b: {  	v20 =	vld.idx.msk [tilespmem:v20+s1+$0x0], $0xffff  }
0x9c: {  	v10 =	vadd.f32 v10, v11;
	v11 =	vld [tilespmem:$0x1FE70];
	v9 =	vmul.f32 v9, v9;
	_ =	sdelay $0x1  }
0x9d: {  	v9 =	vadd.f32 v9, v10;
	v10 =	vld [tilespmem:$0x1FED0]  }
0x9e: {  	v8 =	vmul.f32 v8, v29;
	_ =	sdelay $0x1  }
0x9f: {  	v22 =	vadd.s32 s28, v1;
	s28 =	sadd.s32 $0xFFFFFFEA, s25;
	v15 =	vld.idx.msk [tilespmem:v19+s1+$0x0], $0xffff;
	v8 =	vsub.f32 v8, v11;
	v11 =	vmul.f32 v20, v50  }
0xa0: {  	v19 =	vadd.s32 s28, v1;
	s28 =	sadd.s32 $0xFFFFFFEC, s25;
	v13 =	vld.idx.msk [tilespmem:v21+s1+$0x0], $0xffff  }
0xa1: {  	v21 =	vadd.s32 s28, v1;
	v10 =	vsub.f32 v11, v10;
	v11 =	vld [tilespmem:$0x1FEA0];
	_ =	sdelay $0x1  }
0xa2: {  	v18 =	vld.idx.msk [tilespmem:v18+s1+$0x0], $0xffff;
	v7 =	vmul.f32 v7, v28  }
0xa3: {  	v12 =	vld [tilespmem:$0x1FE80]  }
0xa4: {  	v7 =	vsub.f32 v7, v34;
	v20 =	vld [tilespmem:$0x1FE90];
	v8 =	vmul.f32 v8, v8  }
0xa5: {  	v11 =	vmul.f32 v13, v11;
	v13 =	vld.idx.msk [tilespmem:v21+s1+$0x0], $0xffff  }
0xa6: {  	v7 =	vmul.f32 v7, v7;
	v8 =	vadd.f32 v8, v9;
	v21 =	vld [tilespmem:$0x1FEC0]  }
0xa7: {  	v9 =	vld [tilespmem:$0x1FEB0]  }
0xa8: {  	v3 =	vmul.f32 v3, v26;
	v7 =	vadd.f32 v7, v8;
	v8 =	vld [tilespmem:$0x1FF40]  }
0xa9: {  	v15 =	vmul.f32 v15, v20  }
0xaa: {  	v3 =	vsub.f32 v3, v30  }
0xab: {  	v12 =	vmul.f32 v18, v12;
	v15 =	vsub.f32 v15, v21  }
0xac: {  	v3 =	vmul.f32 v3, v3;
	v19 =	vld.idx.msk [tilespmem:v19+s1+$0x0], $0xffff;
	v10 =	vmul.f32 v10, v10  }
0xad: {  	v8 =	vsub.f32 v12, v8;
	v12 =	vld [tilespmem:$0x1FF20];
	v9 =	vsub.f32 v11, v9;
	v11 =	vmul.f32 v15, v15  }
0xae: {  	v3 =	vadd.f32 v3, v7;
	v7 =	vld [tilespmem:$0x1FF10]  }
0xaf: {  	s28 =	sadd.s32 $0xFFFFFFEF, s25;
	v10 =	vadd.f32 v11, v10;
	v11 =	vld [tilespmem:$0x1FF00]  }
0xb0: {  	v18 =	vadd.s32 s28, v1;
	s28 =	sadd.s32 $0xFFFFFFEE, s25  }
0xb1: {  	v2 =	vsub.f32 v2, v31;
	v20 =	vadd.s32 s28, v1;
	v9 =	vmul.f32 v9, v9  }
0xb2: {  	v17 =	vmul.f32 v17, v37;
	v12 =	vmul.f32 v19, v12  }
0xb3: {  	v2 =	vmul.f32 v2, v2;
	v9 =	vadd.f32 v9, v10;
	v10 =	vld [tilespmem:$0x1FEF0]  }
0xb4: {  	v8 =	vmul.f32 v8, v8;
	v7 =	vsub.f32 v12, v7;
	v11 =	vsub.f32 v17, v11  }
0xb5: {  	v2 =	vadd.f32 v2, v3;
	v12 =	vmul.f32 v13, v45  }
0xb6: {  	v3 =	vmul.f32 v7, v7;
	v8 =	vadd.f32 v8, v9;
	v7 =	vmul.f32 v11, v11;
	v11 =	vld.idx.msk [tilespmem:v20+s1+$0x0], $0xffff  }
0xb7: {  	v16 =	vmul.f32 v16, v41;
	vm1 =	vlt.f32 v2, v59;
	vm2 =	vlt.f32 v2, v61;
	v9 =	vld.idx.msk [tilespmem:v18+s1+$0x0], $0xffff  }
0xb8: {  	v3 =	vadd.f32 v3, v8;
	v10 =	vsub.f32 v12, v10;
	v12 =	vsel vm1, v2, v59  }
0xb9: {  	vm0 =	vlt.f32 v2, v60;
	v17 =	vld.idx.msk [tilespmem:v22+s1+$0x0], $0xffff;
	v59 =	vsel vm2, v61, v12;
	v12 =	vsel vm2, v2, v61  }
0xba: {  	v61 =	vsel vm0, v60, v12;
	v60 =	vsel vm0, v2, v60;
	v3 =	vadd.f32 v7, v3  }
0xbb: {  	v4 =	vld.idx.msk [tilespmem:v4+s1+$0x0], $0xffff;
	s28 =	sadd.s32 $0xFFFFFFF4, s25;
	v7 =	vmul.f32 v10, v10;
	v10 =	vsub.f32 v16, v58;
	v2 =	vmul.f32 v11, v36  }
0xbc: {  	v8 =	vadd.s32 s28, v1;
	v9 =	vmul.f32 v9, v39  }
0xbd: {  	v0 =	vld.idx.msk [tilespmem:v0+s1+$0x0], $0xffff;
	v3 =	vadd.f32 v7, v3;
	v7 =	vmul.f32 v10, v10;
	v2 =	vsub.f32 v2, v49  }
0xbe: {  	v10 =	vmul.f32 v17, v54  }
0xbf: {  	s28 =	sadd.s32 $0xFFFFFFF5, s25;
	v3 =	vadd.f32 v7, v3;
	v7 =	vsub.f32 v9, v44;
	v2 =	vmul.f32 v2, v2  }
0xc0: {  	v4 =	vmul.f32 v4, v55;
	v13 =	vsel vm1, v62, v14;
	v12 =	vld.idx.msk [tilespmem:v63+s1+$0x0], $0xffff;
	v11 =	vadd.s32 s28, v1  }
0xc1: {  	v2 =	vadd.f32 v2, v3;
	v3 =	vmul.f32 v7, v7;
	v7 =	vsub.f32 v10, v57  }
0xc2: {  	v0 =	vmul.f32 v0, v46;
	v4 =	vsub.f32 v4, v48;
	v14 =	vsel vm2, v6, v13;
	v8 =	vld.idx.msk [tilespmem:v8+s1+$0x0], $0xffff;
	s28 =	sadd.s32 $0xFFFFFFF6, s25  }
0xc3: {  	v13 =	vadd.s32 s28, v1;
	s28 =	sadd.s32 $0xFFFFFFF7, s25;
	v2 =	vadd.f32 v3, v2;
	v3 =	vmul.f32 v7, v7  }
0xc4: {  	v0 =	vsub.f32 v0, v53;
	v9 =	vadd.s32 s28, v1  }
0xc5: {  	s28 =	sadd.s32 $0xFFFFFFF8, s25;
	v7 =	vmul.f32 v12, v40;
	v2 =	vadd.f32 v3, v2;
	v3 =	vmul.f32 v4, v4  }
0xc6: {  	v0 =	vmul.f32 v0, v0;
	v10 =	vld.idx.msk [tilespmem:v11+s1+$0x0], $0xffff;
	v11 =	vadd.s32 s28, v1  }
0xc7: {  	s29 =	sadd.s32 $0xFFFFFFFF, s25;
	v4 =	vmul.f32 v8, v38;
	v2 =	vadd.f32 v3, v2;
	v3 =	vsub.f32 v7, v51  }
0xc8: {  	v16 =	vadd.s32 s29, v1  }
0xc9: {  	v4 =	vsub.f32 v4, v52;
	v2 =	vadd.f32 v0, v2;
	v3 =	vmul.f32 v3, v3  }
0xca: {  	v12 =	vld.idx.msk [tilespmem:v13+s1+$0x0], $0xffff  }
0xcb: {  	s28 =	sadd.s32 $0xFFFFFFF9, s25;
	v8 =	vld.idx.msk [tilespmem:v9+s1+$0x0], $0xffff;
	v2 =	vadd.f32 v3, v2;
	v3 =	vmul.f32 v4, v4  }
0xcc: {  	v13 =	vadd.s32 s28, v1;
	s28 =	sadd.s32 $0xFFFFFFFA, s25;
	v7 =	vmul.f32 v10, v56;
	v10 =	vld.idx.msk [tilespmem:v11+s1+$0x0], $0xffff  }
0xcd: {  	v9 =	vadd.s32 s28, v1;
	s28 =	sadd.s32 $0xFFFFFFFB, s25;
	v2 =	vadd.f32 v3, v2;
	v3 =	vld.idx.msk [tilespmem:v16+s1+$0x0], $0xffff  }
0xce: {  	v11 =	vadd.s32 s28, v1;
	v16 =	vld [tilespmem:$0x1FF50];
	_ =	sdelay $0x1  }
0xcf: {  	v18 =	vld [tilespmem:$0x1FF60];
	v12 =	vmul.f32 v12, v47  }
0xd0: {  	v13 =	vld.idx.msk [tilespmem:v13+s1+$0x0], $0xffff;
	v7 =	vsub.f32 v7, v42  }
0xd1: {  	s31 =	sadd.s32 $0xFFFFFFFE, s25;
	v27 =	vmov v24;
	v24 =	vld.idx.msk [tilespmem:v9+s1+$0x0], $0xffff;
	v9 =	vsub.f32 v12, v43  }
0xd2: {  	v17 =	vadd.s32 s31, v1;
	s31 =	sadd.s32 $0xFFFFFFFC, s25;
	v7 =	vmul.f32 v7, v7;
	v16 =	vmul.f32 v10, v16;
	v10 =	vld.idx.msk [tilespmem:v11+s1+$0x0], $0xffff  }
0xd3: {  	v22 =	vadd.s32 s31, v1;
	v11 =	vmul.f32 v9, v9;
	v9 =	vld [tilespmem:$0x1FF30]  }
0xd4: {  	s30 =	sadd.s32 $0xFFFFFFFD, s25;
	v2 =	vadd.f32 v7, v2;
	v7 =	vld [tilespmem:$0x1FF70]  }
0xd5: {  	v21 =	vadd.s32 s30, v1;
	s30 =	sadd.s32 $0xFFFFFFF3, s26  }
0xd6: {  	v63 =	vadd.s32 s30, v1;
	s30 =	sadd.s32 $0xFFFFFFEB, s26  }
0xd7: {  	v8 =	vmul.f32 v8, v18;
	v12 =	vadd.s32 s30, v1  }
0xd8: {  	v13 =	vmul.f32 v13, v9;
	v9 =	vld.idx.msk [tilespmem:v22+s1+$0x0], $0xffff  }
0xd9: {  	v15 =	vsel vm2, v62, v6;
	v8 =	vsub.f32 v8, v7;
	v22 =	vadd.f32 v11, v2;
	v2 =	vld [tilespmem:$0x1FF80]  }
0xda: {  	s24 =	sadd.s32 $0x10, s24;
	v6 =	vsel vm0, v5, v15;
	v15 =	vadd.s32 s25, v1  }
0xdb: {  	v5 =	vsel vm0, v62, v5;
	v62 =	vor.u32 s24, v25;
	v7 =	vld.idx.msk [tilespmem:v17+s1+$0x0], $0xffff;
	v25 =	vmul.f32 v8, v8  }
0xdc: {  	v23 =	vmov v50;
	v35 =	vmov v34;
	v34 =	vmov v33;
	s28 =	sadd.s32 $0xFFFFFFF2, s26;
	v17 =	vld.idx.msk [tilespmem:v12+s1+$0x0], $0xffff  }
0xdd: {  	v33 =	vmovc v32;
	v32 =	vmovc v31;
	v31 =	vmov v30;
	v0 =	vadd.s32 s28, v1;
	s28 =	sadd.s32 $0xFFFFFFED, s26;
	v12 =	vadd.f32 v25, v22;
	v22 =	vld [tilespmem:$0x1FF90]  }
0xde: {  	v30 =	vmovc v29;
	v29 =	vmovc v28;
	v28 =	vmov v26;
	v50 =	vadd.s32 s28, v1;
	v26 =	vsub.f32 v16, v2;
	v2 =	vld [tilespmem:$0x1FEE0]  }
0xdf: {  	v15 =	vld.idx.msk [tilespmem:v15+s1+$0x0], $0xffff;
	s28 =	sadd.s32 $0xFFFFFFE9, s26  }
0xe0: {  	p1 =	sne.s32 s26, $0xD15A;
	s31 =	sadd.s32 $0xFFFFFFF1, s26;
	v18 =	vadd.s32 s28, v1;
	s28 =	sadd.s32 $0xFFFFFFE6, s26  }
.Ltmp2:
0xe1: {  	v4 =	vadd.s32 s31, v1;
	s31 =	sadd.s32 $0xFFFFFFE7, s26;
	v20 =	vadd.s32 s28, v1;
	s28 =	sadd.s32 $0xFFFFFFE8, s26;
	(pc) =	sbr.rel @p1 .LBB2_3-.Ltmp2, $4  }
0xe2: {  	v19 =	vadd.s32 s31, v1;
	v8 =	vld.idx.msk [tilespmem:v21+s1+$0x0], $0xffff;
	v21 =	vadd.s32 s28, v1  }
0xe3: {  	v25 =	vlaneseq.u32;
	v16 =	vld.idx.msk [tilespmem:v50+s1+$0x0], $0xffff;
	v50 =	vmovc v23;
	v13 =	vsub.f32 v13, v22;
	v11 =	vmul.f32 v24, v2;
	v24 =	vmovc v27  }
0xe4: {  	s25 =	smov.u32 s26;
	v2 =	vmul.f32 v15, v27;
	v15 =	vmul.f32 v26, v26;
	v26 =	vmovc v28;
	v28 =	vmovc v29;
	v29 =	vmov v30  }
0xe5: {  	s26 =	sadd.s32 $0x1B0, s26;
	s28 =	sadd.s32 $0xFFFFFFF0, s25;
	v30 =	vmovc v31;
	v31 =	vmovc v32;
	v32 =	vmov v33;
	v33 =	vmov v34;
	v34 =	vmov v35  }
0xe6: {  	_ =	sdelay $0x3  }
0xe7: {  	v20 =	vld.idx.msk [tilespmem:v20+s1+$0x0], $0xffff;
	_ =	sdelay $0x4  }
0xe8: {  	v20 =	vmul.f32 v20, v50;
	v50 =	vld [tilespmem:$0x1FED0];
	_ =	sdelay $0x1  }
0xe9: {  	v19 =	vld.idx.msk [tilespmem:v19+s1+$0x0], $0xffff  }
0xea: {  	v35 =	vld [tilespmem:$0x1FE90];
	_ =	sdelay $0x1  }
0xeb: {  	v20 =	vsub.f32 v20, v50;
	v50 =	vld [tilespmem:$0x1FEC0];
	_ =	sdelay $0x2  }
0xec: {  	v19 =	vmul.f32 v19, v35  }
0xed: {  	v21 =	vld.idx.msk [tilespmem:v21+s1+$0x0], $0xffff  }
0xee: {  	v19 =	vsub.f32 v19, v50;
	v50 =	vld [tilespmem:$0x1FEA0];
	_ =	sdelay $0x3  }
0xef: {  	v18 =	vld.idx.msk [tilespmem:v18+s1+$0x0], $0xffff  }
0xf0: {  	v21 =	vmul.f32 v21, v50;
	v50 =	vld [tilespmem:$0x1FE80];
	_ =	sdelay $0x4  }
0xf1: {  	v18 =	vmul.f32 v18, v50;
	v50 =	vld [tilespmem:$0x1FEB0];
	_ =	sdelay $0x2  }
0xf2: {  	s26 =	sadd.s32 $0xFFFFFFEA, s25  }
0xf3: {  	v22 =	vadd.s32 s26, v1  }
0xf4: {  	v21 =	vsub.f32 v21, v50;
	v50 =	vld [tilespmem:$0x1FF40];
	_ =	sdelay $0x3  }
0xf5: {  	v22 =	vld.idx.msk [tilespmem:v22+s1+$0x0], $0xffff  }
0xf6: {  	v18 =	vsub.f32 v18, v50;
	v50 =	vld [tilespmem:$0x1FF20];
	_ =	sdelay $0x4  }
0xf7: {  	s29 =	sadd.s32 $0xFFFFFFEC, s25;
	v22 =	vmul.f32 v22, v50;
	v50 =	vld [tilespmem:$0x1FF10]  }
0xf8: {  	v35 =	vadd.s32 s29, v1;
	v20 =	vmul.f32 v20, v20;
	v19 =	vmul.f32 v19, v19;
	_ =	sdelay $0x1  }
0xf9: {  	v19 =	vadd.f32 v19, v20;
	v21 =	vmul.f32 v21, v21;
	_ =	sdelay $0x1  }
0xfa: {  	v19 =	vadd.f32 v21, v19;
	v18 =	vmul.f32 v18, v18;
	v22 =	vsub.f32 v22, v50  }
0xfb: {  	s30 =	sadd.s32 $0xFFFFFFEE, s25;
	v35 =	vld.idx.msk [tilespmem:v35+s1+$0x0], $0xffff  }
0xfc: {  	v20 =	vadd.s32 s30, v1;
	v18 =	vadd.f32 v18, v19;
	v50 =	vld [tilespmem:$0x1FF00];
	v22 =	vmul.f32 v22, v22  }
0xfd: {  	s31 =	sadd.s32 $0xFFFFFFEF, s25  }
0xfe: {  	v21 =	vadd.s32 s31, v1;
	v18 =	vadd.f32 v22, v18;
	v22 =	vld [tilespmem:$0x1FEF0]  }
0xff: {  	v17 =	vmul.f32 v17, v37;
	_ =	sdelay $0x1  }
0x100: {  	v35 =	vmul.f32 v35, v45;
	v20 =	vld.idx.msk [tilespmem:v20+s1+$0x0], $0xffff;
	v19 =	vadd.s32 s28, v1;
	v17 =	vsub.f32 v17, v50;
	_ =	sdelay $0x1  }
0x101: {  	v16 =	vmul.f32 v16, v41;
	v21 =	vld.idx.msk [tilespmem:v21+s1+$0x0], $0xffff;
	v17 =	vmul.f32 v17, v17;
	v22 =	vsub.f32 v35, v22;
	_ =	sdelay $0x1  }
0x102: {  	v16 =	vsub.f32 v16, v58;
	v17 =	vadd.f32 v17, v18;
	v18 =	vmul.f32 v22, v22  }
0x103: {  	v20 =	vmul.f32 v20, v36;
	v19 =	vld.idx.msk [tilespmem:v19+s1+$0x0], $0xffff  }
0x104: {  	v16 =	vmul.f32 v16, v16;
	v17 =	vadd.f32 v18, v17  }
0x105: {  	v4 =	vld.idx.msk [tilespmem:v4+s1+$0x0], $0xffff;
	v20 =	vsub.f32 v20, v49;
	v18 =	vmul.f32 v21, v39  }
0x106: {  	v0 =	vld.idx.msk [tilespmem:v0+s1+$0x0], $0xffff;
	s28 =	sadd.s32 $0xFFFFFFF4, s25;
	v16 =	vadd.f32 v16, v17  }
0x107: {  	v17 =	vmul.f32 v20, v20;
	v18 =	vsub.f32 v18, v44;
	v20 =	vadd.s32 s28, v1  }
0x108: {  	s29 =	sadd.s32 $0xFFFFFFF5, s25;
	v19 =	vmul.f32 v19, v54  }
0x109: {  	v21 =	vld.idx.msk [tilespmem:v63+s1+$0x0], $0xffff;
	v16 =	vadd.f32 v17, v16;
	v17 =	vmul.f32 v18, v18;
	v18 =	vadd.s32 s29, v1  }
0x10a: {  	v4 =	vmul.f32 v4, v55;
	v19 =	vsub.f32 v19, v57  }
0x10b: {  	v0 =	vmul.f32 v0, v46  }
0x10c: {  	v4 =	vsub.f32 v4, v48;
	v19 =	vmul.f32 v19, v19;
	v16 =	vadd.f32 v17, v16;
	v20 =	vld.idx.msk [tilespmem:v20+s1+$0x0], $0xffff  }
0x10d: {  	v0 =	vsub.f32 v0, v53  }
0x10e: {  	v4 =	vmul.f32 v4, v4;
	v21 =	vmul.f32 v21, v40;
	v16 =	vadd.f32 v19, v16;
	v18 =	vld.idx.msk [tilespmem:v18+s1+$0x0], $0xffff;
	_ =	sdelay $0x1  }
0x10f: {  	v0 =	vmul.f32 v0, v0;
	s30 =	sadd.s32 $0xFFFFFFF6, s25;
	v21 =	vsub.f32 v21, v51;
	v4 =	vadd.f32 v4, v16  }
0x110: {  	v17 =	vadd.s32 s30, v1;
	v20 =	vmul.f32 v20, v38  }
0x111: {  	s31 =	sadd.s32 $0xFFFFFFF7, s25;
	v21 =	vmul.f32 v21, v21;
	v0 =	vadd.f32 v0, v4  }
0x112: {  	s30 =	sadd.s32 $0xFFFFFFFA, s25;
	v19 =	vadd.s32 s31, v1;
	v18 =	vmul.f32 v18, v56;
	v20 =	vsub.f32 v20, v52  }
0x113: {  	v0 =	vadd.f32 v21, v0;
	v21 =	vadd.s32 s30, v1  }
0x114: {  	v20 =	vmul.f32 v20, v20;
	v18 =	vsub.f32 v18, v42  }
0x115: {  	v17 =	vld.idx.msk [tilespmem:v17+s1+$0x0], $0xffff  }
0x116: {  	v37 =	vmov v39;
	v39 =	vld [tilespmem:$0x1FF60];
	v0 =	vadd.f32 v20, v0;
	v18 =	vmul.f32 v18, v18  }
0x117: {  	s28 =	sadd.s32 $0xFFFFFFF8, s25;
	v19 =	vld.idx.msk [tilespmem:v19+s1+$0x0], $0xffff  }
0x118: {  	s29 =	sadd.s32 $0xFFFFFFF9, s25;
	v16 =	vadd.s32 s28, v1;
	v0 =	vadd.f32 v18, v0;
	v18 =	vld.idx.msk [tilespmem:v21+s1+$0x0], $0xffff  }
0x119: {  	v4 =	vadd.s32 s29, v1;
	v21 =	vld [tilespmem:$0x1FF70]  }
0x11a: {  	v17 =	vmul.f32 v17, v47  }
0x11b: {  	v50 =	vmov v23;
	v23 =	vmov v54;
	v54 =	vld [tilespmem:$0x1FE40]  }
0x11c: {  	v35 =	vmov v57;
	v57 =	vld [tilespmem:$0x1FF50];
	v17 =	vsub.f32 v17, v43;
	v19 =	vmul.f32 v19, v39  }
0x11d: {  	v16 =	vld.idx.msk [tilespmem:v16+s1+$0x0], $0xffff  }
0x11e: {  	v4 =	vld.idx.msk [tilespmem:v4+s1+$0x0], $0xffff;
	v17 =	vmul.f32 v17, v17;
	v19 =	vsub.f32 v19, v21  }
0x11f: {  	v63 =	vmov v43;
	v43 =	vld [tilespmem:$0x1FF80]  }
0x120: {  	v20 =	vld [tilespmem:$0x1FF30];
	v0 =	vadd.f32 v17, v0;
	v19 =	vmul.f32 v19, v19  }
0x121: {  	v12 =	vadd.f32 v15, v12;
	v13 =	vmul.f32 v13, v13;
	v45 =	vmov v49;
	v49 =	vld [tilespmem:$0x1FEE0]  }
0x122: {  	v11 =	vsub.f32 v11, v54;
	v16 =	vmul.f32 v16, v57;
	v0 =	vadd.f32 v19, v0;
	v19 =	vld [tilespmem:$0x1FF90]  }
0x123: {  	v12 =	vadd.f32 v13, v12;
	s28 =	sadd.s32 $0xFFFFFFFC, s25  }
0x124: {  	v11 =	vmul.f32 v11, v11;
	s31 =	sadd.s32 $0xFFFFFFFB, s25;
	v17 =	vadd.s32 s28, v1;
	v16 =	vsub.f32 v16, v43  }
0x125: {  	v15 =	vadd.s32 s31, v1;
	v4 =	vmul.f32 v4, v20  }
0x126: {  	v41 =	vmov v36;
	v11 =	vadd.f32 v11, v12;
	v16 =	vmul.f32 v16, v16  }
0x127: {  	v36 =	vmovc v44;
	v44 =	vmovc v48;
	v48 =	vmov v52;
	v52 =	vld [tilespmem:$0x1FE50];
	s30 =	sadd.s32 $0xFFFFFFFE, s25;
	v12 =	vmul.f32 v18, v49;
	v4 =	vsub.f32 v4, v19  }
0x128: {  	v0 =	vadd.f32 v16, v0;
	v16 =	vadd.s32 s30, v1  }
0x129: {  	s29 =	sadd.s32 $0xFFFFFFFD, s25;
	v17 =	vld.idx.msk [tilespmem:v17+s1+$0x0], $0xffff;
	v12 =	vsub.f32 v12, v54;
	v4 =	vmul.f32 v4, v4  }
0x12a: {  	v10 =	vmul.f32 v10, v33;
	v13 =	vadd.s32 s29, v1;
	v15 =	vld.idx.msk [tilespmem:v15+s1+$0x0], $0xffff  }
0x12b: {  	v18 =	vld [tilespmem:$0x1FE60];
	v12 =	vmul.f32 v12, v12;
	v0 =	vadd.f32 v4, v0  }
0x12c: {  	v10 =	vsub.f32 v10, v52  }
0x12d: {  	v9 =	vmul.f32 v9, v32;
	v0 =	vadd.f32 v12, v0;
	v12 =	vld.idx.msk [tilespmem:v16+s1+$0x0], $0xffff  }
0x12e: {  	s31 =	sadd.s32 $0xFFFFFFFF, s25;
	v10 =	vmul.f32 v10, v10;
	v16 =	vmul.f32 v17, v32;
	v17 =	vld [tilespmem:$0x1FE70]  }
0x12f: {  	v13 =	vld.idx.msk [tilespmem:v13+s1+$0x0], $0xffff;
	v15 =	vmul.f32 v15, v33;
	v4 =	vadd.s32 s31, v1  }
0x130: {  	v10 =	vadd.f32 v10, v11;
	v11 =	vadd.s32 s25, v1;
	v9 =	vsub.f32 v9, v18  }
0x131: {  	v7 =	vmul.f32 v7, v28;
	v8 =	vmul.f32 v8, v29;
	v15 =	vsub.f32 v15, v52  }
0x132: {  	v3 =	vmul.f32 v3, v26;
	v9 =	vmul.f32 v9, v9  }
0x133: {  	v2 =	vsub.f32 v2, v31;
	v15 =	vmul.f32 v15, v15;
	v8 =	vsub.f32 v8, v17  }
0x134: {  	v9 =	vadd.f32 v9, v10;
	v10 =	vmul.f32 v13, v29;
	v13 =	vsub.f32 v16, v18;
	v4 =	vld.idx.msk [tilespmem:v4+s1+$0x0], $0xffff  }
0x135: {  	v7 =	vsub.f32 v7, v34;
	v3 =	vsub.f32 v3, v30;
	v11 =	vld.idx.msk [tilespmem:v11+s1+$0x0], $0xffff;
	v8 =	vmul.f32 v8, v8  }
0x136: {  	v0 =	vadd.f32 v15, v0;
	v13 =	vmul.f32 v13, v13;
	v10 =	vsub.f32 v10, v17  }
0x137: {  	v7 =	vmul.f32 v7, v7;
	v8 =	vadd.f32 v8, v9;
	v9 =	vmul.f32 v12, v28  }
0x138: {  	v3 =	vmul.f32 v3, v3;
	v0 =	vadd.f32 v13, v0;
	v10 =	vmul.f32 v10, v10  }
0x139: {  	v4 =	vmul.f32 v4, v26;
	v7 =	vadd.f32 v7, v8;
	v8 =	vsub.f32 v9, v34  }
0x13a: {  	v2 =	vmul.f32 v2, v2;
	v0 =	vadd.f32 v10, v0;
	v9 =	vmul.f32 v11, v24  }
0x13b: {  	v4 =	vsub.f32 v4, v30;
	v8 =	vmul.f32 v8, v8;
	v3 =	vadd.f32 v3, v7  }
0x13c: {  	v22 =	vmov v51;
	v51 =	vld [tilespmem:$0x1FFC0];
	v7 =	vsub.f32 v9, v31  }
0x13d: {  	s24 =	sadd.s32 $0x10, s24;
	v52 =	vld [tilespmem:$0x1FEF0];
	v4 =	vmul.f32 v4, v4;
	v0 =	vadd.f32 v8, v0;
	v2 =	vadd.f32 v2, v3  }
0x13e: {  	v54 =	vld [tilespmem:$0x1FF10];
	v19 =	vmovc v42;
	v18 =	vmov v46;
	v3 =	vmul.f32 v7, v7;
	v8 =	vor.u32 s24, v25  }
0x13f: {  	v42 =	vld [tilespmem:$0x1FF00];
	v16 =	vmovc v38;
	v0 =	vadd.f32 v4, v0;
	vm0 =	vlt.f32 v2, v59;
	vm1 =	vlt.f32 v2, v61  }
0x140: {  	v46 =	vld [tilespmem:$0x1FFB0];
	v17 =	vmovc v56;
	vm2 =	vlt.f32 v2, v60;
	v4 =	vsel vm0, v62, v14;
	v7 =	vsel vm1, v2, v61  }
0x141: {  	v38 =	vld [tilespmem:$0x1FED0];
	v56 =	vmovc v21;
	v0 =	vadd.f32 v3, v0;
	v3 =	vsel vm0, v2, v59;
	v4 =	vsel vm1, v6, v4  }
0x142: {  	v21 =	vmovc v37;
	v37 =	vld [tilespmem:$0x1FEC0];
	v6 =	vsel vm1, v62, v6;
	v7 =	vsel vm2, v60, v7;
	v3 =	vsel vm1, v61, v3  }
0x143: {  	s23 =	sadd.s32 $0x1, s23;
	v13 =	vmovc v23;
	v23 =	vld [tilespmem:$0x1FEB0];
	v2 =	vsel vm2, v2, v60;
	v6 =	vsel vm2, v5, v6;
	vm13 =	vlt.f32 v0, v3  }
0x144: {  	p1 =	sne.s32 s23, $0xF;
	v15 =	vmovc v40;
	v12 =	vld [tilespmem:$0x1FEA0];
	v5 =	vsel vm2, v62, v5;
	vm15 =	vlt.f32 v0, v7;
	v3 =	vsel vm13, v0, v3  }
.Ltmp3:
0x145: {  	v40 =	vmovc v58;
	v10 =	vld [tilespmem:$0x1FE90];
	v4 =	vsel vm13, v8, v4;
	v59 =	vsel vm15, v7, v3;
	v3 =	vsel vm15, v0, v7;
	(pc) =	sbr.rel @p1 .LBB2_2-.Ltmp3, $4  }
0x146: {  	v11 =	vld [tilespmem:$0x1FE80];
	v62 =	vmovc v55;
	vm14 =	vlt.f32 v0, v2;
	v14 =	vsel vm15, v6, v4;
	v4 =	vsel vm15, v8, v6  }
0x147: {  	v55 =	vld [tilespmem:$0x1FFD0];
	v60 =	vsel vm14, v0, v2;
	v7 =	vmovc v43;
	v61 =	vsel vm14, v2, v3;
	v6 =	vsel vm14, v5, v4  }
0x148: {  	v43 =	vld [tilespmem:$0x1FF20];
	v5 =	vsel vm14, v8, v5;
	v2 =	vmovc v53;
	v53 =	vmovc v44;
	v44 =	vmov v36;
	v3 =	vmov v49  }
0x149: {  	s22 =	sadd.s32 $0xFA00, s22;
	v4 =	vmovc v20;
	v49 =	vmovc v39;
	v20 =	vmov v48;
	v48 =	vmov v22;
	v22 =	vmov v45;
	v39 =	vld [tilespmem:$0x1FF40]  }
0x14a: {  	[tilespmem:$0xD700] =	vst v60  }
.Ltmp4:
0x14b: {  	[tilespmem:$0xD710] =	vst v61;
	(pc) =	sbr.rel @p0 .LBB2_9-.Ltmp4, $4  }
0x14c: {  	[tilespmem:$0xD720] =	vst v59  }
0x14d: {  	[tilespmem:$0xD780] =	vst v5  }
0x14e: {  	[tilespmem:$0xD790] =	vst v6  }
0x14f: {  	[tilespmem:$0xD7A0] =	vst v14  }
0x150: {  	v36 =	vld [tilespmem:$0xD720];
	s22 =	simm.s32 $0x0  }
0x151: {  	v61 =	vld [tilespmem:$0xD710];
	s23 =	simm.s32 $0x1;
	v0 =	vadd.s32 s22, v1  }
0x152: {  	v59 =	vld [tilespmem:$0xD700];
	[tilespmem:s1], [sflag:$0x1] =	stream.strided.gather [hbm4b:s8+s17], $0xD300, s18, s17, $0x38;
	v24 =	vmov v22;
	v22 =	vmov v2;
	v2 =	vadd.s32 s23, v1  }
0x153: {  	s30 =	simm.s32 $0x2;
	_ =	swait.ge [sflag:s15], $0xD300  }
0x154: {  	s31 =	simm.s32 $0x3;
	v3 =	vadd.s32 s30, v1;
	[sflag:s15] =	ssyncset.done $0x0  }
0x155: {  	v4 =	vadd.s32 s31, v1;
	[sflag:s15] =	ssyncadd.s32 $0xFFFF2D00  }
0x156: {  	s23 =	simm.s32 $0x4;
	v0 =	vld.idx.msk [tilespmem:v0+s1+$0x0], $0xffff  }
0x157: {  	v7 =	vadd.s32 s23, v1;
	v2 =	vld.idx.msk [tilespmem:v2+s1+$0x0], $0xffff  }
0x158: {  	s24 =	simm.s32 $0x5  }
0x159: {  	v8 =	vadd.s32 s24, v1;
	v3 =	vld.idx.msk [tilespmem:v3+s1+$0x0], $0xffff  }
0x15a: {  	s25 =	simm.s32 $0x6;
	v4 =	vld.idx.msk [tilespmem:v4+s1+$0x0], $0xffff  }
0x15b: {  	v9 =	vadd.s32 s25, v1  }
0x15c: {  	s26 =	simm.s32 $0x7;
	v7 =	vld.idx.msk [tilespmem:v7+s1+$0x0], $0xffff;
	v0 =	vmul.f32 v0, v50;
	v2 =	vmul.f32 v2, v10  }
0x15d: {  	v10 =	vadd.s32 s26, v1  }
0x15e: {  	s28 =	simm.s32 $0x8;
	v8 =	vld.idx.msk [tilespmem:v8+s1+$0x0], $0xffff;
	v3 =	vmul.f32 v3, v12;
	v0 =	vsub.f32 v0, v38;
	v2 =	vsub.f32 v2, v37  }
0x15f: {  	v4 =	vmul.f32 v4, v11;
	v11 =	vadd.s32 s28, v1  }
0x160: {  	s29 =	simm.s32 $0x9;
	v9 =	vld.idx.msk [tilespmem:v9+s1+$0x0], $0xffff;
	v3 =	vsub.f32 v3, v23;
	v0 =	vmul.f32 v0, v0;
	v2 =	vmul.f32 v2, v2  }
0x161: {  	v12 =	vadd.s32 s29, v1;
	v7 =	vmul.f32 v7, v43  }
0x162: {  	s30 =	simm.s32 $0xA;
	v4 =	vsub.f32 v4, v39;
	v0 =	vadd.f32 v2, v0;
	v2 =	vmul.f32 v3, v3  }
0x163: {  	v8 =	vmul.f32 v8, v46;
	v10 =	vld.idx.msk [tilespmem:v10+s1+$0x0], $0xffff;
	v3 =	vadd.s32 s30, v1  }
0x164: {  	s31 =	simm.s32 $0xB;
	v7 =	vsub.f32 v7, v54;
	v0 =	vadd.f32 v2, v0;
	v2 =	vmul.f32 v4, v4;
	v4 =	vld.idx.msk [tilespmem:v11+s1+$0x0], $0xffff  }
0x165: {  	v9 =	vmul.f32 v9, v51;
	v11 =	vadd.s32 s31, v1  }
0x166: {  	v8 =	vsub.f32 v8, v42;
	v7 =	vmul.f32 v7, v7;
	v0 =	vadd.f32 v2, v0;
	v2 =	vld.idx.msk [tilespmem:v12+s1+$0x0], $0xffff  }
0x167: {  	v9 =	vsub.f32 v9, v52  }
0x168: {  	s23 =	simm.s32 $0xC;
	v8 =	vmul.f32 v8, v8;
	v10 =	vmul.f32 v10, v55;
	v3 =	vld.idx.msk [tilespmem:v3+s1+$0x0], $0xffff;
	v0 =	vadd.f32 v7, v0  }
0x169: {  	v12 =	vadd.s32 s23, v1;
	v4 =	vmul.f32 v4, v41  }
0x16a: {  	s24 =	simm.s32 $0xD;
	v11 =	vld.idx.msk [tilespmem:v11+s1+$0x0], $0xffff;
	v0 =	vadd.f32 v8, v0;
	v8 =	vmul.f32 v9, v9;
	v9 =	vsub.f32 v10, v40  }
0x16b: {  	v7 =	vadd.s32 s24, v1;
	v2 =	vmul.f32 v2, v21  }
0x16c: {  	v4 =	vsub.f32 v4, v24;
	v0 =	vadd.f32 v8, v0;
	v8 =	vmul.f32 v9, v9  }
0x16d: {  	v3 =	vmul.f32 v3, v13  }
0x16e: {  	s30 =	simm.s32 $0x11;
	v12 =	vld.idx.msk [tilespmem:v12+s1+$0x0], $0xffff;
	v4 =	vmul.f32 v4, v4;
	v2 =	vsub.f32 v2, v44;
	v0 =	vadd.f32 v8, v0  }
0x16f: {  	v13 =	vadd.s32 s30, v1;
	v11 =	vmul.f32 v11, v62  }
0x170: {  	s25 =	simm.s32 $0xE;
	s26 =	simm.s32 $0xF;
	v7 =	vld.idx.msk [tilespmem:v7+s1+$0x0], $0xffff;
	v3 =	vsub.f32 v3, v35;
	v2 =	vmul.f32 v2, v2;
	v0 =	vadd.f32 v4, v0  }
0x171: {  	v10 =	vadd.s32 s25, v1;
	v9 =	vadd.s32 s26, v1  }
0x172: {  	s28 =	simm.s32 $0x10;
	v0 =	vadd.f32 v2, v0;
	v2 =	vmul.f32 v3, v3;
	v3 =	vsub.f32 v11, v53  }
0x173: {  	s29 =	simm.s32 $0x1A;
	v8 =	vadd.s32 s28, v1;
	v12 =	vmul.f32 v12, v18  }
0x174: {  	s31 =	simm.s32 $0x12;
	v4 =	vadd.s32 s29, v1;
	v0 =	vadd.f32 v2, v0;
	v2 =	vmul.f32 v3, v3  }
0x175: {  	s24 =	simm.s32 $0x13;
	v13 =	vld.idx.msk [tilespmem:v13+s1+$0x0], $0xffff;
	v11 =	vadd.s32 s31, v1;
	v7 =	vmul.f32 v7, v15;
	v3 =	vsub.f32 v12, v22  }
0x176: {  	[tilespmem:$0x1FDF0] =	vst v15;
	s25 =	simm.s32 $0x18;
	v10 =	vld.idx.msk [tilespmem:v10+s1+$0x0], $0xffff;
	v15 =	vadd.s32 s24, v1;
	v0 =	vadd.f32 v2, v0  }
0x177: {  	v9 =	vld.idx.msk [tilespmem:v9+s1+$0x0], $0xffff;
	v2 =	vmul.f32 v3, v3;
	v3 =	vsub.f32 v7, v48;
	v7 =	vadd.s32 s25, v1  }
0x178: {  	v8 =	vld.idx.msk [tilespmem:v8+s1+$0x0], $0xffff  }
0x179: {  	v45 =	vmov v48;
	[tilespmem:$0x1FDC0] =	vst v53;
	v48 =	vld.idx.msk [tilespmem:v4+s1+$0x0], $0xffff  }
0x17a: {  	[tilespmem:$0x1FDE0] =	vst v22;
	v4 =	vmul.f32 v13, v49;
	v11 =	vld.idx.msk [tilespmem:v11+s1+$0x0], $0xffff  }
0x17b: {  	[tilespmem:$0x1FE00] =	vst v16;
	s26 =	simm.s32 $0x14;
	v10 =	vmul.f32 v10, v16;
	v22 =	vmov v56;
	v53 =	vld.idx.msk [tilespmem:v15+s1+$0x0], $0xffff  }
0x17c: {  	v16 =	vadd.s32 s26, v1;
	v56 =	vmovc v18;
	v9 =	vmul.f32 v9, v17;
	v18 =	vsub.f32 v4, v22;
	v4 =	vld.idx.msk [tilespmem:v7+s1+$0x0], $0xffff  }
0x17d: {  	v23 =	vmovc v24;
	v0 =	vadd.f32 v2, v0;
	v2 =	vmul.f32 v3, v3;
	v3 =	vsub.f32 v10, v20;
	v7 =	vld [tilespmem:$0x1FF30]  }
0x17e: {  	v8 =	vmul.f32 v8, v47  }
0x17f: {  	s23 =	simm.s32 $0x19;
	v0 =	vadd.f32 v2, v0;
	v2 =	vmul.f32 v3, v3;
	v3 =	vsub.f32 v9, v19  }
0x180: {  	v58 =	vmovc v47;
	v12 =	vadd.s32 s23, v1;
	v47 =	vmov v23;
	v23 =	vmov v41  }
0x181: {  	v10 =	vld.idx.msk [tilespmem:v16+s1+$0x0], $0xffff;
	v16 =	vsub.f32 v8, v63;
	v0 =	vadd.f32 v2, v0;
	v3 =	vmul.f32 v3, v3  }
0x182: {  	v52 =	vmovc v57;
	v11 =	vmul.f32 v11, v57;
	v57 =	vmov v23;
	v23 =	vmul.f32 v53, v7;
	v7 =	vld [tilespmem:$0x1FF80]  }
0x183: {  	s29 =	simm.s32 $0x15;
	v16 =	vmul.f32 v16, v16;
	v0 =	vadd.f32 v3, v0  }
0x184: {  	[tilespmem:$0x1FE10] =	vst v17;
	v17 =	vadd.s32 s29, v1;
	s25 =	simm.s32 $0x1B7  }
0x185: {  	v24 =	vmovc v21;
	v21 =	vld [tilespmem:$0x1FF90];
	s30 =	simm.s32 $0x16;
	v15 =	vadd.s32 s25, v1;
	v0 =	vadd.f32 v16, v0;
	v16 =	vmul.f32 v18, v18  }
0x186: {  	v9 =	vadd.s32 s30, v1;
	v2 =	vld.idx.msk [tilespmem:v12+s1+$0x0], $0xffff  }
0x187: {  	s28 =	simm.s32 $0x17;
	v12 =	vsub.f32 v11, v7;
	v11 =	vadd.f32 v16, v0;
	v0 =	vld [tilespmem:$0x1FEE0]  }
0x188: {  	v38 =	vmov v49;
	v37 =	vadd.s32 s28, v1;
	s24 =	simm.s32 $0x1B5;
	v49 =	vmov v40;
	v40 =	vld [tilespmem:$0x1FE50]  }
0x189: {  	v13 =	vadd.s32 s24, v1;
	v8 =	vld.idx.msk [tilespmem:v17+s1+$0x0], $0xffff  }
0x18a: {  	[tilespmem:$0x1FDD0] =	vst v62;
	s31 =	simm.s32 $0x1BC;
	v15 =	vld.idx.msk [tilespmem:v15+s1+$0x0], $0xffff  }
0x18b: {  	[tilespmem:$0x1FE20] =	vst v63;
	v62 =	vor.u32 s13, v25;
	v60 =	vadd.s32 s31, v1;
	s23 =	simm.s32 $0x1BD;
	v9 =	vld.idx.msk [tilespmem:v9+s1+$0x0], $0xffff  }
0x18c: {  	[tilespmem:$0x1FE30] =	vst v27;
	s28 =	simm.s32 $0x1B3;
	s26 =	simm.s32 $0x1BB;
	s29 =	simm.s32 $0x1B0;
	v63 =	vadd.s32 s23, v1;
	v10 =	vmul.f32 v10, v0;
	v0 =	vmul.f32 v48, v27;
	v27 =	vmovc v35;
	v35 =	vld [tilespmem:$0x1FE40]  }
0x18d: {  	s31 =	simm.s32 $0x1B2;
	v41 =	vmovc v19;
	s30 =	simm.s32 $0x1B1;
	v19 =	vadd.s32 s29, v1;
	v17 =	vadd.s32 s28, v1;
	v3 =	vadd.s32 s26, v1;
	v7 =	vld.idx.msk [tilespmem:v37+s1+$0x0], $0xffff  }
0x18e: {  	s22 =	smov.u32 s13;
	v18 =	vadd.s32 s30, v1;
	v53 =	vmovc v45;
	v37 =	vmovc v20;
	v20 =	vadd.s32 s31, v1;
	v16 =	vld.idx.msk [tilespmem:v13+s1+$0x0], $0xffff;
	v13 =	vmul.f32 v12, v12  }
0x18f: {  	s24 =	simm.s32 $0x37A;
	s25 =	simm.s32 $0x1BA;
	s23 =	simm.s32 $0x1CA;
	v45 =	vld [tilespmem:$0x1FE60];
	v12 =	vsub.f32 v23, v21;
	v48 =	vmovc v44;
	v44 =	vmovc v58;
	v58 =	vmov v46;
	v46 =	vmov v22  }
.LBB2_7:
0x190: {  	v8 =	vmul.f32 v8, v33  }
0x191: {  	v10 =	vsub.f32 v10, v35;
	v11 =	vadd.f32 v13, v11;
	v12 =	vmul.f32 v12, v12  }
0x192: {  	v9 =	vmul.f32 v9, v32  }
0x193: {  	v10 =	vmul.f32 v10, v10;
	v8 =	vsub.f32 v8, v40;
	v11 =	vadd.f32 v12, v11;
	_ =	sdelay $0x1  }
0x194: {  	v9 =	vsub.f32 v9, v45;
	v8 =	vmul.f32 v8, v8;
	v10 =	vadd.f32 v10, v11  }
0x195: {  	v19 =	vld.idx.msk [tilespmem:v19+s1+$0x0], $0xffff  }
0x196: {  	v9 =	vmul.f32 v9, v9;
	v8 =	vadd.f32 v8, v10;
	v10 =	vld [tilespmem:$0x1FE70];
	_ =	sdelay $0x1  }
0x197: {  	v8 =	vadd.f32 v9, v8;
	v9 =	vld [tilespmem:$0x1FED0]  }
0x198: {  	v7 =	vmul.f32 v7, v29;
	_ =	sdelay $0x1  }
0x199: {  	v7 =	vsub.f32 v7, v10;
	v10 =	vmul.f32 v19, v50  }
0x19a: {  	s26 =	sadd.s32 $0xFFFFFFEC, s23;
	v12 =	vld.idx.msk [tilespmem:v20+s1+$0x0], $0xffff  }
0x19b: {  	v20 =	vadd.s32 s26, v1;
	v9 =	vsub.f32 v10, v9;
	v10 =	vld [tilespmem:$0x1FEA0];
	_ =	sdelay $0x1  }
0x19c: {  	v17 =	vld.idx.msk [tilespmem:v17+s1+$0x0], $0xffff  }
0x19d: {  	v13 =	vld.idx.msk [tilespmem:v18+s1+$0x0], $0xffff  }
0x19e: {  	s31 =	sadd.s32 $0xFFFFFFEA, s23;
	v19 =	vld [tilespmem:$0x1FE90]  }
0x19f: {  	v18 =	vadd.s32 s31, v1;
	v10 =	vmul.f32 v12, v10;
	v12 =	vld.idx.msk [tilespmem:v20+s1+$0x0], $0xffff  }
0x1a0: {  	v7 =	vmul.f32 v7, v7;
	v20 =	vld [tilespmem:$0x1FEC0]  }
0x1a1: {  	v11 =	vld [tilespmem:$0x1FE80]  }
0x1a2: {  	v4 =	vmul.f32 v4, v28;
	v7 =	vadd.f32 v7, v8;
	v8 =	vld [tilespmem:$0x1FEB0]  }
0x1a3: {  	v13 =	vmul.f32 v13, v19  }
0x1a4: {  	v2 =	vmul.f32 v2, v26;
	v18 =	vld.idx.msk [tilespmem:v18+s1+$0x0], $0xffff;
	v4 =	vsub.f32 v4, v34  }
0x1a5: {  	v0 =	vsub.f32 v0, v31;
	v13 =	vsub.f32 v13, v20  }
0x1a6: {  	v2 =	vsub.f32 v2, v30;
	v4 =	vmul.f32 v4, v4;
	v11 =	vmul.f32 v17, v11  }
0x1a7: {  	v9 =	vmul.f32 v9, v9;
	v8 =	vsub.f32 v10, v8;
	v10 =	vmul.f32 v13, v13  }
0x1a8: {  	v2 =	vmul.f32 v2, v2;
	v4 =	vadd.f32 v4, v7;
	v7 =	vsub.f32 v11, v39  }
0x1a9: {  	v11 =	vmul.f32 v18, v43;
	v8 =	vmul.f32 v8, v8;
	v9 =	vadd.f32 v10, v9  }
0x1aa: {  	s29 =	sadd.s32 $0xFFFFFFEE, s23;
	v0 =	vmul.f32 v0, v0;
	v2 =	vadd.f32 v2, v4  }
0x1ab: {  	v19 =	vadd.s32 s29, v1;
	v4 =	vsub.f32 v11, v54;
	v8 =	vadd.f32 v8, v9;
	v9 =	vld [tilespmem:$0x1FEF0]  }
0x1ac: {  	v21 =	vadd.s32 s25, v1;
	s28 =	sadd.s32 $0xFFFFFFEF, s23;
	v16 =	vmul.f32 v16, v58;
	v7 =	vmul.f32 v7, v7  }
0x1ad: {  	v17 =	vadd.s32 s28, v1;
	v0 =	vadd.f32 v0, v2;
	v2 =	vmul.f32 v4, v4  }
0x1ae: {  	v11 =	vmul.f32 v12, v51;
	v10 =	vsub.f32 v16, v42;
	v7 =	vadd.f32 v7, v8  }
0x1af: {  	v15 =	vmul.f32 v15, v55;
	vm1 =	vlt.f32 v0, v36  }
0x1b0: {  	v4 =	vmul.f32 v10, v10;
	v10 =	vld.idx.msk [tilespmem:v19+s1+$0x0], $0xffff;
	v2 =	vadd.f32 v2, v7;
	v9 =	vsub.f32 v11, v9  }
0x1b1: {  	vm2 =	vlt.f32 v0, v61;
	v11 =	vsel vm1, v0, v36  }
0x1b2: {  	v8 =	vld.idx.msk [tilespmem:v17+s1+$0x0], $0xffff;
	v2 =	vadd.f32 v4, v2;
	v4 =	vmul.f32 v9, v9;
	v9 =	vsub.f32 v15, v49  }
0x1b3: {  	vm0 =	vlt.f32 v0, v59;
	v16 =	vld.idx.msk [tilespmem:v21+s1+$0x0], $0xffff;
	v36 =	vsel vm2, v61, v11  }
0x1b4: {  	v11 =	vsel vm2, v0, v61;
	v2 =	vadd.f32 v4, v2;
	v4 =	vmul.f32 v9, v9;
	v9 =	vld [tilespmem:$0x1FFA0]  }
0x1b5: {  	v61 =	vsel vm0, v59, v11;
	v59 =	vsel vm0, v0, v59;
	v0 =	vmul.f32 v10, v57;
	_ =	sdelay $0x1  }
0x1b6: {  	v8 =	vmul.f32 v8, v24;
	v0 =	vsub.f32 v0, v47  }
0x1b7: {  	v2 =	vadd.f32 v4, v2  }
0x1b8: {  	v0 =	vmul.f32 v0, v0;
	v4 =	vsub.f32 v8, v48;
	v9 =	vmul.f32 v16, v9  }
0x1b9: {  	v3 =	vld.idx.msk [tilespmem:v3+s1+$0x0], $0xffff  }
0x1ba: {  	v8 =	vld [tilespmem:$0x1FDD0];
	v0 =	vadd.f32 v0, v2;
	v2 =	vmul.f32 v4, v4;
	v4 =	vsub.f32 v9, v27;
	_ =	sdelay $0x1  }
0x1bb: {  	v0 =	vadd.f32 v2, v0;
	v2 =	vmul.f32 v4, v4;
	v4 =	vld [tilespmem:$0x1FDC0];
	_ =	sdelay $0x2  }
0x1bc: {  	v3 =	vmul.f32 v3, v8;
	_ =	sdelay $0x1  }
0x1bd: {  	s30 =	sadd.s32 $0xFFFFFFF4, s23;
	v10 =	vld.idx.msk [tilespmem:v60+s1+$0x0], $0xffff;
	v3 =	vsub.f32 v3, v4  }
0x1be: {  	v7 =	vadd.s32 s30, v1  }
0x1bf: {  	v0 =	vadd.f32 v2, v0;
	v2 =	vmul.f32 v3, v3;
	v3 =	vld [tilespmem:$0x1FDE0]  }
0x1c0: {  	v12 =	vsel vm1, v62, v14  }
0x1c1: {  	v14 =	vsel vm2, v6, v12;
	v12 =	vld.idx.msk [tilespmem:v63+s1+$0x0], $0xffff  }
0x1c2: {  	v9 =	vmul.f32 v10, v56;
	v4 =	vld [tilespmem:$0x1FDF0]  }
0x1c3: {  	s31 =	sadd.s32 $0xFFFFFFF5, s23;
	v7 =	vld.idx.msk [tilespmem:v7+s1+$0x0], $0xffff  }
0x1c4: {  	s26 =	sadd.s32 $0xFFFFFFF6, s23;
	v13 =	vsel vm2, v62, v6;
	v11 =	vadd.s32 s31, v1;
	v3 =	vsub.f32 v9, v3;
	v9 =	vld [tilespmem:$0x1FE00]  }
0x1c5: {  	v6 =	vsel vm0, v5, v13;
	v13 =	vadd.s32 s26, v1;
	_ =	sdelay $0x1  }
0x1c6: {  	v4 =	vmul.f32 v12, v4  }
0x1c7: {  	v0 =	vadd.f32 v2, v0  }
0x1c8: {  	s28 =	sadd.s32 $0xFFFFFFF7, s23;
	s30 =	sadd.s32 $0xFFFFFFF9, s23;
	v10 =	vld.idx.msk [tilespmem:v11+s1+$0x0], $0xffff;
	v2 =	vmul.f32 v3, v3;
	v3 =	vsub.f32 v4, v53;
	v7 =	vmul.f32 v7, v9  }
0x1c9: {  	v8 =	vadd.s32 s28, v1;
	v12 =	vld.idx.msk [tilespmem:v13+s1+$0x0], $0xffff;
	v13 =	vadd.s32 s30, v1  }
0x1ca: {  	s28 =	sadd.s32 $0xFFFFFFFA, s23;
	v4 =	vld [tilespmem:$0x1FE10];
	v0 =	vadd.f32 v2, v0;
	v2 =	vmul.f32 v3, v3;
	v3 =	vsub.f32 v7, v37  }
0x1cb: {  	v9 =	vadd.s32 s28, v1  }
0x1cc: {  	v0 =	vadd.f32 v2, v0;
	v2 =	vmul.f32 v3, v3;
	_ =	sdelay $0x1  }
0x1cd: {  	v0 =	vadd.f32 v2, v0;
	v2 =	vld [tilespmem:$0x1FE20]  }
0x1ce: {  	s29 =	sadd.s32 $0xFFFFFFF8, s23;
	s31 =	sadd.s32 $0xFFFFFFFE, s23;
	v4 =	vmul.f32 v10, v4;
	v7 =	vmul.f32 v12, v44;
	v12 =	vld.idx.msk [tilespmem:v13+s1+$0x0], $0xffff  }
0x1cf: {  	v18 =	vadd.s32 s31, v1;
	s31 =	sadd.s32 $0xFFFFFFFC, s23;
	v11 =	vadd.s32 s29, v1;
	v22 =	vld.idx.msk [tilespmem:v9+s1+$0x0], $0xffff  }
0x1d0: {  	v21 =	vadd.s32 s31, v1;
	v4 =	vsub.f32 v4, v41;
	v9 =	vld [tilespmem:$0x1FF30];
	_ =	sdelay $0x1  }
0x1d1: {  	v4 =	vmul.f32 v4, v4;
	v7 =	vsub.f32 v7, v2  }
0x1d2: {  	v8 =	vld.idx.msk [tilespmem:v8+s1+$0x0], $0xffff  }
0x1d3: {  	s30 =	sadd.s32 $0xFFFFFFFB, s23;
	v10 =	vld.idx.msk [tilespmem:v11+s1+$0x0], $0xffff;
	v0 =	vadd.f32 v4, v0;
	v7 =	vmul.f32 v7, v7  }
0x1d4: {  	v11 =	vadd.s32 s30, v1;
	v12 =	vmul.f32 v12, v9;
	v9 =	vld.idx.msk [tilespmem:v21+s1+$0x0], $0xffff  }
0x1d5: {  	v21 =	vadd.f32 v7, v0;
	v0 =	vld [tilespmem:$0x1FF80];
	_ =	sdelay $0x1  }
0x1d6: {  	s26 =	sadd.s32 $0xFFFFFFFF, s23;
	v15 =	vadd.s32 s23, v1  }
0x1d7: {  	v16 =	vadd.s32 s26, v1;
	v19 =	vmul.f32 v8, v38;
	v10 =	vmul.f32 v10, v52  }
0x1d8: {  	v8 =	vld.idx.msk [tilespmem:v11+s1+$0x0], $0xffff  }
0x1d9: {  	v11 =	vsub.f32 v19, v46;
	v23 =	vsub.f32 v10, v0;
	v0 =	vld [tilespmem:$0x1FEE0];
	_ =	sdelay $0x1  }
0x1da: {  	s30 =	sadd.s32 $0xFFFFFFED, s24;
	v13 =	vld.idx.msk [tilespmem:v15+s1+$0x0], $0xffff;
	v11 =	vmul.f32 v11, v11  }
0x1db: {  	s29 =	sadd.s32 $0xFFFFFFFD, s23;
	s28 =	sadd.s32 $0xFFFFFFF2, s24;
	v15 =	vadd.s32 s30, v1;
	v2 =	vld.idx.msk [tilespmem:v16+s1+$0x0], $0xffff  }
0x1dc: {  	v20 =	vadd.s32 s29, v1;
	v60 =	vadd.s32 s28, v1;
	s28 =	sadd.s32 $0xFFFFFFEB, s24;
	v11 =	vadd.f32 v11, v21;
	v21 =	vld [tilespmem:$0x1FF90]  }
0x1dd: {  	p1 =	sne.s32 s24, $0xD15A;
	v16 =	vadd.s32 s28, v1;
	v10 =	vmul.f32 v22, v0;
	v0 =	vld [tilespmem:$0x1FE30]  }
.Ltmp5:
0x1de: {  	s22 =	sadd.s32 $0x10, s22;
	(pc) =	sbr.rel @p1 .LBB2_7-.Ltmp5, $4  }
0x1df: {  	v5 =	vsel vm0, v62, v5;
	v62 =	vor.u32 s22, v25;
	s31 =	sadd.s32 $0xFFFFFFF1, s24;
	s26 =	sadd.s32 $0xFFFFFFE9, s24;
	s29 =	sadd.s32 $0xFFFFFFF3, s24;
	v4 =	vld.idx.msk [tilespmem:v18+s1+$0x0], $0xffff  }
0x1e0: {  	v17 =	vadd.s32 s26, v1;
	v63 =	vadd.s32 s29, v1;
	s29 =	sadd.s32 $0xFFFFFFE6, s24;
	s30 =	sadd.s32 $0xFFFFFFE7, s24;
	v3 =	vadd.s32 s31, v1;
	s31 =	sadd.s32 $0xFFFFFFE8, s24;
	v15 =	vld.idx.msk [tilespmem:v15+s1+$0x0], $0xffff  }
0x1e1: {  	s23 =	smov.u32 s24;
	v19 =	vadd.s32 s29, v1;
	v18 =	vadd.s32 s30, v1;
	v7 =	vld.idx.msk [tilespmem:v20+s1+$0x0], $0xffff;
	v20 =	vadd.s32 s31, v1  }
0x1e2: {  	s25 =	sadd.s32 $0xFFFFFFF0, s23;
	s24 =	sadd.s32 $0x1B0, s24;
	v16 =	vld.idx.msk [tilespmem:v16+s1+$0x0], $0xffff;
	v12 =	vsub.f32 v12, v21;
	v0 =	vmul.f32 v13, v0;
	v13 =	vmul.f32 v23, v23  }
0x1e3: {  	_ =	sdelay $0x3  }
0x1e4: {  	v19 =	vld.idx.msk [tilespmem:v19+s1+$0x0], $0xffff;
	_ =	sdelay $0x3  }
0x1e5: {  	v20 =	vld.idx.msk [tilespmem:v20+s1+$0x0], $0xffff  }
0x1e6: {  	v19 =	vmul.f32 v19, v50;
	v50 =	vld [tilespmem:$0x1FEA0];
	_ =	sdelay $0x1  }
0x1e7: {  	v18 =	vld.idx.msk [tilespmem:v18+s1+$0x0], $0xffff  }
0x1e8: {  	v22 =	vld [tilespmem:$0x1FE90];
	_ =	sdelay $0x1  }
0x1e9: {  	v20 =	vmul.f32 v20, v50;
	v50 =	vld [tilespmem:$0x1FEC0];
	_ =	sdelay $0x2  }
0x1ea: {  	v18 =	vmul.f32 v18, v22  }
0x1eb: {  	v17 =	vld.idx.msk [tilespmem:v17+s1+$0x0], $0xffff  }
0x1ec: {  	s24 =	sadd.s32 $0xFFFFFFEA, s23;
	v18 =	vsub.f32 v18, v50;
	v50 =	vld [tilespmem:$0x1FE80]  }
0x1ed: {  	v21 =	vadd.s32 s24, v1  }
0x1ee: {  	v23 =	vld [tilespmem:$0x1FED0];
	_ =	sdelay $0x2  }
0x1ef: {  	s29 =	sadd.s32 $0xFFFFFFEC, s23;
	v17 =	vmul.f32 v17, v50;
	v50 =	vld [tilespmem:$0x1FEB0]  }
0x1f0: {  	s30 =	sadd.s32 $0xFFFFFFEE, s23;
	v22 =	vadd.s32 s29, v1;
	v21 =	vld.idx.msk [tilespmem:v21+s1+$0x0], $0xffff  }
0x1f1: {  	v19 =	vsub.f32 v19, v23;
	v23 =	vadd.s32 s30, v1  }
0x1f2: {  	s31 =	sadd.s32 $0xFFFFFFEF, s23  }
0x1f3: {  	v17 =	vsub.f32 v17, v39;
	v39 =	vadd.s32 s31, v1  }
0x1f4: {  	v19 =	vmul.f32 v19, v19;
	v18 =	vmul.f32 v18, v18;
	v20 =	vsub.f32 v20, v50  }
0x1f5: {  	v22 =	vld.idx.msk [tilespmem:v22+s1+$0x0], $0xffff;
	v21 =	vmul.f32 v21, v43  }
0x1f6: {  	v43 =	vld.idx.msk [tilespmem:v23+s1+$0x0], $0xffff;
	v18 =	vadd.f32 v18, v19;
	v50 =	vmul.f32 v20, v20  }
0x1f7: {  	v15 =	vmul.f32 v15, v55;
	v16 =	vmul.f32 v16, v58;
	v21 =	vsub.f32 v21, v54;
	v54 =	vld [tilespmem:$0x1FEF0]  }
0x1f8: {  	v17 =	vmul.f32 v17, v17;
	v55 =	vld.idx.msk [tilespmem:v39+s1+$0x0], $0xffff;
	v18 =	vadd.f32 v50, v18;
	v50 =	vadd.s32 s25, v1  }
0x1f9: {  	v16 =	vsub.f32 v16, v42  }
0x1fa: {  	v3 =	vld.idx.msk [tilespmem:v3+s1+$0x0], $0xffff;
	v22 =	vmul.f32 v22, v51;
	v51 =	vmul.f32 v21, v21;
	v17 =	vadd.f32 v17, v18  }
0x1fb: {  	v10 =	vsub.f32 v10, v35;
	v15 =	vsub.f32 v15, v49;
	v49 =	vld [tilespmem:$0x1FDD0];
	v19 =	vmul.f32 v43, v57  }
0x1fc: {  	v16 =	vmul.f32 v16, v16;
	v21 =	vsub.f32 v22, v54;
	v43 =	vld [tilespmem:$0x1FFA0];
	s25 =	sadd.s32 $0xFFFFFFF4, s23;
	v17 =	vadd.f32 v51, v17  }
0x1fd: {  	v19 =	vsub.f32 v19, v47;
	v47 =	vadd.s32 s25, v1;
	v18 =	vmul.f32 v55, v24;
	v58 =	vld.idx.msk [tilespmem:v50+s1+$0x0], $0xffff  }
0x1fe: {  	v8 =	vmul.f32 v8, v33;
	v54 =	vld.idx.msk [tilespmem:v63+s1+$0x0], $0xffff;
	v39 =	vmul.f32 v21, v21;
	v16 =	vadd.f32 v16, v17  }
0x1ff: {  	v9 =	vmul.f32 v9, v32;
	v2 =	vmul.f32 v2, v26;
	v18 =	vsub.f32 v18, v48;
	v48 =	vld.idx.msk [tilespmem:v60+s1+$0x0], $0xffff  }
0x200: {  	s26 =	sadd.s32 $0xFFFFFFF5, s23;
	v11 =	vadd.f32 v13, v11;
	v15 =	vmul.f32 v15, v15;
	v55 =	vld [tilespmem:$0x1FDC0];
	v16 =	vadd.f32 v39, v16  }
0x201: {  	v12 =	vmul.f32 v12, v12;
	v4 =	vmul.f32 v4, v28;
	v51 =	vadd.s32 s26, v1;
	v60 =	vld [tilespmem:$0x1FDE0]  }
0x202: {  	s28 =	sadd.s32 $0xFFFFFFF6, s23;
	v42 =	vmul.f32 v19, v19;
	v19 =	vld.idx.msk [tilespmem:v47+s1+$0x0], $0xffff;
	v15 =	vadd.f32 v15, v16;
	v17 =	vmul.f32 v58, v43  }
0x203: {  	v3 =	vmul.f32 v3, v49;
	v57 =	vadd.s32 s28, v1;
	v18 =	vmul.f32 v18, v18;
	v58 =	vld [tilespmem:$0x1FDF0]  }
0x204: {  	s29 =	sadd.s32 $0xFFFFFFF7, s23;
	v56 =	vmul.f32 v48, v56;
	v48 =	vld [tilespmem:$0x1FE10];
	v15 =	vadd.f32 v42, v15;
	v50 =	vsub.f32 v17, v27  }
0x205: {  	v0 =	vsub.f32 v0, v31;
	v10 =	vmul.f32 v10, v10;
	v63 =	vadd.s32 s29, v1;
	v42 =	vld [tilespmem:$0x1FE00]  }
0x206: {  	s30 =	sadd.s32 $0xFFFFFFF8, s23;
	s31 =	sadd.s32 $0xFFFFFFF9, s23;
	v3 =	vsub.f32 v3, v55;
	v17 =	vld.idx.msk [tilespmem:v51+s1+$0x0], $0xffff;
	v15 =	vadd.f32 v18, v15;
	v16 =	vmul.f32 v50, v50  }
0x207: {  	v49 =	vadd.s32 s31, v1;
	v43 =	vadd.s32 s30, v1;
	v18 =	vsub.f32 v56, v60  }
0x208: {  	v47 =	vld.idx.msk [tilespmem:v57+s1+$0x0], $0xffff;
	v3 =	vmul.f32 v3, v3;
	v15 =	vadd.f32 v16, v15;
	v16 =	vmul.f32 v54, v58  }
0x209: {  	v8 =	vsub.f32 v8, v40;
	v11 =	vadd.f32 v12, v11;
	v22 =	vld [tilespmem:$0x1FF30];
	v39 =	vmul.f32 v18, v18  }
0x20a: {  	s25 =	sadd.s32 $0xFFFFFFFA, s23;
	v50 =	vld.idx.msk [tilespmem:v63+s1+$0x0], $0xffff;
	v12 =	vmul.f32 v19, v42;
	v3 =	vadd.f32 v3, v15;
	v23 =	vsub.f32 v16, v53  }
0x20b: {  	v9 =	vsub.f32 v9, v45;
	v57 =	vld [tilespmem:$0x1FE20];
	v54 =	vadd.s32 s25, v1;
	v15 =	vmul.f32 v17, v48  }
0x20c: {  	s26 =	sadd.s32 $0xFFFFFFFB, s23;
	v16 =	vld.idx.msk [tilespmem:v43+s1+$0x0], $0xffff;
	v12 =	vsub.f32 v12, v37;
	v3 =	vadd.f32 v39, v3;
	v13 =	vmul.f32 v23, v23  }
0x20d: {  	v8 =	vmul.f32 v8, v8;
	v55 =	vadd.s32 s26, v1;
	v53 =	vmul.f32 v47, v44;
	v17 =	vld.idx.msk [tilespmem:v49+s1+$0x0], $0xffff  }
0x20e: {  	s28 =	sadd.s32 $0xFFFFFFFC, s23;
	v51 =	vsub.f32 v15, v41;
	v23 =	vld [tilespmem:$0x1FF80];
	v12 =	vmul.f32 v12, v12;
	v3 =	vadd.f32 v13, v3  }
0x20f: {  	v10 =	vadd.f32 v10, v11;
	v58 =	vadd.s32 s28, v1;
	v43 =	vld [tilespmem:$0x1FEE0];
	v56 =	vmul.f32 v50, v38  }
0x210: {  	s29 =	sadd.s32 $0xFFFFFFFD, s23;
	v15 =	vld.idx.msk [tilespmem:v54+s1+$0x0], $0xffff;
	v11 =	vmul.f32 v51, v51;
	v13 =	vsub.f32 v53, v57;
	v3 =	vadd.f32 v12, v3  }
0x211: {  	v9 =	vmul.f32 v9, v9;
	v63 =	vadd.s32 s29, v1;
	v39 =	vld [tilespmem:$0x1FF90];
	v21 =	vmul.f32 v16, v52  }
0x212: {  	s30 =	sadd.s32 $0xFFFFFFFE, s23;
	v44 =	vld [tilespmem:$0x1FE70];
	v60 =	vsub.f32 v56, v46;
	v13 =	vmul.f32 v13, v13;
	v3 =	vadd.f32 v11, v3  }
0x213: {  	v8 =	vadd.f32 v8, v10;
	v37 =	vadd.s32 s30, v1;
	v12 =	vld.idx.msk [tilespmem:v55+s1+$0x0], $0xffff;
	v10 =	vsub.f32 v21, v23  }
0x214: {  	s31 =	sadd.s32 $0xFFFFFFFF, s23;
	v38 =	vld.idx.msk [tilespmem:v58+s1+$0x0], $0xffff;
	v11 =	vmul.f32 v60, v60;
	v3 =	vadd.f32 v13, v3;
	v13 =	vmul.f32 v17, v22  }
0x215: {  	v8 =	vadd.f32 v9, v8;
	v41 =	vadd.s32 s31, v1;
	v15 =	vmul.f32 v15, v43  }
0x216: {  	v42 =	vld.idx.msk [tilespmem:v63+s1+$0x0], $0xffff;
	v10 =	vmul.f32 v10, v10;
	v3 =	vadd.f32 v11, v3;
	v9 =	vsub.f32 v13, v39  }
0x217: {  	v7 =	vmul.f32 v7, v29;
	v46 =	vadd.s32 s23, v1;
	v15 =	vsub.f32 v15, v35  }
0x218: {  	v16 =	vld.idx.msk [tilespmem:v37+s1+$0x0], $0xffff;
	v12 =	vmul.f32 v12, v33;
	v3 =	vadd.f32 v10, v3;
	v9 =	vmul.f32 v9, v9  }
0x219: {  	v2 =	vsub.f32 v2, v30;
	v7 =	vsub.f32 v7, v44;
	v17 =	vmul.f32 v38, v32  }
0x21a: {  	v49 =	vmul.f32 v15, v15;
	v47 =	vsub.f32 v12, v40;
	v3 =	vadd.f32 v9, v3  }
0x21b: {  	v4 =	vsub.f32 v4, v34;
	v48 =	vmul.f32 v42, v29;
	v7 =	vmul.f32 v7, v7;
	v11 =	vld.idx.msk [tilespmem:v41+s1+$0x0], $0xffff  }
0x21c: {  	v54 =	vld [tilespmem:$0x1FE30];
	v50 =	vsub.f32 v17, v45;
	v9 =	vmul.f32 v47, v47;
	v3 =	vadd.f32 v49, v3  }
0x21d: {  	v4 =	vmul.f32 v4, v4;
	v7 =	vadd.f32 v7, v8;
	v51 =	vmul.f32 v16, v28;
	v10 =	vld.idx.msk [tilespmem:v46+s1+$0x0], $0xffff  }
0x21e: {  	v52 =	vsub.f32 v48, v44;
	v8 =	vmul.f32 v50, v50;
	v3 =	vadd.f32 v9, v3  }
0x21f: {  	v2 =	vmul.f32 v2, v2;
	v4 =	vadd.f32 v4, v7;
	v7 =	vsub.f32 v51, v34  }
0x220: {  	v53 =	vmul.f32 v52, v52;
	v11 =	vmul.f32 v11, v26;
	v3 =	vadd.f32 v8, v3  }
0x221: {  	v0 =	vmul.f32 v0, v0;
	v2 =	vadd.f32 v2, v4;
	v7 =	vmul.f32 v7, v7  }
0x222: {  	v4 =	vmul.f32 v10, v54;
	v55 =	vsub.f32 v11, v30;
	v3 =	vadd.f32 v53, v3  }
0x223: {  	v0 =	vadd.f32 v0, v2  }
0x224: {  	v2 =	vsub.f32 v4, v31;
	v56 =	vmul.f32 v55, v55;
	v3 =	vadd.f32 v7, v3;
	_ =	sdelay $0x1  }
0x225: {  	vm0 =	vlt.f32 v0, v36;
	v2 =	vmul.f32 v2, v2;
	v3 =	vadd.f32 v56, v3  }
0x226: {  	vm1 =	vlt.f32 v0, v59;
	vm2 =	vlt.f32 v0, v61;
	v57 =	vsel vm0, v0, v36  }
0x227: {  	v58 =	vsel vm2, v0, v61;
	v0 =	vsel vm1, v0, v59;
	v2 =	vadd.f32 v2, v3  }
0x228: {  	v4 =	vsel vm2, v61, v57;
	v7 =	vsel vm1, v59, v58;
	v3 =	vsel vm2, v62, v6  }
0x229: {  	vm3 =	vlt.f32 v2, v0;
	vm4 =	vlt.f32 v2, v4;
	vm5 =	vlt.f32 v2, v7  }
0x22a: {  	v4 =	vsel vm4, v2, v4;
	v60 =	vsel vm5, v2, v7;
	v2 =	vsel vm3, v2, v0  }
0x22b: {  	s22 =	sadd.s32 $0x10, s22;
	v61 =	vsel vm1, v62, v5;
	v3 =	vsel vm1, v5, v3;
	v0 =	vsel vm3, v0, v60;
	[tilespmem:$0xD700] =	vst v2  }
.Ltmp6:
0x22c: {  	v2 =	vsel vm0, v62, v14;
	v4 =	vsel vm5, v7, v4;
	[tilespmem:$0xD710] =	vst v0;
	v0 =	vor.u32 s22, v25;
	(pc) =	sbr.rel .LBB2_9-.Ltmp6, $4  }
0x22d: {  	v2 =	vsel vm2, v6, v2;
	[tilespmem:$0xD720] =	vst v4;
	v62 =	vsel vm5, v0, v3;
	v63 =	vsel vm3, v0, v61  }
0x22e: {  	v0 =	vsel vm4, v0, v2;
	v2 =	vsel vm3, v61, v62;
	[tilespmem:$0xD780] =	vst v63  }
0x22f: {  	v0 =	vsel vm5, v3, v0;
	[tilespmem:$0xD790] =	vst v2  }
0x230: {  	[tilespmem:$0xD7A0] =	vst v0  }
.LBB2_10:
0x231: {  	_ =	sfence.sel $0x180000  }
0x232: {  	[bflag:$0x0] =	sbarrier.arrive $0xFFFF  }
0x233: {  	p0 =	sne.s32 s2, $0x0;
	_ =	strace $0x9000004A  }
0x234: {  	s0 =	sadd.s32 @!p0 $0x100000, s0;
	[bflag:$0x2] =	sbarrier.arrive $0xFFFF  }
0x235: {  	[sflag:s0] =	ssyncadd.tile.s32 @!p0 $0x1;
	_ =	shalt  }
.Lfunc_end2:
_tile_overlayer_lowered:
.L_overlay_start_2:
0x236: {  	(tag) =	ssettag $0x2  }
0x237: {  	s0 =	rddreg [dreg:$0x0];
	s2 =	stileid.u32  }
0x238: {  	s1 =	rddreg [dreg:$0x1];
	p0 =	sne.s32 s2, $0x0  }
0x239: {  	s3 =	rddreg [dreg:$0x2];
	[bflag:$0x3] =	sbarrier.arrive $0xFFFF;
	s2 =	simm.s32 @!p0 $0x1C01  }
0x23a: {  	[timem:s3], [sflag:s2] =	dma.local @!p0 [hbm:s0], s1  }
0x23b: {  	s0 =	simm.s32 @!p0 $0x1  }
0x23c: {  	_ =	swait.ge @!p0 [sflag:s0], s1  }
0x23d: {  	s1 =	ssub.s32 @!p0 $0x0, s1;
	[sflag:s0] =	ssyncset.done @!p0 $0x0  }
0x23e: {  	[sflag:s0] =	ssyncadd.s32 @!p0 s1  }
0x23f: {  	[bflag:$0x3] =	sbarrier.arrive $0xFFFF  }
0x240: {  	_ =	shalt  }

// kernel: kernel.7.cloned.1.call-start
scs
__scs_entry_jumppad:
0x0: {  	(pc) =	sbr.rel $0x88, $3  }
0x1: {  	(tag) =	ssettag $0x0;
	lr =	simm.s32 $0x1  }
0x2: {  	[smem:$0x3F9E] =	sst lr;
	_ =	strace $0xD0000000  }
0x3: {  	_ = 	snop  }
0x4: {  	_ = 	snop  }
0x5: {  	_ = 	snop  }
0x6: {  	_ = 	snop  }
0x7: {  	_ = 	snop  }
__scs_overlays_trampoline_lowered:
0x8: {  	[smem:$0x3FAD] =	sst s0  }
0x9: {  	[smem:$0x3FAE] =	sst s1  }
0xa: {  	[smem:$0x3FAF] =	sst s2  }
0xb: {  	[smem:$0x3FB0] =	sst s3  }
0xc: {  	[smem:$0x3FB1] =	sst s4  }
0xd: {  	[smem:$0x3FB2] =	sst s5  }
0xe: {  	[smem:$0x3FB3] =	sst s6  }
0xf: {  	[smem:$0x3FB4] =	sst s7  }
0x10: {  	[smem:$0x3FB5] =	sst s8  }
0x11: {  	[smem:$0x3FB6] =	sst s9;
	s0 =	simm.s32 @!p0 $0x0  }
0x12: {  	s1 =	sld [smem:$0x3F9C];
	s0 =	simm.s32 @p0 $0x1  }
0x13: {  	[smem:$0x3FB7] =	sst s0;
	s0 =	simm.s32 @!p1 $0x0  }
0x14: {  	s2 =	sld [smem:$0x3F9B];
	s0 =	simm.s32 @p1 $0x1  }
0x15: {  	[smem:$0x3FB8] =	sst s0;
	s0 =	simm.s32 @!p2 $0x0  }
0x16: {  	s3 =	sld [smem:$0x3FDB];
	s0 =	simm.s32 @p2 $0x1  }
0x17: {  	s4 =	simm.s32 $0x1BF5;
	[smem:$0x3FBA] =	sst s0  }
0x18: {  	s0 =	sld [smem:$0x3F9D];
	_ =	swait.ge [sflag:s4], $0x0  }
0x19: {  	s7 =	sld [smem:$0x3F9E]  }
0x1a: {  	s8 =	sadd.s32 $0xFFFFE003, lr  }
0x1b: {  	s9 =	sadd.s32 $0xFFFFFEF7, lr;
	s5 =	simm.s32 $0xFFFFFFFF;
	p2 =	slt.u32 s8, $0xFFFFF086  }
0x1c: {  	p1 =	slt.u32 s9, $0xF7A;
	s5 =	simm.s32 @!p2 $0x0  }
0x1d: {  	s5 =	simm.s32 @p1 $0x1;
	p0 =	seq.s32 s7, s2  }
0x1e: {  	s7 =	smul.u32 @!p0 $0xF7A, s2;
	p2 =	seq.s32 @!p0 s5, $0x0  }
0x1f: {  	s9 =	smul.u32 $0xF7A, s1;
	s8 =	simm.s32 @!p0 $0x1BF5;
	p2 =	por !p2, p0  }
0x20: {  	[sflag:s8] =	ssyncset.s32 @!p0 $0xFFFFF086;
	s6 =	sadd.s32 @!p0 s3, s7;
	s7 =	simm.s32 @!p0 $0x108  }
0x21: {  	s3 =	sadd.s32 s3, s9;
	s6 =	sadd.s32 @!p0 $0x88, s6;
	s7 =	simm.s32 @p2 $0x1082  }
0x22: {  	[simem:s7], [sflag:s8] =	dma.local @!p0 [hbm:s6], $0xF7A  }
0x23: {  	s9 =	sor.u32 $0xD0000000, s2;
	s6 =	simm.s32 $0x108;
	_ =	swait.ge @!p0 [sflag:s8], $0x0  }
0x24: {  	s3 =	sadd.s32 $0x88, s3;
	s6 =	simm.s32 @!p1 $0x1082;
	[sflag:s4] =	ssyncset.s32 $0xFFFFF086  }
0x25: {  	[simem:s6], [sflag:s4] =	dma.local [hbm:s3], $0xF7A  }
0x26: {  	[smem:$0x3F9E] =	sst s1;
	(tag) =	ssettag s2;
	_ =	strace s9  }
0x27: {  	s1 =	sld [smem:$0x3FAE]  }
0x28: {  	s2 =	sld [smem:$0x3FAF]  }
0x29: {  	s4 =	sld [smem:$0x3FB1]  }
0x2a: {  	p0 =	seq.s32 s5, $0x0;
	s5 =	sld [smem:$0x3FB2]  }
0x2b: {  	s6 =	sld [smem:$0x3FB3]  }
0x2c: {  	s7 =	sld [smem:$0x3FB4]  }
0x2d: {  	s3 =	simm.s32 $0x108;
	s8 =	sld [smem:$0x3FB5]  }
0x2e: {  	s3 =	simm.s32 @!p0 $0x1082;
	s9 =	sld [smem:$0x3FB6]  }
0x2f: {  	lr =	sadd.s32 s0, s3;
	s0 =	sld [smem:$0x3FAD]  }
0x30: {  	s3 =	sld [smem:$0x3FB0]  }
0x31: {  	[smem:$0x3FB9] =	sst s10  }
0x32: {  	s10 =	sld [smem:$0x3FB7];
	_ =	sdelay $0x3  }
0x33: {  	p0 =	seq.s32 s10, $0x1;
	s10 =	sld [smem:$0x3FB9];
	_ =	sdelay $0x3  }
0x34: {  	[smem:$0x3FB9] =	sst s10  }
0x35: {  	s10 =	sld [smem:$0x3FB8];
	_ =	sdelay $0x3  }
0x36: {  	p1 =	seq.s32 s10, $0x1;
	s10 =	sld [smem:$0x3FB9];
	_ =	sdelay $0x3  }
0x37: {  	[smem:$0x3FB9] =	sst s10  }
0x38: {  	s10 =	sld [smem:$0x3FBA]  }
0x39: {  	_ = 	snop;
	(pc) =	sbr.ind lr, $3  }
0x3a: {  	_ = 	snop  }
0x3b: {  	_ = 	snop  }
0x3c: {  	p2 =	seq.s32 s10, $0x1;
	s10 =	sld [smem:$0x3FB9]  }
0x3d: {  	_ =	shalt  }
0x3e: {  	_ =	shalt  }
0x3f: {  	_ =	shalt  }
0x40: {  	_ =	shalt  }
0x41: {  	_ =	shalt  }
0x42: {  	_ =	shalt  }
0x43: {  	_ =	shalt  }
0x44: {  	_ =	shalt  }
0x45: {  	_ =	shalt  }
0x46: {  	_ =	shalt  }
0x47: {  	_ =	shalt  }
0x48: {  	_ =	shalt  }
0x49: {  	_ =	shalt  }
0x4a: {  	_ =	shalt  }
0x4b: {  	_ =	shalt  }
0x4c: {  	_ =	shalt  }
0x4d: {  	_ =	shalt  }
0x4e: {  	_ =	shalt  }
0x4f: {  	_ =	shalt  }
0x50: {  	_ =	shalt  }
0x51: {  	_ =	shalt  }
0x52: {  	_ =	shalt  }
0x53: {  	_ =	shalt  }
0x54: {  	_ =	shalt  }
0x55: {  	_ =	shalt  }
0x56: {  	_ =	shalt  }
0x57: {  	_ =	shalt  }
0x58: {  	_ =	shalt  }
0x59: {  	_ =	shalt  }
0x5a: {  	_ =	shalt  }
0x5b: {  	_ =	shalt  }
0x5c: {  	_ =	shalt  }
0x5d: {  	_ =	shalt  }
0x5e: {  	_ =	shalt  }
0x5f: {  	_ =	shalt  }
0x60: {  	_ =	shalt  }
0x61: {  	_ =	shalt  }
0x62: {  	_ =	shalt  }
0x63: {  	_ =	shalt  }
0x64: {  	_ =	shalt  }
0x65: {  	_ =	shalt  }
0x66: {  	_ =	shalt  }
0x67: {  	_ =	shalt  }
0x68: {  	_ =	shalt  }
0x69: {  	_ =	shalt  }
0x6a: {  	_ =	shalt  }
0x6b: {  	_ =	shalt  }
0x6c: {  	_ =	shalt  }
0x6d: {  	_ =	shalt  }
0x6e: {  	_ =	shalt  }
0x6f: {  	_ =	shalt  }
0x70: {  	_ =	shalt  }
0x71: {  	_ =	shalt  }
0x72: {  	_ =	shalt  }
0x73: {  	_ =	shalt  }
0x74: {  	_ =	shalt  }
0x75: {  	_ =	shalt  }
0x76: {  	_ =	shalt  }
0x77: {  	_ =	shalt  }
0x78: {  	_ =	shalt  }
0x79: {  	_ =	shalt  }
0x7a: {  	_ =	shalt  }
0x7b: {  	_ =	shalt  }
0x7c: {  	_ =	shalt  }
0x7d: {  	_ =	shalt  }
0x7e: {  	_ =	shalt  }
0x7f: {  	_ =	shalt  }
0x80: {  	_ =	shalt  }
0x81: {  	_ =	shalt  }
0x82: {  	_ =	shalt  }
0x83: {  	_ =	shalt  }
0x84: {  	_ =	shalt  }
0x85: {  	_ =	shalt  }
0x86: {  	_ =	shalt  }
0x87: {  	_ =	shalt  }
.Lfunc_end0:
.L_simem_size_0:
called_computation_lowered:
.L_overlay_start_0:
0x88: {  	s2 =	sld [smem:$0x3FD9]  }
0x89: {  	s3 =	sld [smem:$0x3FFE];
	_ =	sdelay $0x1  }
0x8a: {  	s1 =	srdreg.scid  }
0x8b: {  	s0 =	sand.u32 $0x1, s1  }
0x8c: {  	s16 =	sshll.u32 s0, $0xA;
	s2 =	sadd.s32 s3, s2  }
0x8d: {  	s2 =	sadd.s32 s2, s16  }
0x8e: {  	[smem:$0x3FC5] =	sst s2  }
0x8f: {  	_ = 	snop  }
0x90: {  	(tm) =	ssettm $0x1  }
0x91: {  	s17 =	sld [smem:$0x3FFB];
	_ =	sdelay $0x3  }
0x92: {  	_ =	strace s17  }
0x93: {  	s2 =	sld [smem:$0x3FFC];
	_ =	sdelay $0x3  }
0x94: {  	_ =	strace s2  }
0x95: {  	s2 =	sld [smem:$0x3FFD];
	_ =	sdelay $0x3  }
0x96: {  	_ =	strace s2  }
0x97: {  	_ =	strace $0x8FFFFFFF  }
0x98: {  	s18 =	sld [smem:$0x3FDB];
	_ =	sdelay $0x1  }
0x99: {  	s19 =	simm.s32 $_scs_section_size  }
0x9a: {  	s4 =	simm.s32 $_size__tile_overlayer_lowered;
	s5 =	simm.s32 $_tile_overlayer_lowered  }
0x9b: {  	s22 =	simm.s32 $0x1BFF;
	s21 =	sshll.u32 s5, $0x1;
	s2 =	sadd.s32 s19, s18  }
0x9c: {  	s6 =	simm.s32 $0x0;
	s20 =	sshll.u32 s4, $0x1;
	s4 =	sadd.s32 s21, s2  }
0x9d: {  	[timem:s6], [sflag:s22] =	dma.local [hbm:s4], s20  }
0x9e: {  	_ =	swait.ge [sflag:s22], s20  }
0x9f: {  	s3 =	ssub.s32 $0x0, s20;
	[sflag:s22] =	ssyncset.done $0x0  }
0xa0: {  	[sflag:s22] =	ssyncadd.s32 s3;
	_ =	sdelay $0x1  }
0xa1: {  	s23 =	simm.s32 $0x1B8B  }
0xa2: {  	_ =	swait.ge [sflag:s23], $0x1  }
0xa3: {  	[sflag:s23] =	ssyncset.done $0x0  }
0xa4: {  	s25 =	simm.s32 $0x1B8E;
	s24 =	sld [smem:$0x3FFE];
	[sflag:s23] =	ssyncadd.s32 $0xFFFFFFFF  }
0xa5: {  	s26 =	simm.s32 $execute0_lowered;
	[smem:$0x3FD2] =	sst s25  }
0xa6: {  	s4 =	sshll.u32 s26, $0x1;
	_ =	strace $0x80000046;
	[dreg:$0x1] =	wrdreg $0xFFFFFFFF  }
0xa7: {  	s28 =	simm.s32 $_size_execute0_lowered;
	s2 =	sadd.s32 s2, s4;
	[dreg:$0x0] =	wrdreg $0x0  }
0xa8: {  	s4 =	sshll.u32 s28, $0x1;
	[dreg:$0x2] =	wrdreg s2  }
0xa9: {  	[dreg:$0x3] =	wrdreg s4  }
0xaa: {  	[dreg:$0x4] =	wrdreg $0xC0  }
0xab: {  	_ =	task [dreg:s6], $0x5FFFF  }
0xac: {  	[dreg:$0x1] =	wrdreg $0xFFFFFFFF  }
0xad: {  	[dreg:$0x0] =	wrdreg $0x60  }
0xae: {  	[dreg:$0x2] =	wrdreg s24  }
0xaf: {  	[dreg:$0x3] =	wrdreg $0x9  }
0xb0: {  	_ =	task.clear_ibuf [dreg:s6], $0x4FFFF;
	_ =	strace $0x90000046  }
0xb1: {  	s29 =	simm.s32 $0x9;
	_ =	strace $0x80000048  }
0xb2: {  	_ =	swait.ge [sflag:s29], $0x1  }
0xb3: {  	[sflag:s29] =	ssyncadd.s32 $0xFFFFFFFF  }
0xb4: {  	_ =	strace $0x90000048  }
0xb5: {  	_ =	sfence  }
0xb6: {  	s30 =	sld [smem:$0x0];
	_ =	sdelay $0x2  }
0xb7: {  	s31 =	sshll.u32 s1, $0xD;
	s1 =	sshrl.u32 s1, $0x2  }
0xb8: {  	s3 =	sand.u32 $0x4000, s31;
	s1 =	sadd.s32 s1, s30  }
0xb9: {  	s0 =	sor.u32 s3, s0;
	s1 =	sshll.u32 s1, $0x11  }
0xba: {  	s0 =	sor.u32 s1, s0  }
0xbb: {  	s0 =	sadd.s32 $0x8F2B, s0  }
0xbc: {  	[sflag:s0] =	ssyncadd.remote.s32 $0x1  }
0xbd: {  	_ =	sfence.sel $0xFFFF  }
0xbe: {  	[dreg:$0x0] =	wrdreg $0xFFFFFFFF;
	(pc) =	sbr.abs _section_cstart, $3  }
0xbf: {  	[dreg:$0x1] =	wrdreg $0xFFFFFFFF  }
0xc0: {  	_ =	task.clear_ibuf [dreg:s6], $0x2FFFF;
	_ =	strace $0x9FFFFFFF  }
0xc1: {  	(tm) =	ssettm $0x7FFFFFFF  }
tec
execute0_lowered:
.L_overlay_start_1:
0x0: {  	(tag) =	ssettag $0x1  }
0x1: {  	s5 =	rddreg [dreg:$0x0]  }
0x2: {  	s0 =	rddreg [dreg:$0x1];
	s2 =	simm.s32 $0x0;
	s1 =	stileid.u32  }
0x3: {  	s3 =	srdreg.scid;
	s11 =	simm.s32 $0x1;
	s12 =	simm.s32 $0xD300  }
0x4: {  	s13 =	simm.s32 $0x0;
	[smem:$0x7FF] =	sst s2;
	s6 =	sand.u32 $0x1, s3  }
0x5: {  	s3 =	sshll.u32 s1, $0x1;
	s4 =	sshll.u32 s1, $0x7;
	s8 =	sshrl.u32 s1, $0x2  }
0x6: {  	p0 =	sgt.u32 s1, $0x9;
	_ =	strace $0x80000047;
	s7 =	sor.u32 s6, s3  }
0x7: {  	s9 =	sand.u32 $0x600, s4;
	s8 =	smul.u32 $0x69800, s8;
	s4 =	sadd.s32 $0xF43C00, s5  }
0x8: {  	s6 =	ssub.s32 $0x2, s6;
	s10 =	sshll.u32 s7, $0x7;
	s9 =	sadd.s32 s9, s5  }
.Ltmp0:
0x9: {  	s7 =	sshll.u32 s7, $0x4;
	s5 =	sand.u32 $0x380, s10;
	(pc) =	sbr.rel .LBB2_1-.Ltmp0, $4  }
0xa: {  	s30 =	sshrl.u32 s6, $0x1;
	s7 =	sand.u32 $0x70, s7;
	s8 =	sor.u32 s5, s8  }
0xb: {  	s10 =	ssub.s32 s6, s30;
	s7 =	sadd.s32 s7, s9;
	s8 =	sadd.s32 $0x18BA000, s8  }
0xc: {  	v0 =	vlaneseq.u32;
	s9 =	simm.s32 $0x80;
	s7 =	sadd.s32 $0x1800, s7;
	s31 =	sshrl.u32 s8, $0x3  }
0xd: {  	v0 =	vmul.u32 $0x1B, v0;
	s8 =	smax.u32 s10, $0x1;
	s10 =	simm.s32 $0x400;
	s6 =	sadd.s32 s4, s31  }
.LBB2_9:
0xe: {  	s13 =	sadd.s32 $0x1, s13  }
0xf: {  	p1 =	sne.s32 s13, s8  }
.Ltmp1:
0x10: {  	_ = 	snop;
	(pc) =	sbr.rel @!p1 .LBB2_10-.Ltmp1, $4  }
0x11: {  	[hbm4b:s7+s9] =	stream.strided.scatter [tilespmem:s12], [sflag:$0x1], $0x200, s10, s9, $0x38;
	[tilespmem:$0xD500] =	vst v63  }
0x12: {  	_ =	swait.ge [sflag:s11], $0x200  }
0x13: {  	[sflag:s11] =	ssyncset.done $0x0  }
0x14: {  	[sflag:s11] =	ssyncadd.s32 $0xFFFFFE00  }
.LBB2_1:
0x15: {  	v1 =	vimm.f32 $0.0e+00;
	v17 =	vimm.f32 $0.0e+00;
	v18 =	vimm.f32 $0.0e+00  }
0x16: {  	v2 =	vimm.f32 $0.0e+00;
	v3 =	vimm.f32 $0.0e+00;
	v20 =	vimm.f32 $0.0e+00  }
0x17: {  	v4 =	vimm.f32 $0.0e+00;
	v5 =	vimm.f32 $0.0e+00;
	v6 =	vimm.f32 $0.0e+00  }
0x18: {  	v7 =	vimm.f32 $0.0e+00;
	v8 =	vimm.f32 $0.0e+00;
	v9 =	vimm.f32 $0.0e+00  }
0x19: {  	v10 =	vimm.f32 $0.0e+00;
	v11 =	vimm.f32 $0.0e+00;
	v12 =	vimm.f32 $0.0e+00  }
0x1a: {  	v13 =	vimm.f32 $0.0e+00;
	v19 =	vimm.f32 $0.0e+00;
	v21 =	vimm.f32 $0.0e+00  }
0x1b: {  	v14 =	vimm.f32 $0.0e+00;
	v15 =	vimm.f32 $0.0e+00;
	v25 =	vimm.f32 $0.0e+00  }
0x1c: {  	v16 =	vimm.f32 $0.0e+00;
	v23 =	vimm.f32 $0.0e+00;
	v24 =	vimm.f32 $0.0e+00  }
0x1d: {  	v22 =	vimm.f32 $0.0e+00;
	v26 =	vimm.f32 $0.0e+00;
	v27 =	vimm.f32 $0.0e+00;
	s14 =	simm.s32 $0x0  }
.LBB2_2:
0x1e: {  	s15 =	sshll.u32 s14, $0x5  }
0x1f: {  	s15 =	sor.u32 s3, s15  }
0x20: {  	s15 =	sshrl.u32 s15, $0x3  }
0x21: {  	s15 =	smul.u32 $0x69800, s15;
	_ =	sdelay $0x1  }
0x22: {  	s15 =	sor.u32 s5, s15  }
0x23: {  	s20 =	simm.s32 $0x0;
	s15 =	sshrl.u32 s15, $0x3  }
0x24: {  	s16 =	simm.s32 $0x1;
	s21 =	simm.s32 $0x6;
	v28 =	vadd.s32 s20, v0;
	s15 =	sadd.s32 s4, s15  }
0x25: {  	v29 =	vadd.s32 s16, v0;
	[tilespmem:s2], [sflag:$0x1] =	stream.strided.gather [hbm4b:s15+s9], $0xD300, s10, s9, $0x38;
	[tilespmem:$0xD500] =	vst v63  }
0x26: {  	s22 =	simm.s32 $0x3;
	v30 =	vadd.s32 s21, v0;
	_ =	swait.ge [sflag:s11], $0xD300  }
0x27: {  	s23 =	simm.s32 $0x4;
	v31 =	vadd.s32 s22, v0;
	[sflag:s11] =	ssyncset.done $0x0  }
0x28: {  	s28 =	simm.s32 $0xA;
	v32 =	vadd.s32 s23, v0;
	[sflag:s11] =	ssyncadd.s32 $0xFFFF2D00  }
0x29: {  	s30 =	simm.s32 $0x18;
	v37 =	vadd.s32 s28, v0;
	v34 =	vld.idx.msk [tilespmem:v28+s2+$0x0], $0xffff  }
0x2a: {  	s31 =	simm.s32 $0x19;
	v39 =	vadd.s32 s30, v0;
	v35 =	vld.idx.msk [tilespmem:v29+s2+$0x0], $0xffff  }
0x2b: {  	s17 =	simm.s32 $0x16;
	v40 =	vadd.s32 s31, v0;
	v36 =	vld.idx.msk [tilespmem:v30+s2+$0x0], $0xffff  }
0x2c: {  	v42 =	vadd.s32 s17, v0;
	s22 =	simm.s32 $0x12;
	v38 =	vld.idx.msk [tilespmem:v31+s2+$0x0], $0xffff  }
0x2d: {  	s25 =	simm.s32 $0x9;
	v46 =	vadd.s32 s22, v0;
	v32 =	vld.idx.msk [tilespmem:v32+s2+$0x0], $0xffff  }
0x2e: {  	s26 =	simm.s32 $0x15;
	v28 =	vadd.s32 s25, v0;
	v45 =	vld.idx.msk [tilespmem:v37+s2+$0x0], $0xffff  }
0x2f: {  	s29 =	simm.s32 $0x2;
	v29 =	vadd.s32 s26, v0;
	v50 =	vld.idx.msk [tilespmem:v39+s2+$0x0], $0xffff  }
0x30: {  	s24 =	simm.s32 $0xC;
	v31 =	vadd.s32 s29, v0;
	v40 =	vld.idx.msk [tilespmem:v40+s2+$0x0], $0xffff  }
0x31: {  	v33 =	vadd.s32 s24, v0;
	s21 =	simm.s32 $0x10;
	s23 =	simm.s32 $0x13;
	s24 =	simm.s32 $0x1A;
	v42 =	vld.idx.msk [tilespmem:v42+s2+$0x0], $0xffff  }
0x32: {  	s18 =	simm.s32 $0x7;
	s28 =	simm.s32 $0x5;
	s30 =	simm.s32 $0x8;
	v63 =	vadd.s32 s21, v0;
	v47 =	vadd.s32 s23, v0;
	v49 =	vadd.s32 s24, v0;
	v46 =	vld.idx.msk [tilespmem:v46+s2+$0x0], $0xffff  }
0x33: {  	s20 =	simm.s32 $0xF;
	v57 =	vadd.s32 s28, v0;
	v52 =	vadd.s32 s30, v0;
	s26 =	simm.s32 $0xB;
	v41 =	vld.idx.msk [tilespmem:v28+s2+$0x0], $0xffff;
	v28 =	vadd.s32 s18, v0;
	s18 =	simm.s32 $0x14  }
0x34: {  	s19 =	simm.s32 $0xD;
	v30 =	vadd.s32 s20, v0;
	s25 =	simm.s32 $0x17;
	v51 =	vadd.s32 s26, v0;
	v43 =	vld.idx.msk [tilespmem:v29+s2+$0x0], $0xffff;
	v44 =	vadd.s32 s18, v0  }
0x35: {  	s29 =	simm.s32 $0xE;
	v29 =	vadd.s32 s19, v0;
	v48 =	vld.idx.msk [tilespmem:v31+s2+$0x0], $0xffff;
	v31 =	vadd.s32 s25, v0;
	v34 =	vand.u32 $0x7FFFFFFF, v34  }
0x36: {  	v55 =	vand.u32 $0x7FFFFFFF, v35;
	v56 =	vand.u32 $0x7FFFFFFF, v36;
	v35 =	vadd.s32 s29, v0  }
0x37: {  	v33 =	vld.idx.msk [tilespmem:v33+s2+$0x0], $0xffff;
	v58 =	vand.u32 $0x7FFFFFFF, v38;
	v32 =	vand.u32 $0x7FFFFFFF, v32;
	v61 =	vand.u32 $0x7FFFFFFF, v50  }
0x38: {  	v62 =	vand.u32 $0x7FFFFFFF, v40;
	v36 =	vld.idx.msk [tilespmem:v63+s2+$0x0], $0xffff;
	v40 =	vand.u32 $0x7FFFFFFF, v42;
	v63 =	vand.u32 $0x7FFFFFFF, v45  }
0x39: {  	s31 =	simm.s32 $0x11;
	v42 =	vand.u32 $0x7FFFFFFF, v46;
	v27 =	vmax.f32 v27, v34;
	v26 =	vmax.f32 v26, v55;
	v44 =	vld.idx.msk [tilespmem:v44+s2+$0x0], $0xffff  }
0x3a: {  	v39 =	vld.idx.msk [tilespmem:v49+s2+$0x0], $0xffff;
	v25 =	vmax.f32 v25, v56;
	v24 =	vmax.f32 v24, v58;
	v34 =	vadd.s32 s31, v0  }
0x3b: {  	v37 =	vld.idx.msk [tilespmem:v52+s2+$0x0], $0xffff;
	v23 =	vmax.f32 v23, v32;
	v18 =	vmax.f32 v18, v61;
	v17 =	vmax.f32 v17, v62  }
0x3c: {  	v38 =	vld.idx.msk [tilespmem:v57+s2+$0x0], $0xffff;
	v19 =	vmax.f32 v19, v63;
	v59 =	vand.u32 $0x7FFFFFFF, v43;
	v60 =	vand.u32 $0x7FFFFFFF, v48  }
0x3d: {  	v32 =	vld.idx.msk [tilespmem:v51+s2+$0x0], $0xffff;
	v41 =	vand.u32 $0x7FFFFFFF, v41;
	v43 =	vand.u32 $0x7FFFFFFF, v33;
	v20 =	vmax.f32 v20, v59  }
0x3e: {  	s15 =	simm.s32 $0x1CA;
	v33 =	vld.idx.msk [tilespmem:v47+s2+$0x0], $0xffff;
	v22 =	vmax.f32 v22, v60;
	v21 =	vmax.f32 v21, v41;
	v41 =	vand.u32 $0x7FFFFFFF, v44  }
.LBB2_3:
0x3f: {  	s16 =	sadd.s32 $0xFFFFFFE6, s15  }
0x40: {  	s17 =	sadd.s32 $0xFFFFFFE7, s15;
	s21 =	sadd.s32 $0xFFFFFFE8, s15;
	v12 =	vmax.f32 v12, v43;
	v43 =	vld.idx.msk [tilespmem:v35+s2+$0x0], $0xffff;
	v6 =	vmax.f32 v6, v42;
	v35 =	vand.u32 $0x7FFFFFFF, v39;
	s18 =	smov.u32 s15  }
0x41: {  	s19 =	sadd.s32 $0xFFFFFFEA, s15;
	v3 =	vmax.f32 v3, v40;
	v39 =	vadd.s32 s16, v0;
	v42 =	vadd.s32 s17, v0;
	s16 =	sadd.s32 $0xFFFFFFE9, s15;
	s17 =	sadd.s32 $0xFFFFFFEB, s15;
	v44 =	vld.idx.msk [tilespmem:v29+s2+$0x0], $0xffff  }
0x42: {  	s20 =	sadd.s32 $0xFFFFFFED, s15;
	v4 =	vmax.f32 v4, v41;
	v45 =	vadd.s32 s19, v0;
	s19 =	sadd.s32 $0xFFFFFFEC, s15;
	v40 =	vadd.s32 s16, v0;
	s16 =	sadd.s32 $0xFFFFFFEE, s15;
	v46 =	vld.idx.msk [tilespmem:v30+s2+$0x0], $0xffff  }
0x43: {  	s22 =	sadd.s32 $0xFFFFFFEF, s15;
	s23 =	sadd.s32 $0xFFFFFFF0, s15;
	v38 =	vand.u32 $0x7FFFFFFF, v38;
	v41 =	vadd.s32 s19, v0;
	s19 =	sadd.s32 $0xFFFFFFF1, s15;
	v47 =	vld.idx.msk [tilespmem:v28+s2+$0x0], $0xffff;
	v28 =	vadd.s32 s20, v0  }
0x44: {  	v48 =	vadd.s32 s22, v0;
	v49 =	vadd.s32 s23, v0;
	s22 =	sadd.s32 $0xFFFFFFF3, s15;
	s23 =	sadd.s32 $0xFFFFFFF4, s15;
	v36 =	vand.u32 $0x7FFFFFFF, v36;
	s20 =	sadd.s32 $0xFFFFFFF2, s15;
	v50 =	vld.idx.msk [tilespmem:v31+s2+$0x0], $0xffff  }
0x45: {  	s24 =	sadd.s32 $0xFFFFFFF6, s15;
	v29 =	vadd.s32 s22, v0;
	s22 =	sadd.s32 $0xFFFFFFF5, s15;
	v51 =	vadd.s32 s20, v0;
	s20 =	sadd.s32 $0xFFFFFFF7, s15;
	v31 =	vand.u32 $0x7FFFFFFF, v37;
	v34 =	vld.idx.msk [tilespmem:v34+s2+$0x0], $0xffff  }
0x46: {  	s25 =	sadd.s32 $0xFFFFFFFA, s15;
	v52 =	vadd.s32 s24, v0;
	s24 =	sadd.s32 $0xFFFFFFF9, s15;
	v30 =	vadd.s32 s22, v0;
	s22 =	sadd.s32 $0xFFFFFFF8, s15;
	v14 =	vmax.f32 v14, v31;
	v37 =	vld.idx.msk [tilespmem:v39+s2+$0x0], $0xffff  }
0x47: {  	p1 =	sne.s32 s15, $0xD15A;
	v1 =	vmax.f32 v1, v35;
	v53 =	vadd.s32 s24, v0;
	s15 =	sadd.s32 $0x1B0, s15;
	v39 =	vld.idx.msk [tilespmem:v42+s2+$0x0], $0xffff;
	v42 =	vadd.s32 s22, v0;
	s22 =	sadd.s32 $0xFFFFFFFB, s18  }
0x48: {  	v54 =	vadd.s32 s21, v0;
	s21 =	sadd.s32 $0xFFFFFFFC, s18;
	v16 =	vmax.f32 v16, v38;
	v41 =	vld.idx.msk [tilespmem:v41+s2+$0x0], $0xffff;
	v55 =	vadd.s32 s22, v0;
	s22 =	sadd.s32 $0xFFFFFFFD, s18  }
0x49: {  	v35 =	vand.u32 $0x7FFFFFFF, v47;
	v38 =	vld.idx.msk [tilespmem:v40+s2+$0x0], $0xffff;
	v40 =	vadd.s32 s21, v0;
	v31 =	vadd.s32 s22, v0;
	s21 =	sadd.s32 $0xFFFFFFFE, s18;
	s22 =	sadd.s32 $0xFFFFFFFF, s18  }
0x4a: {  	v32 =	vand.u32 $0x7FFFFFFF, v32;
	v45 =	vld.idx.msk [tilespmem:v45+s2+$0x0], $0xffff;
	v47 =	vadd.s32 s21, v0;
	v56 =	vadd.s32 s22, v0  }
0x4b: {  	v57 =	vadd.s32 s25, v0;
	v15 =	vmax.f32 v15, v35;
	v34 =	vand.u32 $0x7FFFFFFF, v34;
	v51 =	vld.idx.msk [tilespmem:v51+s2+$0x0], $0xffff  }
0x4c: {  	v8 =	vmax.f32 v8, v36;
	v35 =	vadd.s32 s23, v0;
	v37 =	vand.u32 $0x7FFFFFFF, v37;
	v48 =	vld.idx.msk [tilespmem:v48+s2+$0x0], $0xffff  }
0x4d: {  	v33 =	vand.u32 $0x7FFFFFFF, v33;
	v27 =	vmax.f32 v27, v37;
	v36 =	vand.u32 $0x7FFFFFFF, v39;
	v37 =	vld.idx.msk [tilespmem:v55+s2+$0x0], $0xffff  }
0x4e: {  	v39 =	vand.u32 $0x7FFFFFFF, v43;
	v26 =	vmax.f32 v26, v36;
	v36 =	vand.u32 $0x7FFFFFFF, v41;
	v41 =	vld.idx.msk [tilespmem:v49+s2+$0x0], $0xffff  }
0x4f: {  	v44 =	vand.u32 $0x7FFFFFFF, v44;
	v25 =	vmax.f32 v25, v36;
	v36 =	vadd.s32 s18, v0;
	v43 =	vld.idx.msk [tilespmem:v54+s2+$0x0], $0xffff  }
0x50: {  	v5 =	vmax.f32 v5, v33;
	v7 =	vmax.f32 v7, v34;
	v49 =	vadd.s32 s19, v0;
	v47 =	vld.idx.msk [tilespmem:v47+s2+$0x0], $0xffff  }
0x51: {  	v46 =	vand.u32 $0x7FFFFFFF, v46;
	v33 =	vand.u32 $0x7FFFFFFF, v38;
	v38 =	vadd.s32 s17, v0;
	v54 =	vld.idx.msk [tilespmem:v56+s2+$0x0], $0xffff  }
0x52: {  	v34 =	vadd.s32 s20, v0;
	v24 =	vmax.f32 v24, v33;
	v33 =	vld.idx.msk [tilespmem:v40+s2+$0x0], $0xffff;
	v40 =	vand.u32 $0x7FFFFFFF, v50  }
0x53: {  	v13 =	vmax.f32 v13, v32;
	v11 =	vmax.f32 v11, v44;
	v50 =	vadd.s32 s16, v0;
	v55 =	vld.idx.msk [tilespmem:v57+s2+$0x0], $0xffff  }
0x54: {  	v10 =	vmax.f32 v10, v39;
	v32 =	vand.u32 $0x7FFFFFFF, v45;
	v37 =	vand.u32 $0x7FFFFFFF, v37;
	v42 =	vld.idx.msk [tilespmem:v42+s2+$0x0], $0xffff  }
0x55: {  	v9 =	vmax.f32 v9, v46;
	v23 =	vmax.f32 v23, v32;
	v2 =	vmax.f32 v2, v40;
	v39 =	vld.idx.msk [tilespmem:v36+s2+$0x0], $0xffff  }
.Ltmp2:
0x56: {  	v20 =	vmax.f32 v20, v37;
	v36 =	vand.u32 $0x7FFFFFFF, v43;
	v37 =	vand.u32 $0x7FFFFFFF, v47;
	v32 =	vld.idx.msk [tilespmem:v49+s2+$0x0], $0xffff;
	(pc) =	sbr.rel @p1 .LBB2_3-.Ltmp2, $4  }
0x57: {  	v22 =	vmax.f32 v22, v36;
	v18 =	vmax.f32 v18, v37;
	v37 =	vand.u32 $0x7FFFFFFF, v54;
	v38 =	vld.idx.msk [tilespmem:v38+s2+$0x0], $0xffff  }
0x58: {  	v43 =	vand.u32 $0x7FFFFFFF, v48;
	v40 =	vand.u32 $0x7FFFFFFF, v33;
	v17 =	vmax.f32 v17, v37;
	v36 =	vld.idx.msk [tilespmem:v52+s2+$0x0], $0xffff  }
0x59: {  	v21 =	vmax.f32 v21, v43;
	v33 =	vand.u32 $0x7FFFFFFF, v41;
	v41 =	vand.u32 $0x7FFFFFFF, v55;
	v37 =	vld.idx.msk [tilespmem:v50+s2+$0x0], $0xffff  }
0x5a: {  	v43 =	vand.u32 $0x7FFFFFFF, v51;
	v19 =	vmax.f32 v19, v33;
	v42 =	vand.u32 $0x7FFFFFFF, v42;
	v33 =	vld.idx.msk [tilespmem:v53+s2+$0x0], $0xffff  }
0x5b: {  	_ =	sdelay $0x3  }
0x5c: {  	v35 =	vld.idx.msk [tilespmem:v35+s2+$0x0], $0xffff  }
0x5d: {  	v28 =	vld.idx.msk [tilespmem:v28+s2+$0x0], $0xffff  }
0x5e: {  	v12 =	vmax.f32 v12, v43;
	v34 =	vld.idx.msk [tilespmem:v34+s2+$0x0], $0xffff  }
0x5f: {  	v6 =	vmax.f32 v6, v42;
	v39 =	vand.u32 $0x7FFFFFFF, v39;
	v29 =	vld.idx.msk [tilespmem:v29+s2+$0x0], $0xffff;
	v3 =	vmax.f32 v3, v40  }
0x60: {  	v4 =	vmax.f32 v4, v41;
	v31 =	vld.idx.msk [tilespmem:v31+s2+$0x0], $0xffff;
	v32 =	vand.u32 $0x7FFFFFFF, v32;
	v38 =	vand.u32 $0x7FFFFFFF, v38  }
0x61: {  	v30 =	vld.idx.msk [tilespmem:v30+s2+$0x0], $0xffff;
	s14 =	sadd.s32 $0x1, s14;
	v1 =	vmax.f32 v1, v39;
	v13 =	vmax.f32 v13, v32;
	v36 =	vand.u32 $0x7FFFFFFF, v36  }
0x62: {  	p1 =	sne.s32 s14, $0xF;
	v16 =	vmax.f32 v16, v38;
	v37 =	vand.u32 $0x7FFFFFFF, v37;
	v8 =	vmax.f32 v8, v36  }
.Ltmp3:
0x63: {  	v14 =	vmax.f32 v14, v37;
	v33 =	vand.u32 $0x7FFFFFFF, v33;
	v28 =	vand.u32 $0x7FFFFFFF, v28;
	(pc) =	sbr.rel @p1 .LBB2_2-.Ltmp3, $4  }
0x64: {  	v62 =	vand.u32 $0x7FFFFFFF, v35;
	v29 =	vand.u32 $0x7FFFFFFF, v29;
	v5 =	vmax.f32 v5, v33  }
0x65: {  	v63 =	vand.u32 $0x7FFFFFFF, v31;
	v15 =	vmax.f32 v15, v28;
	v28 =	vand.u32 $0x7FFFFFFF, v34  }
0x66: {  	v11 =	vmax.f32 v11, v29;
	v7 =	vmax.f32 v7, v28;
	v28 =	vand.u32 $0x7FFFFFFF, v30  }
0x67: {  	v10 =	vmax.f32 v10, v62;
	v2 =	vmax.f32 v2, v63;
	v9 =	vmax.f32 v9, v28  }
0x68: {  	[tilespmem:$0xD300] =	vst v27  }
0x69: {  	[tilespmem:$0xD310] =	vst v26  }
0x6a: {  	[tilespmem:$0xD320] =	vst v22  }
0x6b: {  	[tilespmem:$0xD330] =	vst v24  }
0x6c: {  	[tilespmem:$0xD340] =	vst v23  }
0x6d: {  	[tilespmem:$0xD350] =	vst v16  }
0x6e: {  	[tilespmem:$0xD360] =	vst v25  }
0x6f: {  	[tilespmem:$0xD370] =	vst v15  }
0x70: {  	[tilespmem:$0xD380] =	vst v14  }
0x71: {  	[tilespmem:$0xD390] =	vst v21  }
0x72: {  	[tilespmem:$0xD3A0] =	vst v19  }
0x73: {  	[tilespmem:$0xD3B0] =	vst v13  }
0x74: {  	[tilespmem:$0xD3C0] =	vst v12  }
0x75: {  	[tilespmem:$0xD3D0] =	vst v11  }
0x76: {  	[tilespmem:$0xD3E0] =	vst v10  }
0x77: {  	[tilespmem:$0xD3F0] =	vst v9  }
0x78: {  	[tilespmem:$0xD400] =	vst v8  }
0x79: {  	[tilespmem:$0xD410] =	vst v7  }
0x7a: {  	[tilespmem:$0xD420] =	vst v6  }
0x7b: {  	[tilespmem:$0xD430] =	vst v5  }
0x7c: {  	[tilespmem:$0xD440] =	vst v4  }
0x7d: {  	[tilespmem:$0xD450] =	vst v20  }
.Ltmp4:
0x7e: {  	[tilespmem:$0xD460] =	vst v3;
	(pc) =	sbr.rel @p0 .LBB2_9-.Ltmp4, $4  }
0x7f: {  	[tilespmem:$0xD470] =	vst v2  }
0x80: {  	[tilespmem:$0xD480] =	vst v18  }
0x81: {  	[tilespmem:$0xD490] =	vst v17  }
0x82: {  	[tilespmem:$0xD4A0] =	vst v1  }
0x83: {  	[tilespmem:s2], [sflag:$0x1] =	stream.strided.gather [hbm4b:s6+s9], $0xD300, s10, s9, $0x38;
	[tilespmem:$0xD500] =	vst v63  }
0x84: {  	s14 =	simm.s32 $0x0  }
0x85: {  	s15 =	simm.s32 $0x1;
	v28 =	vadd.s32 s14, v0  }
0x86: {  	s23 =	simm.s32 $0x6;
	v29 =	vadd.s32 s15, v0  }
0x87: {  	s24 =	simm.s32 $0x3;
	_ =	swait.ge [sflag:s11], $0xD300;
	v30 =	vadd.s32 s23, v0  }
0x88: {  	s25 =	simm.s32 $0x4;
	v31 =	vadd.s32 s24, v0;
	[sflag:s11] =	ssyncset.done $0x0  }
0x89: {  	s30 =	simm.s32 $0xA;
	v32 =	vadd.s32 s25, v0;
	[sflag:s11] =	ssyncadd.s32 $0xFFFF2D00  }
0x8a: {  	s16 =	simm.s32 $0x18;
	v37 =	vadd.s32 s30, v0;
	v34 =	vld.idx.msk [tilespmem:v28+s2+$0x0], $0xffff  }
0x8b: {  	s17 =	simm.s32 $0x19;
	v39 =	vadd.s32 s16, v0;
	v35 =	vld.idx.msk [tilespmem:v29+s2+$0x0], $0xffff  }
0x8c: {  	s16 =	simm.s32 $0x16;
	v40 =	vadd.s32 s17, v0;
	v36 =	vld.idx.msk [tilespmem:v30+s2+$0x0], $0xffff  }
0x8d: {  	s28 =	simm.s32 $0x9;
	v41 =	vadd.s32 s16, v0;
	v38 =	vld.idx.msk [tilespmem:v31+s2+$0x0], $0xffff  }
0x8e: {  	s29 =	simm.s32 $0x15;
	v28 =	vadd.s32 s28, v0;
	v32 =	vld.idx.msk [tilespmem:v32+s2+$0x0], $0xffff  }
0x8f: {  	s31 =	simm.s32 $0x2;
	v29 =	vadd.s32 s29, v0;
	v45 =	vld.idx.msk [tilespmem:v37+s2+$0x0], $0xffff  }
0x90: {  	s26 =	simm.s32 $0xC;
	s17 =	simm.s32 $0x14;
	v31 =	vadd.s32 s31, v0;
	v39 =	vld.idx.msk [tilespmem:v39+s2+$0x0], $0xffff  }
0x91: {  	s21 =	simm.s32 $0x10;
	s22 =	simm.s32 $0x12;
	v33 =	vadd.s32 s26, v0;
	s23 =	simm.s32 $0x13;
	v44 =	vadd.s32 s17, v0;
	v40 =	vld.idx.msk [tilespmem:v40+s2+$0x0], $0xffff  }
0x92: {  	s24 =	simm.s32 $0x1A;
	v63 =	vadd.s32 s21, v0;
	v46 =	vadd.s32 s22, v0;
	s26 =	simm.s32 $0xB;
	s30 =	simm.s32 $0x8;
	v47 =	vadd.s32 s23, v0;
	v52 =	vld.idx.msk [tilespmem:v41+s2+$0x0], $0xffff  }
0x93: {  	s18 =	simm.s32 $0x7;
	s20 =	simm.s32 $0xF;
	v49 =	vadd.s32 s24, v0;
	v50 =	vadd.s32 s26, v0;
	v53 =	vadd.s32 s30, v0;
	s28 =	simm.s32 $0x5;
	v42 =	vld.idx.msk [tilespmem:v28+s2+$0x0], $0xffff  }
0x94: {  	s19 =	simm.s32 $0xD;
	s25 =	simm.s32 $0x17;
	v30 =	vadd.s32 s20, v0;
	v51 =	vadd.s32 s28, v0;
	v28 =	vadd.s32 s18, v0;
	v43 =	vld.idx.msk [tilespmem:v29+s2+$0x0], $0xffff  }
0x95: {  	s29 =	simm.s32 $0xE;
	v29 =	vadd.s32 s19, v0;
	v48 =	vld.idx.msk [tilespmem:v31+s2+$0x0], $0xffff;
	v31 =	vadd.s32 s25, v0;
	v34 =	vand.u32 $0x7FFFFFFF, v34  }
0x96: {  	v44 =	vld.idx.msk [tilespmem:v44+s2+$0x0], $0xffff;
	v56 =	vand.u32 $0x7FFFFFFF, v35;
	v57 =	vand.u32 $0x7FFFFFFF, v36;
	v36 =	vadd.s32 s29, v0  }
0x97: {  	v33 =	vld.idx.msk [tilespmem:v33+s2+$0x0], $0xffff;
	v58 =	vand.u32 $0x7FFFFFFF, v38;
	v32 =	vand.u32 $0x7FFFFFFF, v32;
	v61 =	vand.u32 $0x7FFFFFFF, v39  }
0x98: {  	v37 =	vld.idx.msk [tilespmem:v63+s2+$0x0], $0xffff;
	v62 =	vand.u32 $0x7FFFFFFF, v40;
	v63 =	vand.u32 $0x7FFFFFFF, v45;
	v27 =	vmax.f32 v27, v34  }
0x99: {  	s31 =	simm.s32 $0x11;
	v46 =	vld.idx.msk [tilespmem:v46+s2+$0x0], $0xffff;
	v26 =	vmax.f32 v26, v56;
	v25 =	vmax.f32 v25, v57;
	v24 =	vmax.f32 v24, v58  }
0x9a: {  	v35 =	vld.idx.msk [tilespmem:v49+s2+$0x0], $0xffff;
	v34 =	vadd.s32 s31, v0;
	v23 =	vmax.f32 v23, v32;
	v18 =	vmax.f32 v18, v61  }
0x9b: {  	v40 =	vld.idx.msk [tilespmem:v53+s2+$0x0], $0xffff;
	v38 =	vand.u32 $0x7FFFFFFF, v52;
	v17 =	vmax.f32 v17, v62;
	v39 =	vand.u32 $0x7FFFFFFF, v44  }
0x9c: {  	v32 =	vld.idx.msk [tilespmem:v50+s2+$0x0], $0xffff;
	v19 =	vmax.f32 v19, v63;
	v59 =	vand.u32 $0x7FFFFFFF, v43;
	v60 =	vand.u32 $0x7FFFFFFF, v48  }
0x9d: {  	v41 =	vld.idx.msk [tilespmem:v51+s2+$0x0], $0xffff;
	v42 =	vand.u32 $0x7FFFFFFF, v42;
	v43 =	vand.u32 $0x7FFFFFFF, v33;
	v20 =	vmax.f32 v20, v59  }
0x9e: {  	s14 =	simm.s32 $0x1CA;
	v33 =	vld.idx.msk [tilespmem:v47+s2+$0x0], $0xffff;
	v22 =	vmax.f32 v22, v60;
	v21 =	vmax.f32 v21, v42;
	v42 =	vand.u32 $0x7FFFFFFF, v46  }
.LBB2_7:
0x9f: {  	s15 =	sadd.s32 $0xFFFFFFE6, s14  }
0xa0: {  	s16 =	sadd.s32 $0xFFFFFFE7, s14;
	s20 =	sadd.s32 $0xFFFFFFE8, s14;
	v12 =	vmax.f32 v12, v43;
	v43 =	vld.idx.msk [tilespmem:v36+s2+$0x0], $0xffff;
	v6 =	vmax.f32 v6, v42;
	v35 =	vand.u32 $0x7FFFFFFF, v35;
	s17 =	smov.u32 s14  }
0xa1: {  	s18 =	sadd.s32 $0xFFFFFFEA, s14;
	v3 =	vmax.f32 v3, v38;
	v36 =	vadd.s32 s15, v0;
	v42 =	vadd.s32 s16, v0;
	s15 =	sadd.s32 $0xFFFFFFE9, s14;
	s16 =	sadd.s32 $0xFFFFFFEB, s14;
	v44 =	vld.idx.msk [tilespmem:v29+s2+$0x0], $0xffff  }
0xa2: {  	s19 =	sadd.s32 $0xFFFFFFED, s14;
	v4 =	vmax.f32 v4, v39;
	v45 =	vadd.s32 s18, v0;
	s18 =	sadd.s32 $0xFFFFFFEC, s14;
	v38 =	vadd.s32 s15, v0;
	s15 =	sadd.s32 $0xFFFFFFEE, s14;
	v46 =	vld.idx.msk [tilespmem:v30+s2+$0x0], $0xffff  }
0xa3: {  	s21 =	sadd.s32 $0xFFFFFFEF, s14;
	s22 =	sadd.s32 $0xFFFFFFF0, s14;
	v41 =	vand.u32 $0x7FFFFFFF, v41;
	v39 =	vadd.s32 s18, v0;
	s18 =	sadd.s32 $0xFFFFFFF1, s14;
	v47 =	vld.idx.msk [tilespmem:v28+s2+$0x0], $0xffff;
	v28 =	vadd.s32 s19, v0  }
0xa4: {  	v48 =	vadd.s32 s21, v0;
	v49 =	vadd.s32 s22, v0;
	s21 =	sadd.s32 $0xFFFFFFF3, s14;
	s22 =	sadd.s32 $0xFFFFFFF4, s14;
	v37 =	vand.u32 $0x7FFFFFFF, v37;
	s19 =	sadd.s32 $0xFFFFFFF2, s14;
	v50 =	vld.idx.msk [tilespmem:v31+s2+$0x0], $0xffff  }
0xa5: {  	s23 =	sadd.s32 $0xFFFFFFF6, s14;
	v29 =	vadd.s32 s21, v0;
	s21 =	sadd.s32 $0xFFFFFFF5, s14;
	v51 =	vadd.s32 s19, v0;
	s19 =	sadd.s32 $0xFFFFFFF7, s14;
	v31 =	vand.u32 $0x7FFFFFFF, v40;
	v34 =	vld.idx.msk [tilespmem:v34+s2+$0x0], $0xffff  }
0xa6: {  	s24 =	sadd.s32 $0xFFFFFFFA, s14;
	v30 =	vadd.s32 s21, v0;
	s21 =	sadd.s32 $0xFFFFFFF8, s14;
	v40 =	vadd.s32 s23, v0;
	s23 =	sadd.s32 $0xFFFFFFF9, s14;
	v14 =	vmax.f32 v14, v31;
	v36 =	vld.idx.msk [tilespmem:v36+s2+$0x0], $0xffff  }
0xa7: {  	p1 =	sne.s32 s14, $0xD15A;
	v1 =	vmax.f32 v1, v35;
	v52 =	vadd.s32 s21, v0;
	s21 =	sadd.s32 $0xFFFFFFFB, s17;
	s14 =	sadd.s32 $0x1B0, s14;
	v53 =	vadd.s32 s23, v0;
	v42 =	vld.idx.msk [tilespmem:v42+s2+$0x0], $0xffff  }
0xa8: {  	v35 =	vadd.s32 s20, v0;
	s20 =	sadd.s32 $0xFFFFFFFC, s17;
	v16 =	vmax.f32 v16, v41;
	v54 =	vadd.s32 s21, v0;
	s21 =	sadd.s32 $0xFFFFFFFD, s17;
	v39 =	vld.idx.msk [tilespmem:v39+s2+$0x0], $0xffff  }
0xa9: {  	v41 =	vadd.s32 s20, v0;
	s20 =	sadd.s32 $0xFFFFFFFE, s17;
	v31 =	vadd.s32 s21, v0;
	s21 =	sadd.s32 $0xFFFFFFFF, s17;
	v47 =	vand.u32 $0x7FFFFFFF, v47;
	v38 =	vld.idx.msk [tilespmem:v38+s2+$0x0], $0xffff  }
0xaa: {  	v32 =	vand.u32 $0x7FFFFFFF, v32;
	v55 =	vadd.s32 s20, v0;
	v56 =	vadd.s32 s21, v0;
	v45 =	vld.idx.msk [tilespmem:v45+s2+$0x0], $0xffff  }
0xab: {  	v57 =	vadd.s32 s24, v0;
	v15 =	vmax.f32 v15, v47;
	v34 =	vand.u32 $0x7FFFFFFF, v34;
	v51 =	vld.idx.msk [tilespmem:v51+s2+$0x0], $0xffff  }
0xac: {  	v8 =	vmax.f32 v8, v37;
	v47 =	vand.u32 $0x7FFFFFFF, v36;
	v36 =	vadd.s32 s22, v0;
	v48 =	vld.idx.msk [tilespmem:v48+s2+$0x0], $0xffff  }
0xad: {  	v33 =	vand.u32 $0x7FFFFFFF, v33;
	v27 =	vmax.f32 v27, v47;
	v37 =	vand.u32 $0x7FFFFFFF, v42;
	v42 =	vld.idx.msk [tilespmem:v54+s2+$0x0], $0xffff  }
0xae: {  	v43 =	vand.u32 $0x7FFFFFFF, v43;
	v26 =	vmax.f32 v26, v37;
	v37 =	vand.u32 $0x7FFFFFFF, v39;
	v39 =	vld.idx.msk [tilespmem:v49+s2+$0x0], $0xffff  }
0xaf: {  	v25 =	vmax.f32 v25, v37;
	v37 =	vand.u32 $0x7FFFFFFF, v44;
	v47 =	vld.idx.msk [tilespmem:v35+s2+$0x0], $0xffff;
	v35 =	vadd.s32 s17, v0  }
0xb0: {  	v5 =	vmax.f32 v5, v33;
	v7 =	vmax.f32 v7, v34;
	v44 =	vadd.s32 s18, v0;
	v49 =	vld.idx.msk [tilespmem:v55+s2+$0x0], $0xffff  }
0xb1: {  	v46 =	vand.u32 $0x7FFFFFFF, v46;
	v33 =	vand.u32 $0x7FFFFFFF, v38;
	v38 =	vadd.s32 s16, v0;
	v54 =	vld.idx.msk [tilespmem:v56+s2+$0x0], $0xffff  }
0xb2: {  	v34 =	vadd.s32 s19, v0;
	v24 =	vmax.f32 v24, v33;
	v33 =	vld.idx.msk [tilespmem:v41+s2+$0x0], $0xffff;
	v41 =	vand.u32 $0x7FFFFFFF, v50  }
0xb3: {  	v13 =	vmax.f32 v13, v32;
	v11 =	vmax.f32 v11, v37;
	v50 =	vadd.s32 s15, v0;
	v55 =	vld.idx.msk [tilespmem:v57+s2+$0x0], $0xffff  }
0xb4: {  	v10 =	vmax.f32 v10, v43;
	v32 =	vand.u32 $0x7FFFFFFF, v45;
	v37 =	vand.u32 $0x7FFFFFFF, v42;
	v45 =	vld.idx.msk [tilespmem:v52+s2+$0x0], $0xffff  }
0xb5: {  	v9 =	vmax.f32 v9, v46;
	v23 =	vmax.f32 v23, v32;
	v2 =	vmax.f32 v2, v41;
	v35 =	vld.idx.msk [tilespmem:v35+s2+$0x0], $0xffff  }
.Ltmp5:
0xb6: {  	v20 =	vmax.f32 v20, v37;
	v41 =	vand.u32 $0x7FFFFFFF, v47;
	v37 =	vand.u32 $0x7FFFFFFF, v49;
	v32 =	vld.idx.msk [tilespmem:v44+s2+$0x0], $0xffff;
	(pc) =	sbr.rel @p1 .LBB2_7-.Ltmp5, $4  }
0xb7: {  	v22 =	vmax.f32 v22, v41;
	v18 =	vmax.f32 v18, v37;
	v42 =	vand.u32 $0x7FFFFFFF, v54;
	v41 =	vld.idx.msk [tilespmem:v38+s2+$0x0], $0xffff  }
0xb8: {  	v43 =	vand.u32 $0x7FFFFFFF, v48;
	v38 =	vand.u32 $0x7FFFFFFF, v33;
	v17 =	vmax.f32 v17, v42;
	v37 =	vld.idx.msk [tilespmem:v40+s2+$0x0], $0xffff  }
0xb9: {  	v21 =	vmax.f32 v21, v43;
	v33 =	vand.u32 $0x7FFFFFFF, v39;
	v39 =	vand.u32 $0x7FFFFFFF, v55;
	v40 =	vld.idx.msk [tilespmem:v50+s2+$0x0], $0xffff  }
0xba: {  	v43 =	vand.u32 $0x7FFFFFFF, v51;
	v19 =	vmax.f32 v19, v33;
	v42 =	vand.u32 $0x7FFFFFFF, v45;
	v33 =	vld.idx.msk [tilespmem:v53+s2+$0x0], $0xffff  }
0xbb: {  	_ =	sdelay $0x3  }
0xbc: {  	v36 =	vld.idx.msk [tilespmem:v36+s2+$0x0], $0xffff  }
0xbd: {  	v29 =	vld.idx.msk [tilespmem:v29+s2+$0x0], $0xffff  }
0xbe: {  	v30 =	vld.idx.msk [tilespmem:v30+s2+$0x0], $0xffff  }
0xbf: {  	v28 =	vld.idx.msk [tilespmem:v28+s2+$0x0], $0xffff  }
0xc0: {  	v31 =	vld.idx.msk [tilespmem:v31+s2+$0x0], $0xffff  }
0xc1: {  	v34 =	vld.idx.msk [tilespmem:v34+s2+$0x0], $0xffff;
	[tilespmem:$0xD300] =	vst v27  }
0xc2: {  	[tilespmem:$0xD310] =	vst v26  }
0xc3: {  	[tilespmem:$0xD320] =	vst v22  }
0xc4: {  	[tilespmem:$0xD330] =	vst v24  }
0xc5: {  	[tilespmem:$0xD340] =	vst v23  }
0xc6: {  	[tilespmem:$0xD360] =	vst v25  }
0xc7: {  	[tilespmem:$0xD390] =	vst v21  }
0xc8: {  	[tilespmem:$0xD3A0] =	vst v19  }
0xc9: {  	[tilespmem:$0xD450] =	vst v20  }
0xca: {  	[tilespmem:$0xD480] =	vst v18  }
0xcb: {  	v12 =	vmax.f32 v12, v43;
	[tilespmem:$0xD490] =	vst v17  }
0xcc: {  	v6 =	vmax.f32 v6, v42;
	[tilespmem:$0xD3C0] =	vst v12  }
0xcd: {  	v4 =	vmax.f32 v4, v39;
	[tilespmem:$0xD420] =	vst v6  }
0xce: {  	v56 =	vand.u32 $0x7FFFFFFF, v32;
	v3 =	vmax.f32 v3, v38;
	[tilespmem:$0xD440] =	vst v4  }
0xcf: {  	v53 =	vand.u32 $0x7FFFFFFF, v41;
	v13 =	vmax.f32 v13, v56;
	[tilespmem:$0xD460] =	vst v3  }
0xd0: {  	v16 =	vmax.f32 v16, v53;
	[tilespmem:$0xD3B0] =	vst v13;
	v60 =	vand.u32 $0x7FFFFFFF, v37  }
0xd1: {  	[tilespmem:$0xD350] =	vst v16;
	v55 =	vand.u32 $0x7FFFFFFF, v40;
	v8 =	vmax.f32 v8, v60  }
0xd2: {  	v14 =	vmax.f32 v14, v55;
	[tilespmem:$0xD400] =	vst v8;
	v62 =	vand.u32 $0x7FFFFFFF, v33  }
0xd3: {  	v54 =	vand.u32 $0x7FFFFFFF, v28;
	[tilespmem:$0xD380] =	vst v14;
	v5 =	vmax.f32 v5, v62  }
0xd4: {  	v57 =	vand.u32 $0x7FFFFFFF, v29;
	v15 =	vmax.f32 v15, v54;
	[tilespmem:$0xD430] =	vst v5  }
0xd5: {  	v58 =	vand.u32 $0x7FFFFFFF, v36;
	v11 =	vmax.f32 v11, v57;
	[tilespmem:$0xD370] =	vst v15  }
0xd6: {  	v59 =	vand.u32 $0x7FFFFFFF, v30;
	v10 =	vmax.f32 v10, v58;
	[tilespmem:$0xD3D0] =	vst v11  }
.Ltmp6:
0xd7: {  	v63 =	vand.u32 $0x7FFFFFFF, v31;
	v9 =	vmax.f32 v9, v59;
	[tilespmem:$0xD3E0] =	vst v10;
	(pc) =	sbr.rel .LBB2_9-.Ltmp6, $4  }
0xd8: {  	v61 =	vand.u32 $0x7FFFFFFF, v34;
	v2 =	vmax.f32 v2, v63;
	[tilespmem:$0xD3F0] =	vst v9  }
0xd9: {  	v7 =	vmax.f32 v7, v61;
	[tilespmem:$0xD470] =	vst v2;
	v2 =	vand.u32 $0x7FFFFFFF, v35  }
0xda: {  	[tilespmem:$0xD410] =	vst v7;
	v1 =	vmax.f32 v1, v2  }
0xdb: {  	[tilespmem:$0xD4A0] =	vst v1  }
.LBB2_10:
0xdc: {  	_ =	sfence.sel $0x180000  }
0xdd: {  	[bflag:$0x0] =	sbarrier.arrive $0xFFFF  }
0xde: {  	p0 =	sne.s32 s1, $0x0;
	_ =	strace $0x90000047  }
0xdf: {  	s0 =	sadd.s32 @!p0 $0x100000, s0;
	[bflag:$0x2] =	sbarrier.arrive $0xFFFF  }
0xe0: {  	[sflag:s0] =	ssyncadd.tile.s32 @!p0 $0x1;
	_ =	shalt  }
.Lfunc_end2:
_tile_overlayer_lowered:
.L_overlay_start_2:
0xe1: {  	(tag) =	ssettag $0x2  }
0xe2: {  	s0 =	rddreg [dreg:$0x0];
	s2 =	stileid.u32  }
0xe3: {  	s1 =	rddreg [dreg:$0x1];
	p0 =	sne.s32 s2, $0x0  }
0xe4: {  	s3 =	rddreg [dreg:$0x2];
	[bflag:$0x3] =	sbarrier.arrive $0xFFFF;
	s2 =	simm.s32 @!p0 $0x1C01  }
0xe5: {  	[timem:s3], [sflag:s2] =	dma.local @!p0 [hbm:s0], s1  }
0xe6: {  	s0 =	simm.s32 @!p0 $0x1  }
0xe7: {  	_ =	swait.ge @!p0 [sflag:s0], s1  }
0xe8: {  	s1 =	ssub.s32 @!p0 $0x0, s1;
	[sflag:s0] =	ssyncset.done @!p0 $0x0  }
0xe9: {  	[sflag:s0] =	ssyncadd.s32 @!p0 s1  }
0xea: {  	[bflag:$0x3] =	sbarrier.arrive $0xFFFF  }
0xeb: {  	_ =	shalt  }

</sc_bundles>
